<compile_context>
chip_gen: v7x
topology: tpu7x:2x2x1
jax: 0.10.2.dev20260603
libtpu: 0.0.44.dev20260713+nightly
codegen_flags: <defaults>
</compile_context>

<pallas_src>
import functools

import jax
import jax.numpy as jnp
from jax import lax
from jax.experimental import pallas as pl
from jax.experimental.pallas import tpu as pltpu
from jax.experimental.pallas import tpu_sc as plsc

_NUM_ISLANDS = 4
_GPI = 16384
_NSEL = 4096
_DIM = 128
_R = 128
_C = 128
_SR = _NSEL // _C

_ROWS = _NUM_ISLANDS * _NSEL
_NC = 2
_NS = 16
_NW = _NC * _NS
_BPW = _ROWS // _NW
_CH = 128
_NCH = _BPW // _CH

_SIGN = -(2 ** 31)


_AR = _NUM_ISLANDS * _R


def _topk_body(f_ref, ids_ref, w_ref):
    f = jnp.concatenate(
        [f_ref[i * _R:(i + 1) * _R, :].T for i in range(_NUM_ISLANDS)], axis=0
    )
    f = jnp.where(f == 0.0, jnp.float32(0.0), f)
    bits = lax.bitcast_convert_type(f, jnp.int32)
    key = jnp.where(bits >= 0, bits, jnp.bitwise_xor(jnp.bitwise_not(bits), _SIGN))

    row = lax.broadcasted_iota(jnp.int32, (_AR, _C), 0)
    col = lax.broadcasted_iota(jnp.int32, (_AR, _C), 1)
    pos = col * _C + (row & (_R - 1))
    idx = (row >> 7) * _GPI + pos

    size = 2
    while size <= _GPI:
        d = size // 2
        while d >= 1:
            upper = (pos & d) != 0
            if d < _R:
                g = _AR // (2 * d)

                def _xchg(x, g=g, d=d):
                    xr = x.reshape(g, 2, d, _C)
                    return jnp.concatenate(
                        [xr[:, 1:2], xr[:, 0:1]], axis=1
                    ).reshape(_AR, _C)

                pk = _xchg(key)
                pi = _xchg(idx)
            else:
                sh = d // _R
                k_lo = pltpu.roll(key, _C - sh, 1)
                k_hi = pltpu.roll(key, sh, 1)
                i_lo = pltpu.roll(idx, _C - sh, 1)
                i_hi = pltpu.roll(idx, sh, 1)
                pk = jnp.where(upper, k_hi, k_lo)
                pi = jnp.where(upper, i_hi, i_lo)
            a_first = (key > pk) | ((key == pk) & (idx < pi))
            take_earlier = (~upper) == ((pos & size) == 0)
            keep_a = a_first == take_earlier
            key = jnp.where(keep_a, key, pk)
            idx = jnp.where(keep_a, idx, pi)
            d //= 2
        size *= 2

    for i in range(_NUM_ISLANDS):
        sel_k = key[i * _R:(i + 1) * _R, :_SR].T
        fb = jnp.where(sel_k >= 0, sel_k,
                       jnp.bitwise_not(jnp.bitwise_xor(sel_k, _SIGN)))
        fsel = lax.bitcast_convert_type(fb, jnp.float32)
        e = jnp.exp(fsel - jnp.max(fsel))
        ids_ref[i] = idx[i * _R:(i + 1) * _R, :_SR].T
        w_ref[i] = e / jnp.sum(e)


_topk_call = pl.pallas_call(
    _topk_body,
    out_shape=[
        jax.ShapeDtypeStruct((_NUM_ISLANDS, _SR, _C), jnp.int32),
        jax.ShapeDtypeStruct((_NUM_ISLANDS, _SR, _C), jnp.float32),
    ],
)


def _gather_body(genes_hbm, ids_hbm, out_hbm, idx_v, rows_v, sem):
    wid = lax.axis_index("s") * _NC + lax.axis_index("c")
    pltpu.sync_copy(ids_hbm.at[pl.ds(wid * _NCH, _NCH)], idx_v)
    descs = []
    for j in range(_NCH):
        descs.append(
            pltpu.async_copy(
                genes_hbm.at[idx_v.at[j]],
                rows_v.at[pl.ds(j * _CH, _CH)],
                sem,
            )
        )
    for dsc in descs:
        dsc.wait()
    pltpu.sync_copy(rows_v, out_hbm.at[pl.ds(wid * _BPW, _BPW)])


@functools.cache
def _gather_call():
    return pl.kernel(
        _gather_body,
        out_type=jax.ShapeDtypeStruct((_ROWS, _DIM), jnp.float32),
        mesh=plsc.VectorSubcoreMesh(
            core_axis_name="c", subcore_axis_name="s",
            num_cores=_NC, num_subcores=_NS,
        ),
        scratch_types=[
            pltpu.VMEM((_NCH, _CH), jnp.int32),
            pltpu.VMEM((_BPW, _DIM), jnp.float32),
            pltpu.SemaphoreType.DMA,
        ],
    )

_CBLK = 4096


def _norm_body(x_ref, w_ref, o_ref):
    x = x_ref[...]
    n2 = jnp.sum(x * x, axis=1, keepdims=True)
    n = jnp.maximum(jnp.sqrt(n2), 1e-12)
    o_ref[...] = x * (w_ref[...] / n)


_norm_call = pl.pallas_call(
    _norm_body,
    grid=(_ROWS // _CBLK,),
    in_specs=[
        pl.BlockSpec((_CBLK, _DIM), lambda i: (i, 0)),
        pl.BlockSpec((_CBLK, 1), lambda i: (i, 0)),
    ],
    out_specs=pl.BlockSpec((_CBLK, _DIM), lambda i: (i, 0)),
    out_shape=jax.ShapeDtypeStruct((_ROWS, _DIM), jnp.float32),
)


@jax.jit
def kernel(fitnesses, genes):
    ids, w = _topk_call(fitnesses.reshape(_AR, _C))
    ids2d = ids.reshape(_ROWS // _C, _C)
    rows = _gather_call()(genes, ids2d)
    out = _norm_call(rows, w.reshape(_ROWS, 1))
    return out.reshape(_NUM_ISLANDS, _NSEL, _DIM)

# --- scband reference (transcript-rebuilt; emitter-appended) ---
"""Pipeline reference for scband-blackbox-gradient-sensing-7241314861527 (READ-ONLY COPY).

The authoritative reference and input builder live on the scoring server;
editing this copy changes nothing except your own understanding.
"""

import jax, jax.numpy as jnp
import numpy as np

NUM_ISLANDS = 4
GPI = 16384          # num_genes_per_island
NUM_SELECTED = 4096
DIM = 128
NUM_GENES = NUM_ISLANDS * GPI


def l2norm(t):
    n = jnp.linalg.norm(t, axis=-1, keepdims=True)
    return t / jnp.clip(n, 1e-12)


def setup_inputs(seed: int = 0) -> dict:
    key = jax.random.key(seed)
    k1, k2 = jax.random.split(key)
    # learned parameter: gene pool (l2-normalized at init, as in LatentGenePool.__init__)
    genes = l2norm(jax.random.normal(k1, (NUM_GENES, DIM), dtype=jnp.float32))
    fitnesses = jax.random.normal(k2, (NUM_GENES,), dtype=jnp.float32)
    return {"fitnesses": fitnesses, "genes": genes}


def reference(fitnesses, genes):
    # Core top-k masking/selection step of LatentGenePool.evolve inside
    # BlackboxGradientSensing: split genes into islands, sort fitness
    # descending, keep top num_selected gene ids, gather selected genes.
    g = l2norm(genes).reshape(NUM_ISLANDS, GPI, DIM)
    f = fitnesses.reshape(NUM_ISLANDS, GPI)
    # sort(dim=-1, descending=True)
    sorted_gene_ids = jnp.argsort(-f, axis=-1)
    selected_gene_ids = sorted_gene_ids[:, :NUM_SELECTED]
    sorted_fitness = jnp.take_along_axis(f, sorted_gene_ids, axis=-1)
    selected_fitness = sorted_fitness[:, :NUM_SELECTED]
    # gather selected genes: repeat ids over feature dim then gather
    idx = selected_gene_ids[..., None]  # (i, num_selected, 1)
    selected_genes = jnp.take_along_axis(g, jnp.broadcast_to(idx, (NUM_ISLANDS, NUM_SELECTED, DIM)), axis=1)
    # weight selected genes by softmax over selected fitness (keeps the
    # output a single float tensor while remaining a faithful fitness-
    # masked selection of the pool)
    w = jax.nn.softmax(selected_fitness, axis=-1)
    selected_genes = selected_genes * w[..., None]
    return selected_genes

if __name__ == "__main__":
    import jax
    _d = setup_inputs()
    print(jax.jit(kernel)(*tuple(_d.values())))

</pallas_src>

<mosaic_0001>
#map = affine_map<(d0, d1) -> (0, 0)>
module attributes {stable_mosaic.version = 14 : i64} {
  func.func @_gather_body(%arg0: i32, %arg1: i32, %arg2: memref<65536x128xf32, #tpu.memory_space<hbm>>, %arg3: memref<128x128xi32, #tpu.memory_space<hbm>>, %arg4: memref<16384x128xf32, #tpu.memory_space<hbm>>, %arg5: memref<4x128xi32, #tpu.memory_space<vmem>>, %arg6: memref<512x128xf32, #tpu.memory_space<vmem>>, %arg7: memref<!tpu.dma_semaphore, #tpu.memory_space<semaphore_mem>>) attributes {dimension_semantics = [#tpu.dimension_semantics<core_parallel>, #tpu.dimension_semantics<subcore_parallel>], iteration_bounds = array<i64: 2, 16>, scalar_prefetch = 0 : i64, scratch_operands = 3 : i64, tpu.core_type = #tpu.core_type<sc_vector_subcore>, window_params = [{transform_indices = #map}, {transform_indices = #map}, {transform_indices = #map}]} {
    %mul3A = arith.constant 2 : i32
    %mul3A_0 = arith.muli %arg1, %mul3A : i32
    %add3A = arith.addi %mul3A_0, %arg0 : i32
    %mul3A_1 = arith.constant 4 : i32
    %mul3A_2 = arith.muli %add3A, %mul3A_1 : i32
    "tpu.region"() ({
      %run_scoped3A = tpu.sem_alloc : memref<!tpu.dma_semaphore, #tpu.memory_space<semaphore_mem>>
      %dma_start3A_83 = arith.constant 0 : i32
      %dma_start3A_84 = tpu.memref_slice %arg3[%mul3A_2, %dma_start3A_83] : memref<128x128xi32, #tpu.memory_space<hbm>> -> memref<4x128xi32, #tpu.memory_space<hbm>>
      %dma_start3A_85 = arith.constant 0 : i32
      %dma_start3A_86 = tpu.memref_slice %arg3[%mul3A_2, %dma_start3A_85] : memref<128x128xi32, #tpu.memory_space<hbm>> -> memref<4x128xi32, #tpu.memory_space<hbm>>
      tpu.enqueue_dma source(%dma_start3A_86 : memref<4x128xi32, #tpu.memory_space<hbm>>) target(%arg5 : memref<4x128xi32, #tpu.memory_space<vmem>>) target_semaphore(%run_scoped3A : memref<!tpu.dma_semaphore, #tpu.memory_space<semaphore_mem>>)
      %dma_wait3A_87 = arith.constant 0 : i32
      %dma_wait3A_88 = tpu.memref_slice %arg3[%mul3A_2, %dma_wait3A_87] : memref<128x128xi32, #tpu.memory_space<hbm>> -> memref<4x128xi32, #tpu.memory_space<hbm>>
      %dma_wait3A_89 = arith.constant 0 : i32
      %dma_wait3A_90 = tpu.memref_slice %arg3[%mul3A_2, %dma_wait3A_89] : memref<128x128xi32, #tpu.memory_space<hbm>> -> memref<4x128xi32, #tpu.memory_space<hbm>>
      tpu.wait_dma2 semaphore(%run_scoped3A : memref<!tpu.dma_semaphore, #tpu.memory_space<semaphore_mem>>) src(%dma_wait3A_90 : memref<4x128xi32, #tpu.memory_space<hbm>>) dst(%arg5 : memref<4x128xi32, #tpu.memory_space<vmem>>)
      tpu.yield
    }) : () -> ()
    %dma_start3A = arith.constant 0 : i32
    %dma_start3A_3 = arith.constant 0 : i32
    %dma_start3A_4 = arith.constant 0 : i32
    %dma_start3A_5 = tpu.memref_slice %arg6[%dma_start3A_3, %dma_start3A_4] : memref<512x128xf32, #tpu.memory_space<vmem>> -> memref<128x128xf32, #tpu.memory_space<vmem>>
    %dma_start3A_6 = arith.constant 0 : i32
    %dma_start3A_7 = tpu.memref_slice %arg5[%dma_start3A, %dma_start3A_6] : memref<4x128xi32, #tpu.memory_space<vmem>> -> memref<1x128xi32, #tpu.memory_space<vmem>>
    %dma_start3A_8 = tpu.memref_squeeze %dma_start3A_7 : memref<1x128xi32, #tpu.memory_space<vmem>> -> memref<128xi32, #tpu.memory_space<vmem>>
    %dma_start3A_9 = arith.constant 0 : i32
    %dma_start3A_10 = arith.constant 0 : i32
    %dma_start3A_11 = tpu.memref_slice %arg2[%dma_start3A_9, %dma_start3A_10] : memref<65536x128xf32, #tpu.memory_space<hbm>> -> memref<65536x128xf32, #tpu.memory_space<hbm>>
    tpu.enqueue_indirect_dma source(%dma_start3A_11 : memref<65536x128xf32, #tpu.memory_space<hbm>>) target(%dma_start3A_5 : memref<128x128xf32, #tpu.memory_space<vmem>>) offsets(%dma_start3A_8 : memref<128xi32, #tpu.memory_space<vmem>>) semaphore(%arg7 : memref<!tpu.dma_semaphore, #tpu.memory_space<semaphore_mem>>)
    %dma_start3A_12 = arith.constant 1 : i32
    %dma_start3A_13 = arith.constant 128 : i32
    %dma_start3A_14 = arith.constant 0 : i32
    %dma_start3A_15 = tpu.memref_slice %arg6[%dma_start3A_13, %dma_start3A_14] : memref<512x128xf32, #tpu.memory_space<vmem>> -> memref<128x128xf32, #tpu.memory_space<vmem>>
    %dma_start3A_16 = arith.constant 0 : i32
    %dma_start3A_17 = tpu.memref_slice %arg5[%dma_start3A_12, %dma_start3A_16] : memref<4x128xi32, #tpu.memory_space<vmem>> -> memref<1x128xi32, #tpu.memory_space<vmem>>
    %dma_start3A_18 = tpu.memref_squeeze %dma_start3A_17 : memref<1x128xi32, #tpu.memory_space<vmem>> -> memref<128xi32, #tpu.memory_space<vmem>>
    %dma_start3A_19 = arith.constant 0 : i32
    %dma_start3A_20 = arith.constant 0 : i32
    %dma_start3A_21 = tpu.memref_slice %arg2[%dma_start3A_19, %dma_start3A_20] : memref<65536x128xf32, #tpu.memory_space<hbm>> -> memref<65536x128xf32, #tpu.memory_space<hbm>>
    tpu.enqueue_indirect_dma source(%dma_start3A_21 : memref<65536x128xf32, #tpu.memory_space<hbm>>) target(%dma_start3A_15 : memref<128x128xf32, #tpu.memory_space<vmem>>) offsets(%dma_start3A_18 : memref<128xi32, #tpu.memory_space<vmem>>) semaphore(%arg7 : memref<!tpu.dma_semaphore, #tpu.memory_space<semaphore_mem>>)
    %dma_start3A_22 = arith.constant 2 : i32
    %dma_start3A_23 = arith.constant 256 : i32
    %dma_start3A_24 = arith.constant 0 : i32
    %dma_start3A_25 = tpu.memref_slice %arg6[%dma_start3A_23, %dma_start3A_24] : memref<512x128xf32, #tpu.memory_space<vmem>> -> memref<128x128xf32, #tpu.memory_space<vmem>>
    %dma_start3A_26 = arith.constant 0 : i32
    %dma_start3A_27 = tpu.memref_slice %arg5[%dma_start3A_22, %dma_start3A_26] : memref<4x128xi32, #tpu.memory_space<vmem>> -> memref<1x128xi32, #tpu.memory_space<vmem>>
    %dma_start3A_28 = tpu.memref_squeeze %dma_start3A_27 : memref<1x128xi32, #tpu.memory_space<vmem>> -> memref<128xi32, #tpu.memory_space<vmem>>
    %dma_start3A_29 = arith.constant 0 : i32
    %dma_start3A_30 = arith.constant 0 : i32
    %dma_start3A_31 = tpu.memref_slice %arg2[%dma_start3A_29, %dma_start3A_30] : memref<65536x128xf32, #tpu.memory_space<hbm>> -> memref<65536x128xf32, #tpu.memory_space<hbm>>
    tpu.enqueue_indirect_dma source(%dma_start3A_31 : memref<65536x128xf32, #tpu.memory_space<hbm>>) target(%dma_start3A_25 : memref<128x128xf32, #tpu.memory_space<vmem>>) offsets(%dma_start3A_28 : memref<128xi32, #tpu.memory_space<vmem>>) semaphore(%arg7 : memref<!tpu.dma_semaphore, #tpu.memory_space<semaphore_mem>>)
    %dma_start3A_32 = arith.constant 3 : i32
    %dma_start3A_33 = arith.constant 384 : i32
    %dma_start3A_34 = arith.constant 0 : i32
    %dma_start3A_35 = tpu.memref_slice %arg6[%dma_start3A_33, %dma_start3A_34] : memref<512x128xf32, #tpu.memory_space<vmem>> -> memref<128x128xf32, #tpu.memory_space<vmem>>
    %dma_start3A_36 = arith.constant 0 : i32
    %dma_start3A_37 = tpu.memref_slice %arg5[%dma_start3A_32, %dma_start3A_36] : memref<4x128xi32, #tpu.memory_space<vmem>> -> memref<1x128xi32, #tpu.memory_space<vmem>>
    %dma_start3A_38 = tpu.memref_squeeze %dma_start3A_37 : memref<1x128xi32, #tpu.memory_space<vmem>> -> memref<128xi32, #tpu.memory_space<vmem>>
    %dma_start3A_39 = arith.constant 0 : i32
    %dma_start3A_40 = arith.constant 0 : i32
    %dma_start3A_41 = tpu.memref_slice %arg2[%dma_start3A_39, %dma_start3A_40] : memref<65536x128xf32, #tpu.memory_space<hbm>> -> memref<65536x128xf32, #tpu.memory_space<hbm>>
    tpu.enqueue_indirect_dma source(%dma_start3A_41 : memref<65536x128xf32, #tpu.memory_space<hbm>>) target(%dma_start3A_35 : memref<128x128xf32, #tpu.memory_space<vmem>>) offsets(%dma_start3A_38 : memref<128xi32, #tpu.memory_space<vmem>>) semaphore(%arg7 : memref<!tpu.dma_semaphore, #tpu.memory_space<semaphore_mem>>)
    %dma_wait3A = arith.constant 0 : i32
    %dma_wait3A_42 = arith.constant 0 : i32
    %dma_wait3A_43 = arith.constant 0 : i32
    %dma_wait3A_44 = tpu.memref_slice %arg6[%dma_wait3A_42, %dma_wait3A_43] : memref<512x128xf32, #tpu.memory_space<vmem>> -> memref<128x128xf32, #tpu.memory_space<vmem>>
    %dma_wait3A_45 = arith.constant 0 : i32
    %dma_wait3A_46 = tpu.memref_slice %arg5[%dma_wait3A, %dma_wait3A_45] : memref<4x128xi32, #tpu.memory_space<vmem>> -> memref<1x128xi32, #tpu.memory_space<vmem>>
    %dma_wait3A_47 = tpu.memref_squeeze %dma_wait3A_46 : memref<1x128xi32, #tpu.memory_space<vmem>> -> memref<128xi32, #tpu.memory_space<vmem>>
    %dma_wait3A_48 = arith.constant 0 : i32
    %dma_wait3A_49 = arith.constant 0 : i32
    %dma_wait3A_50 = tpu.memref_slice %arg2[%dma_wait3A_48, %dma_wait3A_49] : memref<65536x128xf32, #tpu.memory_space<hbm>> -> memref<65536x128xf32, #tpu.memory_space<hbm>>
    tpu.wait_indirect_dma semaphore(%arg7 : memref<!tpu.dma_semaphore, #tpu.memory_space<semaphore_mem>>) src(%dma_wait3A_50 : memref<65536x128xf32, #tpu.memory_space<hbm>>) dst(%dma_wait3A_44 : memref<128x128xf32, #tpu.memory_space<vmem>>)
    %dma_wait3A_51 = arith.constant 1 : i32
    %dma_wait3A_52 = arith.constant 128 : i32
    %dma_wait3A_53 = arith.constant 0 : i32
    %dma_wait3A_54 = tpu.memref_slice %arg6[%dma_wait3A_52, %dma_wait3A_53] : memref<512x128xf32, #tpu.memory_space<vmem>> -> memref<128x128xf32, #tpu.memory_space<vmem>>
    %dma_wait3A_55 = arith.constant 0 : i32
    %dma_wait3A_56 = tpu.memref_slice %arg5[%dma_wait3A_51, %dma_wait3A_55] : memref<4x128xi32, #tpu.memory_space<vmem>> -> memref<1x128xi32, #tpu.memory_space<vmem>>
    %dma_wait3A_57 = tpu.memref_squeeze %dma_wait3A_56 : memref<1x128xi32, #tpu.memory_space<vmem>> -> memref<128xi32, #tpu.memory_space<vmem>>
    %dma_wait3A_58 = arith.constant 0 : i32
    %dma_wait3A_59 = arith.constant 0 : i32
    %dma_wait3A_60 = tpu.memref_slice %arg2[%dma_wait3A_58, %dma_wait3A_59] : memref<65536x128xf32, #tpu.memory_space<hbm>> -> memref<65536x128xf32, #tpu.memory_space<hbm>>
    tpu.wait_indirect_dma semaphore(%arg7 : memref<!tpu.dma_semaphore, #tpu.memory_space<semaphore_mem>>) src(%dma_wait3A_60 : memref<65536x128xf32, #tpu.memory_space<hbm>>) dst(%dma_wait3A_54 : memref<128x128xf32, #tpu.memory_space<vmem>>)
    %dma_wait3A_61 = arith.constant 2 : i32
    %dma_wait3A_62 = arith.constant 256 : i32
    %dma_wait3A_63 = arith.constant 0 : i32
    %dma_wait3A_64 = tpu.memref_slice %arg6[%dma_wait3A_62, %dma_wait3A_63] : memref<512x128xf32, #tpu.memory_space<vmem>> -> memref<128x128xf32, #tpu.memory_space<vmem>>
    %dma_wait3A_65 = arith.constant 0 : i32
    %dma_wait3A_66 = tpu.memref_slice %arg5[%dma_wait3A_61, %dma_wait3A_65] : memref<4x128xi32, #tpu.memory_space<vmem>> -> memref<1x128xi32, #tpu.memory_space<vmem>>
    %dma_wait3A_67 = tpu.memref_squeeze %dma_wait3A_66 : memref<1x128xi32, #tpu.memory_space<vmem>> -> memref<128xi32, #tpu.memory_space<vmem>>
    %dma_wait3A_68 = arith.constant 0 : i32
    %dma_wait3A_69 = arith.constant 0 : i32
    %dma_wait3A_70 = tpu.memref_slice %arg2[%dma_wait3A_68, %dma_wait3A_69] : memref<65536x128xf32, #tpu.memory_space<hbm>> -> memref<65536x128xf32, #tpu.memory_space<hbm>>
    tpu.wait_indirect_dma semaphore(%arg7 : memref<!tpu.dma_semaphore, #tpu.memory_space<semaphore_mem>>) src(%dma_wait3A_70 : memref<65536x128xf32, #tpu.memory_space<hbm>>) dst(%dma_wait3A_64 : memref<128x128xf32, #tpu.memory_space<vmem>>)
    %dma_wait3A_71 = arith.constant 3 : i32
    %dma_wait3A_72 = arith.constant 384 : i32
    %dma_wait3A_73 = arith.constant 0 : i32
    %dma_wait3A_74 = tpu.memref_slice %arg6[%dma_wait3A_72, %dma_wait3A_73] : memref<512x128xf32, #tpu.memory_space<vmem>> -> memref<128x128xf32, #tpu.memory_space<vmem>>
    %dma_wait3A_75 = arith.constant 0 : i32
    %dma_wait3A_76 = tpu.memref_slice %arg5[%dma_wait3A_71, %dma_wait3A_75] : memref<4x128xi32, #tpu.memory_space<vmem>> -> memref<1x128xi32, #tpu.memory_space<vmem>>
    %dma_wait3A_77 = tpu.memref_squeeze %dma_wait3A_76 : memref<1x128xi32, #tpu.memory_space<vmem>> -> memref<128xi32, #tpu.memory_space<vmem>>
    %dma_wait3A_78 = arith.constant 0 : i32
    %dma_wait3A_79 = arith.constant 0 : i32
    %dma_wait3A_80 = tpu.memref_slice %arg2[%dma_wait3A_78, %dma_wait3A_79] : memref<65536x128xf32, #tpu.memory_space<hbm>> -> memref<65536x128xf32, #tpu.memory_space<hbm>>
    tpu.wait_indirect_dma semaphore(%arg7 : memref<!tpu.dma_semaphore, #tpu.memory_space<semaphore_mem>>) src(%dma_wait3A_80 : memref<65536x128xf32, #tpu.memory_space<hbm>>) dst(%dma_wait3A_74 : memref<128x128xf32, #tpu.memory_space<vmem>>)
    %mul3A_81 = arith.constant 512 : i32
    %mul3A_82 = arith.muli %add3A, %mul3A_81 : i32
    "tpu.region"() ({
      %run_scoped3A = tpu.sem_alloc : memref<!tpu.dma_semaphore, #tpu.memory_space<semaphore_mem>>
      %dma_start3A_83 = arith.constant 0 : i32
      %dma_start3A_84 = tpu.memref_slice %arg4[%mul3A_82, %dma_start3A_83] : memref<16384x128xf32, #tpu.memory_space<hbm>> -> memref<512x128xf32, #tpu.memory_space<hbm>>
      %dma_start3A_85 = arith.constant 0 : i32
      %dma_start3A_86 = tpu.memref_slice %arg4[%mul3A_82, %dma_start3A_85] : memref<16384x128xf32, #tpu.memory_space<hbm>> -> memref<512x128xf32, #tpu.memory_space<hbm>>
      tpu.enqueue_dma source(%arg6 : memref<512x128xf32, #tpu.memory_space<vmem>>) target(%dma_start3A_86 : memref<512x128xf32, #tpu.memory_space<hbm>>) target_semaphore(%run_scoped3A : memref<!tpu.dma_semaphore, #tpu.memory_space<semaphore_mem>>)
      %dma_wait3A_87 = arith.constant 0 : i32
      %dma_wait3A_88 = tpu.memref_slice %arg4[%mul3A_82, %dma_wait3A_87] : memref<16384x128xf32, #tpu.memory_space<hbm>> -> memref<512x128xf32, #tpu.memory_space<hbm>>
      %dma_wait3A_89 = arith.constant 0 : i32
      %dma_wait3A_90 = tpu.memref_slice %arg4[%mul3A_82, %dma_wait3A_89] : memref<16384x128xf32, #tpu.memory_space<hbm>> -> memref<512x128xf32, #tpu.memory_space<hbm>>
      tpu.wait_dma2 semaphore(%run_scoped3A : memref<!tpu.dma_semaphore, #tpu.memory_space<semaphore_mem>>) src(%arg6 : memref<512x128xf32, #tpu.memory_space<vmem>>) dst(%dma_wait3A_90 : memref<512x128xf32, #tpu.memory_space<hbm>>)
      tpu.yield
    }) : () -> ()
    return
  }
}

module attributes {stable_mosaic.version = 14 : i64} {
  func.func @_norm_body(%arg0: i32, %arg1: memref<4096x128xf32, #tpu.memory_space<vmem>>, %arg2: memref<4096x1xf32, #tpu.memory_space<vmem>>, %arg3: memref<4096x128xf32, #tpu.memory_space<vmem>>) attributes {dimension_semantics = [#tpu.dimension_semantics<arbitrary>], iteration_bounds = array<i64: 4>, scalar_prefetch = 0 : i64, scratch_operands = 0 : i64, tpu.core_type = #tpu.core_type<tc>, window_params = [{transform_indices = @transform_0, window_bounds = array<i64: 4096, 128>}, {transform_indices = @transform_1, window_bounds = array<i64: 4096, 1>}, {transform_indices = @transform_2, window_bounds = array<i64: 4096, 128>}]} {
    %get3A = arith.constant 0 : index
    %get3A_0 = arith.constant 0 : index
    %get3A_1 = vector.load %arg1[%get3A, %get3A_0] : memref<4096x128xf32, #tpu.memory_space<vmem>>, vector<4096x128xf32>
    %mul3A = arith.mulf %get3A_1, %get3A_1 : vector<4096x128xf32>
    %reduce_sum3A = arith.constant dense<0.000000e+00> : vector<4096xf32>
    %reduce_sum3A_2 = vector.multi_reduction <add>, %mul3A, %reduce_sum3A [1] : vector<4096x128xf32> to vector<4096xf32>
    %broadcast_in_dim3A = vector.shape_cast %reduce_sum3A_2 : vector<4096xf32> to vector<4096x1xf32>
    %sqrt3A = math.sqrt %broadcast_in_dim3A : vector<4096x1xf32>
    %max3A = arith.constant 9.99999996E-13 : f32
    %max3A_3 = vector.broadcast %max3A : f32 to vector<4096x1xf32>
    %max3A_4 = arith.maximumf %sqrt3A, %max3A_3 : vector<4096x1xf32>
    %get3A_5 = arith.constant 0 : index
    %get3A_6 = arith.constant 0 : index
    %get3A_7 = vector.load %arg2[%get3A_5, %get3A_6] : memref<4096x1xf32, #tpu.memory_space<vmem>>, vector<4096x1xf32>
    %div3A = arith.divf %get3A_7, %max3A_4 : vector<4096x1xf32>
    %mul3A_8 = vector.broadcast %div3A : vector<4096x1xf32> to vector<4096x128xf32>
    %mul3A_9 = arith.mulf %get3A_1, %mul3A_8 : vector<4096x128xf32>
    %swap3A = arith.constant 0 : index
    %swap3A_10 = arith.constant 0 : index
    %swap3A_11 = vector.load %arg3[%swap3A, %swap3A_10] : memref<4096x128xf32, #tpu.memory_space<vmem>>, vector<4096x128xf32>
    tpu.vector_store %arg3[%swap3A, %swap3A_10], %mul3A_9 {strides = array<i32>} : memref<4096x128xf32, #tpu.memory_space<vmem>>, vector<4096x128xf32>,
    return
  }
  func.func @transform_0(%arg0: i32) -> (i32, i32) {
    %c0_i32 = arith.constant 0 : i32
    %c0_i32_0 = arith.constant 0 : i32
    return %arg0, %c0_i32 : i32, i32
  }
  func.func @transform_1(%arg0: i32) -> (i32, i32) {
    %c0_i32 = arith.constant 0 : i32
    %c0_i32_0 = arith.constant 0 : i32
    return %arg0, %c0_i32 : i32, i32
  }
  func.func @transform_2(%arg0: i32) -> (i32, i32) {
    %c0_i32 = arith.constant 0 : i32
    %c0_i32_0 = arith.constant 0 : i32
    return %arg0, %c0_i32 : i32, i32
  }
}

module attributes {stable_mosaic.version = 14 : i64} {
  func.func @_topk_body(%arg0: memref<512x128xf32, #tpu.memory_space<vmem>>, %arg1: memref<4x32x128xi32, #tpu.memory_space<vmem>>, %arg2: memref<4x32x128xf32, #tpu.memory_space<vmem>>) attributes {dimension_semantics = [], scalar_prefetch = 0 : i64, scratch_operands = 0 : i64, tpu.core_type = #tpu.core_type<tc>} {
    %get3A = arith.constant 0 : index
    %get3A_0 = arith.constant 0 : index
    %get3A_1 = vector.load %arg0[%get3A, %get3A_0] : memref<512x128xf32, #tpu.memory_space<vmem>>, vector<128x128xf32>
    %transpose3A = tpu.transpose %get3A_1, [1, 0] : vector<128x128xf32> -> vector<128x128xf32>
    %get3A_2 = arith.constant 128 : index
    %get3A_3 = arith.constant 0 : index
    %get3A_4 = vector.load %arg0[%get3A_2, %get3A_3] : memref<512x128xf32, #tpu.memory_space<vmem>>, vector<128x128xf32>
    %transpose3A_5 = tpu.transpose %get3A_4, [1, 0] : vector<128x128xf32> -> vector<128x128xf32>
    %get3A_6 = arith.constant 256 : index
    %get3A_7 = arith.constant 0 : index
    %get3A_8 = vector.load %arg0[%get3A_6, %get3A_7] : memref<512x128xf32, #tpu.memory_space<vmem>>, vector<128x128xf32>
    %transpose3A_9 = tpu.transpose %get3A_8, [1, 0] : vector<128x128xf32> -> vector<128x128xf32>
    %get3A_10 = arith.constant 384 : index
    %get3A_11 = arith.constant 0 : index
    %get3A_12 = vector.load %arg0[%get3A_10, %get3A_11] : memref<512x128xf32, #tpu.memory_space<vmem>>, vector<128x128xf32>
    %transpose3A_13 = tpu.transpose %get3A_12, [1, 0] : vector<128x128xf32> -> vector<128x128xf32>
    %concatenate3A = tpu.concatenate %transpose3A, %transpose3A_5, %transpose3A_9, %transpose3A_13 in 0 : vector<128x128xf32>, vector<128x128xf32>, vector<128x128xf32>, vector<128x128xf32> -> vector<512x128xf32>
    %eq3A = arith.constant 0.000000e+00 : f32
    %eq3A_14 = vector.broadcast %eq3A : f32 to vector<512x128xf32>
    %eq3A_15 = arith.cmpf oeq, %concatenate3A, %eq3A_14 : vector<512x128xf32>
    %jit3A = arith.constant 0.000000e+00 : f32
    %broadcast_in_dim3A = vector.broadcast %jit3A : f32 to vector<512x128xf32>
    %select_n3A = arith.select %eq3A_15, %broadcast_in_dim3A, %concatenate3A : vector<512x128xi1>, vector<512x128xf32>
    %bitcast_convert_type3A = tpu.bitcast %select_n3A : vector<512x128xf32> -> vector<512x128xi32>
    %ge3A = arith.constant 0 : i32
    %ge3A_16 = vector.broadcast %ge3A : i32 to vector<512x128xi32>
    %ge3A_17 = arith.cmpi sge, %bitcast_convert_type3A, %ge3A_16 : vector<512x128xi32>
    %not3A = arith.constant dense<-1> : vector<512x128xi32>
    %not3A_18 = arith.xori %bitcast_convert_type3A, %not3A : vector<512x128xi32>
    %xor3A = arith.constant -2147483648 : i32
    %xor3A_19 = vector.broadcast %xor3A : i32 to vector<512x128xi32>
    %xor3A_20 = arith.xori %not3A_18, %xor3A_19 : vector<512x128xi32>
    %select_n3A_21 = arith.select %ge3A_17, %bitcast_convert_type3A, %xor3A_20 : vector<512x128xi1>, vector<512x128xi32>
    %iota3A = tpu.iota {dimensions = array<i32: 0>} : vector<512x128xi32>
    %iota3A_22 = tpu.iota {dimensions = array<i32: 1>} : vector<512x128xi32>
    %mul3A = arith.constant 128 : i32
    %mul3A_23 = vector.broadcast %mul3A : i32 to vector<512x128xi32>
    %mul3A_24 = arith.muli %iota3A_22, %mul3A_23 : vector<512x128xi32>
    %and3A = arith.constant 127 : i32
    %and3A_25 = vector.broadcast %and3A : i32 to vector<512x128xi32>
    %and3A_26 = arith.andi %iota3A, %and3A_25 : vector<512x128xi32>
    %add3A = arith.addi %mul3A_24, %and3A_26 : vector<512x128xi32>
    %shift_right_arithmetic3A = arith.constant 7 : i32
    %shift_right_arithmetic3A_27 = vector.broadcast %shift_right_arithmetic3A : i32 to vector<512x128xi32>
    %shift_right_arithmetic3A_28 = arith.shrsi %iota3A, %shift_right_arithmetic3A_27 : vector<512x128xi32>
    %mul3A_29 = arith.constant 16384 : i32
    %mul3A_30 = vector.broadcast %mul3A_29 : i32 to vector<512x128xi32>
    %mul3A_31 = arith.muli %shift_right_arithmetic3A_28, %mul3A_30 : vector<512x128xi32>
    %add3A_32 = arith.addi %mul3A_31, %add3A : vector<512x128xi32>
    %and3A_33 = arith.constant 1 : i32
    %and3A_34 = vector.broadcast %and3A_33 : i32 to vector<512x128xi32>
    %and3A_35 = arith.andi %add3A, %and3A_34 : vector<512x128xi32>
    %ne3A = arith.constant 0 : i32
    %ne3A_36 = vector.broadcast %ne3A : i32 to vector<512x128xi32>
    %ne3A_37 = arith.cmpi ne, %and3A_35, %ne3A_36 : vector<512x128xi32>
    %reshape3A = vector.shape_cast %select_n3A_21 : vector<512x128xi32> to vector<256x2x1x128xi32>
    %slice3A = vector.extract_strided_slice %reshape3A {offsets = [0, 1, 0, 0], sizes = [256, 1, 1, 128], strides = [1, 1, 1, 1]} : vector<256x2x1x128xi32> to vector<256x1x1x128xi32>
    %slice3A_38 = vector.extract_strided_slice %reshape3A {offsets = [0, 0, 0, 0], sizes = [256, 1, 1, 128], strides = [1, 1, 1, 1]} : vector<256x2x1x128xi32> to vector<256x1x1x128xi32>
    %concatenate3A_39 = tpu.concatenate %slice3A, %slice3A_38 in 1 : vector<256x1x1x128xi32>, vector<256x1x1x128xi32> -> vector<256x2x1x128xi32>
    %reshape3A_40 = vector.shape_cast %concatenate3A_39 : vector<256x2x1x128xi32> to vector<512x128xi32>
    %reshape3A_41 = vector.shape_cast %add3A_32 : vector<512x128xi32> to vector<256x2x1x128xi32>
    %slice3A_42 = vector.extract_strided_slice %reshape3A_41 {offsets = [0, 1, 0, 0], sizes = [256, 1, 1, 128], strides = [1, 1, 1, 1]} : vector<256x2x1x128xi32> to vector<256x1x1x128xi32>
    %slice3A_43 = vector.extract_strided_slice %reshape3A_41 {offsets = [0, 0, 0, 0], sizes = [256, 1, 1, 128], strides = [1, 1, 1, 1]} : vector<256x2x1x128xi32> to vector<256x1x1x128xi32>
    %concatenate3A_44 = tpu.concatenate %slice3A_42, %slice3A_43 in 1 : vector<256x1x1x128xi32>, vector<256x1x1x128xi32> -> vector<256x2x1x128xi32>
    %reshape3A_45 = vector.shape_cast %concatenate3A_44 : vector<256x2x1x128xi32> to vector<512x128xi32>
    %gt3A = arith.cmpi sgt, %select_n3A_21, %reshape3A_40 : vector<512x128xi32>
    %eq3A_46 = arith.cmpi eq, %select_n3A_21, %reshape3A_40 : vector<512x128xi32>
    %lt3A = arith.cmpi slt, %add3A_32, %reshape3A_45 : vector<512x128xi32>
    %and3A_47 = arith.andi %eq3A_46, %lt3A : vector<512x128xi1>
    %or3A = arith.ori %gt3A, %and3A_47 : vector<512x128xi1>
    %not3A_48 = arith.constant dense<true> : vector<512x128xi1>
    %not3A_49 = arith.xori %ne3A_37, %not3A_48 : vector<512x128xi1>
    %and3A_50 = arith.constant 2 : i32
    %and3A_51 = vector.broadcast %and3A_50 : i32 to vector<512x128xi32>
    %and3A_52 = arith.andi %add3A, %and3A_51 : vector<512x128xi32>
    %eq3A_53 = arith.constant 0 : i32
    %eq3A_54 = vector.broadcast %eq3A_53 : i32 to vector<512x128xi32>
    %eq3A_55 = arith.cmpi eq, %and3A_52, %eq3A_54 : vector<512x128xi32>
    %eq3A_56 = arith.xori %not3A_49, %eq3A_55 : vector<512x128xi1>
    %eq3A_57 = arith.constant dense<true> : vector<512x128xi1>
    %eq3A_58 = arith.xori %eq3A_56, %eq3A_57 : vector<512x128xi1>
    %eq3A_59 = arith.xori %or3A, %eq3A_58 : vector<512x128xi1>
    %eq3A_60 = arith.constant dense<true> : vector<512x128xi1>
    %eq3A_61 = arith.xori %eq3A_59, %eq3A_60 : vector<512x128xi1>
    %select_n3A_62 = arith.select %eq3A_61, %select_n3A_21, %reshape3A_40 : vector<512x128xi1>, vector<512x128xi32>
    %select_n3A_63 = arith.select %eq3A_61, %add3A_32, %reshape3A_45 : vector<512x128xi1>, vector<512x128xi32>
    %and3A_64 = arith.constant 2 : i32
    %and3A_65 = vector.broadcast %and3A_64 : i32 to vector<512x128xi32>
    %and3A_66 = arith.andi %add3A, %and3A_65 : vector<512x128xi32>
    %ne3A_67 = arith.constant 0 : i32
    %ne3A_68 = vector.broadcast %ne3A_67 : i32 to vector<512x128xi32>
    %ne3A_69 = arith.cmpi ne, %and3A_66, %ne3A_68 : vector<512x128xi32>
    %reshape3A_70 = vector.shape_cast %select_n3A_62 : vector<512x128xi32> to vector<128x2x2x128xi32>
    %slice3A_71 = vector.extract_strided_slice %reshape3A_70 {offsets = [0, 1, 0, 0], sizes = [128, 1, 2, 128], strides = [1, 1, 1, 1]} : vector<128x2x2x128xi32> to vector<128x1x2x128xi32>
    %slice3A_72 = vector.extract_strided_slice %reshape3A_70 {offsets = [0, 0, 0, 0], sizes = [128, 1, 2, 128], strides = [1, 1, 1, 1]} : vector<128x2x2x128xi32> to vector<128x1x2x128xi32>
    %concatenate3A_73 = tpu.concatenate %slice3A_71, %slice3A_72 in 1 : vector<128x1x2x128xi32>, vector<128x1x2x128xi32> -> vector<128x2x2x128xi32>
    %reshape3A_74 = vector.shape_cast %concatenate3A_73 : vector<128x2x2x128xi32> to vector<512x128xi32>
    %reshape3A_75 = vector.shape_cast %select_n3A_63 : vector<512x128xi32> to vector<128x2x2x128xi32>
    %slice3A_76 = vector.extract_strided_slice %reshape3A_75 {offsets = [0, 1, 0, 0], sizes = [128, 1, 2, 128], strides = [1, 1, 1, 1]} : vector<128x2x2x128xi32> to vector<128x1x2x128xi32>
    %slice3A_77 = vector.extract_strided_slice %reshape3A_75 {offsets = [0, 0, 0, 0], sizes = [128, 1, 2, 128], strides = [1, 1, 1, 1]} : vector<128x2x2x128xi32> to vector<128x1x2x128xi32>
    %concatenate3A_78 = tpu.concatenate %slice3A_76, %slice3A_77 in 1 : vector<128x1x2x128xi32>, vector<128x1x2x128xi32> -> vector<128x2x2x128xi32>
    %reshape3A_79 = vector.shape_cast %concatenate3A_78 : vector<128x2x2x128xi32> to vector<512x128xi32>
    %gt3A_80 = arith.cmpi sgt, %select_n3A_62, %reshape3A_74 : vector<512x128xi32>
    %eq3A_81 = arith.cmpi eq, %select_n3A_62, %reshape3A_74 : vector<512x128xi32>
    %lt3A_82 = arith.cmpi slt, %select_n3A_63, %reshape3A_79 : vector<512x128xi32>
    %and3A_83 = arith.andi %eq3A_81, %lt3A_82 : vector<512x128xi1>
    %or3A_84 = arith.ori %gt3A_80, %and3A_83 : vector<512x128xi1>
    %not3A_85 = arith.constant dense<true> : vector<512x128xi1>
    %not3A_86 = arith.xori %ne3A_69, %not3A_85 : vector<512x128xi1>
    %and3A_87 = arith.constant 4 : i32
    %and3A_88 = vector.broadcast %and3A_87 : i32 to vector<512x128xi32>
    %and3A_89 = arith.andi %add3A, %and3A_88 : vector<512x128xi32>
    %eq3A_90 = arith.constant 0 : i32
    %eq3A_91 = vector.broadcast %eq3A_90 : i32 to vector<512x128xi32>
    %eq3A_92 = arith.cmpi eq, %and3A_89, %eq3A_91 : vector<512x128xi32>
    %eq3A_93 = arith.xori %not3A_86, %eq3A_92 : vector<512x128xi1>
    %eq3A_94 = arith.constant dense<true> : vector<512x128xi1>
    %eq3A_95 = arith.xori %eq3A_93, %eq3A_94 : vector<512x128xi1>
    %eq3A_96 = arith.xori %or3A_84, %eq3A_95 : vector<512x128xi1>
    %eq3A_97 = arith.constant dense<true> : vector<512x128xi1>
    %eq3A_98 = arith.xori %eq3A_96, %eq3A_97 : vector<512x128xi1>
    %select_n3A_99 = arith.select %eq3A_98, %select_n3A_62, %reshape3A_74 : vector<512x128xi1>, vector<512x128xi32>
    %select_n3A_100 = arith.select %eq3A_98, %select_n3A_63, %reshape3A_79 : vector<512x128xi1>, vector<512x128xi32>
    %and3A_101 = arith.constant 1 : i32
    %and3A_102 = vector.broadcast %and3A_101 : i32 to vector<512x128xi32>
    %and3A_103 = arith.andi %add3A, %and3A_102 : vector<512x128xi32>
    %ne3A_104 = arith.constant 0 : i32
    %ne3A_105 = vector.broadcast %ne3A_104 : i32 to vector<512x128xi32>
    %ne3A_106 = arith.cmpi ne, %and3A_103, %ne3A_105 : vector<512x128xi32>
    %reshape3A_107 = vector.shape_cast %select_n3A_99 : vector<512x128xi32> to vector<256x2x1x128xi32>
    %slice3A_108 = vector.extract_strided_slice %reshape3A_107 {offsets = [0, 1, 0, 0], sizes = [256, 1, 1, 128], strides = [1, 1, 1, 1]} : vector<256x2x1x128xi32> to vector<256x1x1x128xi32>
    %slice3A_109 = vector.extract_strided_slice %reshape3A_107 {offsets = [0, 0, 0, 0], sizes = [256, 1, 1, 128], strides = [1, 1, 1, 1]} : vector<256x2x1x128xi32> to vector<256x1x1x128xi32>
    %concatenate3A_110 = tpu.concatenate %slice3A_108, %slice3A_109 in 1 : vector<256x1x1x128xi32>, vector<256x1x1x128xi32> -> vector<256x2x1x128xi32>
    %reshape3A_111 = vector.shape_cast %concatenate3A_110 : vector<256x2x1x128xi32> to vector<512x128xi32>
    %reshape3A_112 = vector.shape_cast %select_n3A_100 : vector<512x128xi32> to vector<256x2x1x128xi32>
    %slice3A_113 = vector.extract_strided_slice %reshape3A_112 {offsets = [0, 1, 0, 0], sizes = [256, 1, 1, 128], strides = [1, 1, 1, 1]} : vector<256x2x1x128xi32> to vector<256x1x1x128xi32>
    %slice3A_114 = vector.extract_strided_slice %reshape3A_112 {offsets = [0, 0, 0, 0], sizes = [256, 1, 1, 128], strides = [1, 1, 1, 1]} : vector<256x2x1x128xi32> to vector<256x1x1x128xi32>
    %concatenate3A_115 = tpu.concatenate %slice3A_113, %slice3A_114 in 1 : vector<256x1x1x128xi32>, vector<256x1x1x128xi32> -> vector<256x2x1x128xi32>
    %reshape3A_116 = vector.shape_cast %concatenate3A_115 : vector<256x2x1x128xi32> to vector<512x128xi32>
    %gt3A_117 = arith.cmpi sgt, %select_n3A_99, %reshape3A_111 : vector<512x128xi32>
    %eq3A_118 = arith.cmpi eq, %select_n3A_99, %reshape3A_111 : vector<512x128xi32>
    %lt3A_119 = arith.cmpi slt, %select_n3A_100, %reshape3A_116 : vector<512x128xi32>
    %and3A_120 = arith.andi %eq3A_118, %lt3A_119 : vector<512x128xi1>
    %or3A_121 = arith.ori %gt3A_117, %and3A_120 : vector<512x128xi1>
    %not3A_122 = arith.constant dense<true> : vector<512x128xi1>
    %not3A_123 = arith.xori %ne3A_106, %not3A_122 : vector<512x128xi1>
    %and3A_124 = arith.constant 4 : i32
    %and3A_125 = vector.broadcast %and3A_124 : i32 to vector<512x128xi32>
    %and3A_126 = arith.andi %add3A, %and3A_125 : vector<512x128xi32>
    %eq3A_127 = arith.constant 0 : i32
    %eq3A_128 = vector.broadcast %eq3A_127 : i32 to vector<512x128xi32>
    %eq3A_129 = arith.cmpi eq, %and3A_126, %eq3A_128 : vector<512x128xi32>
    %eq3A_130 = arith.xori %not3A_123, %eq3A_129 : vector<512x128xi1>
    %eq3A_131 = arith.constant dense<true> : vector<512x128xi1>
    %eq3A_132 = arith.xori %eq3A_130, %eq3A_131 : vector<512x128xi1>
    %eq3A_133 = arith.xori %or3A_121, %eq3A_132 : vector<512x128xi1>
    %eq3A_134 = arith.constant dense<true> : vector<512x128xi1>
    %eq3A_135 = arith.xori %eq3A_133, %eq3A_134 : vector<512x128xi1>
    %select_n3A_136 = arith.select %eq3A_135, %select_n3A_99, %reshape3A_111 : vector<512x128xi1>, vector<512x128xi32>
    %select_n3A_137 = arith.select %eq3A_135, %select_n3A_100, %reshape3A_116 : vector<512x128xi1>, vector<512x128xi32>
    %and3A_138 = arith.constant 4 : i32
    %and3A_139 = vector.broadcast %and3A_138 : i32 to vector<512x128xi32>
    %and3A_140 = arith.andi %add3A, %and3A_139 : vector<512x128xi32>
    %ne3A_141 = arith.constant 0 : i32
    %ne3A_142 = vector.broadcast %ne3A_141 : i32 to vector<512x128xi32>
    %ne3A_143 = arith.cmpi ne, %and3A_140, %ne3A_142 : vector<512x128xi32>
    %reshape3A_144 = vector.shape_cast %select_n3A_136 : vector<512x128xi32> to vector<64x2x4x128xi32>
    %slice3A_145 = vector.extract_strided_slice %reshape3A_144 {offsets = [0, 1, 0, 0], sizes = [64, 1, 4, 128], strides = [1, 1, 1, 1]} : vector<64x2x4x128xi32> to vector<64x1x4x128xi32>
    %slice3A_146 = vector.extract_strided_slice %reshape3A_144 {offsets = [0, 0, 0, 0], sizes = [64, 1, 4, 128], strides = [1, 1, 1, 1]} : vector<64x2x4x128xi32> to vector<64x1x4x128xi32>
    %concatenate3A_147 = tpu.concatenate %slice3A_145, %slice3A_146 in 1 : vector<64x1x4x128xi32>, vector<64x1x4x128xi32> -> vector<64x2x4x128xi32>
    %reshape3A_148 = vector.shape_cast %concatenate3A_147 : vector<64x2x4x128xi32> to vector<512x128xi32>
    %reshape3A_149 = vector.shape_cast %select_n3A_137 : vector<512x128xi32> to vector<64x2x4x128xi32>
    %slice3A_150 = vector.extract_strided_slice %reshape3A_149 {offsets = [0, 1, 0, 0], sizes = [64, 1, 4, 128], strides = [1, 1, 1, 1]} : vector<64x2x4x128xi32> to vector<64x1x4x128xi32>
    %slice3A_151 = vector.extract_strided_slice %reshape3A_149 {offsets = [0, 0, 0, 0], sizes = [64, 1, 4, 128], strides = [1, 1, 1, 1]} : vector<64x2x4x128xi32> to vector<64x1x4x128xi32>
    %concatenate3A_152 = tpu.concatenate %slice3A_150, %slice3A_151 in 1 : vector<64x1x4x128xi32>, vector<64x1x4x128xi32> -> vector<64x2x4x128xi32>
    %reshape3A_153 = vector.shape_cast %concatenate3A_152 : vector<64x2x4x128xi32> to vector<512x128xi32>
    %gt3A_154 = arith.cmpi sgt, %select_n3A_136, %reshape3A_148 : vector<512x128xi32>
    %eq3A_155 = arith.cmpi eq, %select_n3A_136, %reshape3A_148 : vector<512x128xi32>
    %lt3A_156 = arith.cmpi slt, %select_n3A_137, %reshape3A_153 : vector<512x128xi32>
    %and3A_157 = arith.andi %eq3A_155, %lt3A_156 : vector<512x128xi1>
    %or3A_158 = arith.ori %gt3A_154, %and3A_157 : vector<512x128xi1>
    %not3A_159 = arith.constant dense<true> : vector<512x128xi1>
    %not3A_160 = arith.xori %ne3A_143, %not3A_159 : vector<512x128xi1>
    %and3A_161 = arith.constant 8 : i32
    %and3A_162 = vector.broadcast %and3A_161 : i32 to vector<512x128xi32>
    %and3A_163 = arith.andi %add3A, %and3A_162 : vector<512x128xi32>
    %eq3A_164 = arith.constant 0 : i32
    %eq3A_165 = vector.broadcast %eq3A_164 : i32 to vector<512x128xi32>
    %eq3A_166 = arith.cmpi eq, %and3A_163, %eq3A_165 : vector<512x128xi32>
    %eq3A_167 = arith.xori %not3A_160, %eq3A_166 : vector<512x128xi1>
    %eq3A_168 = arith.constant dense<true> : vector<512x128xi1>
    %eq3A_169 = arith.xori %eq3A_167, %eq3A_168 : vector<512x128xi1>
    %eq3A_170 = arith.xori %or3A_158, %eq3A_169 : vector<512x128xi1>
    %eq3A_171 = arith.constant dense<true> : vector<512x128xi1>
    %eq3A_172 = arith.xori %eq3A_170, %eq3A_171 : vector<512x128xi1>
    %select_n3A_173 = arith.select %eq3A_172, %select_n3A_136, %reshape3A_148 : vector<512x128xi1>, vector<512x128xi32>
    %select_n3A_174 = arith.select %eq3A_172, %select_n3A_137, %reshape3A_153 : vector<512x128xi1>, vector<512x128xi32>
    %and3A_175 = arith.constant 2 : i32
    %and3A_176 = vector.broadcast %and3A_175 : i32 to vector<512x128xi32>
    %and3A_177 = arith.andi %add3A, %and3A_176 : vector<512x128xi32>
    %ne3A_178 = arith.constant 0 : i32
    %ne3A_179 = vector.broadcast %ne3A_178 : i32 to vector<512x128xi32>
    %ne3A_180 = arith.cmpi ne, %and3A_177, %ne3A_179 : vector<512x128xi32>
    %reshape3A_181 = vector.shape_cast %select_n3A_173 : vector<512x128xi32> to vector<128x2x2x128xi32>
    %slice3A_182 = vector.extract_strided_slice %reshape3A_181 {offsets = [0, 1, 0, 0], sizes = [128, 1, 2, 128], strides = [1, 1, 1, 1]} : vector<128x2x2x128xi32> to vector<128x1x2x128xi32>
    %slice3A_183 = vector.extract_strided_slice %reshape3A_181 {offsets = [0, 0, 0, 0], sizes = [128, 1, 2, 128], strides = [1, 1, 1, 1]} : vector<128x2x2x128xi32> to vector<128x1x2x128xi32>
    %concatenate3A_184 = tpu.concatenate %slice3A_182, %slice3A_183 in 1 : vector<128x1x2x128xi32>, vector<128x1x2x128xi32> -> vector<128x2x2x128xi32>
    %reshape3A_185 = vector.shape_cast %concatenate3A_184 : vector<128x2x2x128xi32> to vector<512x128xi32>
    %reshape3A_186 = vector.shape_cast %select_n3A_174 : vector<512x128xi32> to vector<128x2x2x128xi32>
    %slice3A_187 = vector.extract_strided_slice %reshape3A_186 {offsets = [0, 1, 0, 0], sizes = [128, 1, 2, 128], strides = [1, 1, 1, 1]} : vector<128x2x2x128xi32> to vector<128x1x2x128xi32>
    %slice3A_188 = vector.extract_strided_slice %reshape3A_186 {offsets = [0, 0, 0, 0], sizes = [128, 1, 2, 128], strides = [1, 1, 1, 1]} : vector<128x2x2x128xi32> to vector<128x1x2x128xi32>
    %concatenate3A_189 = tpu.concatenate %slice3A_187, %slice3A_188 in 1 : vector<128x1x2x128xi32>, vector<128x1x2x128xi32> -> vector<128x2x2x128xi32>
    %reshape3A_190 = vector.shape_cast %concatenate3A_189 : vector<128x2x2x128xi32> to vector<512x128xi32>
    %gt3A_191 = arith.cmpi sgt, %select_n3A_173, %reshape3A_185 : vector<512x128xi32>
    %eq3A_192 = arith.cmpi eq, %select_n3A_173, %reshape3A_185 : vector<512x128xi32>
    %lt3A_193 = arith.cmpi slt, %select_n3A_174, %reshape3A_190 : vector<512x128xi32>
    %and3A_194 = arith.andi %eq3A_192, %lt3A_193 : vector<512x128xi1>
    %or3A_195 = arith.ori %gt3A_191, %and3A_194 : vector<512x128xi1>
    %not3A_196 = arith.constant dense<true> : vector<512x128xi1>
    %not3A_197 = arith.xori %ne3A_180, %not3A_196 : vector<512x128xi1>
    %and3A_198 = arith.constant 8 : i32
    %and3A_199 = vector.broadcast %and3A_198 : i32 to vector<512x128xi32>
    %and3A_200 = arith.andi %add3A, %and3A_199 : vector<512x128xi32>
    %eq3A_201 = arith.constant 0 : i32
    %eq3A_202 = vector.broadcast %eq3A_201 : i32 to vector<512x128xi32>
    %eq3A_203 = arith.cmpi eq, %and3A_200, %eq3A_202 : vector<512x128xi32>
    %eq3A_204 = arith.xori %not3A_197, %eq3A_203 : vector<512x128xi1>
    %eq3A_205 = arith.constant dense<true> : vector<512x128xi1>
    %eq3A_206 = arith.xori %eq3A_204, %eq3A_205 : vector<512x128xi1>
    %eq3A_207 = arith.xori %or3A_195, %eq3A_206 : vector<512x128xi1>
    %eq3A_208 = arith.constant dense<true> : vector<512x128xi1>
    %eq3A_209 = arith.xori %eq3A_207, %eq3A_208 : vector<512x128xi1>
    %select_n3A_210 = arith.select %eq3A_209, %select_n3A_173, %reshape3A_185 : vector<512x128xi1>, vector<512x128xi32>
    %select_n3A_211 = arith.select %eq3A_209, %select_n3A_174, %reshape3A_190 : vector<512x128xi1>, vector<512x128xi32>
    %and3A_212 = arith.constant 1 : i32
    %and3A_213 = vector.broadcast %and3A_212 : i32 to vector<512x128xi32>
    %and3A_214 = arith.andi %add3A, %and3A_213 : vector<512x128xi32>
    %ne3A_215 = arith.constant 0 : i32
    %ne3A_216 = vector.broadcast %ne3A_215 : i32 to vector<512x128xi32>
    %ne3A_217 = arith.cmpi ne, %and3A_214, %ne3A_216 : vector<512x128xi32>
    %reshape3A_218 = vector.shape_cast %select_n3A_210 : vector<512x128xi32> to vector<256x2x1x128xi32>
    %slice3A_219 = vector.extract_strided_slice %reshape3A_218 {offsets = [0, 1, 0, 0], sizes = [256, 1, 1, 128], strides = [1, 1, 1, 1]} : vector<256x2x1x128xi32> to vector<256x1x1x128xi32>
    %slice3A_220 = vector.extract_strided_slice %reshape3A_218 {offsets = [0, 0, 0, 0], sizes = [256, 1, 1, 128], strides = [1, 1, 1, 1]} : vector<256x2x1x128xi32> to vector<256x1x1x128xi32>
    %concatenate3A_221 = tpu.concatenate %slice3A_219, %slice3A_220 in 1 : vector<256x1x1x128xi32>, vector<256x1x1x128xi32> -> vector<256x2x1x128xi32>
    %reshape3A_222 = vector.shape_cast %concatenate3A_221 : vector<256x2x1x128xi32> to vector<512x128xi32>
    %reshape3A_223 = vector.shape_cast %select_n3A_211 : vector<512x128xi32> to vector<256x2x1x128xi32>
    %slice3A_224 = vector.extract_strided_slice %reshape3A_223 {offsets = [0, 1, 0, 0], sizes = [256, 1, 1, 128], strides = [1, 1, 1, 1]} : vector<256x2x1x128xi32> to vector<256x1x1x128xi32>
    %slice3A_225 = vector.extract_strided_slice %reshape3A_223 {offsets = [0, 0, 0, 0], sizes = [256, 1, 1, 128], strides = [1, 1, 1, 1]} : vector<256x2x1x128xi32> to vector<256x1x1x128xi32>
    %concatenate3A_226 = tpu.concatenate %slice3A_224, %slice3A_225 in 1 : vector<256x1x1x128xi32>, vector<256x1x1x128xi32> -> vector<256x2x1x128xi32>
    %reshape3A_227 = vector.shape_cast %concatenate3A_226 : vector<256x2x1x128xi32> to vector<512x128xi32>
    %gt3A_228 = arith.cmpi sgt, %select_n3A_210, %reshape3A_222 : vector<512x128xi32>
    %eq3A_229 = arith.cmpi eq, %select_n3A_210, %reshape3A_222 : vector<512x128xi32>
    %lt3A_230 = arith.cmpi slt, %select_n3A_211, %reshape3A_227 : vector<512x128xi32>
    %and3A_231 = arith.andi %eq3A_229, %lt3A_230 : vector<512x128xi1>
    %or3A_232 = arith.ori %gt3A_228, %and3A_231 : vector<512x128xi1>
    %not3A_233 = arith.constant dense<true> : vector<512x128xi1>
    %not3A_234 = arith.xori %ne3A_217, %not3A_233 : vector<512x128xi1>
    %and3A_235 = arith.constant 8 : i32
    %and3A_236 = vector.broadcast %and3A_235 : i32 to vector<512x128xi32>
    %and3A_237 = arith.andi %add3A, %and3A_236 : vector<512x128xi32>
    %eq3A_238 = arith.constant 0 : i32
    %eq3A_239 = vector.broadcast %eq3A_238 : i32 to vector<512x128xi32>
    %eq3A_240 = arith.cmpi eq, %and3A_237, %eq3A_239 : vector<512x128xi32>
    %eq3A_241 = arith.xori %not3A_234, %eq3A_240 : vector<512x128xi1>
    %eq3A_242 = arith.constant dense<true> : vector<512x128xi1>
    %eq3A_243 = arith.xori %eq3A_241, %eq3A_242 : vector<512x128xi1>
    %eq3A_244 = arith.xori %or3A_232, %eq3A_243 : vector<512x128xi1>
    %eq3A_245 = arith.constant dense<true> : vector<512x128xi1>
    %eq3A_246 = arith.xori %eq3A_244, %eq3A_245 : vector<512x128xi1>
    %select_n3A_247 = arith.select %eq3A_246, %select_n3A_210, %reshape3A_222 : vector<512x128xi1>, vector<512x128xi32>
    %select_n3A_248 = arith.select %eq3A_246, %select_n3A_211, %reshape3A_227 : vector<512x128xi1>, vector<512x128xi32>
    %and3A_249 = arith.constant 8 : i32
    %and3A_250 = vector.broadcast %and3A_249 : i32 to vector<512x128xi32>
    %and3A_251 = arith.andi %add3A, %and3A_250 : vector<512x128xi32>
    %ne3A_252 = arith.constant 0 : i32
    %ne3A_253 = vector.broadcast %ne3A_252 : i32 to vector<512x128xi32>
    %ne3A_254 = arith.cmpi ne, %and3A_251, %ne3A_253 : vector<512x128xi32>
    %reshape3A_255 = vector.shape_cast %select_n3A_247 : vector<512x128xi32> to vector<32x2x8x128xi32>
    %slice3A_256 = vector.extract_strided_slice %reshape3A_255 {offsets = [0, 1, 0, 0], sizes = [32, 1, 8, 128], strides = [1, 1, 1, 1]} : vector<32x2x8x128xi32> to vector<32x1x8x128xi32>
    %slice3A_257 = vector.extract_strided_slice %reshape3A_255 {offsets = [0, 0, 0, 0], sizes = [32, 1, 8, 128], strides = [1, 1, 1, 1]} : vector<32x2x8x128xi32> to vector<32x1x8x128xi32>
    %concatenate3A_258 = tpu.concatenate %slice3A_256, %slice3A_257 in 1 : vector<32x1x8x128xi32>, vector<32x1x8x128xi32> -> vector<32x2x8x128xi32>
    %reshape3A_259 = vector.shape_cast %concatenate3A_258 : vector<32x2x8x128xi32> to vector<512x128xi32>
    %reshape3A_260 = vector.shape_cast %select_n3A_248 : vector<512x128xi32> to vector<32x2x8x128xi32>
    %slice3A_261 = vector.extract_strided_slice %reshape3A_260 {offsets = [0, 1, 0, 0], sizes = [32, 1, 8, 128], strides = [1, 1, 1, 1]} : vector<32x2x8x128xi32> to vector<32x1x8x128xi32>
    %slice3A_262 = vector.extract_strided_slice %reshape3A_260 {offsets = [0, 0, 0, 0], sizes = [32, 1, 8, 128], strides = [1, 1, 1, 1]} : vector<32x2x8x128xi32> to vector<32x1x8x128xi32>
    %concatenate3A_263 = tpu.concatenate %slice3A_261, %slice3A_262 in 1 : vector<32x1x8x128xi32>, vector<32x1x8x128xi32> -> vector<32x2x8x128xi32>
    %reshape3A_264 = vector.shape_cast %concatenate3A_263 : vector<32x2x8x128xi32> to vector<512x128xi32>
    %gt3A_265 = arith.cmpi sgt, %select_n3A_247, %reshape3A_259 : vector<512x128xi32>
    %eq3A_266 = arith.cmpi eq, %select_n3A_247, %reshape3A_259 : vector<512x128xi32>
    %lt3A_267 = arith.cmpi slt, %select_n3A_248, %reshape3A_264 : vector<512x128xi32>
    %and3A_268 = arith.andi %eq3A_266, %lt3A_267 : vector<512x128xi1>
    %or3A_269 = arith.ori %gt3A_265, %and3A_268 : vector<512x128xi1>
    %not3A_270 = arith.constant dense<true> : vector<512x128xi1>
    %not3A_271 = arith.xori %ne3A_254, %not3A_270 : vector<512x128xi1>
    %and3A_272 = arith.constant 16 : i32
    %and3A_273 = vector.broadcast %and3A_272 : i32 to vector<512x128xi32>
    %and3A_274 = arith.andi %add3A, %and3A_273 : vector<512x128xi32>
    %eq3A_275 = arith.constant 0 : i32
    %eq3A_276 = vector.broadcast %eq3A_275 : i32 to vector<512x128xi32>
    %eq3A_277 = arith.cmpi eq, %and3A_274, %eq3A_276 : vector<512x128xi32>
    %eq3A_278 = arith.xori %not3A_271, %eq3A_277 : vector<512x128xi1>
    %eq3A_279 = arith.constant dense<true> : vector<512x128xi1>
    %eq3A_280 = arith.xori %eq3A_278, %eq3A_279 : vector<512x128xi1>
    %eq3A_281 = arith.xori %or3A_269, %eq3A_280 : vector<512x128xi1>
    %eq3A_282 = arith.constant dense<true> : vector<512x128xi1>
    %eq3A_283 = arith.xori %eq3A_281, %eq3A_282 : vector<512x128xi1>
    %select_n3A_284 = arith.select %eq3A_283, %select_n3A_247, %reshape3A_259 : vector<512x128xi1>, vector<512x128xi32>
    %select_n3A_285 = arith.select %eq3A_283, %select_n3A_248, %reshape3A_264 : vector<512x128xi1>, vector<512x128xi32>
    %and3A_286 = arith.constant 4 : i32
    %and3A_287 = vector.broadcast %and3A_286 : i32 to vector<512x128xi32>
    %and3A_288 = arith.andi %add3A, %and3A_287 : vector<512x128xi32>
    %ne3A_289 = arith.constant 0 : i32
    %ne3A_290 = vector.broadcast %ne3A_289 : i32 to vector<512x128xi32>
    %ne3A_291 = arith.cmpi ne, %and3A_288, %ne3A_290 : vector<512x128xi32>
    %reshape3A_292 = vector.shape_cast %select_n3A_284 : vector<512x128xi32> to vector<64x2x4x128xi32>
    %slice3A_293 = vector.extract_strided_slice %reshape3A_292 {offsets = [0, 1, 0, 0], sizes = [64, 1, 4, 128], strides = [1, 1, 1, 1]} : vector<64x2x4x128xi32> to vector<64x1x4x128xi32>
    %slice3A_294 = vector.extract_strided_slice %reshape3A_292 {offsets = [0, 0, 0, 0], sizes = [64, 1, 4, 128], strides = [1, 1, 1, 1]} : vector<64x2x4x128xi32> to vector<64x1x4x128xi32>
    %concatenate3A_295 = tpu.concatenate %slice3A_293, %slice3A_294 in 1 : vector<64x1x4x128xi32>, vector<64x1x4x128xi32> -> vector<64x2x4x128xi32>
    %reshape3A_296 = vector.shape_cast %concatenate3A_295 : vector<64x2x4x128xi32> to vector<512x128xi32>
    %reshape3A_297 = vector.shape_cast %select_n3A_285 : vector<512x128xi32> to vector<64x2x4x128xi32>
    %slice3A_298 = vector.extract_strided_slice %reshape3A_297 {offsets = [0, 1, 0, 0], sizes = [64, 1, 4, 128], strides = [1, 1, 1, 1]} : vector<64x2x4x128xi32> to vector<64x1x4x128xi32>
    %slice3A_299 = vector.extract_strided_slice %reshape3A_297 {offsets = [0, 0, 0, 0], sizes = [64, 1, 4, 128], strides = [1, 1, 1, 1]} : vector<64x2x4x128xi32> to vector<64x1x4x128xi32>
    %concatenate3A_300 = tpu.concatenate %slice3A_298, %slice3A_299 in 1 : vector<64x1x4x128xi32>, vector<64x1x4x128xi32> -> vector<64x2x4x128xi32>
    %reshape3A_301 = vector.shape_cast %concatenate3A_300 : vector<64x2x4x128xi32> to vector<512x128xi32>
    %gt3A_302 = arith.cmpi sgt, %select_n3A_284, %reshape3A_296 : vector<512x128xi32>
    %eq3A_303 = arith.cmpi eq, %select_n3A_284, %reshape3A_296 : vector<512x128xi32>
    %lt3A_304 = arith.cmpi slt, %select_n3A_285, %reshape3A_301 : vector<512x128xi32>
    %and3A_305 = arith.andi %eq3A_303, %lt3A_304 : vector<512x128xi1>
    %or3A_306 = arith.ori %gt3A_302, %and3A_305 : vector<512x128xi1>
    %not3A_307 = arith.constant dense<true> : vector<512x128xi1>
    %not3A_308 = arith.xori %ne3A_291, %not3A_307 : vector<512x128xi1>
    %and3A_309 = arith.constant 16 : i32
    %and3A_310 = vector.broadcast %and3A_309 : i32 to vector<512x128xi32>
    %and3A_311 = arith.andi %add3A, %and3A_310 : vector<512x128xi32>
    %eq3A_312 = arith.constant 0 : i32
    %eq3A_313 = vector.broadcast %eq3A_312 : i32 to vector<512x128xi32>
    %eq3A_314 = arith.cmpi eq, %and3A_311, %eq3A_313 : vector<512x128xi32>
    %eq3A_315 = arith.xori %not3A_308, %eq3A_314 : vector<512x128xi1>
    %eq3A_316 = arith.constant dense<true> : vector<512x128xi1>
    %eq3A_317 = arith.xori %eq3A_315, %eq3A_316 : vector<512x128xi1>
    %eq3A_318 = arith.xori %or3A_306, %eq3A_317 : vector<512x128xi1>
    %eq3A_319 = arith.constant dense<true> : vector<512x128xi1>
    %eq3A_320 = arith.xori %eq3A_318, %eq3A_319 : vector<512x128xi1>
    %select_n3A_321 = arith.select %eq3A_320, %select_n3A_284, %reshape3A_296 : vector<512x128xi1>, vector<512x128xi32>
    %select_n3A_322 = arith.select %eq3A_320, %select_n3A_285, %reshape3A_301 : vector<512x128xi1>, vector<512x128xi32>
    %and3A_323 = arith.constant 2 : i32
    %and3A_324 = vector.broadcast %and3A_323 : i32 to vector<512x128xi32>
    %and3A_325 = arith.andi %add3A, %and3A_324 : vector<512x128xi32>
    %ne3A_326 = arith.constant 0 : i32
    %ne3A_327 = vector.broadcast %ne3A_326 : i32 to vector<512x128xi32>
    %ne3A_328 = arith.cmpi ne, %and3A_325, %ne3A_327 : vector<512x128xi32>
    %reshape3A_329 = vector.shape_cast %select_n3A_321 : vector<512x128xi32> to vector<128x2x2x128xi32>
    %slice3A_330 = vector.extract_strided_slice %reshape3A_329 {offsets = [0, 1, 0, 0], sizes = [128, 1, 2, 128], strides = [1, 1, 1, 1]} : vector<128x2x2x128xi32> to vector<128x1x2x128xi32>
    %slice3A_331 = vector.extract_strided_slice %reshape3A_329 {offsets = [0, 0, 0, 0], sizes = [128, 1, 2, 128], strides = [1, 1, 1, 1]} : vector<128x2x2x128xi32> to vector<128x1x2x128xi32>
    %concatenate3A_332 = tpu.concatenate %slice3A_330, %slice3A_331 in 1 : vector<128x1x2x128xi32>, vector<128x1x2x128xi32> -> vector<128x2x2x128xi32>
    %reshape3A_333 = vector.shape_cast %concatenate3A_332 : vector<128x2x2x128xi32> to vector<512x128xi32>
    %reshape3A_334 = vector.shape_cast %select_n3A_322 : vector<512x128xi32> to vector<128x2x2x128xi32>
    %slice3A_335 = vector.extract_strided_slice %reshape3A_334 {offsets = [0, 1, 0, 0], sizes = [128, 1, 2, 128], strides = [1, 1, 1, 1]} : vector<128x2x2x128xi32> to vector<128x1x2x128xi32>
    %slice3A_336 = vector.extract_strided_slice %reshape3A_334 {offsets = [0, 0, 0, 0], sizes = [128, 1, 2, 128], strides = [1, 1, 1, 1]} : vector<128x2x2x128xi32> to vector<128x1x2x128xi32>
    %concatenate3A_337 = tpu.concatenate %slice3A_335, %slice3A_336 in 1 : vector<128x1x2x128xi32>, vector<128x1x2x128xi32> -> vector<128x2x2x128xi32>
    %reshape3A_338 = vector.shape_cast %concatenate3A_337 : vector<128x2x2x128xi32> to vector<512x128xi32>
    %gt3A_339 = arith.cmpi sgt, %select_n3A_321, %reshape3A_333 : vector<512x128xi32>
    %eq3A_340 = arith.cmpi eq, %select_n3A_321, %reshape3A_333 : vector<512x128xi32>
    %lt3A_341 = arith.cmpi slt, %select_n3A_322, %reshape3A_338 : vector<512x128xi32>
    %and3A_342 = arith.andi %eq3A_340, %lt3A_341 : vector<512x128xi1>
    %or3A_343 = arith.ori %gt3A_339, %and3A_342 : vector<512x128xi1>
    %not3A_344 = arith.constant dense<true> : vector<512x128xi1>
    %not3A_345 = arith.xori %ne3A_328, %not3A_344 : vector<512x128xi1>
    %and3A_346 = arith.constant 16 : i32
    %and3A_347 = vector.broadcast %and3A_346 : i32 to vector<512x128xi32>
    %and3A_348 = arith.andi %add3A, %and3A_347 : vector<512x128xi32>
    %eq3A_349 = arith.constant 0 : i32
    %eq3A_350 = vector.broadcast %eq3A_349 : i32 to vector<512x128xi32>
    %eq3A_351 = arith.cmpi eq, %and3A_348, %eq3A_350 : vector<512x128xi32>
    %eq3A_352 = arith.xori %not3A_345, %eq3A_351 : vector<512x128xi1>
    %eq3A_353 = arith.constant dense<true> : vector<512x128xi1>
    %eq3A_354 = arith.xori %eq3A_352, %eq3A_353 : vector<512x128xi1>
    %eq3A_355 = arith.xori %or3A_343, %eq3A_354 : vector<512x128xi1>
    %eq3A_356 = arith.constant dense<true> : vector<512x128xi1>
    %eq3A_357 = arith.xori %eq3A_355, %eq3A_356 : vector<512x128xi1>
    %select_n3A_358 = arith.select %eq3A_357, %select_n3A_321, %reshape3A_333 : vector<512x128xi1>, vector<512x128xi32>
    %select_n3A_359 = arith.select %eq3A_357, %select_n3A_322, %reshape3A_338 : vector<512x128xi1>, vector<512x128xi32>
    %and3A_360 = arith.constant 1 : i32
    %and3A_361 = vector.broadcast %and3A_360 : i32 to vector<512x128xi32>
    %and3A_362 = arith.andi %add3A, %and3A_361 : vector<512x128xi32>
    %ne3A_363 = arith.constant 0 : i32
    %ne3A_364 = vector.broadcast %ne3A_363 : i32 to vector<512x128xi32>
    %ne3A_365 = arith.cmpi ne, %and3A_362, %ne3A_364 : vector<512x128xi32>
    %reshape3A_366 = vector.shape_cast %select_n3A_358 : vector<512x128xi32> to vector<256x2x1x128xi32>
    %slice3A_367 = vector.extract_strided_slice %reshape3A_366 {offsets = [0, 1, 0, 0], sizes = [256, 1, 1, 128], strides = [1, 1, 1, 1]} : vector<256x2x1x128xi32> to vector<256x1x1x128xi32>
    %slice3A_368 = vector.extract_strided_slice %reshape3A_366 {offsets = [0, 0, 0, 0], sizes = [256, 1, 1, 128], strides = [1, 1, 1, 1]} : vector<256x2x1x128xi32> to vector<256x1x1x128xi32>
    %concatenate3A_369 = tpu.concatenate %slice3A_367, %slice3A_368 in 1 : vector<256x1x1x128xi32>, vector<256x1x1x128xi32> -> vector<256x2x1x128xi32>
    %reshape3A_370 = vector.shape_cast %concatenate3A_369 : vector<256x2x1x128xi32> to vector<512x128xi32>
    %reshape3A_371 = vector.shape_cast %select_n3A_359 : vector<512x128xi32> to vector<256x2x1x128xi32>
    %slice3A_372 = vector.extract_strided_slice %reshape3A_371 {offsets = [0, 1, 0, 0], sizes = [256, 1, 1, 128], strides = [1, 1, 1, 1]} : vector<256x2x1x128xi32> to vector<256x1x1x128xi32>
    %slice3A_373 = vector.extract_strided_slice %reshape3A_371 {offsets = [0, 0, 0, 0], sizes = [256, 1, 1, 128], strides = [1, 1, 1, 1]} : vector<256x2x1x128xi32> to vector<256x1x1x128xi32>
    %concatenate3A_374 = tpu.concatenate %slice3A_372, %slice3A_373 in 1 : vector<256x1x1x128xi32>, vector<256x1x1x128xi32> -> vector<256x2x1x128xi32>
    %reshape3A_375 = vector.shape_cast %concatenate3A_374 : vector<256x2x1x128xi32> to vector<512x128xi32>
    %gt3A_376 = arith.cmpi sgt, %select_n3A_358, %reshape3A_370 : vector<512x128xi32>
    %eq3A_377 = arith.cmpi eq, %select_n3A_358, %reshape3A_370 : vector<512x128xi32>
    %lt3A_378 = arith.cmpi slt, %select_n3A_359, %reshape3A_375 : vector<512x128xi32>
    %and3A_379 = arith.andi %eq3A_377, %lt3A_378 : vector<512x128xi1>
    %or3A_380 = arith.ori %gt3A_376, %and3A_379 : vector<512x128xi1>
    %not3A_381 = arith.constant dense<true> : vector<512x128xi1>
    %not3A_382 = arith.xori %ne3A_365, %not3A_381 : vector<512x128xi1>
    %and3A_383 = arith.constant 16 : i32
    %and3A_384 = vector.broadcast %and3A_383 : i32 to vector<512x128xi32>
    %and3A_385 = arith.andi %add3A, %and3A_384 : vector<512x128xi32>
    %eq3A_386 = arith.constant 0 : i32
    %eq3A_387 = vector.broadcast %eq3A_386 : i32 to vector<512x128xi32>
    %eq3A_388 = arith.cmpi eq, %and3A_385, %eq3A_387 : vector<512x128xi32>
    %eq3A_389 = arith.xori %not3A_382, %eq3A_388 : vector<512x128xi1>
    %eq3A_390 = arith.constant dense<true> : vector<512x128xi1>
    %eq3A_391 = arith.xori %eq3A_389, %eq3A_390 : vector<512x128xi1>
    %eq3A_392 = arith.xori %or3A_380, %eq3A_391 : vector<512x128xi1>
    %eq3A_393 = arith.constant dense<true> : vector<512x128xi1>
    %eq3A_394 = arith.xori %eq3A_392, %eq3A_393 : vector<512x128xi1>
    %select_n3A_395 = arith.select %eq3A_394, %select_n3A_358, %reshape3A_370 : vector<512x128xi1>, vector<512x128xi32>
    %select_n3A_396 = arith.select %eq3A_394, %select_n3A_359, %reshape3A_375 : vector<512x128xi1>, vector<512x128xi32>
    %and3A_397 = arith.constant 16 : i32
    %and3A_398 = vector.broadcast %and3A_397 : i32 to vector<512x128xi32>
    %and3A_399 = arith.andi %add3A, %and3A_398 : vector<512x128xi32>
    %ne3A_400 = arith.constant 0 : i32
    %ne3A_401 = vector.broadcast %ne3A_400 : i32 to vector<512x128xi32>
    %ne3A_402 = arith.cmpi ne, %and3A_399, %ne3A_401 : vector<512x128xi32>
    %reshape3A_403 = vector.shape_cast %select_n3A_395 : vector<512x128xi32> to vector<16x2x16x128xi32>
    %slice3A_404 = vector.extract_strided_slice %reshape3A_403 {offsets = [0, 1, 0, 0], sizes = [16, 1, 16, 128], strides = [1, 1, 1, 1]} : vector<16x2x16x128xi32> to vector<16x1x16x128xi32>
    %slice3A_405 = vector.extract_strided_slice %reshape3A_403 {offsets = [0, 0, 0, 0], sizes = [16, 1, 16, 128], strides = [1, 1, 1, 1]} : vector<16x2x16x128xi32> to vector<16x1x16x128xi32>
    %concatenate3A_406 = tpu.concatenate %slice3A_404, %slice3A_405 in 1 : vector<16x1x16x128xi32>, vector<16x1x16x128xi32> -> vector<16x2x16x128xi32>
    %reshape3A_407 = vector.shape_cast %concatenate3A_406 : vector<16x2x16x128xi32> to vector<512x128xi32>
    %reshape3A_408 = vector.shape_cast %select_n3A_396 : vector<512x128xi32> to vector<16x2x16x128xi32>
    %slice3A_409 = vector.extract_strided_slice %reshape3A_408 {offsets = [0, 1, 0, 0], sizes = [16, 1, 16, 128], strides = [1, 1, 1, 1]} : vector<16x2x16x128xi32> to vector<16x1x16x128xi32>
    %slice3A_410 = vector.extract_strided_slice %reshape3A_408 {offsets = [0, 0, 0, 0], sizes = [16, 1, 16, 128], strides = [1, 1, 1, 1]} : vector<16x2x16x128xi32> to vector<16x1x16x128xi32>
    %concatenate3A_411 = tpu.concatenate %slice3A_409, %slice3A_410 in 1 : vector<16x1x16x128xi32>, vector<16x1x16x128xi32> -> vector<16x2x16x128xi32>
    %reshape3A_412 = vector.shape_cast %concatenate3A_411 : vector<16x2x16x128xi32> to vector<512x128xi32>
    %gt3A_413 = arith.cmpi sgt, %select_n3A_395, %reshape3A_407 : vector<512x128xi32>
    %eq3A_414 = arith.cmpi eq, %select_n3A_395, %reshape3A_407 : vector<512x128xi32>
    %lt3A_415 = arith.cmpi slt, %select_n3A_396, %reshape3A_412 : vector<512x128xi32>
    %and3A_416 = arith.andi %eq3A_414, %lt3A_415 : vector<512x128xi1>
    %or3A_417 = arith.ori %gt3A_413, %and3A_416 : vector<512x128xi1>
    %not3A_418 = arith.constant dense<true> : vector<512x128xi1>
    %not3A_419 = arith.xori %ne3A_402, %not3A_418 : vector<512x128xi1>
    %and3A_420 = arith.constant 32 : i32
    %and3A_421 = vector.broadcast %and3A_420 : i32 to vector<512x128xi32>
    %and3A_422 = arith.andi %add3A, %and3A_421 : vector<512x128xi32>
    %eq3A_423 = arith.constant 0 : i32
    %eq3A_424 = vector.broadcast %eq3A_423 : i32 to vector<512x128xi32>
    %eq3A_425 = arith.cmpi eq, %and3A_422, %eq3A_424 : vector<512x128xi32>
    %eq3A_426 = arith.xori %not3A_419, %eq3A_425 : vector<512x128xi1>
    %eq3A_427 = arith.constant dense<true> : vector<512x128xi1>
    %eq3A_428 = arith.xori %eq3A_426, %eq3A_427 : vector<512x128xi1>
    %eq3A_429 = arith.xori %or3A_417, %eq3A_428 : vector<512x128xi1>
    %eq3A_430 = arith.constant dense<true> : vector<512x128xi1>
    %eq3A_431 = arith.xori %eq3A_429, %eq3A_430 : vector<512x128xi1>
    %select_n3A_432 = arith.select %eq3A_431, %select_n3A_395, %reshape3A_407 : vector<512x128xi1>, vector<512x128xi32>
    %select_n3A_433 = arith.select %eq3A_431, %select_n3A_396, %reshape3A_412 : vector<512x128xi1>, vector<512x128xi32>
    %and3A_434 = arith.constant 8 : i32
    %and3A_435 = vector.broadcast %and3A_434 : i32 to vector<512x128xi32>
    %and3A_436 = arith.andi %add3A, %and3A_435 : vector<512x128xi32>
    %ne3A_437 = arith.constant 0 : i32
    %ne3A_438 = vector.broadcast %ne3A_437 : i32 to vector<512x128xi32>
    %ne3A_439 = arith.cmpi ne, %and3A_436, %ne3A_438 : vector<512x128xi32>
    %reshape3A_440 = vector.shape_cast %select_n3A_432 : vector<512x128xi32> to vector<32x2x8x128xi32>
    %slice3A_441 = vector.extract_strided_slice %reshape3A_440 {offsets = [0, 1, 0, 0], sizes = [32, 1, 8, 128], strides = [1, 1, 1, 1]} : vector<32x2x8x128xi32> to vector<32x1x8x128xi32>
    %slice3A_442 = vector.extract_strided_slice %reshape3A_440 {offsets = [0, 0, 0, 0], sizes = [32, 1, 8, 128], strides = [1, 1, 1, 1]} : vector<32x2x8x128xi32> to vector<32x1x8x128xi32>
    %concatenate3A_443 = tpu.concatenate %slice3A_441, %slice3A_442 in 1 : vector<32x1x8x128xi32>, vector<32x1x8x128xi32> -> vector<32x2x8x128xi32>
    %reshape3A_444 = vector.shape_cast %concatenate3A_443 : vector<32x2x8x128xi32> to vector<512x128xi32>
    %reshape3A_445 = vector.shape_cast %select_n3A_433 : vector<512x128xi32> to vector<32x2x8x128xi32>
    %slice3A_446 = vector.extract_strided_slice %reshape3A_445 {offsets = [0, 1, 0, 0], sizes = [32, 1, 8, 128], strides = [1, 1, 1, 1]} : vector<32x2x8x128xi32> to vector<32x1x8x128xi32>
    %slice3A_447 = vector.extract_strided_slice %reshape3A_445 {offsets = [0, 0, 0, 0], sizes = [32, 1, 8, 128], strides = [1, 1, 1, 1]} : vector<32x2x8x128xi32> to vector<32x1x8x128xi32>
    %concatenate3A_448 = tpu.concatenate %slice3A_446, %slice3A_447 in 1 : vector<32x1x8x128xi32>, vector<32x1x8x128xi32> -> vector<32x2x8x128xi32>
    %reshape3A_449 = vector.shape_cast %concatenate3A_448 : vector<32x2x8x128xi32> to vector<512x128xi32>
    %gt3A_450 = arith.cmpi sgt, %select_n3A_432, %reshape3A_444 : vector<512x128xi32>
    %eq3A_451 = arith.cmpi eq, %select_n3A_432, %reshape3A_444 : vector<512x128xi32>
    %lt3A_452 = arith.cmpi slt, %select_n3A_433, %reshape3A_449 : vector<512x128xi32>
    %and3A_453 = arith.andi %eq3A_451, %lt3A_452 : vector<512x128xi1>
    %or3A_454 = arith.ori %gt3A_450, %and3A_453 : vector<512x128xi1>
    %not3A_455 = arith.constant dense<true> : vector<512x128xi1>
    %not3A_456 = arith.xori %ne3A_439, %not3A_455 : vector<512x128xi1>
    %and3A_457 = arith.constant 32 : i32
    %and3A_458 = vector.broadcast %and3A_457 : i32 to vector<512x128xi32>
    %and3A_459 = arith.andi %add3A, %and3A_458 : vector<512x128xi32>
    %eq3A_460 = arith.constant 0 : i32
    %eq3A_461 = vector.broadcast %eq3A_460 : i32 to vector<512x128xi32>
    %eq3A_462 = arith.cmpi eq, %and3A_459, %eq3A_461 : vector<512x128xi32>
    %eq3A_463 = arith.xori %not3A_456, %eq3A_462 : vector<512x128xi1>
    %eq3A_464 = arith.constant dense<true> : vector<512x128xi1>
    %eq3A_465 = arith.xori %eq3A_463, %eq3A_464 : vector<512x128xi1>
    %eq3A_466 = arith.xori %or3A_454, %eq3A_465 : vector<512x128xi1>
    %eq3A_467 = arith.constant dense<true> : vector<512x128xi1>
    %eq3A_468 = arith.xori %eq3A_466, %eq3A_467 : vector<512x128xi1>
    %select_n3A_469 = arith.select %eq3A_468, %select_n3A_432, %reshape3A_444 : vector<512x128xi1>, vector<512x128xi32>
    %select_n3A_470 = arith.select %eq3A_468, %select_n3A_433, %reshape3A_449 : vector<512x128xi1>, vector<512x128xi32>
    %and3A_471 = arith.constant 4 : i32
    %and3A_472 = vector.broadcast %and3A_471 : i32 to vector<512x128xi32>
    %and3A_473 = arith.andi %add3A, %and3A_472 : vector<512x128xi32>
    %ne3A_474 = arith.constant 0 : i32
    %ne3A_475 = vector.broadcast %ne3A_474 : i32 to vector<512x128xi32>
    %ne3A_476 = arith.cmpi ne, %and3A_473, %ne3A_475 : vector<512x128xi32>
    %reshape3A_477 = vector.shape_cast %select_n3A_469 : vector<512x128xi32> to vector<64x2x4x128xi32>
    %slice3A_478 = vector.extract_strided_slice %reshape3A_477 {offsets = [0, 1, 0, 0], sizes = [64, 1, 4, 128], strides = [1, 1, 1, 1]} : vector<64x2x4x128xi32> to vector<64x1x4x128xi32>
    %slice3A_479 = vector.extract_strided_slice %reshape3A_477 {offsets = [0, 0, 0, 0], sizes = [64, 1, 4, 128], strides = [1, 1, 1, 1]} : vector<64x2x4x128xi32> to vector<64x1x4x128xi32>
    %concatenate3A_480 = tpu.concatenate %slice3A_478, %slice3A_479 in 1 : vector<64x1x4x128xi32>, vector<64x1x4x128xi32> -> vector<64x2x4x128xi32>
    %reshape3A_481 = vector.shape_cast %concatenate3A_480 : vector<64x2x4x128xi32> to vector<512x128xi32>
    %reshape3A_482 = vector.shape_cast %select_n3A_470 : vector<512x128xi32> to vector<64x2x4x128xi32>
    %slice3A_483 = vector.extract_strided_slice %reshape3A_482 {offsets = [0, 1, 0, 0], sizes = [64, 1, 4, 128], strides = [1, 1, 1, 1]} : vector<64x2x4x128xi32> to vector<64x1x4x128xi32>
    %slice3A_484 = vector.extract_strided_slice %reshape3A_482 {offsets = [0, 0, 0, 0], sizes = [64, 1, 4, 128], strides = [1, 1, 1, 1]} : vector<64x2x4x128xi32> to vector<64x1x4x128xi32>
    %concatenate3A_485 = tpu.concatenate %slice3A_483, %slice3A_484 in 1 : vector<64x1x4x128xi32>, vector<64x1x4x128xi32> -> vector<64x2x4x128xi32>
    %reshape3A_486 = vector.shape_cast %concatenate3A_485 : vector<64x2x4x128xi32> to vector<512x128xi32>
    %gt3A_487 = arith.cmpi sgt, %select_n3A_469, %reshape3A_481 : vector<512x128xi32>
    %eq3A_488 = arith.cmpi eq, %select_n3A_469, %reshape3A_481 : vector<512x128xi32>
    %lt3A_489 = arith.cmpi slt, %select_n3A_470, %reshape3A_486 : vector<512x128xi32>
    %and3A_490 = arith.andi %eq3A_488, %lt3A_489 : vector<512x128xi1>
    %or3A_491 = arith.ori %gt3A_487, %and3A_490 : vector<512x128xi1>
    %not3A_492 = arith.constant dense<true> : vector<512x128xi1>
    %not3A_493 = arith.xori %ne3A_476, %not3A_492 : vector<512x128xi1>
    %and3A_494 = arith.constant 32 : i32
    %and3A_495 = vector.broadcast %and3A_494 : i32 to vector<512x128xi32>
    %and3A_496 = arith.andi %add3A, %and3A_495 : vector<512x128xi32>
    %eq3A_497 = arith.constant 0 : i32
    %eq3A_498 = vector.broadcast %eq3A_497 : i32 to vector<512x128xi32>
    %eq3A_499 = arith.cmpi eq, %and3A_496, %eq3A_498 : vector<512x128xi32>
    %eq3A_500 = arith.xori %not3A_493, %eq3A_499 : vector<512x128xi1>
    %eq3A_501 = arith.constant dense<true> : vector<512x128xi1>
    %eq3A_502 = arith.xori %eq3A_500, %eq3A_501 : vector<512x128xi1>
    %eq3A_503 = arith.xori %or3A_491, %eq3A_502 : vector<512x128xi1>
    %eq3A_504 = arith.constant dense<true> : vector<512x128xi1>
    %eq3A_505 = arith.xori %eq3A_503, %eq3A_504 : vector<512x128xi1>
    %select_n3A_506 = arith.select %eq3A_505, %select_n3A_469, %reshape3A_481 : vector<512x128xi1>, vector<512x128xi32>
    %select_n3A_507 = arith.select %eq3A_505, %select_n3A_470, %reshape3A_486 : vector<512x128xi1>, vector<512x128xi32>
    %and3A_508 = arith.constant 2 : i32
    %and3A_509 = vector.broadcast %and3A_508 : i32 to vector<512x128xi32>
    %and3A_510 = arith.andi %add3A, %and3A_509 : vector<512x128xi32>
    %ne3A_511 = arith.constant 0 : i32
    %ne3A_512 = vector.broadcast %ne3A_511 : i32 to vector<512x128xi32>
    %ne3A_513 = arith.cmpi ne, %and3A_510, %ne3A_512 : vector<512x128xi32>
    %reshape3A_514 = vector.shape_cast %select_n3A_506 : vector<512x128xi32> to vector<128x2x2x128xi32>
    %slice3A_515 = vector.extract_strided_slice %reshape3A_514 {offsets = [0, 1, 0, 0], sizes = [128, 1, 2, 128], strides = [1, 1, 1, 1]} : vector<128x2x2x128xi32> to vector<128x1x2x128xi32>
    %slice3A_516 = vector.extract_strided_slice %reshape3A_514 {offsets = [0, 0, 0, 0], sizes = [128, 1, 2, 128], strides = [1, 1, 1, 1]} : vector<128x2x2x128xi32> to vector<128x1x2x128xi32>
    %concatenate3A_517 = tpu.concatenate %slice3A_515, %slice3A_516 in 1 : vector<128x1x2x128xi32>, vector<128x1x2x128xi32> -> vector<128x2x2x128xi32>
    %reshape3A_518 = vector.shape_cast %concatenate3A_517 : vector<128x2x2x128xi32> to vector<512x128xi32>
    %reshape3A_519 = vector.shape_cast %select_n3A_507 : vector<512x128xi32> to vector<128x2x2x128xi32>
    %slice3A_520 = vector.extract_strided_slice %reshape3A_519 {offsets = [0, 1, 0, 0], sizes = [128, 1, 2, 128], strides = [1, 1, 1, 1]} : vector<128x2x2x128xi32> to vector<128x1x2x128xi32>
    %slice3A_521 = vector.extract_strided_slice %reshape3A_519 {offsets = [0, 0, 0, 0], sizes = [128, 1, 2, 128], strides = [1, 1, 1, 1]} : vector<128x2x2x128xi32> to vector<128x1x2x128xi32>
    %concatenate3A_522 = tpu.concatenate %slice3A_520, %slice3A_521 in 1 : vector<128x1x2x128xi32>, vector<128x1x2x128xi32> -> vector<128x2x2x128xi32>
    %reshape3A_523 = vector.shape_cast %concatenate3A_522 : vector<128x2x2x128xi32> to vector<512x128xi32>
    %gt3A_524 = arith.cmpi sgt, %select_n3A_506, %reshape3A_518 : vector<512x128xi32>
    %eq3A_525 = arith.cmpi eq, %select_n3A_506, %reshape3A_518 : vector<512x128xi32>
    %lt3A_526 = arith.cmpi slt, %select_n3A_507, %reshape3A_523 : vector<512x128xi32>
    %and3A_527 = arith.andi %eq3A_525, %lt3A_526 : vector<512x128xi1>
    %or3A_528 = arith.ori %gt3A_524, %and3A_527 : vector<512x128xi1>
    %not3A_529 = arith.constant dense<true> : vector<512x128xi1>
    %not3A_530 = arith.xori %ne3A_513, %not3A_529 : vector<512x128xi1>
    %and3A_531 = arith.constant 32 : i32
    %and3A_532 = vector.broadcast %and3A_531 : i32 to vector<512x128xi32>
    %and3A_533 = arith.andi %add3A, %and3A_532 : vector<512x128xi32>
    %eq3A_534 = arith.constant 0 : i32
    %eq3A_535 = vector.broadcast %eq3A_534 : i32 to vector<512x128xi32>
    %eq3A_536 = arith.cmpi eq, %and3A_533, %eq3A_535 : vector<512x128xi32>
    %eq3A_537 = arith.xori %not3A_530, %eq3A_536 : vector<512x128xi1>
    %eq3A_538 = arith.constant dense<true> : vector<512x128xi1>
    %eq3A_539 = arith.xori %eq3A_537, %eq3A_538 : vector<512x128xi1>
    %eq3A_540 = arith.xori %or3A_528, %eq3A_539 : vector<512x128xi1>
    %eq3A_541 = arith.constant dense<true> : vector<512x128xi1>
    %eq3A_542 = arith.xori %eq3A_540, %eq3A_541 : vector<512x128xi1>
    %select_n3A_543 = arith.select %eq3A_542, %select_n3A_506, %reshape3A_518 : vector<512x128xi1>, vector<512x128xi32>
    %select_n3A_544 = arith.select %eq3A_542, %select_n3A_507, %reshape3A_523 : vector<512x128xi1>, vector<512x128xi32>
    %and3A_545 = arith.constant 1 : i32
    %and3A_546 = vector.broadcast %and3A_545 : i32 to vector<512x128xi32>
    %and3A_547 = arith.andi %add3A, %and3A_546 : vector<512x128xi32>
    %ne3A_548 = arith.constant 0 : i32
    %ne3A_549 = vector.broadcast %ne3A_548 : i32 to vector<512x128xi32>
    %ne3A_550 = arith.cmpi ne, %and3A_547, %ne3A_549 : vector<512x128xi32>
    %reshape3A_551 = vector.shape_cast %select_n3A_543 : vector<512x128xi32> to vector<256x2x1x128xi32>
    %slice3A_552 = vector.extract_strided_slice %reshape3A_551 {offsets = [0, 1, 0, 0], sizes = [256, 1, 1, 128], strides = [1, 1, 1, 1]} : vector<256x2x1x128xi32> to vector<256x1x1x128xi32>
    %slice3A_553 = vector.extract_strided_slice %reshape3A_551 {offsets = [0, 0, 0, 0], sizes = [256, 1, 1, 128], strides = [1, 1, 1, 1]} : vector<256x2x1x128xi32> to vector<256x1x1x128xi32>
    %concatenate3A_554 = tpu.concatenate %slice3A_552, %slice3A_553 in 1 : vector<256x1x1x128xi32>, vector<256x1x1x128xi32> -> vector<256x2x1x128xi32>
    %reshape3A_555 = vector.shape_cast %concatenate3A_554 : vector<256x2x1x128xi32> to vector<512x128xi32>
    %reshape3A_556 = vector.shape_cast %select_n3A_544 : vector<512x128xi32> to vector<256x2x1x128xi32>
    %slice3A_557 = vector.extract_strided_slice %reshape3A_556 {offsets = [0, 1, 0, 0], sizes = [256, 1, 1, 128], strides = [1, 1, 1, 1]} : vector<256x2x1x128xi32> to vector<256x1x1x128xi32>
    %slice3A_558 = vector.extract_strided_slice %reshape3A_556 {offsets = [0, 0, 0, 0], sizes = [256, 1, 1, 128], strides = [1, 1, 1, 1]} : vector<256x2x1x128xi32> to vector<256x1x1x128xi32>
    %concatenate3A_559 = tpu.concatenate %slice3A_557, %slice3A_558 in 1 : vector<256x1x1x128xi32>, vector<256x1x1x128xi32> -> vector<256x2x1x128xi32>
    %reshape3A_560 = vector.shape_cast %concatenate3A_559 : vector<256x2x1x128xi32> to vector<512x128xi32>
    %gt3A_561 = arith.cmpi sgt, %select_n3A_543, %reshape3A_555 : vector<512x128xi32>
    %eq3A_562 = arith.cmpi eq, %select_n3A_543, %reshape3A_555 : vector<512x128xi32>
    %lt3A_563 = arith.cmpi slt, %select_n3A_544, %reshape3A_560 : vector<512x128xi32>
    %and3A_564 = arith.andi %eq3A_562, %lt3A_563 : vector<512x128xi1>
    %or3A_565 = arith.ori %gt3A_561, %and3A_564 : vector<512x128xi1>
    %not3A_566 = arith.constant dense<true> : vector<512x128xi1>
    %not3A_567 = arith.xori %ne3A_550, %not3A_566 : vector<512x128xi1>
    %and3A_568 = arith.constant 32 : i32
    %and3A_569 = vector.broadcast %and3A_568 : i32 to vector<512x128xi32>
    %and3A_570 = arith.andi %add3A, %and3A_569 : vector<512x128xi32>
    %eq3A_571 = arith.constant 0 : i32
    %eq3A_572 = vector.broadcast %eq3A_571 : i32 to vector<512x128xi32>
    %eq3A_573 = arith.cmpi eq, %and3A_570, %eq3A_572 : vector<512x128xi32>
    %eq3A_574 = arith.xori %not3A_567, %eq3A_573 : vector<512x128xi1>
    %eq3A_575 = arith.constant dense<true> : vector<512x128xi1>
    %eq3A_576 = arith.xori %eq3A_574, %eq3A_575 : vector<512x128xi1>
    %eq3A_577 = arith.xori %or3A_565, %eq3A_576 : vector<512x128xi1>
    %eq3A_578 = arith.constant dense<true> : vector<512x128xi1>
    %eq3A_579 = arith.xori %eq3A_577, %eq3A_578 : vector<512x128xi1>
    %select_n3A_580 = arith.select %eq3A_579, %select_n3A_543, %reshape3A_555 : vector<512x128xi1>, vector<512x128xi32>
    %select_n3A_581 = arith.select %eq3A_579, %select_n3A_544, %reshape3A_560 : vector<512x128xi1>, vector<512x128xi32>
    %and3A_582 = arith.constant 32 : i32
    %and3A_583 = vector.broadcast %and3A_582 : i32 to vector<512x128xi32>
    %and3A_584 = arith.andi %add3A, %and3A_583 : vector<512x128xi32>
    %ne3A_585 = arith.constant 0 : i32
    %ne3A_586 = vector.broadcast %ne3A_585 : i32 to vector<512x128xi32>
    %ne3A_587 = arith.cmpi ne, %and3A_584, %ne3A_586 : vector<512x128xi32>
    %reshape3A_588 = vector.shape_cast %select_n3A_580 : vector<512x128xi32> to vector<8x2x32x128xi32>
    %slice3A_589 = vector.extract_strided_slice %reshape3A_588 {offsets = [0, 1, 0, 0], sizes = [8, 1, 32, 128], strides = [1, 1, 1, 1]} : vector<8x2x32x128xi32> to vector<8x1x32x128xi32>
    %slice3A_590 = vector.extract_strided_slice %reshape3A_588 {offsets = [0, 0, 0, 0], sizes = [8, 1, 32, 128], strides = [1, 1, 1, 1]} : vector<8x2x32x128xi32> to vector<8x1x32x128xi32>
    %concatenate3A_591 = tpu.concatenate %slice3A_589, %slice3A_590 in 1 : vector<8x1x32x128xi32>, vector<8x1x32x128xi32> -> vector<8x2x32x128xi32>
    %reshape3A_592 = vector.shape_cast %concatenate3A_591 : vector<8x2x32x128xi32> to vector<512x128xi32>
    %reshape3A_593 = vector.shape_cast %select_n3A_581 : vector<512x128xi32> to vector<8x2x32x128xi32>
    %slice3A_594 = vector.extract_strided_slice %reshape3A_593 {offsets = [0, 1, 0, 0], sizes = [8, 1, 32, 128], strides = [1, 1, 1, 1]} : vector<8x2x32x128xi32> to vector<8x1x32x128xi32>
    %slice3A_595 = vector.extract_strided_slice %reshape3A_593 {offsets = [0, 0, 0, 0], sizes = [8, 1, 32, 128], strides = [1, 1, 1, 1]} : vector<8x2x32x128xi32> to vector<8x1x32x128xi32>
    %concatenate3A_596 = tpu.concatenate %slice3A_594, %slice3A_595 in 1 : vector<8x1x32x128xi32>, vector<8x1x32x128xi32> -> vector<8x2x32x128xi32>
    %reshape3A_597 = vector.shape_cast %concatenate3A_596 : vector<8x2x32x128xi32> to vector<512x128xi32>
    %gt3A_598 = arith.cmpi sgt, %select_n3A_580, %reshape3A_592 : vector<512x128xi32>
    %eq3A_599 = arith.cmpi eq, %select_n3A_580, %reshape3A_592 : vector<512x128xi32>
    %lt3A_600 = arith.cmpi slt, %select_n3A_581, %reshape3A_597 : vector<512x128xi32>
    %and3A_601 = arith.andi %eq3A_599, %lt3A_600 : vector<512x128xi1>
    %or3A_602 = arith.ori %gt3A_598, %and3A_601 : vector<512x128xi1>
    %not3A_603 = arith.constant dense<true> : vector<512x128xi1>
    %not3A_604 = arith.xori %ne3A_587, %not3A_603 : vector<512x128xi1>
    %and3A_605 = arith.constant 64 : i32
    %and3A_606 = vector.broadcast %and3A_605 : i32 to vector<512x128xi32>
    %and3A_607 = arith.andi %add3A, %and3A_606 : vector<512x128xi32>
    %eq3A_608 = arith.constant 0 : i32
    %eq3A_609 = vector.broadcast %eq3A_608 : i32 to vector<512x128xi32>
    %eq3A_610 = arith.cmpi eq, %and3A_607, %eq3A_609 : vector<512x128xi32>
    %eq3A_611 = arith.xori %not3A_604, %eq3A_610 : vector<512x128xi1>
    %eq3A_612 = arith.constant dense<true> : vector<512x128xi1>
    %eq3A_613 = arith.xori %eq3A_611, %eq3A_612 : vector<512x128xi1>
    %eq3A_614 = arith.xori %or3A_602, %eq3A_613 : vector<512x128xi1>
    %eq3A_615 = arith.constant dense<true> : vector<512x128xi1>
    %eq3A_616 = arith.xori %eq3A_614, %eq3A_615 : vector<512x128xi1>
    %select_n3A_617 = arith.select %eq3A_616, %select_n3A_580, %reshape3A_592 : vector<512x128xi1>, vector<512x128xi32>
    %select_n3A_618 = arith.select %eq3A_616, %select_n3A_581, %reshape3A_597 : vector<512x128xi1>, vector<512x128xi32>
    %and3A_619 = arith.constant 16 : i32
    %and3A_620 = vector.broadcast %and3A_619 : i32 to vector<512x128xi32>
    %and3A_621 = arith.andi %add3A, %and3A_620 : vector<512x128xi32>
    %ne3A_622 = arith.constant 0 : i32
    %ne3A_623 = vector.broadcast %ne3A_622 : i32 to vector<512x128xi32>
    %ne3A_624 = arith.cmpi ne, %and3A_621, %ne3A_623 : vector<512x128xi32>
    %reshape3A_625 = vector.shape_cast %select_n3A_617 : vector<512x128xi32> to vector<16x2x16x128xi32>
    %slice3A_626 = vector.extract_strided_slice %reshape3A_625 {offsets = [0, 1, 0, 0], sizes = [16, 1, 16, 128], strides = [1, 1, 1, 1]} : vector<16x2x16x128xi32> to vector<16x1x16x128xi32>
    %slice3A_627 = vector.extract_strided_slice %reshape3A_625 {offsets = [0, 0, 0, 0], sizes = [16, 1, 16, 128], strides = [1, 1, 1, 1]} : vector<16x2x16x128xi32> to vector<16x1x16x128xi32>
    %concatenate3A_628 = tpu.concatenate %slice3A_626, %slice3A_627 in 1 : vector<16x1x16x128xi32>, vector<16x1x16x128xi32> -> vector<16x2x16x128xi32>
    %reshape3A_629 = vector.shape_cast %concatenate3A_628 : vector<16x2x16x128xi32> to vector<512x128xi32>
    %reshape3A_630 = vector.shape_cast %select_n3A_618 : vector<512x128xi32> to vector<16x2x16x128xi32>
    %slice3A_631 = vector.extract_strided_slice %reshape3A_630 {offsets = [0, 1, 0, 0], sizes = [16, 1, 16, 128], strides = [1, 1, 1, 1]} : vector<16x2x16x128xi32> to vector<16x1x16x128xi32>
    %slice3A_632 = vector.extract_strided_slice %reshape3A_630 {offsets = [0, 0, 0, 0], sizes = [16, 1, 16, 128], strides = [1, 1, 1, 1]} : vector<16x2x16x128xi32> to vector<16x1x16x128xi32>
    %concatenate3A_633 = tpu.concatenate %slice3A_631, %slice3A_632 in 1 : vector<16x1x16x128xi32>, vector<16x1x16x128xi32> -> vector<16x2x16x128xi32>
    %reshape3A_634 = vector.shape_cast %concatenate3A_633 : vector<16x2x16x128xi32> to vector<512x128xi32>
    %gt3A_635 = arith.cmpi sgt, %select_n3A_617, %reshape3A_629 : vector<512x128xi32>
    %eq3A_636 = arith.cmpi eq, %select_n3A_617, %reshape3A_629 : vector<512x128xi32>
    %lt3A_637 = arith.cmpi slt, %select_n3A_618, %reshape3A_634 : vector<512x128xi32>
    %and3A_638 = arith.andi %eq3A_636, %lt3A_637 : vector<512x128xi1>
    %or3A_639 = arith.ori %gt3A_635, %and3A_638 : vector<512x128xi1>
    %not3A_640 = arith.constant dense<true> : vector<512x128xi1>
    %not3A_641 = arith.xori %ne3A_624, %not3A_640 : vector<512x128xi1>
    %and3A_642 = arith.constant 64 : i32
    %and3A_643 = vector.broadcast %and3A_642 : i32 to vector<512x128xi32>
    %and3A_644 = arith.andi %add3A, %and3A_643 : vector<512x128xi32>
    %eq3A_645 = arith.constant 0 : i32
    %eq3A_646 = vector.broadcast %eq3A_645 : i32 to vector<512x128xi32>
    %eq3A_647 = arith.cmpi eq, %and3A_644, %eq3A_646 : vector<512x128xi32>
    %eq3A_648 = arith.xori %not3A_641, %eq3A_647 : vector<512x128xi1>
    %eq3A_649 = arith.constant dense<true> : vector<512x128xi1>
    %eq3A_650 = arith.xori %eq3A_648, %eq3A_649 : vector<512x128xi1>
    %eq3A_651 = arith.xori %or3A_639, %eq3A_650 : vector<512x128xi1>
    %eq3A_652 = arith.constant dense<true> : vector<512x128xi1>
    %eq3A_653 = arith.xori %eq3A_651, %eq3A_652 : vector<512x128xi1>
    %select_n3A_654 = arith.select %eq3A_653, %select_n3A_617, %reshape3A_629 : vector<512x128xi1>, vector<512x128xi32>
    %select_n3A_655 = arith.select %eq3A_653, %select_n3A_618, %reshape3A_634 : vector<512x128xi1>, vector<512x128xi32>
    %and3A_656 = arith.constant 8 : i32
    %and3A_657 = vector.broadcast %and3A_656 : i32 to vector<512x128xi32>
    %and3A_658 = arith.andi %add3A, %and3A_657 : vector<512x128xi32>
    %ne3A_659 = arith.constant 0 : i32
    %ne3A_660 = vector.broadcast %ne3A_659 : i32 to vector<512x128xi32>
    %ne3A_661 = arith.cmpi ne, %and3A_658, %ne3A_660 : vector<512x128xi32>
    %reshape3A_662 = vector.shape_cast %select_n3A_654 : vector<512x128xi32> to vector<32x2x8x128xi32>
    %slice3A_663 = vector.extract_strided_slice %reshape3A_662 {offsets = [0, 1, 0, 0], sizes = [32, 1, 8, 128], strides = [1, 1, 1, 1]} : vector<32x2x8x128xi32> to vector<32x1x8x128xi32>
    %slice3A_664 = vector.extract_strided_slice %reshape3A_662 {offsets = [0, 0, 0, 0], sizes = [32, 1, 8, 128], strides = [1, 1, 1, 1]} : vector<32x2x8x128xi32> to vector<32x1x8x128xi32>
    %concatenate3A_665 = tpu.concatenate %slice3A_663, %slice3A_664 in 1 : vector<32x1x8x128xi32>, vector<32x1x8x128xi32> -> vector<32x2x8x128xi32>
    %reshape3A_666 = vector.shape_cast %concatenate3A_665 : vector<32x2x8x128xi32> to vector<512x128xi32>
    %reshape3A_667 = vector.shape_cast %select_n3A_655 : vector<512x128xi32> to vector<32x2x8x128xi32>
    %slice3A_668 = vector.extract_strided_slice %reshape3A_667 {offsets = [0, 1, 0, 0], sizes = [32, 1, 8, 128], strides = [1, 1, 1, 1]} : vector<32x2x8x128xi32> to vector<32x1x8x128xi32>
    %slice3A_669 = vector.extract_strided_slice %reshape3A_667 {offsets = [0, 0, 0, 0], sizes = [32, 1, 8, 128], strides = [1, 1, 1, 1]} : vector<32x2x8x128xi32> to vector<32x1x8x128xi32>
    %concatenate3A_670 = tpu.concatenate %slice3A_668, %slice3A_669 in 1 : vector<32x1x8x128xi32>, vector<32x1x8x128xi32> -> vector<32x2x8x128xi32>
    %reshape3A_671 = vector.shape_cast %concatenate3A_670 : vector<32x2x8x128xi32> to vector<512x128xi32>
    %gt3A_672 = arith.cmpi sgt, %select_n3A_654, %reshape3A_666 : vector<512x128xi32>
    %eq3A_673 = arith.cmpi eq, %select_n3A_654, %reshape3A_666 : vector<512x128xi32>
    %lt3A_674 = arith.cmpi slt, %select_n3A_655, %reshape3A_671 : vector<512x128xi32>
    %and3A_675 = arith.andi %eq3A_673, %lt3A_674 : vector<512x128xi1>
    %or3A_676 = arith.ori %gt3A_672, %and3A_675 : vector<512x128xi1>
    %not3A_677 = arith.constant dense<true> : vector<512x128xi1>
    %not3A_678 = arith.xori %ne3A_661, %not3A_677 : vector<512x128xi1>
    %and3A_679 = arith.constant 64 : i32
    %and3A_680 = vector.broadcast %and3A_679 : i32 to vector<512x128xi32>
    %and3A_681 = arith.andi %add3A, %and3A_680 : vector<512x128xi32>
    %eq3A_682 = arith.constant 0 : i32
    %eq3A_683 = vector.broadcast %eq3A_682 : i32 to vector<512x128xi32>
    %eq3A_684 = arith.cmpi eq, %and3A_681, %eq3A_683 : vector<512x128xi32>
    %eq3A_685 = arith.xori %not3A_678, %eq3A_684 : vector<512x128xi1>
    %eq3A_686 = arith.constant dense<true> : vector<512x128xi1>
    %eq3A_687 = arith.xori %eq3A_685, %eq3A_686 : vector<512x128xi1>
    %eq3A_688 = arith.xori %or3A_676, %eq3A_687 : vector<512x128xi1>
    %eq3A_689 = arith.constant dense<true> : vector<512x128xi1>
    %eq3A_690 = arith.xori %eq3A_688, %eq3A_689 : vector<512x128xi1>
    %select_n3A_691 = arith.select %eq3A_690, %select_n3A_654, %reshape3A_666 : vector<512x128xi1>, vector<512x128xi32>
    %select_n3A_692 = arith.select %eq3A_690, %select_n3A_655, %reshape3A_671 : vector<512x128xi1>, vector<512x128xi32>
    %and3A_693 = arith.constant 4 : i32
    %and3A_694 = vector.broadcast %and3A_693 : i32 to vector<512x128xi32>
    %and3A_695 = arith.andi %add3A, %and3A_694 : vector<512x128xi32>
    %ne3A_696 = arith.constant 0 : i32
    %ne3A_697 = vector.broadcast %ne3A_696 : i32 to vector<512x128xi32>
    %ne3A_698 = arith.cmpi ne, %and3A_695, %ne3A_697 : vector<512x128xi32>
    %reshape3A_699 = vector.shape_cast %select_n3A_691 : vector<512x128xi32> to vector<64x2x4x128xi32>
    %slice3A_700 = vector.extract_strided_slice %reshape3A_699 {offsets = [0, 1, 0, 0], sizes = [64, 1, 4, 128], strides = [1, 1, 1, 1]} : vector<64x2x4x128xi32> to vector<64x1x4x128xi32>
    %slice3A_701 = vector.extract_strided_slice %reshape3A_699 {offsets = [0, 0, 0, 0], sizes = [64, 1, 4, 128], strides = [1, 1, 1, 1]} : vector<64x2x4x128xi32> to vector<64x1x4x128xi32>
    %concatenate3A_702 = tpu.concatenate %slice3A_700, %slice3A_701 in 1 : vector<64x1x4x128xi32>, vector<64x1x4x128xi32> -> vector<64x2x4x128xi32>
    %reshape3A_703 = vector.shape_cast %concatenate3A_702 : vector<64x2x4x128xi32> to vector<512x128xi32>
    %reshape3A_704 = vector.shape_cast %select_n3A_692 : vector<512x128xi32> to vector<64x2x4x128xi32>
    %slice3A_705 = vector.extract_strided_slice %reshape3A_704 {offsets = [0, 1, 0, 0], sizes = [64, 1, 4, 128], strides = [1, 1, 1, 1]} : vector<64x2x4x128xi32> to vector<64x1x4x128xi32>
    %slice3A_706 = vector.extract_strided_slice %reshape3A_704 {offsets = [0, 0, 0, 0], sizes = [64, 1, 4, 128], strides = [1, 1, 1, 1]} : vector<64x2x4x128xi32> to vector<64x1x4x128xi32>
    %concatenate3A_707 = tpu.concatenate %slice3A_705, %slice3A_706 in 1 : vector<64x1x4x128xi32>, vector<64x1x4x128xi32> -> vector<64x2x4x128xi32>
    %reshape3A_708 = vector.shape_cast %concatenate3A_707 : vector<64x2x4x128xi32> to vector<512x128xi32>
    %gt3A_709 = arith.cmpi sgt, %select_n3A_691, %reshape3A_703 : vector<512x128xi32>
    %eq3A_710 = arith.cmpi eq, %select_n3A_691, %reshape3A_703 : vector<512x128xi32>
    %lt3A_711 = arith.cmpi slt, %select_n3A_692, %reshape3A_708 : vector<512x128xi32>
    %and3A_712 = arith.andi %eq3A_710, %lt3A_711 : vector<512x128xi1>
    %or3A_713 = arith.ori %gt3A_709, %and3A_712 : vector<512x128xi1>
    %not3A_714 = arith.constant dense<true> : vector<512x128xi1>
    %not3A_715 = arith.xori %ne3A_698, %not3A_714 : vector<512x128xi1>
    %and3A_716 = arith.constant 64 : i32
    %and3A_717 = vector.broadcast %and3A_716 : i32 to vector<512x128xi32>
    %and3A_718 = arith.andi %add3A, %and3A_717 : vector<512x128xi32>
    %eq3A_719 = arith.constant 0 : i32
    %eq3A_720 = vector.broadcast %eq3A_719 : i32 to vector<512x128xi32>
    %eq3A_721 = arith.cmpi eq, %and3A_718, %eq3A_720 : vector<512x128xi32>
    %eq3A_722 = arith.xori %not3A_715, %eq3A_721 : vector<512x128xi1>
    %eq3A_723 = arith.constant dense<true> : vector<512x128xi1>
    %eq3A_724 = arith.xori %eq3A_722, %eq3A_723 : vector<512x128xi1>
    %eq3A_725 = arith.xori %or3A_713, %eq3A_724 : vector<512x128xi1>
    %eq3A_726 = arith.constant dense<true> : vector<512x128xi1>
    %eq3A_727 = arith.xori %eq3A_725, %eq3A_726 : vector<512x128xi1>
    %select_n3A_728 = arith.select %eq3A_727, %select_n3A_691, %reshape3A_703 : vector<512x128xi1>, vector<512x128xi32>
    %select_n3A_729 = arith.select %eq3A_727, %select_n3A_692, %reshape3A_708 : vector<512x128xi1>, vector<512x128xi32>
    %and3A_730 = arith.constant 2 : i32
    %and3A_731 = vector.broadcast %and3A_730 : i32 to vector<512x128xi32>
    %and3A_732 = arith.andi %add3A, %and3A_731 : vector<512x128xi32>
    %ne3A_733 = arith.constant 0 : i32
    %ne3A_734 = vector.broadcast %ne3A_733 : i32 to vector<512x128xi32>
    %ne3A_735 = arith.cmpi ne, %and3A_732, %ne3A_734 : vector<512x128xi32>
    %reshape3A_736 = vector.shape_cast %select_n3A_728 : vector<512x128xi32> to vector<128x2x2x128xi32>
    %slice3A_737 = vector.extract_strided_slice %reshape3A_736 {offsets = [0, 1, 0, 0], sizes = [128, 1, 2, 128], strides = [1, 1, 1, 1]} : vector<128x2x2x128xi32> to vector<128x1x2x128xi32>
    %slice3A_738 = vector.extract_strided_slice %reshape3A_736 {offsets = [0, 0, 0, 0], sizes = [128, 1, 2, 128], strides = [1, 1, 1, 1]} : vector<128x2x2x128xi32> to vector<128x1x2x128xi32>
    %concatenate3A_739 = tpu.concatenate %slice3A_737, %slice3A_738 in 1 : vector<128x1x2x128xi32>, vector<128x1x2x128xi32> -> vector<128x2x2x128xi32>
    %reshape3A_740 = vector.shape_cast %concatenate3A_739 : vector<128x2x2x128xi32> to vector<512x128xi32>
    %reshape3A_741 = vector.shape_cast %select_n3A_729 : vector<512x128xi32> to vector<128x2x2x128xi32>
    %slice3A_742 = vector.extract_strided_slice %reshape3A_741 {offsets = [0, 1, 0, 0], sizes = [128, 1, 2, 128], strides = [1, 1, 1, 1]} : vector<128x2x2x128xi32> to vector<128x1x2x128xi32>
    %slice3A_743 = vector.extract_strided_slice %reshape3A_741 {offsets = [0, 0, 0, 0], sizes = [128, 1, 2, 128], strides = [1, 1, 1, 1]} : vector<128x2x2x128xi32> to vector<128x1x2x128xi32>
    %concatenate3A_744 = tpu.concatenate %slice3A_742, %slice3A_743 in 1 : vector<128x1x2x128xi32>, vector<128x1x2x128xi32> -> vector<128x2x2x128xi32>
    %reshape3A_745 = vector.shape_cast %concatenate3A_744 : vector<128x2x2x128xi32> to vector<512x128xi32>
    %gt3A_746 = arith.cmpi sgt, %select_n3A_728, %reshape3A_740 : vector<512x128xi32>
    %eq3A_747 = arith.cmpi eq, %select_n3A_728, %reshape3A_740 : vector<512x128xi32>
    %lt3A_748 = arith.cmpi slt, %select_n3A_729, %reshape3A_745 : vector<512x128xi32>
    %and3A_749 = arith.andi %eq3A_747, %lt3A_748 : vector<512x128xi1>
    %or3A_750 = arith.ori %gt3A_746, %and3A_749 : vector<512x128xi1>
    %not3A_751 = arith.constant dense<true> : vector<512x128xi1>
    %not3A_752 = arith.xori %ne3A_735, %not3A_751 : vector<512x128xi1>
    %and3A_753 = arith.constant 64 : i32
    %and3A_754 = vector.broadcast %and3A_753 : i32 to vector<512x128xi32>
    %and3A_755 = arith.andi %add3A, %and3A_754 : vector<512x128xi32>
    %eq3A_756 = arith.constant 0 : i32
    %eq3A_757 = vector.broadcast %eq3A_756 : i32 to vector<512x128xi32>
    %eq3A_758 = arith.cmpi eq, %and3A_755, %eq3A_757 : vector<512x128xi32>
    %eq3A_759 = arith.xori %not3A_752, %eq3A_758 : vector<512x128xi1>
    %eq3A_760 = arith.constant dense<true> : vector<512x128xi1>
    %eq3A_761 = arith.xori %eq3A_759, %eq3A_760 : vector<512x128xi1>
    %eq3A_762 = arith.xori %or3A_750, %eq3A_761 : vector<512x128xi1>
    %eq3A_763 = arith.constant dense<true> : vector<512x128xi1>
    %eq3A_764 = arith.xori %eq3A_762, %eq3A_763 : vector<512x128xi1>
    %select_n3A_765 = arith.select %eq3A_764, %select_n3A_728, %reshape3A_740 : vector<512x128xi1>, vector<512x128xi32>
    %select_n3A_766 = arith.select %eq3A_764, %select_n3A_729, %reshape3A_745 : vector<512x128xi1>, vector<512x128xi32>
    %and3A_767 = arith.constant 1 : i32
    %and3A_768 = vector.broadcast %and3A_767 : i32 to vector<512x128xi32>
    %and3A_769 = arith.andi %add3A, %and3A_768 : vector<512x128xi32>
    %ne3A_770 = arith.constant 0 : i32
    %ne3A_771 = vector.broadcast %ne3A_770 : i32 to vector<512x128xi32>
    %ne3A_772 = arith.cmpi ne, %and3A_769, %ne3A_771 : vector<512x128xi32>
    %reshape3A_773 = vector.shape_cast %select_n3A_765 : vector<512x128xi32> to vector<256x2x1x128xi32>
    %slice3A_774 = vector.extract_strided_slice %reshape3A_773 {offsets = [0, 1, 0, 0], sizes = [256, 1, 1, 128], strides = [1, 1, 1, 1]} : vector<256x2x1x128xi32> to vector<256x1x1x128xi32>
    %slice3A_775 = vector.extract_strided_slice %reshape3A_773 {offsets = [0, 0, 0, 0], sizes = [256, 1, 1, 128], strides = [1, 1, 1, 1]} : vector<256x2x1x128xi32> to vector<256x1x1x128xi32>
    %concatenate3A_776 = tpu.concatenate %slice3A_774, %slice3A_775 in 1 : vector<256x1x1x128xi32>, vector<256x1x1x128xi32> -> vector<256x2x1x128xi32>
    %reshape3A_777 = vector.shape_cast %concatenate3A_776 : vector<256x2x1x128xi32> to vector<512x128xi32>
    %reshape3A_778 = vector.shape_cast %select_n3A_766 : vector<512x128xi32> to vector<256x2x1x128xi32>
    %slice3A_779 = vector.extract_strided_slice %reshape3A_778 {offsets = [0, 1, 0, 0], sizes = [256, 1, 1, 128], strides = [1, 1, 1, 1]} : vector<256x2x1x128xi32> to vector<256x1x1x128xi32>
    %slice3A_780 = vector.extract_strided_slice %reshape3A_778 {offsets = [0, 0, 0, 0], sizes = [256, 1, 1, 128], strides = [1, 1, 1, 1]} : vector<256x2x1x128xi32> to vector<256x1x1x128xi32>
    %concatenate3A_781 = tpu.concatenate %slice3A_779, %slice3A_780 in 1 : vector<256x1x1x128xi32>, vector<256x1x1x128xi32> -> vector<256x2x1x128xi32>
    %reshape3A_782 = vector.shape_cast %concatenate3A_781 : vector<256x2x1x128xi32> to vector<512x128xi32>
    %gt3A_783 = arith.cmpi sgt, %select_n3A_765, %reshape3A_777 : vector<512x128xi32>
    %eq3A_784 = arith.cmpi eq, %select_n3A_765, %reshape3A_777 : vector<512x128xi32>
    %lt3A_785 = arith.cmpi slt, %select_n3A_766, %reshape3A_782 : vector<512x128xi32>
    %and3A_786 = arith.andi %eq3A_784, %lt3A_785 : vector<512x128xi1>
    %or3A_787 = arith.ori %gt3A_783, %and3A_786 : vector<512x128xi1>
    %not3A_788 = arith.constant dense<true> : vector<512x128xi1>
    %not3A_789 = arith.xori %ne3A_772, %not3A_788 : vector<512x128xi1>
    %and3A_790 = arith.constant 64 : i32
    %and3A_791 = vector.broadcast %and3A_790 : i32 to vector<512x128xi32>
    %and3A_792 = arith.andi %add3A, %and3A_791 : vector<512x128xi32>
    %eq3A_793 = arith.constant 0 : i32
    %eq3A_794 = vector.broadcast %eq3A_793 : i32 to vector<512x128xi32>
    %eq3A_795 = arith.cmpi eq, %and3A_792, %eq3A_794 : vector<512x128xi32>
    %eq3A_796 = arith.xori %not3A_789, %eq3A_795 : vector<512x128xi1>
    %eq3A_797 = arith.constant dense<true> : vector<512x128xi1>
    %eq3A_798 = arith.xori %eq3A_796, %eq3A_797 : vector<512x128xi1>
    %eq3A_799 = arith.xori %or3A_787, %eq3A_798 : vector<512x128xi1>
    %eq3A_800 = arith.constant dense<true> : vector<512x128xi1>
    %eq3A_801 = arith.xori %eq3A_799, %eq3A_800 : vector<512x128xi1>
    %select_n3A_802 = arith.select %eq3A_801, %select_n3A_765, %reshape3A_777 : vector<512x128xi1>, vector<512x128xi32>
    %select_n3A_803 = arith.select %eq3A_801, %select_n3A_766, %reshape3A_782 : vector<512x128xi1>, vector<512x128xi32>
    %and3A_804 = arith.constant 64 : i32
    %and3A_805 = vector.broadcast %and3A_804 : i32 to vector<512x128xi32>
    %and3A_806 = arith.andi %add3A, %and3A_805 : vector<512x128xi32>
    %ne3A_807 = arith.constant 0 : i32
    %ne3A_808 = vector.broadcast %ne3A_807 : i32 to vector<512x128xi32>
    %ne3A_809 = arith.cmpi ne, %and3A_806, %ne3A_808 : vector<512x128xi32>
    %reshape3A_810 = vector.shape_cast %select_n3A_802 : vector<512x128xi32> to vector<4x2x64x128xi32>
    %slice3A_811 = vector.extract_strided_slice %reshape3A_810 {offsets = [0, 1, 0, 0], sizes = [4, 1, 64, 128], strides = [1, 1, 1, 1]} : vector<4x2x64x128xi32> to vector<4x1x64x128xi32>
    %slice3A_812 = vector.extract_strided_slice %reshape3A_810 {offsets = [0, 0, 0, 0], sizes = [4, 1, 64, 128], strides = [1, 1, 1, 1]} : vector<4x2x64x128xi32> to vector<4x1x64x128xi32>
    %concatenate3A_813 = tpu.concatenate %slice3A_811, %slice3A_812 in 1 : vector<4x1x64x128xi32>, vector<4x1x64x128xi32> -> vector<4x2x64x128xi32>
    %reshape3A_814 = vector.shape_cast %concatenate3A_813 : vector<4x2x64x128xi32> to vector<512x128xi32>
    %reshape3A_815 = vector.shape_cast %select_n3A_803 : vector<512x128xi32> to vector<4x2x64x128xi32>
    %slice3A_816 = vector.extract_strided_slice %reshape3A_815 {offsets = [0, 1, 0, 0], sizes = [4, 1, 64, 128], strides = [1, 1, 1, 1]} : vector<4x2x64x128xi32> to vector<4x1x64x128xi32>
    %slice3A_817 = vector.extract_strided_slice %reshape3A_815 {offsets = [0, 0, 0, 0], sizes = [4, 1, 64, 128], strides = [1, 1, 1, 1]} : vector<4x2x64x128xi32> to vector<4x1x64x128xi32>
    %concatenate3A_818 = tpu.concatenate %slice3A_816, %slice3A_817 in 1 : vector<4x1x64x128xi32>, vector<4x1x64x128xi32> -> vector<4x2x64x128xi32>
    %reshape3A_819 = vector.shape_cast %concatenate3A_818 : vector<4x2x64x128xi32> to vector<512x128xi32>
    %gt3A_820 = arith.cmpi sgt, %select_n3A_802, %reshape3A_814 : vector<512x128xi32>
    %eq3A_821 = arith.cmpi eq, %select_n3A_802, %reshape3A_814 : vector<512x128xi32>
    %lt3A_822 = arith.cmpi slt, %select_n3A_803, %reshape3A_819 : vector<512x128xi32>
    %and3A_823 = arith.andi %eq3A_821, %lt3A_822 : vector<512x128xi1>
    %or3A_824 = arith.ori %gt3A_820, %and3A_823 : vector<512x128xi1>
    %not3A_825 = arith.constant dense<true> : vector<512x128xi1>
    %not3A_826 = arith.xori %ne3A_809, %not3A_825 : vector<512x128xi1>
    %and3A_827 = arith.constant 128 : i32
    %and3A_828 = vector.broadcast %and3A_827 : i32 to vector<512x128xi32>
    %and3A_829 = arith.andi %add3A, %and3A_828 : vector<512x128xi32>
    %eq3A_830 = arith.constant 0 : i32
    %eq3A_831 = vector.broadcast %eq3A_830 : i32 to vector<512x128xi32>
    %eq3A_832 = arith.cmpi eq, %and3A_829, %eq3A_831 : vector<512x128xi32>
    %eq3A_833 = arith.xori %not3A_826, %eq3A_832 : vector<512x128xi1>
    %eq3A_834 = arith.constant dense<true> : vector<512x128xi1>
    %eq3A_835 = arith.xori %eq3A_833, %eq3A_834 : vector<512x128xi1>
    %eq3A_836 = arith.xori %or3A_824, %eq3A_835 : vector<512x128xi1>
    %eq3A_837 = arith.constant dense<true> : vector<512x128xi1>
    %eq3A_838 = arith.xori %eq3A_836, %eq3A_837 : vector<512x128xi1>
    %select_n3A_839 = arith.select %eq3A_838, %select_n3A_802, %reshape3A_814 : vector<512x128xi1>, vector<512x128xi32>
    %select_n3A_840 = arith.select %eq3A_838, %select_n3A_803, %reshape3A_819 : vector<512x128xi1>, vector<512x128xi32>
    %and3A_841 = arith.constant 32 : i32
    %and3A_842 = vector.broadcast %and3A_841 : i32 to vector<512x128xi32>
    %and3A_843 = arith.andi %add3A, %and3A_842 : vector<512x128xi32>
    %ne3A_844 = arith.constant 0 : i32
    %ne3A_845 = vector.broadcast %ne3A_844 : i32 to vector<512x128xi32>
    %ne3A_846 = arith.cmpi ne, %and3A_843, %ne3A_845 : vector<512x128xi32>
    %reshape3A_847 = vector.shape_cast %select_n3A_839 : vector<512x128xi32> to vector<8x2x32x128xi32>
    %slice3A_848 = vector.extract_strided_slice %reshape3A_847 {offsets = [0, 1, 0, 0], sizes = [8, 1, 32, 128], strides = [1, 1, 1, 1]} : vector<8x2x32x128xi32> to vector<8x1x32x128xi32>
    %slice3A_849 = vector.extract_strided_slice %reshape3A_847 {offsets = [0, 0, 0, 0], sizes = [8, 1, 32, 128], strides = [1, 1, 1, 1]} : vector<8x2x32x128xi32> to vector<8x1x32x128xi32>
    %concatenate3A_850 = tpu.concatenate %slice3A_848, %slice3A_849 in 1 : vector<8x1x32x128xi32>, vector<8x1x32x128xi32> -> vector<8x2x32x128xi32>
    %reshape3A_851 = vector.shape_cast %concatenate3A_850 : vector<8x2x32x128xi32> to vector<512x128xi32>
    %reshape3A_852 = vector.shape_cast %select_n3A_840 : vector<512x128xi32> to vector<8x2x32x128xi32>
    %slice3A_853 = vector.extract_strided_slice %reshape3A_852 {offsets = [0, 1, 0, 0], sizes = [8, 1, 32, 128], strides = [1, 1, 1, 1]} : vector<8x2x32x128xi32> to vector<8x1x32x128xi32>
    %slice3A_854 = vector.extract_strided_slice %reshape3A_852 {offsets = [0, 0, 0, 0], sizes = [8, 1, 32, 128], strides = [1, 1, 1, 1]} : vector<8x2x32x128xi32> to vector<8x1x32x128xi32>
    %concatenate3A_855 = tpu.concatenate %slice3A_853, %slice3A_854 in 1 : vector<8x1x32x128xi32>, vector<8x1x32x128xi32> -> vector<8x2x32x128xi32>
    %reshape3A_856 = vector.shape_cast %concatenate3A_855 : vector<8x2x32x128xi32> to vector<512x128xi32>
    %gt3A_857 = arith.cmpi sgt, %select_n3A_839, %reshape3A_851 : vector<512x128xi32>
    %eq3A_858 = arith.cmpi eq, %select_n3A_839, %reshape3A_851 : vector<512x128xi32>
    %lt3A_859 = arith.cmpi slt, %select_n3A_840, %reshape3A_856 : vector<512x128xi32>
    %and3A_860 = arith.andi %eq3A_858, %lt3A_859 : vector<512x128xi1>
    %or3A_861 = arith.ori %gt3A_857, %and3A_860 : vector<512x128xi1>
    %not3A_862 = arith.constant dense<true> : vector<512x128xi1>
    %not3A_863 = arith.xori %ne3A_846, %not3A_862 : vector<512x128xi1>
    %and3A_864 = arith.constant 128 : i32
    %and3A_865 = vector.broadcast %and3A_864 : i32 to vector<512x128xi32>
    %and3A_866 = arith.andi %add3A, %and3A_865 : vector<512x128xi32>
    %eq3A_867 = arith.constant 0 : i32
    %eq3A_868 = vector.broadcast %eq3A_867 : i32 to vector<512x128xi32>
    %eq3A_869 = arith.cmpi eq, %and3A_866, %eq3A_868 : vector<512x128xi32>
    %eq3A_870 = arith.xori %not3A_863, %eq3A_869 : vector<512x128xi1>
    %eq3A_871 = arith.constant dense<true> : vector<512x128xi1>
    %eq3A_872 = arith.xori %eq3A_870, %eq3A_871 : vector<512x128xi1>
    %eq3A_873 = arith.xori %or3A_861, %eq3A_872 : vector<512x128xi1>
    %eq3A_874 = arith.constant dense<true> : vector<512x128xi1>
    %eq3A_875 = arith.xori %eq3A_873, %eq3A_874 : vector<512x128xi1>
    %select_n3A_876 = arith.select %eq3A_875, %select_n3A_839, %reshape3A_851 : vector<512x128xi1>, vector<512x128xi32>
    %select_n3A_877 = arith.select %eq3A_875, %select_n3A_840, %reshape3A_856 : vector<512x128xi1>, vector<512x128xi32>
    %and3A_878 = arith.constant 16 : i32
    %and3A_879 = vector.broadcast %and3A_878 : i32 to vector<512x128xi32>
    %and3A_880 = arith.andi %add3A, %and3A_879 : vector<512x128xi32>
    %ne3A_881 = arith.constant 0 : i32
    %ne3A_882 = vector.broadcast %ne3A_881 : i32 to vector<512x128xi32>
    %ne3A_883 = arith.cmpi ne, %and3A_880, %ne3A_882 : vector<512x128xi32>
    %reshape3A_884 = vector.shape_cast %select_n3A_876 : vector<512x128xi32> to vector<16x2x16x128xi32>
    %slice3A_885 = vector.extract_strided_slice %reshape3A_884 {offsets = [0, 1, 0, 0], sizes = [16, 1, 16, 128], strides = [1, 1, 1, 1]} : vector<16x2x16x128xi32> to vector<16x1x16x128xi32>
    %slice3A_886 = vector.extract_strided_slice %reshape3A_884 {offsets = [0, 0, 0, 0], sizes = [16, 1, 16, 128], strides = [1, 1, 1, 1]} : vector<16x2x16x128xi32> to vector<16x1x16x128xi32>
    %concatenate3A_887 = tpu.concatenate %slice3A_885, %slice3A_886 in 1 : vector<16x1x16x128xi32>, vector<16x1x16x128xi32> -> vector<16x2x16x128xi32>
    %reshape3A_888 = vector.shape_cast %concatenate3A_887 : vector<16x2x16x128xi32> to vector<512x128xi32>
    %reshape3A_889 = vector.shape_cast %select_n3A_877 : vector<512x128xi32> to vector<16x2x16x128xi32>
    %slice3A_890 = vector.extract_strided_slice %reshape3A_889 {offsets = [0, 1, 0, 0], sizes = [16, 1, 16, 128], strides = [1, 1, 1, 1]} : vector<16x2x16x128xi32> to vector<16x1x16x128xi32>
    %slice3A_891 = vector.extract_strided_slice %reshape3A_889 {offsets = [0, 0, 0, 0], sizes = [16, 1, 16, 128], strides = [1, 1, 1, 1]} : vector<16x2x16x128xi32> to vector<16x1x16x128xi32>
    %concatenate3A_892 = tpu.concatenate %slice3A_890, %slice3A_891 in 1 : vector<16x1x16x128xi32>, vector<16x1x16x128xi32> -> vector<16x2x16x128xi32>
    %reshape3A_893 = vector.shape_cast %concatenate3A_892 : vector<16x2x16x128xi32> to vector<512x128xi32>
    %gt3A_894 = arith.cmpi sgt, %select_n3A_876, %reshape3A_888 : vector<512x128xi32>
    %eq3A_895 = arith.cmpi eq, %select_n3A_876, %reshape3A_888 : vector<512x128xi32>
    %lt3A_896 = arith.cmpi slt, %select_n3A_877, %reshape3A_893 : vector<512x128xi32>
    %and3A_897 = arith.andi %eq3A_895, %lt3A_896 : vector<512x128xi1>
    %or3A_898 = arith.ori %gt3A_894, %and3A_897 : vector<512x128xi1>
    %not3A_899 = arith.constant dense<true> : vector<512x128xi1>
    %not3A_900 = arith.xori %ne3A_883, %not3A_899 : vector<512x128xi1>
    %and3A_901 = arith.constant 128 : i32
    %and3A_902 = vector.broadcast %and3A_901 : i32 to vector<512x128xi32>
    %and3A_903 = arith.andi %add3A, %and3A_902 : vector<512x128xi32>
    %eq3A_904 = arith.constant 0 : i32
    %eq3A_905 = vector.broadcast %eq3A_904 : i32 to vector<512x128xi32>
    %eq3A_906 = arith.cmpi eq, %and3A_903, %eq3A_905 : vector<512x128xi32>
    %eq3A_907 = arith.xori %not3A_900, %eq3A_906 : vector<512x128xi1>
    %eq3A_908 = arith.constant dense<true> : vector<512x128xi1>
    %eq3A_909 = arith.xori %eq3A_907, %eq3A_908 : vector<512x128xi1>
    %eq3A_910 = arith.xori %or3A_898, %eq3A_909 : vector<512x128xi1>
    %eq3A_911 = arith.constant dense<true> : vector<512x128xi1>
    %eq3A_912 = arith.xori %eq3A_910, %eq3A_911 : vector<512x128xi1>
    %select_n3A_913 = arith.select %eq3A_912, %select_n3A_876, %reshape3A_888 : vector<512x128xi1>, vector<512x128xi32>
    %select_n3A_914 = arith.select %eq3A_912, %select_n3A_877, %reshape3A_893 : vector<512x128xi1>, vector<512x128xi32>
    %and3A_915 = arith.constant 8 : i32
    %and3A_916 = vector.broadcast %and3A_915 : i32 to vector<512x128xi32>
    %and3A_917 = arith.andi %add3A, %and3A_916 : vector<512x128xi32>
    %ne3A_918 = arith.constant 0 : i32
    %ne3A_919 = vector.broadcast %ne3A_918 : i32 to vector<512x128xi32>
    %ne3A_920 = arith.cmpi ne, %and3A_917, %ne3A_919 : vector<512x128xi32>
    %reshape3A_921 = vector.shape_cast %select_n3A_913 : vector<512x128xi32> to vector<32x2x8x128xi32>
    %slice3A_922 = vector.extract_strided_slice %reshape3A_921 {offsets = [0, 1, 0, 0], sizes = [32, 1, 8, 128], strides = [1, 1, 1, 1]} : vector<32x2x8x128xi32> to vector<32x1x8x128xi32>
    %slice3A_923 = vector.extract_strided_slice %reshape3A_921 {offsets = [0, 0, 0, 0], sizes = [32, 1, 8, 128], strides = [1, 1, 1, 1]} : vector<32x2x8x128xi32> to vector<32x1x8x128xi32>
    %concatenate3A_924 = tpu.concatenate %slice3A_922, %slice3A_923 in 1 : vector<32x1x8x128xi32>, vector<32x1x8x128xi32> -> vector<32x2x8x128xi32>
    %reshape3A_925 = vector.shape_cast %concatenate3A_924 : vector<32x2x8x128xi32> to vector<512x128xi32>
    %reshape3A_926 = vector.shape_cast %select_n3A_914 : vector<512x128xi32> to vector<32x2x8x128xi32>
    %slice3A_927 = vector.extract_strided_slice %reshape3A_926 {offsets = [0, 1, 0, 0], sizes = [32, 1, 8, 128], strides = [1, 1, 1, 1]} : vector<32x2x8x128xi32> to vector<32x1x8x128xi32>
    %slice3A_928 = vector.extract_strided_slice %reshape3A_926 {offsets = [0, 0, 0, 0], sizes = [32, 1, 8, 128], strides = [1, 1, 1, 1]} : vector<32x2x8x128xi32> to vector<32x1x8x128xi32>
    %concatenate3A_929 = tpu.concatenate %slice3A_927, %slice3A_928 in 1 : vector<32x1x8x128xi32>, vector<32x1x8x128xi32> -> vector<32x2x8x128xi32>
    %reshape3A_930 = vector.shape_cast %concatenate3A_929 : vector<32x2x8x128xi32> to vector<512x128xi32>
    %gt3A_931 = arith.cmpi sgt, %select_n3A_913, %reshape3A_925 : vector<512x128xi32>
    %eq3A_932 = arith.cmpi eq, %select_n3A_913, %reshape3A_925 : vector<512x128xi32>
    %lt3A_933 = arith.cmpi slt, %select_n3A_914, %reshape3A_930 : vector<512x128xi32>
    %and3A_934 = arith.andi %eq3A_932, %lt3A_933 : vector<512x128xi1>
    %or3A_935 = arith.ori %gt3A_931, %and3A_934 : vector<512x128xi1>
    %not3A_936 = arith.constant dense<true> : vector<512x128xi1>
    %not3A_937 = arith.xori %ne3A_920, %not3A_936 : vector<512x128xi1>
    %and3A_938 = arith.constant 128 : i32
    %and3A_939 = vector.broadcast %and3A_938 : i32 to vector<512x128xi32>
    %and3A_940 = arith.andi %add3A, %and3A_939 : vector<512x128xi32>
    %eq3A_941 = arith.constant 0 : i32
    %eq3A_942 = vector.broadcast %eq3A_941 : i32 to vector<512x128xi32>
    %eq3A_943 = arith.cmpi eq, %and3A_940, %eq3A_942 : vector<512x128xi32>
    %eq3A_944 = arith.xori %not3A_937, %eq3A_943 : vector<512x128xi1>
    %eq3A_945 = arith.constant dense<true> : vector<512x128xi1>
    %eq3A_946 = arith.xori %eq3A_944, %eq3A_945 : vector<512x128xi1>
    %eq3A_947 = arith.xori %or3A_935, %eq3A_946 : vector<512x128xi1>
    %eq3A_948 = arith.constant dense<true> : vector<512x128xi1>
    %eq3A_949 = arith.xori %eq3A_947, %eq3A_948 : vector<512x128xi1>
    %select_n3A_950 = arith.select %eq3A_949, %select_n3A_913, %reshape3A_925 : vector<512x128xi1>, vector<512x128xi32>
    %select_n3A_951 = arith.select %eq3A_949, %select_n3A_914, %reshape3A_930 : vector<512x128xi1>, vector<512x128xi32>
    %and3A_952 = arith.constant 4 : i32
    %and3A_953 = vector.broadcast %and3A_952 : i32 to vector<512x128xi32>
    %and3A_954 = arith.andi %add3A, %and3A_953 : vector<512x128xi32>
    %ne3A_955 = arith.constant 0 : i32
    %ne3A_956 = vector.broadcast %ne3A_955 : i32 to vector<512x128xi32>
    %ne3A_957 = arith.cmpi ne, %and3A_954, %ne3A_956 : vector<512x128xi32>
    %reshape3A_958 = vector.shape_cast %select_n3A_950 : vector<512x128xi32> to vector<64x2x4x128xi32>
    %slice3A_959 = vector.extract_strided_slice %reshape3A_958 {offsets = [0, 1, 0, 0], sizes = [64, 1, 4, 128], strides = [1, 1, 1, 1]} : vector<64x2x4x128xi32> to vector<64x1x4x128xi32>
    %slice3A_960 = vector.extract_strided_slice %reshape3A_958 {offsets = [0, 0, 0, 0], sizes = [64, 1, 4, 128], strides = [1, 1, 1, 1]} : vector<64x2x4x128xi32> to vector<64x1x4x128xi32>
    %concatenate3A_961 = tpu.concatenate %slice3A_959, %slice3A_960 in 1 : vector<64x1x4x128xi32>, vector<64x1x4x128xi32> -> vector<64x2x4x128xi32>
    %reshape3A_962 = vector.shape_cast %concatenate3A_961 : vector<64x2x4x128xi32> to vector<512x128xi32>
    %reshape3A_963 = vector.shape_cast %select_n3A_951 : vector<512x128xi32> to vector<64x2x4x128xi32>
    %slice3A_964 = vector.extract_strided_slice %reshape3A_963 {offsets = [0, 1, 0, 0], sizes = [64, 1, 4, 128], strides = [1, 1, 1, 1]} : vector<64x2x4x128xi32> to vector<64x1x4x128xi32>
    %slice3A_965 = vector.extract_strided_slice %reshape3A_963 {offsets = [0, 0, 0, 0], sizes = [64, 1, 4, 128], strides = [1, 1, 1, 1]} : vector<64x2x4x128xi32> to vector<64x1x4x128xi32>
    %concatenate3A_966 = tpu.concatenate %slice3A_964, %slice3A_965 in 1 : vector<64x1x4x128xi32>, vector<64x1x4x128xi32> -> vector<64x2x4x128xi32>
    %reshape3A_967 = vector.shape_cast %concatenate3A_966 : vector<64x2x4x128xi32> to vector<512x128xi32>
    %gt3A_968 = arith.cmpi sgt, %select_n3A_950, %reshape3A_962 : vector<512x128xi32>
    %eq3A_969 = arith.cmpi eq, %select_n3A_950, %reshape3A_962 : vector<512x128xi32>
    %lt3A_970 = arith.cmpi slt, %select_n3A_951, %reshape3A_967 : vector<512x128xi32>
    %and3A_971 = arith.andi %eq3A_969, %lt3A_970 : vector<512x128xi1>
    %or3A_972 = arith.ori %gt3A_968, %and3A_971 : vector<512x128xi1>
    %not3A_973 = arith.constant dense<true> : vector<512x128xi1>
    %not3A_974 = arith.xori %ne3A_957, %not3A_973 : vector<512x128xi1>
    %and3A_975 = arith.constant 128 : i32
    %and3A_976 = vector.broadcast %and3A_975 : i32 to vector<512x128xi32>
    %and3A_977 = arith.andi %add3A, %and3A_976 : vector<512x128xi32>
    %eq3A_978 = arith.constant 0 : i32
    %eq3A_979 = vector.broadcast %eq3A_978 : i32 to vector<512x128xi32>
    %eq3A_980 = arith.cmpi eq, %and3A_977, %eq3A_979 : vector<512x128xi32>
    %eq3A_981 = arith.xori %not3A_974, %eq3A_980 : vector<512x128xi1>
    %eq3A_982 = arith.constant dense<true> : vector<512x128xi1>
    %eq3A_983 = arith.xori %eq3A_981, %eq3A_982 : vector<512x128xi1>
    %eq3A_984 = arith.xori %or3A_972, %eq3A_983 : vector<512x128xi1>
    %eq3A_985 = arith.constant dense<true> : vector<512x128xi1>
    %eq3A_986 = arith.xori %eq3A_984, %eq3A_985 : vector<512x128xi1>
    %select_n3A_987 = arith.select %eq3A_986, %select_n3A_950, %reshape3A_962 : vector<512x128xi1>, vector<512x128xi32>
    %select_n3A_988 = arith.select %eq3A_986, %select_n3A_951, %reshape3A_967 : vector<512x128xi1>, vector<512x128xi32>
    %and3A_989 = arith.constant 2 : i32
    %and3A_990 = vector.broadcast %and3A_989 : i32 to vector<512x128xi32>
    %and3A_991 = arith.andi %add3A, %and3A_990 : vector<512x128xi32>
    %ne3A_992 = arith.constant 0 : i32
    %ne3A_993 = vector.broadcast %ne3A_992 : i32 to vector<512x128xi32>
    %ne3A_994 = arith.cmpi ne, %and3A_991, %ne3A_993 : vector<512x128xi32>
    %reshape3A_995 = vector.shape_cast %select_n3A_987 : vector<512x128xi32> to vector<128x2x2x128xi32>
    %slice3A_996 = vector.extract_strided_slice %reshape3A_995 {offsets = [0, 1, 0, 0], sizes = [128, 1, 2, 128], strides = [1, 1, 1, 1]} : vector<128x2x2x128xi32> to vector<128x1x2x128xi32>
    %slice3A_997 = vector.extract_strided_slice %reshape3A_995 {offsets = [0, 0, 0, 0], sizes = [128, 1, 2, 128], strides = [1, 1, 1, 1]} : vector<128x2x2x128xi32> to vector<128x1x2x128xi32>
    %concatenate3A_998 = tpu.concatenate %slice3A_996, %slice3A_997 in 1 : vector<128x1x2x128xi32>, vector<128x1x2x128xi32> -> vector<128x2x2x128xi32>
    %reshape3A_999 = vector.shape_cast %concatenate3A_998 : vector<128x2x2x128xi32> to vector<512x128xi32>
    %reshape3A_1000 = vector.shape_cast %select_n3A_988 : vector<512x128xi32> to vector<128x2x2x128xi32>
    %slice3A_1001 = vector.extract_strided_slice %reshape3A_1000 {offsets = [0, 1, 0, 0], sizes = [128, 1, 2, 128], strides = [1, 1, 1, 1]} : vector<128x2x2x128xi32> to vector<128x1x2x128xi32>
    %slice3A_1002 = vector.extract_strided_slice %reshape3A_1000 {offsets = [0, 0, 0, 0], sizes = [128, 1, 2, 128], strides = [1, 1, 1, 1]} : vector<128x2x2x128xi32> to vector<128x1x2x128xi32>
    %concatenate3A_1003 = tpu.concatenate %slice3A_1001, %slice3A_1002 in 1 : vector<128x1x2x128xi32>, vector<128x1x2x128xi32> -> vector<128x2x2x128xi32>
    %reshape3A_1004 = vector.shape_cast %concatenate3A_1003 : vector<128x2x2x128xi32> to vector<512x128xi32>
    %gt3A_1005 = arith.cmpi sgt, %select_n3A_987, %reshape3A_999 : vector<512x128xi32>
    %eq3A_1006 = arith.cmpi eq, %select_n3A_987, %reshape3A_999 : vector<512x128xi32>
    %lt3A_1007 = arith.cmpi slt, %select_n3A_988, %reshape3A_1004 : vector<512x128xi32>
    %and3A_1008 = arith.andi %eq3A_1006, %lt3A_1007 : vector<512x128xi1>
    %or3A_1009 = arith.ori %gt3A_1005, %and3A_1008 : vector<512x128xi1>
    %not3A_1010 = arith.constant dense<true> : vector<512x128xi1>
    %not3A_1011 = arith.xori %ne3A_994, %not3A_1010 : vector<512x128xi1>
    %and3A_1012 = arith.constant 128 : i32
    %and3A_1013 = vector.broadcast %and3A_1012 : i32 to vector<512x128xi32>
    %and3A_1014 = arith.andi %add3A, %and3A_1013 : vector<512x128xi32>
    %eq3A_1015 = arith.constant 0 : i32
    %eq3A_1016 = vector.broadcast %eq3A_1015 : i32 to vector<512x128xi32>
    %eq3A_1017 = arith.cmpi eq, %and3A_1014, %eq3A_1016 : vector<512x128xi32>
    %eq3A_1018 = arith.xori %not3A_1011, %eq3A_1017 : vector<512x128xi1>
    %eq3A_1019 = arith.constant dense<true> : vector<512x128xi1>
    %eq3A_1020 = arith.xori %eq3A_1018, %eq3A_1019 : vector<512x128xi1>
    %eq3A_1021 = arith.xori %or3A_1009, %eq3A_1020 : vector<512x128xi1>
    %eq3A_1022 = arith.constant dense<true> : vector<512x128xi1>
    %eq3A_1023 = arith.xori %eq3A_1021, %eq3A_1022 : vector<512x128xi1>
    %select_n3A_1024 = arith.select %eq3A_1023, %select_n3A_987, %reshape3A_999 : vector<512x128xi1>, vector<512x128xi32>
    %select_n3A_1025 = arith.select %eq3A_1023, %select_n3A_988, %reshape3A_1004 : vector<512x128xi1>, vector<512x128xi32>
    %and3A_1026 = arith.constant 1 : i32
    %and3A_1027 = vector.broadcast %and3A_1026 : i32 to vector<512x128xi32>
    %and3A_1028 = arith.andi %add3A, %and3A_1027 : vector<512x128xi32>
    %ne3A_1029 = arith.constant 0 : i32
    %ne3A_1030 = vector.broadcast %ne3A_1029 : i32 to vector<512x128xi32>
    %ne3A_1031 = arith.cmpi ne, %and3A_1028, %ne3A_1030 : vector<512x128xi32>
    %reshape3A_1032 = vector.shape_cast %select_n3A_1024 : vector<512x128xi32> to vector<256x2x1x128xi32>
    %slice3A_1033 = vector.extract_strided_slice %reshape3A_1032 {offsets = [0, 1, 0, 0], sizes = [256, 1, 1, 128], strides = [1, 1, 1, 1]} : vector<256x2x1x128xi32> to vector<256x1x1x128xi32>
    %slice3A_1034 = vector.extract_strided_slice %reshape3A_1032 {offsets = [0, 0, 0, 0], sizes = [256, 1, 1, 128], strides = [1, 1, 1, 1]} : vector<256x2x1x128xi32> to vector<256x1x1x128xi32>
    %concatenate3A_1035 = tpu.concatenate %slice3A_1033, %slice3A_1034 in 1 : vector<256x1x1x128xi32>, vector<256x1x1x128xi32> -> vector<256x2x1x128xi32>
    %reshape3A_1036 = vector.shape_cast %concatenate3A_1035 : vector<256x2x1x128xi32> to vector<512x128xi32>
    %reshape3A_1037 = vector.shape_cast %select_n3A_1025 : vector<512x128xi32> to vector<256x2x1x128xi32>
    %slice3A_1038 = vector.extract_strided_slice %reshape3A_1037 {offsets = [0, 1, 0, 0], sizes = [256, 1, 1, 128], strides = [1, 1, 1, 1]} : vector<256x2x1x128xi32> to vector<256x1x1x128xi32>
    %slice3A_1039 = vector.extract_strided_slice %reshape3A_1037 {offsets = [0, 0, 0, 0], sizes = [256, 1, 1, 128], strides = [1, 1, 1, 1]} : vector<256x2x1x128xi32> to vector<256x1x1x128xi32>
    %concatenate3A_1040 = tpu.concatenate %slice3A_1038, %slice3A_1039 in 1 : vector<256x1x1x128xi32>, vector<256x1x1x128xi32> -> vector<256x2x1x128xi32>
    %reshape3A_1041 = vector.shape_cast %concatenate3A_1040 : vector<256x2x1x128xi32> to vector<512x128xi32>
    %gt3A_1042 = arith.cmpi sgt, %select_n3A_1024, %reshape3A_1036 : vector<512x128xi32>
    %eq3A_1043 = arith.cmpi eq, %select_n3A_1024, %reshape3A_1036 : vector<512x128xi32>
    %lt3A_1044 = arith.cmpi slt, %select_n3A_1025, %reshape3A_1041 : vector<512x128xi32>
    %and3A_1045 = arith.andi %eq3A_1043, %lt3A_1044 : vector<512x128xi1>
    %or3A_1046 = arith.ori %gt3A_1042, %and3A_1045 : vector<512x128xi1>
    %not3A_1047 = arith.constant dense<true> : vector<512x128xi1>
    %not3A_1048 = arith.xori %ne3A_1031, %not3A_1047 : vector<512x128xi1>
    %and3A_1049 = arith.constant 128 : i32
    %and3A_1050 = vector.broadcast %and3A_1049 : i32 to vector<512x128xi32>
    %and3A_1051 = arith.andi %add3A, %and3A_1050 : vector<512x128xi32>
    %eq3A_1052 = arith.constant 0 : i32
    %eq3A_1053 = vector.broadcast %eq3A_1052 : i32 to vector<512x128xi32>
    %eq3A_1054 = arith.cmpi eq, %and3A_1051, %eq3A_1053 : vector<512x128xi32>
    %eq3A_1055 = arith.xori %not3A_1048, %eq3A_1054 : vector<512x128xi1>
    %eq3A_1056 = arith.constant dense<true> : vector<512x128xi1>
    %eq3A_1057 = arith.xori %eq3A_1055, %eq3A_1056 : vector<512x128xi1>
    %eq3A_1058 = arith.xori %or3A_1046, %eq3A_1057 : vector<512x128xi1>
    %eq3A_1059 = arith.constant dense<true> : vector<512x128xi1>
    %eq3A_1060 = arith.xori %eq3A_1058, %eq3A_1059 : vector<512x128xi1>
    %select_n3A_1061 = arith.select %eq3A_1060, %select_n3A_1024, %reshape3A_1036 : vector<512x128xi1>, vector<512x128xi32>
    %select_n3A_1062 = arith.select %eq3A_1060, %select_n3A_1025, %reshape3A_1041 : vector<512x128xi1>, vector<512x128xi32>
    %and3A_1063 = arith.constant 128 : i32
    %and3A_1064 = vector.broadcast %and3A_1063 : i32 to vector<512x128xi32>
    %and3A_1065 = arith.andi %add3A, %and3A_1064 : vector<512x128xi32>
    %ne3A_1066 = arith.constant 0 : i32
    %ne3A_1067 = vector.broadcast %ne3A_1066 : i32 to vector<512x128xi32>
    %ne3A_1068 = arith.cmpi ne, %and3A_1065, %ne3A_1067 : vector<512x128xi32>
    %roll3A = arith.constant 127 : i32
    %roll3A_1069 = tpu.dynamic_rotate %select_n3A_1061 by %roll3A dim 1 : vector<512x128xi32>, i32 -> vector<512x128xi32>
    %roll3A_1070 = arith.constant 1 : i32
    %roll3A_1071 = tpu.dynamic_rotate %select_n3A_1061 by %roll3A_1070 dim 1 : vector<512x128xi32>, i32 -> vector<512x128xi32>
    %roll3A_1072 = arith.constant 127 : i32
    %roll3A_1073 = tpu.dynamic_rotate %select_n3A_1062 by %roll3A_1072 dim 1 : vector<512x128xi32>, i32 -> vector<512x128xi32>
    %roll3A_1074 = arith.constant 1 : i32
    %roll3A_1075 = tpu.dynamic_rotate %select_n3A_1062 by %roll3A_1074 dim 1 : vector<512x128xi32>, i32 -> vector<512x128xi32>
    %select_n3A_1076 = arith.select %ne3A_1068, %roll3A_1071, %roll3A_1069 : vector<512x128xi1>, vector<512x128xi32>
    %select_n3A_1077 = arith.select %ne3A_1068, %roll3A_1075, %roll3A_1073 : vector<512x128xi1>, vector<512x128xi32>
    %gt3A_1078 = arith.cmpi sgt, %select_n3A_1061, %select_n3A_1076 : vector<512x128xi32>
    %eq3A_1079 = arith.cmpi eq, %select_n3A_1061, %select_n3A_1076 : vector<512x128xi32>
    %lt3A_1080 = arith.cmpi slt, %select_n3A_1062, %select_n3A_1077 : vector<512x128xi32>
    %and3A_1081 = arith.andi %eq3A_1079, %lt3A_1080 : vector<512x128xi1>
    %or3A_1082 = arith.ori %gt3A_1078, %and3A_1081 : vector<512x128xi1>
    %not3A_1083 = arith.constant dense<true> : vector<512x128xi1>
    %not3A_1084 = arith.xori %ne3A_1068, %not3A_1083 : vector<512x128xi1>
    %and3A_1085 = arith.constant 256 : i32
    %and3A_1086 = vector.broadcast %and3A_1085 : i32 to vector<512x128xi32>
    %and3A_1087 = arith.andi %add3A, %and3A_1086 : vector<512x128xi32>
    %eq3A_1088 = arith.constant 0 : i32
    %eq3A_1089 = vector.broadcast %eq3A_1088 : i32 to vector<512x128xi32>
    %eq3A_1090 = arith.cmpi eq, %and3A_1087, %eq3A_1089 : vector<512x128xi32>
    %eq3A_1091 = arith.xori %not3A_1084, %eq3A_1090 : vector<512x128xi1>
    %eq3A_1092 = arith.constant dense<true> : vector<512x128xi1>
    %eq3A_1093 = arith.xori %eq3A_1091, %eq3A_1092 : vector<512x128xi1>
    %eq3A_1094 = arith.xori %or3A_1082, %eq3A_1093 : vector<512x128xi1>
    %eq3A_1095 = arith.constant dense<true> : vector<512x128xi1>
    %eq3A_1096 = arith.xori %eq3A_1094, %eq3A_1095 : vector<512x128xi1>
    %select_n3A_1097 = arith.select %eq3A_1096, %select_n3A_1061, %select_n3A_1076 : vector<512x128xi1>, vector<512x128xi32>
    %select_n3A_1098 = arith.select %eq3A_1096, %select_n3A_1062, %select_n3A_1077 : vector<512x128xi1>, vector<512x128xi32>
    %and3A_1099 = arith.constant 64 : i32
    %and3A_1100 = vector.broadcast %and3A_1099 : i32 to vector<512x128xi32>
    %and3A_1101 = arith.andi %add3A, %and3A_1100 : vector<512x128xi32>
    %ne3A_1102 = arith.constant 0 : i32
    %ne3A_1103 = vector.broadcast %ne3A_1102 : i32 to vector<512x128xi32>
    %ne3A_1104 = arith.cmpi ne, %and3A_1101, %ne3A_1103 : vector<512x128xi32>
    %reshape3A_1105 = vector.shape_cast %select_n3A_1097 : vector<512x128xi32> to vector<4x2x64x128xi32>
    %slice3A_1106 = vector.extract_strided_slice %reshape3A_1105 {offsets = [0, 1, 0, 0], sizes = [4, 1, 64, 128], strides = [1, 1, 1, 1]} : vector<4x2x64x128xi32> to vector<4x1x64x128xi32>
    %slice3A_1107 = vector.extract_strided_slice %reshape3A_1105 {offsets = [0, 0, 0, 0], sizes = [4, 1, 64, 128], strides = [1, 1, 1, 1]} : vector<4x2x64x128xi32> to vector<4x1x64x128xi32>
    %concatenate3A_1108 = tpu.concatenate %slice3A_1106, %slice3A_1107 in 1 : vector<4x1x64x128xi32>, vector<4x1x64x128xi32> -> vector<4x2x64x128xi32>
    %reshape3A_1109 = vector.shape_cast %concatenate3A_1108 : vector<4x2x64x128xi32> to vector<512x128xi32>
    %reshape3A_1110 = vector.shape_cast %select_n3A_1098 : vector<512x128xi32> to vector<4x2x64x128xi32>
    %slice3A_1111 = vector.extract_strided_slice %reshape3A_1110 {offsets = [0, 1, 0, 0], sizes = [4, 1, 64, 128], strides = [1, 1, 1, 1]} : vector<4x2x64x128xi32> to vector<4x1x64x128xi32>
    %slice3A_1112 = vector.extract_strided_slice %reshape3A_1110 {offsets = [0, 0, 0, 0], sizes = [4, 1, 64, 128], strides = [1, 1, 1, 1]} : vector<4x2x64x128xi32> to vector<4x1x64x128xi32>
    %concatenate3A_1113 = tpu.concatenate %slice3A_1111, %slice3A_1112 in 1 : vector<4x1x64x128xi32>, vector<4x1x64x128xi32> -> vector<4x2x64x128xi32>
    %reshape3A_1114 = vector.shape_cast %concatenate3A_1113 : vector<4x2x64x128xi32> to vector<512x128xi32>
    %gt3A_1115 = arith.cmpi sgt, %select_n3A_1097, %reshape3A_1109 : vector<512x128xi32>
    %eq3A_1116 = arith.cmpi eq, %select_n3A_1097, %reshape3A_1109 : vector<512x128xi32>
    %lt3A_1117 = arith.cmpi slt, %select_n3A_1098, %reshape3A_1114 : vector<512x128xi32>
    %and3A_1118 = arith.andi %eq3A_1116, %lt3A_1117 : vector<512x128xi1>
    %or3A_1119 = arith.ori %gt3A_1115, %and3A_1118 : vector<512x128xi1>
    %not3A_1120 = arith.constant dense<true> : vector<512x128xi1>
    %not3A_1121 = arith.xori %ne3A_1104, %not3A_1120 : vector<512x128xi1>
    %and3A_1122 = arith.constant 256 : i32
    %and3A_1123 = vector.broadcast %and3A_1122 : i32 to vector<512x128xi32>
    %and3A_1124 = arith.andi %add3A, %and3A_1123 : vector<512x128xi32>
    %eq3A_1125 = arith.constant 0 : i32
    %eq3A_1126 = vector.broadcast %eq3A_1125 : i32 to vector<512x128xi32>
    %eq3A_1127 = arith.cmpi eq, %and3A_1124, %eq3A_1126 : vector<512x128xi32>
    %eq3A_1128 = arith.xori %not3A_1121, %eq3A_1127 : vector<512x128xi1>
    %eq3A_1129 = arith.constant dense<true> : vector<512x128xi1>
    %eq3A_1130 = arith.xori %eq3A_1128, %eq3A_1129 : vector<512x128xi1>
    %eq3A_1131 = arith.xori %or3A_1119, %eq3A_1130 : vector<512x128xi1>
    %eq3A_1132 = arith.constant dense<true> : vector<512x128xi1>
    %eq3A_1133 = arith.xori %eq3A_1131, %eq3A_1132 : vector<512x128xi1>
    %select_n3A_1134 = arith.select %eq3A_1133, %select_n3A_1097, %reshape3A_1109 : vector<512x128xi1>, vector<512x128xi32>
    %select_n3A_1135 = arith.select %eq3A_1133, %select_n3A_1098, %reshape3A_1114 : vector<512x128xi1>, vector<512x128xi32>
    %and3A_1136 = arith.constant 32 : i32
    %and3A_1137 = vector.broadcast %and3A_1136 : i32 to vector<512x128xi32>
    %and3A_1138 = arith.andi %add3A, %and3A_1137 : vector<512x128xi32>
    %ne3A_1139 = arith.constant 0 : i32
    %ne3A_1140 = vector.broadcast %ne3A_1139 : i32 to vector<512x128xi32>
    %ne3A_1141 = arith.cmpi ne, %and3A_1138, %ne3A_1140 : vector<512x128xi32>
    %reshape3A_1142 = vector.shape_cast %select_n3A_1134 : vector<512x128xi32> to vector<8x2x32x128xi32>
    %slice3A_1143 = vector.extract_strided_slice %reshape3A_1142 {offsets = [0, 1, 0, 0], sizes = [8, 1, 32, 128], strides = [1, 1, 1, 1]} : vector<8x2x32x128xi32> to vector<8x1x32x128xi32>
    %slice3A_1144 = vector.extract_strided_slice %reshape3A_1142 {offsets = [0, 0, 0, 0], sizes = [8, 1, 32, 128], strides = [1, 1, 1, 1]} : vector<8x2x32x128xi32> to vector<8x1x32x128xi32>
    %concatenate3A_1145 = tpu.concatenate %slice3A_1143, %slice3A_1144 in 1 : vector<8x1x32x128xi32>, vector<8x1x32x128xi32> -> vector<8x2x32x128xi32>
    %reshape3A_1146 = vector.shape_cast %concatenate3A_1145 : vector<8x2x32x128xi32> to vector<512x128xi32>
    %reshape3A_1147 = vector.shape_cast %select_n3A_1135 : vector<512x128xi32> to vector<8x2x32x128xi32>
    %slice3A_1148 = vector.extract_strided_slice %reshape3A_1147 {offsets = [0, 1, 0, 0], sizes = [8, 1, 32, 128], strides = [1, 1, 1, 1]} : vector<8x2x32x128xi32> to vector<8x1x32x128xi32>
    %slice3A_1149 = vector.extract_strided_slice %reshape3A_1147 {offsets = [0, 0, 0, 0], sizes = [8, 1, 32, 128], strides = [1, 1, 1, 1]} : vector<8x2x32x128xi32> to vector<8x1x32x128xi32>
    %concatenate3A_1150 = tpu.concatenate %slice3A_1148, %slice3A_1149 in 1 : vector<8x1x32x128xi32>, vector<8x1x32x128xi32> -> vector<8x2x32x128xi32>
    %reshape3A_1151 = vector.shape_cast %concatenate3A_1150 : vector<8x2x32x128xi32> to vector<512x128xi32>
    %gt3A_1152 = arith.cmpi sgt, %select_n3A_1134, %reshape3A_1146 : vector<512x128xi32>
    %eq3A_1153 = arith.cmpi eq, %select_n3A_1134, %reshape3A_1146 : vector<512x128xi32>
    %lt3A_1154 = arith.cmpi slt, %select_n3A_1135, %reshape3A_1151 : vector<512x128xi32>
    %and3A_1155 = arith.andi %eq3A_1153, %lt3A_1154 : vector<512x128xi1>
    %or3A_1156 = arith.ori %gt3A_1152, %and3A_1155 : vector<512x128xi1>
    %not3A_1157 = arith.constant dense<true> : vector<512x128xi1>
    %not3A_1158 = arith.xori %ne3A_1141, %not3A_1157 : vector<512x128xi1>
    %and3A_1159 = arith.constant 256 : i32
    %and3A_1160 = vector.broadcast %and3A_1159 : i32 to vector<512x128xi32>
    %and3A_1161 = arith.andi %add3A, %and3A_1160 : vector<512x128xi32>
    %eq3A_1162 = arith.constant 0 : i32
    %eq3A_1163 = vector.broadcast %eq3A_1162 : i32 to vector<512x128xi32>
    %eq3A_1164 = arith.cmpi eq, %and3A_1161, %eq3A_1163 : vector<512x128xi32>
    %eq3A_1165 = arith.xori %not3A_1158, %eq3A_1164 : vector<512x128xi1>
    %eq3A_1166 = arith.constant dense<true> : vector<512x128xi1>
    %eq3A_1167 = arith.xori %eq3A_1165, %eq3A_1166 : vector<512x128xi1>
    %eq3A_1168 = arith.xori %or3A_1156, %eq3A_1167 : vector<512x128xi1>
    %eq3A_1169 = arith.constant dense<true> : vector<512x128xi1>
    %eq3A_1170 = arith.xori %eq3A_1168, %eq3A_1169 : vector<512x128xi1>
    %select_n3A_1171 = arith.select %eq3A_1170, %select_n3A_1134, %reshape3A_1146 : vector<512x128xi1>, vector<512x128xi32>
    %select_n3A_1172 = arith.select %eq3A_1170, %select_n3A_1135, %reshape3A_1151 : vector<512x128xi1>, vector<512x128xi32>
    %and3A_1173 = arith.constant 16 : i32
    %and3A_1174 = vector.broadcast %and3A_1173 : i32 to vector<512x128xi32>
    %and3A_1175 = arith.andi %add3A, %and3A_1174 : vector<512x128xi32>
    %ne3A_1176 = arith.constant 0 : i32
    %ne3A_1177 = vector.broadcast %ne3A_1176 : i32 to vector<512x128xi32>
    %ne3A_1178 = arith.cmpi ne, %and3A_1175, %ne3A_1177 : vector<512x128xi32>
    %reshape3A_1179 = vector.shape_cast %select_n3A_1171 : vector<512x128xi32> to vector<16x2x16x128xi32>
    %slice3A_1180 = vector.extract_strided_slice %reshape3A_1179 {offsets = [0, 1, 0, 0], sizes = [16, 1, 16, 128], strides = [1, 1, 1, 1]} : vector<16x2x16x128xi32> to vector<16x1x16x128xi32>
    %slice3A_1181 = vector.extract_strided_slice %reshape3A_1179 {offsets = [0, 0, 0, 0], sizes = [16, 1, 16, 128], strides = [1, 1, 1, 1]} : vector<16x2x16x128xi32> to vector<16x1x16x128xi32>
    %concatenate3A_1182 = tpu.concatenate %slice3A_1180, %slice3A_1181 in 1 : vector<16x1x16x128xi32>, vector<16x1x16x128xi32> -> vector<16x2x16x128xi32>
    %reshape3A_1183 = vector.shape_cast %concatenate3A_1182 : vector<16x2x16x128xi32> to vector<512x128xi32>
    %reshape3A_1184 = vector.shape_cast %select_n3A_1172 : vector<512x128xi32> to vector<16x2x16x128xi32>
    %slice3A_1185 = vector.extract_strided_slice %reshape3A_1184 {offsets = [0, 1, 0, 0], sizes = [16, 1, 16, 128], strides = [1, 1, 1, 1]} : vector<16x2x16x128xi32> to vector<16x1x16x128xi32>
    %slice3A_1186 = vector.extract_strided_slice %reshape3A_1184 {offsets = [0, 0, 0, 0], sizes = [16, 1, 16, 128], strides = [1, 1, 1, 1]} : vector<16x2x16x128xi32> to vector<16x1x16x128xi32>
    %concatenate3A_1187 = tpu.concatenate %slice3A_1185, %slice3A_1186 in 1 : vector<16x1x16x128xi32>, vector<16x1x16x128xi32> -> vector<16x2x16x128xi32>
    %reshape3A_1188 = vector.shape_cast %concatenate3A_1187 : vector<16x2x16x128xi32> to vector<512x128xi32>
    %gt3A_1189 = arith.cmpi sgt, %select_n3A_1171, %reshape3A_1183 : vector<512x128xi32>
    %eq3A_1190 = arith.cmpi eq, %select_n3A_1171, %reshape3A_1183 : vector<512x128xi32>
    %lt3A_1191 = arith.cmpi slt, %select_n3A_1172, %reshape3A_1188 : vector<512x128xi32>
    %and3A_1192 = arith.andi %eq3A_1190, %lt3A_1191 : vector<512x128xi1>
    %or3A_1193 = arith.ori %gt3A_1189, %and3A_1192 : vector<512x128xi1>
    %not3A_1194 = arith.constant dense<true> : vector<512x128xi1>
    %not3A_1195 = arith.xori %ne3A_1178, %not3A_1194 : vector<512x128xi1>
    %and3A_1196 = arith.constant 256 : i32
    %and3A_1197 = vector.broadcast %and3A_1196 : i32 to vector<512x128xi32>
    %and3A_1198 = arith.andi %add3A, %and3A_1197 : vector<512x128xi32>
    %eq3A_1199 = arith.constant 0 : i32
    %eq3A_1200 = vector.broadcast %eq3A_1199 : i32 to vector<512x128xi32>
    %eq3A_1201 = arith.cmpi eq, %and3A_1198, %eq3A_1200 : vector<512x128xi32>
    %eq3A_1202 = arith.xori %not3A_1195, %eq3A_1201 : vector<512x128xi1>
    %eq3A_1203 = arith.constant dense<true> : vector<512x128xi1>
    %eq3A_1204 = arith.xori %eq3A_1202, %eq3A_1203 : vector<512x128xi1>
    %eq3A_1205 = arith.xori %or3A_1193, %eq3A_1204 : vector<512x128xi1>
    %eq3A_1206 = arith.constant dense<true> : vector<512x128xi1>
    %eq3A_1207 = arith.xori %eq3A_1205, %eq3A_1206 : vector<512x128xi1>
    %select_n3A_1208 = arith.select %eq3A_1207, %select_n3A_1171, %reshape3A_1183 : vector<512x128xi1>, vector<512x128xi32>
    %select_n3A_1209 = arith.select %eq3A_1207, %select_n3A_1172, %reshape3A_1188 : vector<512x128xi1>, vector<512x128xi32>
    %and3A_1210 = arith.constant 8 : i32
    %and3A_1211 = vector.broadcast %and3A_1210 : i32 to vector<512x128xi32>
    %and3A_1212 = arith.andi %add3A, %and3A_1211 : vector<512x128xi32>
    %ne3A_1213 = arith.constant 0 : i32
    %ne3A_1214 = vector.broadcast %ne3A_1213 : i32 to vector<512x128xi32>
    %ne3A_1215 = arith.cmpi ne, %and3A_1212, %ne3A_1214 : vector<512x128xi32>
    %reshape3A_1216 = vector.shape_cast %select_n3A_1208 : vector<512x128xi32> to vector<32x2x8x128xi32>
    %slice3A_1217 = vector.extract_strided_slice %reshape3A_1216 {offsets = [0, 1, 0, 0], sizes = [32, 1, 8, 128], strides = [1, 1, 1, 1]} : vector<32x2x8x128xi32> to vector<32x1x8x128xi32>
    %slice3A_1218 = vector.extract_strided_slice %reshape3A_1216 {offsets = [0, 0, 0, 0], sizes = [32, 1, 8, 128], strides = [1, 1, 1, 1]} : vector<32x2x8x128xi32> to vector<32x1x8x128xi32>
    %concatenate3A_1219 = tpu.concatenate %slice3A_1217, %slice3A_1218 in 1 : vector<32x1x8x128xi32>, vector<32x1x8x128xi32> -> vector<32x2x8x128xi32>
    %reshape3A_1220 = vector.shape_cast %concatenate3A_1219 : vector<32x2x8x128xi32> to vector<512x128xi32>
    %reshape3A_1221 = vector.shape_cast %select_n3A_1209 : vector<512x128xi32> to vector<32x2x8x128xi32>
    %slice3A_1222 = vector.extract_strided_slice %reshape3A_1221 {offsets = [0, 1, 0, 0], sizes = [32, 1, 8, 128], strides = [1, 1, 1, 1]} : vector<32x2x8x128xi32> to vector<32x1x8x128xi32>
    %slice3A_1223 = vector.extract_strided_slice %reshape3A_1221 {offsets = [0, 0, 0, 0], sizes = [32, 1, 8, 128], strides = [1, 1, 1, 1]} : vector<32x2x8x128xi32> to vector<32x1x8x128xi32>
    %concatenate3A_1224 = tpu.concatenate %slice3A_1222, %slice3A_1223 in 1 : vector<32x1x8x128xi32>, vector<32x1x8x128xi32> -> vector<32x2x8x128xi32>
    %reshape3A_1225 = vector.shape_cast %concatenate3A_1224 : vector<32x2x8x128xi32> to vector<512x128xi32>
    %gt3A_1226 = arith.cmpi sgt, %select_n3A_1208, %reshape3A_1220 : vector<512x128xi32>
    %eq3A_1227 = arith.cmpi eq, %select_n3A_1208, %reshape3A_1220 : vector<512x128xi32>
    %lt3A_1228 = arith.cmpi slt, %select_n3A_1209, %reshape3A_1225 : vector<512x128xi32>
    %and3A_1229 = arith.andi %eq3A_1227, %lt3A_1228 : vector<512x128xi1>
    %or3A_1230 = arith.ori %gt3A_1226, %and3A_1229 : vector<512x128xi1>
    %not3A_1231 = arith.constant dense<true> : vector<512x128xi1>
    %not3A_1232 = arith.xori %ne3A_1215, %not3A_1231 : vector<512x128xi1>
    %and3A_1233 = arith.constant 256 : i32
    %and3A_1234 = vector.broadcast %and3A_1233 : i32 to vector<512x128xi32>
    %and3A_1235 = arith.andi %add3A, %and3A_1234 : vector<512x128xi32>
    %eq3A_1236 = arith.constant 0 : i32
    %eq3A_1237 = vector.broadcast %eq3A_1236 : i32 to vector<512x128xi32>
    %eq3A_1238 = arith.cmpi eq, %and3A_1235, %eq3A_1237 : vector<512x128xi32>
    %eq3A_1239 = arith.xori %not3A_1232, %eq3A_1238 : vector<512x128xi1>
    %eq3A_1240 = arith.constant dense<true> : vector<512x128xi1>
    %eq3A_1241 = arith.xori %eq3A_1239, %eq3A_1240 : vector<512x128xi1>
    %eq3A_1242 = arith.xori %or3A_1230, %eq3A_1241 : vector<512x128xi1>
    %eq3A_1243 = arith.constant dense<true> : vector<512x128xi1>
    %eq3A_1244 = arith.xori %eq3A_1242, %eq3A_1243 : vector<512x128xi1>
    %select_n3A_1245 = arith.select %eq3A_1244, %select_n3A_1208, %reshape3A_1220 : vector<512x128xi1>, vector<512x128xi32>
    %select_n3A_1246 = arith.select %eq3A_1244, %select_n3A_1209, %reshape3A_1225 : vector<512x128xi1>, vector<512x128xi32>
    %and3A_1247 = arith.constant 4 : i32
    %and3A_1248 = vector.broadcast %and3A_1247 : i32 to vector<512x128xi32>
    %and3A_1249 = arith.andi %add3A, %and3A_1248 : vector<512x128xi32>
    %ne3A_1250 = arith.constant 0 : i32
    %ne3A_1251 = vector.broadcast %ne3A_1250 : i32 to vector<512x128xi32>
    %ne3A_1252 = arith.cmpi ne, %and3A_1249, %ne3A_1251 : vector<512x128xi32>
    %reshape3A_1253 = vector.shape_cast %select_n3A_1245 : vector<512x128xi32> to vector<64x2x4x128xi32>
    %slice3A_1254 = vector.extract_strided_slice %reshape3A_1253 {offsets = [0, 1, 0, 0], sizes = [64, 1, 4, 128], strides = [1, 1, 1, 1]} : vector<64x2x4x128xi32> to vector<64x1x4x128xi32>
    %slice3A_1255 = vector.extract_strided_slice %reshape3A_1253 {offsets = [0, 0, 0, 0], sizes = [64, 1, 4, 128], strides = [1, 1, 1, 1]} : vector<64x2x4x128xi32> to vector<64x1x4x128xi32>
    %concatenate3A_1256 = tpu.concatenate %slice3A_1254, %slice3A_1255 in 1 : vector<64x1x4x128xi32>, vector<64x1x4x128xi32> -> vector<64x2x4x128xi32>
    %reshape3A_1257 = vector.shape_cast %concatenate3A_1256 : vector<64x2x4x128xi32> to vector<512x128xi32>
    %reshape3A_1258 = vector.shape_cast %select_n3A_1246 : vector<512x128xi32> to vector<64x2x4x128xi32>
    %slice3A_1259 = vector.extract_strided_slice %reshape3A_1258 {offsets = [0, 1, 0, 0], sizes = [64, 1, 4, 128], strides = [1, 1, 1, 1]} : vector<64x2x4x128xi32> to vector<64x1x4x128xi32>
    %slice3A_1260 = vector.extract_strided_slice %reshape3A_1258 {offsets = [0, 0, 0, 0], sizes = [64, 1, 4, 128], strides = [1, 1, 1, 1]} : vector<64x2x4x128xi32> to vector<64x1x4x128xi32>
    %concatenate3A_1261 = tpu.concatenate %slice3A_1259, %slice3A_1260 in 1 : vector<64x1x4x128xi32>, vector<64x1x4x128xi32> -> vector<64x2x4x128xi32>
    %reshape3A_1262 = vector.shape_cast %concatenate3A_1261 : vector<64x2x4x128xi32> to vector<512x128xi32>
    %gt3A_1263 = arith.cmpi sgt, %select_n3A_1245, %reshape3A_1257 : vector<512x128xi32>
    %eq3A_1264 = arith.cmpi eq, %select_n3A_1245, %reshape3A_1257 : vector<512x128xi32>
    %lt3A_1265 = arith.cmpi slt, %select_n3A_1246, %reshape3A_1262 : vector<512x128xi32>
    %and3A_1266 = arith.andi %eq3A_1264, %lt3A_1265 : vector<512x128xi1>
    %or3A_1267 = arith.ori %gt3A_1263, %and3A_1266 : vector<512x128xi1>
    %not3A_1268 = arith.constant dense<true> : vector<512x128xi1>
    %not3A_1269 = arith.xori %ne3A_1252, %not3A_1268 : vector<512x128xi1>
    %and3A_1270 = arith.constant 256 : i32
    %and3A_1271 = vector.broadcast %and3A_1270 : i32 to vector<512x128xi32>
    %and3A_1272 = arith.andi %add3A, %and3A_1271 : vector<512x128xi32>
    %eq3A_1273 = arith.constant 0 : i32
    %eq3A_1274 = vector.broadcast %eq3A_1273 : i32 to vector<512x128xi32>
    %eq3A_1275 = arith.cmpi eq, %and3A_1272, %eq3A_1274 : vector<512x128xi32>
    %eq3A_1276 = arith.xori %not3A_1269, %eq3A_1275 : vector<512x128xi1>
    %eq3A_1277 = arith.constant dense<true> : vector<512x128xi1>
    %eq3A_1278 = arith.xori %eq3A_1276, %eq3A_1277 : vector<512x128xi1>
    %eq3A_1279 = arith.xori %or3A_1267, %eq3A_1278 : vector<512x128xi1>
    %eq3A_1280 = arith.constant dense<true> : vector<512x128xi1>
    %eq3A_1281 = arith.xori %eq3A_1279, %eq3A_1280 : vector<512x128xi1>
    %select_n3A_1282 = arith.select %eq3A_1281, %select_n3A_1245, %reshape3A_1257 : vector<512x128xi1>, vector<512x128xi32>
    %select_n3A_1283 = arith.select %eq3A_1281, %select_n3A_1246, %reshape3A_1262 : vector<512x128xi1>, vector<512x128xi32>
    %and3A_1284 = arith.constant 2 : i32
    %and3A_1285 = vector.broadcast %and3A_1284 : i32 to vector<512x128xi32>
    %and3A_1286 = arith.andi %add3A, %and3A_1285 : vector<512x128xi32>
    %ne3A_1287 = arith.constant 0 : i32
    %ne3A_1288 = vector.broadcast %ne3A_1287 : i32 to vector<512x128xi32>
    %ne3A_1289 = arith.cmpi ne, %and3A_1286, %ne3A_1288 : vector<512x128xi32>
    %reshape3A_1290 = vector.shape_cast %select_n3A_1282 : vector<512x128xi32> to vector<128x2x2x128xi32>
    %slice3A_1291 = vector.extract_strided_slice %reshape3A_1290 {offsets = [0, 1, 0, 0], sizes = [128, 1, 2, 128], strides = [1, 1, 1, 1]} : vector<128x2x2x128xi32> to vector<128x1x2x128xi32>
    %slice3A_1292 = vector.extract_strided_slice %reshape3A_1290 {offsets = [0, 0, 0, 0], sizes = [128, 1, 2, 128], strides = [1, 1, 1, 1]} : vector<128x2x2x128xi32> to vector<128x1x2x128xi32>
    %concatenate3A_1293 = tpu.concatenate %slice3A_1291, %slice3A_1292 in 1 : vector<128x1x2x128xi32>, vector<128x1x2x128xi32> -> vector<128x2x2x128xi32>
    %reshape3A_1294 = vector.shape_cast %concatenate3A_1293 : vector<128x2x2x128xi32> to vector<512x128xi32>
    %reshape3A_1295 = vector.shape_cast %select_n3A_1283 : vector<512x128xi32> to vector<128x2x2x128xi32>
    %slice3A_1296 = vector.extract_strided_slice %reshape3A_1295 {offsets = [0, 1, 0, 0], sizes = [128, 1, 2, 128], strides = [1, 1, 1, 1]} : vector<128x2x2x128xi32> to vector<128x1x2x128xi32>
    %slice3A_1297 = vector.extract_strided_slice %reshape3A_1295 {offsets = [0, 0, 0, 0], sizes = [128, 1, 2, 128], strides = [1, 1, 1, 1]} : vector<128x2x2x128xi32> to vector<128x1x2x128xi32>
    %concatenate3A_1298 = tpu.concatenate %slice3A_1296, %slice3A_1297 in 1 : vector<128x1x2x128xi32>, vector<128x1x2x128xi32> -> vector<128x2x2x128xi32>
    %reshape3A_1299 = vector.shape_cast %concatenate3A_1298 : vector<128x2x2x128xi32> to vector<512x128xi32>
    %gt3A_1300 = arith.cmpi sgt, %select_n3A_1282, %reshape3A_1294 : vector<512x128xi32>
    %eq3A_1301 = arith.cmpi eq, %select_n3A_1282, %reshape3A_1294 : vector<512x128xi32>
    %lt3A_1302 = arith.cmpi slt, %select_n3A_1283, %reshape3A_1299 : vector<512x128xi32>
    %and3A_1303 = arith.andi %eq3A_1301, %lt3A_1302 : vector<512x128xi1>
    %or3A_1304 = arith.ori %gt3A_1300, %and3A_1303 : vector<512x128xi1>
    %not3A_1305 = arith.constant dense<true> : vector<512x128xi1>
    %not3A_1306 = arith.xori %ne3A_1289, %not3A_1305 : vector<512x128xi1>
    %and3A_1307 = arith.constant 256 : i32
    %and3A_1308 = vector.broadcast %and3A_1307 : i32 to vector<512x128xi32>
    %and3A_1309 = arith.andi %add3A, %and3A_1308 : vector<512x128xi32>
    %eq3A_1310 = arith.constant 0 : i32
    %eq3A_1311 = vector.broadcast %eq3A_1310 : i32 to vector<512x128xi32>
    %eq3A_1312 = arith.cmpi eq, %and3A_1309, %eq3A_1311 : vector<512x128xi32>
    %eq3A_1313 = arith.xori %not3A_1306, %eq3A_1312 : vector<512x128xi1>
    %eq3A_1314 = arith.constant dense<true> : vector<512x128xi1>
    %eq3A_1315 = arith.xori %eq3A_1313, %eq3A_1314 : vector<512x128xi1>
    %eq3A_1316 = arith.xori %or3A_1304, %eq3A_1315 : vector<512x128xi1>
    %eq3A_1317 = arith.constant dense<true> : vector<512x128xi1>
    %eq3A_1318 = arith.xori %eq3A_1316, %eq3A_1317 : vector<512x128xi1>
    %select_n3A_1319 = arith.select %eq3A_1318, %select_n3A_1282, %reshape3A_1294 : vector<512x128xi1>, vector<512x128xi32>
    %select_n3A_1320 = arith.select %eq3A_1318, %select_n3A_1283, %reshape3A_1299 : vector<512x128xi1>, vector<512x128xi32>
    %and3A_1321 = arith.constant 1 : i32
    %and3A_1322 = vector.broadcast %and3A_1321 : i32 to vector<512x128xi32>
    %and3A_1323 = arith.andi %add3A, %and3A_1322 : vector<512x128xi32>
    %ne3A_1324 = arith.constant 0 : i32
    %ne3A_1325 = vector.broadcast %ne3A_1324 : i32 to vector<512x128xi32>
    %ne3A_1326 = arith.cmpi ne, %and3A_1323, %ne3A_1325 : vector<512x128xi32>
    %reshape3A_1327 = vector.shape_cast %select_n3A_1319 : vector<512x128xi32> to vector<256x2x1x128xi32>
    %slice3A_1328 = vector.extract_strided_slice %reshape3A_1327 {offsets = [0, 1, 0, 0], sizes = [256, 1, 1, 128], strides = [1, 1, 1, 1]} : vector<256x2x1x128xi32> to vector<256x1x1x128xi32>
    %slice3A_1329 = vector.extract_strided_slice %reshape3A_1327 {offsets = [0, 0, 0, 0], sizes = [256, 1, 1, 128], strides = [1, 1, 1, 1]} : vector<256x2x1x128xi32> to vector<256x1x1x128xi32>
    %concatenate3A_1330 = tpu.concatenate %slice3A_1328, %slice3A_1329 in 1 : vector<256x1x1x128xi32>, vector<256x1x1x128xi32> -> vector<256x2x1x128xi32>
    %reshape3A_1331 = vector.shape_cast %concatenate3A_1330 : vector<256x2x1x128xi32> to vector<512x128xi32>
    %reshape3A_1332 = vector.shape_cast %select_n3A_1320 : vector<512x128xi32> to vector<256x2x1x128xi32>
    %slice3A_1333 = vector.extract_strided_slice %reshape3A_1332 {offsets = [0, 1, 0, 0], sizes = [256, 1, 1, 128], strides = [1, 1, 1, 1]} : vector<256x2x1x128xi32> to vector<256x1x1x128xi32>
    %slice3A_1334 = vector.extract_strided_slice %reshape3A_1332 {offsets = [0, 0, 0, 0], sizes = [256, 1, 1, 128], strides = [1, 1, 1, 1]} : vector<256x2x1x128xi32> to vector<256x1x1x128xi32>
    %concatenate3A_1335 = tpu.concatenate %slice3A_1333, %slice3A_1334 in 1 : vector<256x1x1x128xi32>, vector<256x1x1x128xi32> -> vector<256x2x1x128xi32>
    %reshape3A_1336 = vector.shape_cast %concatenate3A_1335 : vector<256x2x1x128xi32> to vector<512x128xi32>
    %gt3A_1337 = arith.cmpi sgt, %select_n3A_1319, %reshape3A_1331 : vector<512x128xi32>
    %eq3A_1338 = arith.cmpi eq, %select_n3A_1319, %reshape3A_1331 : vector<512x128xi32>
    %lt3A_1339 = arith.cmpi slt, %select_n3A_1320, %reshape3A_1336 : vector<512x128xi32>
    %and3A_1340 = arith.andi %eq3A_1338, %lt3A_1339 : vector<512x128xi1>
    %or3A_1341 = arith.ori %gt3A_1337, %and3A_1340 : vector<512x128xi1>
    %not3A_1342 = arith.constant dense<true> : vector<512x128xi1>
    %not3A_1343 = arith.xori %ne3A_1326, %not3A_1342 : vector<512x128xi1>
    %and3A_1344 = arith.constant 256 : i32
    %and3A_1345 = vector.broadcast %and3A_1344 : i32 to vector<512x128xi32>
    %and3A_1346 = arith.andi %add3A, %and3A_1345 : vector<512x128xi32>
    %eq3A_1347 = arith.constant 0 : i32
    %eq3A_1348 = vector.broadcast %eq3A_1347 : i32 to vector<512x128xi32>
    %eq3A_1349 = arith.cmpi eq, %and3A_1346, %eq3A_1348 : vector<512x128xi32>
    %eq3A_1350 = arith.xori %not3A_1343, %eq3A_1349 : vector<512x128xi1>
    %eq3A_1351 = arith.constant dense<true> : vector<512x128xi1>
    %eq3A_1352 = arith.xori %eq3A_1350, %eq3A_1351 : vector<512x128xi1>
    %eq3A_1353 = arith.xori %or3A_1341, %eq3A_1352 : vector<512x128xi1>
    %eq3A_1354 = arith.constant dense<true> : vector<512x128xi1>
    %eq3A_1355 = arith.xori %eq3A_1353, %eq3A_1354 : vector<512x128xi1>
    %select_n3A_1356 = arith.select %eq3A_1355, %select_n3A_1319, %reshape3A_1331 : vector<512x128xi1>, vector<512x128xi32>
    %select_n3A_1357 = arith.select %eq3A_1355, %select_n3A_1320, %reshape3A_1336 : vector<512x128xi1>, vector<512x128xi32>
    %and3A_1358 = arith.constant 256 : i32
    %and3A_1359 = vector.broadcast %and3A_1358 : i32 to vector<512x128xi32>
    %and3A_1360 = arith.andi %add3A, %and3A_1359 : vector<512x128xi32>
    %ne3A_1361 = arith.constant 0 : i32
    %ne3A_1362 = vector.broadcast %ne3A_1361 : i32 to vector<512x128xi32>
    %ne3A_1363 = arith.cmpi ne, %and3A_1360, %ne3A_1362 : vector<512x128xi32>
    %roll3A_1364 = arith.constant 126 : i32
    %roll3A_1365 = tpu.dynamic_rotate %select_n3A_1356 by %roll3A_1364 dim 1 : vector<512x128xi32>, i32 -> vector<512x128xi32>
    %roll3A_1366 = arith.constant 2 : i32
    %roll3A_1367 = tpu.dynamic_rotate %select_n3A_1356 by %roll3A_1366 dim 1 : vector<512x128xi32>, i32 -> vector<512x128xi32>
    %roll3A_1368 = arith.constant 126 : i32
    %roll3A_1369 = tpu.dynamic_rotate %select_n3A_1357 by %roll3A_1368 dim 1 : vector<512x128xi32>, i32 -> vector<512x128xi32>
    %roll3A_1370 = arith.constant 2 : i32
    %roll3A_1371 = tpu.dynamic_rotate %select_n3A_1357 by %roll3A_1370 dim 1 : vector<512x128xi32>, i32 -> vector<512x128xi32>
    %select_n3A_1372 = arith.select %ne3A_1363, %roll3A_1367, %roll3A_1365 : vector<512x128xi1>, vector<512x128xi32>
    %select_n3A_1373 = arith.select %ne3A_1363, %roll3A_1371, %roll3A_1369 : vector<512x128xi1>, vector<512x128xi32>
    %gt3A_1374 = arith.cmpi sgt, %select_n3A_1356, %select_n3A_1372 : vector<512x128xi32>
    %eq3A_1375 = arith.cmpi eq, %select_n3A_1356, %select_n3A_1372 : vector<512x128xi32>
    %lt3A_1376 = arith.cmpi slt, %select_n3A_1357, %select_n3A_1373 : vector<512x128xi32>
    %and3A_1377 = arith.andi %eq3A_1375, %lt3A_1376 : vector<512x128xi1>
    %or3A_1378 = arith.ori %gt3A_1374, %and3A_1377 : vector<512x128xi1>
    %not3A_1379 = arith.constant dense<true> : vector<512x128xi1>
    %not3A_1380 = arith.xori %ne3A_1363, %not3A_1379 : vector<512x128xi1>
    %and3A_1381 = arith.constant 512 : i32
    %and3A_1382 = vector.broadcast %and3A_1381 : i32 to vector<512x128xi32>
    %and3A_1383 = arith.andi %add3A, %and3A_1382 : vector<512x128xi32>
    %eq3A_1384 = arith.constant 0 : i32
    %eq3A_1385 = vector.broadcast %eq3A_1384 : i32 to vector<512x128xi32>
    %eq3A_1386 = arith.cmpi eq, %and3A_1383, %eq3A_1385 : vector<512x128xi32>
    %eq3A_1387 = arith.xori %not3A_1380, %eq3A_1386 : vector<512x128xi1>
    %eq3A_1388 = arith.constant dense<true> : vector<512x128xi1>
    %eq3A_1389 = arith.xori %eq3A_1387, %eq3A_1388 : vector<512x128xi1>
    %eq3A_1390 = arith.xori %or3A_1378, %eq3A_1389 : vector<512x128xi1>
    %eq3A_1391 = arith.constant dense<true> : vector<512x128xi1>
    %eq3A_1392 = arith.xori %eq3A_1390, %eq3A_1391 : vector<512x128xi1>
    %select_n3A_1393 = arith.select %eq3A_1392, %select_n3A_1356, %select_n3A_1372 : vector<512x128xi1>, vector<512x128xi32>
    %select_n3A_1394 = arith.select %eq3A_1392, %select_n3A_1357, %select_n3A_1373 : vector<512x128xi1>, vector<512x128xi32>
    %and3A_1395 = arith.constant 128 : i32
    %and3A_1396 = vector.broadcast %and3A_1395 : i32 to vector<512x128xi32>
    %and3A_1397 = arith.andi %add3A, %and3A_1396 : vector<512x128xi32>
    %ne3A_1398 = arith.constant 0 : i32
    %ne3A_1399 = vector.broadcast %ne3A_1398 : i32 to vector<512x128xi32>
    %ne3A_1400 = arith.cmpi ne, %and3A_1397, %ne3A_1399 : vector<512x128xi32>
    %roll3A_1401 = arith.constant 127 : i32
    %roll3A_1402 = tpu.dynamic_rotate %select_n3A_1393 by %roll3A_1401 dim 1 : vector<512x128xi32>, i32 -> vector<512x128xi32>
    %roll3A_1403 = arith.constant 1 : i32
    %roll3A_1404 = tpu.dynamic_rotate %select_n3A_1393 by %roll3A_1403 dim 1 : vector<512x128xi32>, i32 -> vector<512x128xi32>
    %roll3A_1405 = arith.constant 127 : i32
    %roll3A_1406 = tpu.dynamic_rotate %select_n3A_1394 by %roll3A_1405 dim 1 : vector<512x128xi32>, i32 -> vector<512x128xi32>
    %roll3A_1407 = arith.constant 1 : i32
    %roll3A_1408 = tpu.dynamic_rotate %select_n3A_1394 by %roll3A_1407 dim 1 : vector<512x128xi32>, i32 -> vector<512x128xi32>
    %select_n3A_1409 = arith.select %ne3A_1400, %roll3A_1404, %roll3A_1402 : vector<512x128xi1>, vector<512x128xi32>
    %select_n3A_1410 = arith.select %ne3A_1400, %roll3A_1408, %roll3A_1406 : vector<512x128xi1>, vector<512x128xi32>
    %gt3A_1411 = arith.cmpi sgt, %select_n3A_1393, %select_n3A_1409 : vector<512x128xi32>
    %eq3A_1412 = arith.cmpi eq, %select_n3A_1393, %select_n3A_1409 : vector<512x128xi32>
    %lt3A_1413 = arith.cmpi slt, %select_n3A_1394, %select_n3A_1410 : vector<512x128xi32>
    %and3A_1414 = arith.andi %eq3A_1412, %lt3A_1413 : vector<512x128xi1>
    %or3A_1415 = arith.ori %gt3A_1411, %and3A_1414 : vector<512x128xi1>
    %not3A_1416 = arith.constant dense<true> : vector<512x128xi1>
    %not3A_1417 = arith.xori %ne3A_1400, %not3A_1416 : vector<512x128xi1>
    %and3A_1418 = arith.constant 512 : i32
    %and3A_1419 = vector.broadcast %and3A_1418 : i32 to vector<512x128xi32>
    %and3A_1420 = arith.andi %add3A, %and3A_1419 : vector<512x128xi32>
    %eq3A_1421 = arith.constant 0 : i32
    %eq3A_1422 = vector.broadcast %eq3A_1421 : i32 to vector<512x128xi32>
    %eq3A_1423 = arith.cmpi eq, %and3A_1420, %eq3A_1422 : vector<512x128xi32>
    %eq3A_1424 = arith.xori %not3A_1417, %eq3A_1423 : vector<512x128xi1>
    %eq3A_1425 = arith.constant dense<true> : vector<512x128xi1>
    %eq3A_1426 = arith.xori %eq3A_1424, %eq3A_1425 : vector<512x128xi1>
    %eq3A_1427 = arith.xori %or3A_1415, %eq3A_1426 : vector<512x128xi1>
    %eq3A_1428 = arith.constant dense<true> : vector<512x128xi1>
    %eq3A_1429 = arith.xori %eq3A_1427, %eq3A_1428 : vector<512x128xi1>
    %select_n3A_1430 = arith.select %eq3A_1429, %select_n3A_1393, %select_n3A_1409 : vector<512x128xi1>, vector<512x128xi32>
    %select_n3A_1431 = arith.select %eq3A_1429, %select_n3A_1394, %select_n3A_1410 : vector<512x128xi1>, vector<512x128xi32>
    %and3A_1432 = arith.constant 64 : i32
    %and3A_1433 = vector.broadcast %and3A_1432 : i32 to vector<512x128xi32>
    %and3A_1434 = arith.andi %add3A, %and3A_1433 : vector<512x128xi32>
    %ne3A_1435 = arith.constant 0 : i32
    %ne3A_1436 = vector.broadcast %ne3A_1435 : i32 to vector<512x128xi32>
    %ne3A_1437 = arith.cmpi ne, %and3A_1434, %ne3A_1436 : vector<512x128xi32>
    %reshape3A_1438 = vector.shape_cast %select_n3A_1430 : vector<512x128xi32> to vector<4x2x64x128xi32>
    %slice3A_1439 = vector.extract_strided_slice %reshape3A_1438 {offsets = [0, 1, 0, 0], sizes = [4, 1, 64, 128], strides = [1, 1, 1, 1]} : vector<4x2x64x128xi32> to vector<4x1x64x128xi32>
    %slice3A_1440 = vector.extract_strided_slice %reshape3A_1438 {offsets = [0, 0, 0, 0], sizes = [4, 1, 64, 128], strides = [1, 1, 1, 1]} : vector<4x2x64x128xi32> to vector<4x1x64x128xi32>
    %concatenate3A_1441 = tpu.concatenate %slice3A_1439, %slice3A_1440 in 1 : vector<4x1x64x128xi32>, vector<4x1x64x128xi32> -> vector<4x2x64x128xi32>
    %reshape3A_1442 = vector.shape_cast %concatenate3A_1441 : vector<4x2x64x128xi32> to vector<512x128xi32>
    %reshape3A_1443 = vector.shape_cast %select_n3A_1431 : vector<512x128xi32> to vector<4x2x64x128xi32>
    %slice3A_1444 = vector.extract_strided_slice %reshape3A_1443 {offsets = [0, 1, 0, 0], sizes = [4, 1, 64, 128], strides = [1, 1, 1, 1]} : vector<4x2x64x128xi32> to vector<4x1x64x128xi32>
    %slice3A_1445 = vector.extract_strided_slice %reshape3A_1443 {offsets = [0, 0, 0, 0], sizes = [4, 1, 64, 128], strides = [1, 1, 1, 1]} : vector<4x2x64x128xi32> to vector<4x1x64x128xi32>
    %concatenate3A_1446 = tpu.concatenate %slice3A_1444, %slice3A_1445 in 1 : vector<4x1x64x128xi32>, vector<4x1x64x128xi32> -> vector<4x2x64x128xi32>
    %reshape3A_1447 = vector.shape_cast %concatenate3A_1446 : vector<4x2x64x128xi32> to vector<512x128xi32>
    %gt3A_1448 = arith.cmpi sgt, %select_n3A_1430, %reshape3A_1442 : vector<512x128xi32>
    %eq3A_1449 = arith.cmpi eq, %select_n3A_1430, %reshape3A_1442 : vector<512x128xi32>
    %lt3A_1450 = arith.cmpi slt, %select_n3A_1431, %reshape3A_1447 : vector<512x128xi32>
    %and3A_1451 = arith.andi %eq3A_1449, %lt3A_1450 : vector<512x128xi1>
    %or3A_1452 = arith.ori %gt3A_1448, %and3A_1451 : vector<512x128xi1>
    %not3A_1453 = arith.constant dense<true> : vector<512x128xi1>
    %not3A_1454 = arith.xori %ne3A_1437, %not3A_1453 : vector<512x128xi1>
    %and3A_1455 = arith.constant 512 : i32
    %and3A_1456 = vector.broadcast %and3A_1455 : i32 to vector<512x128xi32>
    %and3A_1457 = arith.andi %add3A, %and3A_1456 : vector<512x128xi32>
    %eq3A_1458 = arith.constant 0 : i32
    %eq3A_1459 = vector.broadcast %eq3A_1458 : i32 to vector<512x128xi32>
    %eq3A_1460 = arith.cmpi eq, %and3A_1457, %eq3A_1459 : vector<512x128xi32>
    %eq3A_1461 = arith.xori %not3A_1454, %eq3A_1460 : vector<512x128xi1>
    %eq3A_1462 = arith.constant dense<true> : vector<512x128xi1>
    %eq3A_1463 = arith.xori %eq3A_1461, %eq3A_1462 : vector<512x128xi1>
    %eq3A_1464 = arith.xori %or3A_1452, %eq3A_1463 : vector<512x128xi1>
    %eq3A_1465 = arith.constant dense<true> : vector<512x128xi1>
    %eq3A_1466 = arith.xori %eq3A_1464, %eq3A_1465 : vector<512x128xi1>
    %select_n3A_1467 = arith.select %eq3A_1466, %select_n3A_1430, %reshape3A_1442 : vector<512x128xi1>, vector<512x128xi32>
    %select_n3A_1468 = arith.select %eq3A_1466, %select_n3A_1431, %reshape3A_1447 : vector<512x128xi1>, vector<512x128xi32>
    %and3A_1469 = arith.constant 32 : i32
    %and3A_1470 = vector.broadcast %and3A_1469 : i32 to vector<512x128xi32>
    %and3A_1471 = arith.andi %add3A, %and3A_1470 : vector<512x128xi32>
    %ne3A_1472 = arith.constant 0 : i32
    %ne3A_1473 = vector.broadcast %ne3A_1472 : i32 to vector<512x128xi32>
    %ne3A_1474 = arith.cmpi ne, %and3A_1471, %ne3A_1473 : vector<512x128xi32>
    %reshape3A_1475 = vector.shape_cast %select_n3A_1467 : vector<512x128xi32> to vector<8x2x32x128xi32>
    %slice3A_1476 = vector.extract_strided_slice %reshape3A_1475 {offsets = [0, 1, 0, 0], sizes = [8, 1, 32, 128], strides = [1, 1, 1, 1]} : vector<8x2x32x128xi32> to vector<8x1x32x128xi32>
    %slice3A_1477 = vector.extract_strided_slice %reshape3A_1475 {offsets = [0, 0, 0, 0], sizes = [8, 1, 32, 128], strides = [1, 1, 1, 1]} : vector<8x2x32x128xi32> to vector<8x1x32x128xi32>
    %concatenate3A_1478 = tpu.concatenate %slice3A_1476, %slice3A_1477 in 1 : vector<8x1x32x128xi32>, vector<8x1x32x128xi32> -> vector<8x2x32x128xi32>
    %reshape3A_1479 = vector.shape_cast %concatenate3A_1478 : vector<8x2x32x128xi32> to vector<512x128xi32>
    %reshape3A_1480 = vector.shape_cast %select_n3A_1468 : vector<512x128xi32> to vector<8x2x32x128xi32>
    %slice3A_1481 = vector.extract_strided_slice %reshape3A_1480 {offsets = [0, 1, 0, 0], sizes = [8, 1, 32, 128], strides = [1, 1, 1, 1]} : vector<8x2x32x128xi32> to vector<8x1x32x128xi32>
    %slice3A_1482 = vector.extract_strided_slice %reshape3A_1480 {offsets = [0, 0, 0, 0], sizes = [8, 1, 32, 128], strides = [1, 1, 1, 1]} : vector<8x2x32x128xi32> to vector<8x1x32x128xi32>
    %concatenate3A_1483 = tpu.concatenate %slice3A_1481, %slice3A_1482 in 1 : vector<8x1x32x128xi32>, vector<8x1x32x128xi32> -> vector<8x2x32x128xi32>
    %reshape3A_1484 = vector.shape_cast %concatenate3A_1483 : vector<8x2x32x128xi32> to vector<512x128xi32>
    %gt3A_1485 = arith.cmpi sgt, %select_n3A_1467, %reshape3A_1479 : vector<512x128xi32>
    %eq3A_1486 = arith.cmpi eq, %select_n3A_1467, %reshape3A_1479 : vector<512x128xi32>
    %lt3A_1487 = arith.cmpi slt, %select_n3A_1468, %reshape3A_1484 : vector<512x128xi32>
    %and3A_1488 = arith.andi %eq3A_1486, %lt3A_1487 : vector<512x128xi1>
    %or3A_1489 = arith.ori %gt3A_1485, %and3A_1488 : vector<512x128xi1>
    %not3A_1490 = arith.constant dense<true> : vector<512x128xi1>
    %not3A_1491 = arith.xori %ne3A_1474, %not3A_1490 : vector<512x128xi1>
    %and3A_1492 = arith.constant 512 : i32
    %and3A_1493 = vector.broadcast %and3A_1492 : i32 to vector<512x128xi32>
    %and3A_1494 = arith.andi %add3A, %and3A_1493 : vector<512x128xi32>
    %eq3A_1495 = arith.constant 0 : i32
    %eq3A_1496 = vector.broadcast %eq3A_1495 : i32 to vector<512x128xi32>
    %eq3A_1497 = arith.cmpi eq, %and3A_1494, %eq3A_1496 : vector<512x128xi32>
    %eq3A_1498 = arith.xori %not3A_1491, %eq3A_1497 : vector<512x128xi1>
    %eq3A_1499 = arith.constant dense<true> : vector<512x128xi1>
    %eq3A_1500 = arith.xori %eq3A_1498, %eq3A_1499 : vector<512x128xi1>
    %eq3A_1501 = arith.xori %or3A_1489, %eq3A_1500 : vector<512x128xi1>
    %eq3A_1502 = arith.constant dense<true> : vector<512x128xi1>
    %eq3A_1503 = arith.xori %eq3A_1501, %eq3A_1502 : vector<512x128xi1>
    %select_n3A_1504 = arith.select %eq3A_1503, %select_n3A_1467, %reshape3A_1479 : vector<512x128xi1>, vector<512x128xi32>
    %select_n3A_1505 = arith.select %eq3A_1503, %select_n3A_1468, %reshape3A_1484 : vector<512x128xi1>, vector<512x128xi32>
    %and3A_1506 = arith.constant 16 : i32
    %and3A_1507 = vector.broadcast %and3A_1506 : i32 to vector<512x128xi32>
    %and3A_1508 = arith.andi %add3A, %and3A_1507 : vector<512x128xi32>
    %ne3A_1509 = arith.constant 0 : i32
    %ne3A_1510 = vector.broadcast %ne3A_1509 : i32 to vector<512x128xi32>
    %ne3A_1511 = arith.cmpi ne, %and3A_1508, %ne3A_1510 : vector<512x128xi32>
    %reshape3A_1512 = vector.shape_cast %select_n3A_1504 : vector<512x128xi32> to vector<16x2x16x128xi32>
    %slice3A_1513 = vector.extract_strided_slice %reshape3A_1512 {offsets = [0, 1, 0, 0], sizes = [16, 1, 16, 128], strides = [1, 1, 1, 1]} : vector<16x2x16x128xi32> to vector<16x1x16x128xi32>
    %slice3A_1514 = vector.extract_strided_slice %reshape3A_1512 {offsets = [0, 0, 0, 0], sizes = [16, 1, 16, 128], strides = [1, 1, 1, 1]} : vector<16x2x16x128xi32> to vector<16x1x16x128xi32>
    %concatenate3A_1515 = tpu.concatenate %slice3A_1513, %slice3A_1514 in 1 : vector<16x1x16x128xi32>, vector<16x1x16x128xi32> -> vector<16x2x16x128xi32>
    %reshape3A_1516 = vector.shape_cast %concatenate3A_1515 : vector<16x2x16x128xi32> to vector<512x128xi32>
    %reshape3A_1517 = vector.shape_cast %select_n3A_1505 : vector<512x128xi32> to vector<16x2x16x128xi32>
    %slice3A_1518 = vector.extract_strided_slice %reshape3A_1517 {offsets = [0, 1, 0, 0], sizes = [16, 1, 16, 128], strides = [1, 1, 1, 1]} : vector<16x2x16x128xi32> to vector<16x1x16x128xi32>
    %slice3A_1519 = vector.extract_strided_slice %reshape3A_1517 {offsets = [0, 0, 0, 0], sizes = [16, 1, 16, 128], strides = [1, 1, 1, 1]} : vector<16x2x16x128xi32> to vector<16x1x16x128xi32>
    %concatenate3A_1520 = tpu.concatenate %slice3A_1518, %slice3A_1519 in 1 : vector<16x1x16x128xi32>, vector<16x1x16x128xi32> -> vector<16x2x16x128xi32>
    %reshape3A_1521 = vector.shape_cast %concatenate3A_1520 : vector<16x2x16x128xi32> to vector<512x128xi32>
    %gt3A_1522 = arith.cmpi sgt, %select_n3A_1504, %reshape3A_1516 : vector<512x128xi32>
    %eq3A_1523 = arith.cmpi eq, %select_n3A_1504, %reshape3A_1516 : vector<512x128xi32>
    %lt3A_1524 = arith.cmpi slt, %select_n3A_1505, %reshape3A_1521 : vector<512x128xi32>
    %and3A_1525 = arith.andi %eq3A_1523, %lt3A_1524 : vector<512x128xi1>
    %or3A_1526 = arith.ori %gt3A_1522, %and3A_1525 : vector<512x128xi1>
    %not3A_1527 = arith.constant dense<true> : vector<512x128xi1>
    %not3A_1528 = arith.xori %ne3A_1511, %not3A_1527 : vector<512x128xi1>
    %and3A_1529 = arith.constant 512 : i32
    %and3A_1530 = vector.broadcast %and3A_1529 : i32 to vector<512x128xi32>
    %and3A_1531 = arith.andi %add3A, %and3A_1530 : vector<512x128xi32>
    %eq3A_1532 = arith.constant 0 : i32
    %eq3A_1533 = vector.broadcast %eq3A_1532 : i32 to vector<512x128xi32>
    %eq3A_1534 = arith.cmpi eq, %and3A_1531, %eq3A_1533 : vector<512x128xi32>
    %eq3A_1535 = arith.xori %not3A_1528, %eq3A_1534 : vector<512x128xi1>
    %eq3A_1536 = arith.constant dense<true> : vector<512x128xi1>
    %eq3A_1537 = arith.xori %eq3A_1535, %eq3A_1536 : vector<512x128xi1>
    %eq3A_1538 = arith.xori %or3A_1526, %eq3A_1537 : vector<512x128xi1>
    %eq3A_1539 = arith.constant dense<true> : vector<512x128xi1>
    %eq3A_1540 = arith.xori %eq3A_1538, %eq3A_1539 : vector<512x128xi1>
    %select_n3A_1541 = arith.select %eq3A_1540, %select_n3A_1504, %reshape3A_1516 : vector<512x128xi1>, vector<512x128xi32>
    %select_n3A_1542 = arith.select %eq3A_1540, %select_n3A_1505, %reshape3A_1521 : vector<512x128xi1>, vector<512x128xi32>
    %and3A_1543 = arith.constant 8 : i32
    %and3A_1544 = vector.broadcast %and3A_1543 : i32 to vector<512x128xi32>
    %and3A_1545 = arith.andi %add3A, %and3A_1544 : vector<512x128xi32>
    %ne3A_1546 = arith.constant 0 : i32
    %ne3A_1547 = vector.broadcast %ne3A_1546 : i32 to vector<512x128xi32>
    %ne3A_1548 = arith.cmpi ne, %and3A_1545, %ne3A_1547 : vector<512x128xi32>
    %reshape3A_1549 = vector.shape_cast %select_n3A_1541 : vector<512x128xi32> to vector<32x2x8x128xi32>
    %slice3A_1550 = vector.extract_strided_slice %reshape3A_1549 {offsets = [0, 1, 0, 0], sizes = [32, 1, 8, 128], strides = [1, 1, 1, 1]} : vector<32x2x8x128xi32> to vector<32x1x8x128xi32>
    %slice3A_1551 = vector.extract_strided_slice %reshape3A_1549 {offsets = [0, 0, 0, 0], sizes = [32, 1, 8, 128], strides = [1, 1, 1, 1]} : vector<32x2x8x128xi32> to vector<32x1x8x128xi32>
    %concatenate3A_1552 = tpu.concatenate %slice3A_1550, %slice3A_1551 in 1 : vector<32x1x8x128xi32>, vector<32x1x8x128xi32> -> vector<32x2x8x128xi32>
    %reshape3A_1553 = vector.shape_cast %concatenate3A_1552 : vector<32x2x8x128xi32> to vector<512x128xi32>
    %reshape3A_1554 = vector.shape_cast %select_n3A_1542 : vector<512x128xi32> to vector<32x2x8x128xi32>
    %slice3A_1555 = vector.extract_strided_slice %reshape3A_1554 {offsets = [0, 1, 0, 0], sizes = [32, 1, 8, 128], strides = [1, 1, 1, 1]} : vector<32x2x8x128xi32> to vector<32x1x8x128xi32>
    %slice3A_1556 = vector.extract_strided_slice %reshape3A_1554 {offsets = [0, 0, 0, 0], sizes = [32, 1, 8, 128], strides = [1, 1, 1, 1]} : vector<32x2x8x128xi32> to vector<32x1x8x128xi32>
    %concatenate3A_1557 = tpu.concatenate %slice3A_1555, %slice3A_1556 in 1 : vector<32x1x8x128xi32>, vector<32x1x8x128xi32> -> vector<32x2x8x128xi32>
    %reshape3A_1558 = vector.shape_cast %concatenate3A_1557 : vector<32x2x8x128xi32> to vector<512x128xi32>
    %gt3A_1559 = arith.cmpi sgt, %select_n3A_1541, %reshape3A_1553 : vector<512x128xi32>
    %eq3A_1560 = arith.cmpi eq, %select_n3A_1541, %reshape3A_1553 : vector<512x128xi32>
    %lt3A_1561 = arith.cmpi slt, %select_n3A_1542, %reshape3A_1558 : vector<512x128xi32>
    %and3A_1562 = arith.andi %eq3A_1560, %lt3A_1561 : vector<512x128xi1>
    %or3A_1563 = arith.ori %gt3A_1559, %and3A_1562 : vector<512x128xi1>
    %not3A_1564 = arith.constant dense<true> : vector<512x128xi1>
    %not3A_1565 = arith.xori %ne3A_1548, %not3A_1564 : vector<512x128xi1>
    %and3A_1566 = arith.constant 512 : i32
    %and3A_1567 = vector.broadcast %and3A_1566 : i32 to vector<512x128xi32>
    %and3A_1568 = arith.andi %add3A, %and3A_1567 : vector<512x128xi32>
    %eq3A_1569 = arith.constant 0 : i32
    %eq3A_1570 = vector.broadcast %eq3A_1569 : i32 to vector<512x128xi32>
    %eq3A_1571 = arith.cmpi eq, %and3A_1568, %eq3A_1570 : vector<512x128xi32>
    %eq3A_1572 = arith.xori %not3A_1565, %eq3A_1571 : vector<512x128xi1>
    %eq3A_1573 = arith.constant dense<true> : vector<512x128xi1>
    %eq3A_1574 = arith.xori %eq3A_1572, %eq3A_1573 : vector<512x128xi1>
    %eq3A_1575 = arith.xori %or3A_1563, %eq3A_1574 : vector<512x128xi1>
    %eq3A_1576 = arith.constant dense<true> : vector<512x128xi1>
    %eq3A_1577 = arith.xori %eq3A_1575, %eq3A_1576 : vector<512x128xi1>
    %select_n3A_1578 = arith.select %eq3A_1577, %select_n3A_1541, %reshape3A_1553 : vector<512x128xi1>, vector<512x128xi32>
    %select_n3A_1579 = arith.select %eq3A_1577, %select_n3A_1542, %reshape3A_1558 : vector<512x128xi1>, vector<512x128xi32>
    %and3A_1580 = arith.constant 4 : i32
    %and3A_1581 = vector.broadcast %and3A_1580 : i32 to vector<512x128xi32>
    %and3A_1582 = arith.andi %add3A, %and3A_1581 : vector<512x128xi32>
    %ne3A_1583 = arith.constant 0 : i32
    %ne3A_1584 = vector.broadcast %ne3A_1583 : i32 to vector<512x128xi32>
    %ne3A_1585 = arith.cmpi ne, %and3A_1582, %ne3A_1584 : vector<512x128xi32>
    %reshape3A_1586 = vector.shape_cast %select_n3A_1578 : vector<512x128xi32> to vector<64x2x4x128xi32>
    %slice3A_1587 = vector.extract_strided_slice %reshape3A_1586 {offsets = [0, 1, 0, 0], sizes = [64, 1, 4, 128], strides = [1, 1, 1, 1]} : vector<64x2x4x128xi32> to vector<64x1x4x128xi32>
    %slice3A_1588 = vector.extract_strided_slice %reshape3A_1586 {offsets = [0, 0, 0, 0], sizes = [64, 1, 4, 128], strides = [1, 1, 1, 1]} : vector<64x2x4x128xi32> to vector<64x1x4x128xi32>
    %concatenate3A_1589 = tpu.concatenate %slice3A_1587, %slice3A_1588 in 1 : vector<64x1x4x128xi32>, vector<64x1x4x128xi32> -> vector<64x2x4x128xi32>
    %reshape3A_1590 = vector.shape_cast %concatenate3A_1589 : vector<64x2x4x128xi32> to vector<512x128xi32>
    %reshape3A_1591 = vector.shape_cast %select_n3A_1579 : vector<512x128xi32> to vector<64x2x4x128xi32>
    %slice3A_1592 = vector.extract_strided_slice %reshape3A_1591 {offsets = [0, 1, 0, 0], sizes = [64, 1, 4, 128], strides = [1, 1, 1, 1]} : vector<64x2x4x128xi32> to vector<64x1x4x128xi32>
    %slice3A_1593 = vector.extract_strided_slice %reshape3A_1591 {offsets = [0, 0, 0, 0], sizes = [64, 1, 4, 128], strides = [1, 1, 1, 1]} : vector<64x2x4x128xi32> to vector<64x1x4x128xi32>
    %concatenate3A_1594 = tpu.concatenate %slice3A_1592, %slice3A_1593 in 1 : vector<64x1x4x128xi32>, vector<64x1x4x128xi32> -> vector<64x2x4x128xi32>
    %reshape3A_1595 = vector.shape_cast %concatenate3A_1594 : vector<64x2x4x128xi32> to vector<512x128xi32>
    %gt3A_1596 = arith.cmpi sgt, %select_n3A_1578, %reshape3A_1590 : vector<512x128xi32>
    %eq3A_1597 = arith.cmpi eq, %select_n3A_1578, %reshape3A_1590 : vector<512x128xi32>
    %lt3A_1598 = arith.cmpi slt, %select_n3A_1579, %reshape3A_1595 : vector<512x128xi32>
    %and3A_1599 = arith.andi %eq3A_1597, %lt3A_1598 : vector<512x128xi1>
    %or3A_1600 = arith.ori %gt3A_1596, %and3A_1599 : vector<512x128xi1>
    %not3A_1601 = arith.constant dense<true> : vector<512x128xi1>
    %not3A_1602 = arith.xori %ne3A_1585, %not3A_1601 : vector<512x128xi1>
    %and3A_1603 = arith.constant 512 : i32
    %and3A_1604 = vector.broadcast %and3A_1603 : i32 to vector<512x128xi32>
    %and3A_1605 = arith.andi %add3A, %and3A_1604 : vector<512x128xi32>
    %eq3A_1606 = arith.constant 0 : i32
    %eq3A_1607 = vector.broadcast %eq3A_1606 : i32 to vector<512x128xi32>
    %eq3A_1608 = arith.cmpi eq, %and3A_1605, %eq3A_1607 : vector<512x128xi32>
    %eq3A_1609 = arith.xori %not3A_1602, %eq3A_1608 : vector<512x128xi1>
    %eq3A_1610 = arith.constant dense<true> : vector<512x128xi1>
    %eq3A_1611 = arith.xori %eq3A_1609, %eq3A_1610 : vector<512x128xi1>
    %eq3A_1612 = arith.xori %or3A_1600, %eq3A_1611 : vector<512x128xi1>
    %eq3A_1613 = arith.constant dense<true> : vector<512x128xi1>
    %eq3A_1614 = arith.xori %eq3A_1612, %eq3A_1613 : vector<512x128xi1>
    %select_n3A_1615 = arith.select %eq3A_1614, %select_n3A_1578, %reshape3A_1590 : vector<512x128xi1>, vector<512x128xi32>
    %select_n3A_1616 = arith.select %eq3A_1614, %select_n3A_1579, %reshape3A_1595 : vector<512x128xi1>, vector<512x128xi32>
    %and3A_1617 = arith.constant 2 : i32
    %and3A_1618 = vector.broadcast %and3A_1617 : i32 to vector<512x128xi32>
    %and3A_1619 = arith.andi %add3A, %and3A_1618 : vector<512x128xi32>
    %ne3A_1620 = arith.constant 0 : i32
    %ne3A_1621 = vector.broadcast %ne3A_1620 : i32 to vector<512x128xi32>
    %ne3A_1622 = arith.cmpi ne, %and3A_1619, %ne3A_1621 : vector<512x128xi32>
    %reshape3A_1623 = vector.shape_cast %select_n3A_1615 : vector<512x128xi32> to vector<128x2x2x128xi32>
    %slice3A_1624 = vector.extract_strided_slice %reshape3A_1623 {offsets = [0, 1, 0, 0], sizes = [128, 1, 2, 128], strides = [1, 1, 1, 1]} : vector<128x2x2x128xi32> to vector<128x1x2x128xi32>
    %slice3A_1625 = vector.extract_strided_slice %reshape3A_1623 {offsets = [0, 0, 0, 0], sizes = [128, 1, 2, 128], strides = [1, 1, 1, 1]} : vector<128x2x2x128xi32> to vector<128x1x2x128xi32>
    %concatenate3A_1626 = tpu.concatenate %slice3A_1624, %slice3A_1625 in 1 : vector<128x1x2x128xi32>, vector<128x1x2x128xi32> -> vector<128x2x2x128xi32>
    %reshape3A_1627 = vector.shape_cast %concatenate3A_1626 : vector<128x2x2x128xi32> to vector<512x128xi32>
    %reshape3A_1628 = vector.shape_cast %select_n3A_1616 : vector<512x128xi32> to vector<128x2x2x128xi32>
    %slice3A_1629 = vector.extract_strided_slice %reshape3A_1628 {offsets = [0, 1, 0, 0], sizes = [128, 1, 2, 128], strides = [1, 1, 1, 1]} : vector<128x2x2x128xi32> to vector<128x1x2x128xi32>
    %slice3A_1630 = vector.extract_strided_slice %reshape3A_1628 {offsets = [0, 0, 0, 0], sizes = [128, 1, 2, 128], strides = [1, 1, 1, 1]} : vector<128x2x2x128xi32> to vector<128x1x2x128xi32>
    %concatenate3A_1631 = tpu.concatenate %slice3A_1629, %slice3A_1630 in 1 : vector<128x1x2x128xi32>, vector<128x1x2x128xi32> -> vector<128x2x2x128xi32>
    %reshape3A_1632 = vector.shape_cast %concatenate3A_1631 : vector<128x2x2x128xi32> to vector<512x128xi32>
    %gt3A_1633 = arith.cmpi sgt, %select_n3A_1615, %reshape3A_1627 : vector<512x128xi32>
    %eq3A_1634 = arith.cmpi eq, %select_n3A_1615, %reshape3A_1627 : vector<512x128xi32>
    %lt3A_1635 = arith.cmpi slt, %select_n3A_1616, %reshape3A_1632 : vector<512x128xi32>
    %and3A_1636 = arith.andi %eq3A_1634, %lt3A_1635 : vector<512x128xi1>
    %or3A_1637 = arith.ori %gt3A_1633, %and3A_1636 : vector<512x128xi1>
    %not3A_1638 = arith.constant dense<true> : vector<512x128xi1>
    %not3A_1639 = arith.xori %ne3A_1622, %not3A_1638 : vector<512x128xi1>
    %and3A_1640 = arith.constant 512 : i32
    %and3A_1641 = vector.broadcast %and3A_1640 : i32 to vector<512x128xi32>
    %and3A_1642 = arith.andi %add3A, %and3A_1641 : vector<512x128xi32>
    %eq3A_1643 = arith.constant 0 : i32
    %eq3A_1644 = vector.broadcast %eq3A_1643 : i32 to vector<512x128xi32>
    %eq3A_1645 = arith.cmpi eq, %and3A_1642, %eq3A_1644 : vector<512x128xi32>
    %eq3A_1646 = arith.xori %not3A_1639, %eq3A_1645 : vector<512x128xi1>
    %eq3A_1647 = arith.constant dense<true> : vector<512x128xi1>
    %eq3A_1648 = arith.xori %eq3A_1646, %eq3A_1647 : vector<512x128xi1>
    %eq3A_1649 = arith.xori %or3A_1637, %eq3A_1648 : vector<512x128xi1>
    %eq3A_1650 = arith.constant dense<true> : vector<512x128xi1>
    %eq3A_1651 = arith.xori %eq3A_1649, %eq3A_1650 : vector<512x128xi1>
    %select_n3A_1652 = arith.select %eq3A_1651, %select_n3A_1615, %reshape3A_1627 : vector<512x128xi1>, vector<512x128xi32>
    %select_n3A_1653 = arith.select %eq3A_1651, %select_n3A_1616, %reshape3A_1632 : vector<512x128xi1>, vector<512x128xi32>
    %and3A_1654 = arith.constant 1 : i32
    %and3A_1655 = vector.broadcast %and3A_1654 : i32 to vector<512x128xi32>
    %and3A_1656 = arith.andi %add3A, %and3A_1655 : vector<512x128xi32>
    %ne3A_1657 = arith.constant 0 : i32
    %ne3A_1658 = vector.broadcast %ne3A_1657 : i32 to vector<512x128xi32>
    %ne3A_1659 = arith.cmpi ne, %and3A_1656, %ne3A_1658 : vector<512x128xi32>
    %reshape3A_1660 = vector.shape_cast %select_n3A_1652 : vector<512x128xi32> to vector<256x2x1x128xi32>
    %slice3A_1661 = vector.extract_strided_slice %reshape3A_1660 {offsets = [0, 1, 0, 0], sizes = [256, 1, 1, 128], strides = [1, 1, 1, 1]} : vector<256x2x1x128xi32> to vector<256x1x1x128xi32>
    %slice3A_1662 = vector.extract_strided_slice %reshape3A_1660 {offsets = [0, 0, 0, 0], sizes = [256, 1, 1, 128], strides = [1, 1, 1, 1]} : vector<256x2x1x128xi32> to vector<256x1x1x128xi32>
    %concatenate3A_1663 = tpu.concatenate %slice3A_1661, %slice3A_1662 in 1 : vector<256x1x1x128xi32>, vector<256x1x1x128xi32> -> vector<256x2x1x128xi32>
    %reshape3A_1664 = vector.shape_cast %concatenate3A_1663 : vector<256x2x1x128xi32> to vector<512x128xi32>
    %reshape3A_1665 = vector.shape_cast %select_n3A_1653 : vector<512x128xi32> to vector<256x2x1x128xi32>
    %slice3A_1666 = vector.extract_strided_slice %reshape3A_1665 {offsets = [0, 1, 0, 0], sizes = [256, 1, 1, 128], strides = [1, 1, 1, 1]} : vector<256x2x1x128xi32> to vector<256x1x1x128xi32>
    %slice3A_1667 = vector.extract_strided_slice %reshape3A_1665 {offsets = [0, 0, 0, 0], sizes = [256, 1, 1, 128], strides = [1, 1, 1, 1]} : vector<256x2x1x128xi32> to vector<256x1x1x128xi32>
    %concatenate3A_1668 = tpu.concatenate %slice3A_1666, %slice3A_1667 in 1 : vector<256x1x1x128xi32>, vector<256x1x1x128xi32> -> vector<256x2x1x128xi32>
    %reshape3A_1669 = vector.shape_cast %concatenate3A_1668 : vector<256x2x1x128xi32> to vector<512x128xi32>
    %gt3A_1670 = arith.cmpi sgt, %select_n3A_1652, %reshape3A_1664 : vector<512x128xi32>
    %eq3A_1671 = arith.cmpi eq, %select_n3A_1652, %reshape3A_1664 : vector<512x128xi32>
    %lt3A_1672 = arith.cmpi slt, %select_n3A_1653, %reshape3A_1669 : vector<512x128xi32>
    %and3A_1673 = arith.andi %eq3A_1671, %lt3A_1672 : vector<512x128xi1>
    %or3A_1674 = arith.ori %gt3A_1670, %and3A_1673 : vector<512x128xi1>
    %not3A_1675 = arith.constant dense<true> : vector<512x128xi1>
    %not3A_1676 = arith.xori %ne3A_1659, %not3A_1675 : vector<512x128xi1>
    %and3A_1677 = arith.constant 512 : i32
    %and3A_1678 = vector.broadcast %and3A_1677 : i32 to vector<512x128xi32>
    %and3A_1679 = arith.andi %add3A, %and3A_1678 : vector<512x128xi32>
    %eq3A_1680 = arith.constant 0 : i32
    %eq3A_1681 = vector.broadcast %eq3A_1680 : i32 to vector<512x128xi32>
    %eq3A_1682 = arith.cmpi eq, %and3A_1679, %eq3A_1681 : vector<512x128xi32>
    %eq3A_1683 = arith.xori %not3A_1676, %eq3A_1682 : vector<512x128xi1>
    %eq3A_1684 = arith.constant dense<true> : vector<512x128xi1>
    %eq3A_1685 = arith.xori %eq3A_1683, %eq3A_1684 : vector<512x128xi1>
    %eq3A_1686 = arith.xori %or3A_1674, %eq3A_1685 : vector<512x128xi1>
    %eq3A_1687 = arith.constant dense<true> : vector<512x128xi1>
    %eq3A_1688 = arith.xori %eq3A_1686, %eq3A_1687 : vector<512x128xi1>
    %select_n3A_1689 = arith.select %eq3A_1688, %select_n3A_1652, %reshape3A_1664 : vector<512x128xi1>, vector<512x128xi32>
    %select_n3A_1690 = arith.select %eq3A_1688, %select_n3A_1653, %reshape3A_1669 : vector<512x128xi1>, vector<512x128xi32>
    %and3A_1691 = arith.constant 512 : i32
    %and3A_1692 = vector.broadcast %and3A_1691 : i32 to vector<512x128xi32>
    %and3A_1693 = arith.andi %add3A, %and3A_1692 : vector<512x128xi32>
    %ne3A_1694 = arith.constant 0 : i32
    %ne3A_1695 = vector.broadcast %ne3A_1694 : i32 to vector<512x128xi32>
    %ne3A_1696 = arith.cmpi ne, %and3A_1693, %ne3A_1695 : vector<512x128xi32>
    %roll3A_1697 = arith.constant 124 : i32
    %roll3A_1698 = tpu.dynamic_rotate %select_n3A_1689 by %roll3A_1697 dim 1 : vector<512x128xi32>, i32 -> vector<512x128xi32>
    %roll3A_1699 = arith.constant 4 : i32
    %roll3A_1700 = tpu.dynamic_rotate %select_n3A_1689 by %roll3A_1699 dim 1 : vector<512x128xi32>, i32 -> vector<512x128xi32>
    %roll3A_1701 = arith.constant 124 : i32
    %roll3A_1702 = tpu.dynamic_rotate %select_n3A_1690 by %roll3A_1701 dim 1 : vector<512x128xi32>, i32 -> vector<512x128xi32>
    %roll3A_1703 = arith.constant 4 : i32
    %roll3A_1704 = tpu.dynamic_rotate %select_n3A_1690 by %roll3A_1703 dim 1 : vector<512x128xi32>, i32 -> vector<512x128xi32>
    %select_n3A_1705 = arith.select %ne3A_1696, %roll3A_1700, %roll3A_1698 : vector<512x128xi1>, vector<512x128xi32>
    %select_n3A_1706 = arith.select %ne3A_1696, %roll3A_1704, %roll3A_1702 : vector<512x128xi1>, vector<512x128xi32>
    %gt3A_1707 = arith.cmpi sgt, %select_n3A_1689, %select_n3A_1705 : vector<512x128xi32>
    %eq3A_1708 = arith.cmpi eq, %select_n3A_1689, %select_n3A_1705 : vector<512x128xi32>
    %lt3A_1709 = arith.cmpi slt, %select_n3A_1690, %select_n3A_1706 : vector<512x128xi32>
    %and3A_1710 = arith.andi %eq3A_1708, %lt3A_1709 : vector<512x128xi1>
    %or3A_1711 = arith.ori %gt3A_1707, %and3A_1710 : vector<512x128xi1>
    %not3A_1712 = arith.constant dense<true> : vector<512x128xi1>
    %not3A_1713 = arith.xori %ne3A_1696, %not3A_1712 : vector<512x128xi1>
    %and3A_1714 = arith.constant 1024 : i32
    %and3A_1715 = vector.broadcast %and3A_1714 : i32 to vector<512x128xi32>
    %and3A_1716 = arith.andi %add3A, %and3A_1715 : vector<512x128xi32>
    %eq3A_1717 = arith.constant 0 : i32
    %eq3A_1718 = vector.broadcast %eq3A_1717 : i32 to vector<512x128xi32>
    %eq3A_1719 = arith.cmpi eq, %and3A_1716, %eq3A_1718 : vector<512x128xi32>
    %eq3A_1720 = arith.xori %not3A_1713, %eq3A_1719 : vector<512x128xi1>
    %eq3A_1721 = arith.constant dense<true> : vector<512x128xi1>
    %eq3A_1722 = arith.xori %eq3A_1720, %eq3A_1721 : vector<512x128xi1>
    %eq3A_1723 = arith.xori %or3A_1711, %eq3A_1722 : vector<512x128xi1>
    %eq3A_1724 = arith.constant dense<true> : vector<512x128xi1>
    %eq3A_1725 = arith.xori %eq3A_1723, %eq3A_1724 : vector<512x128xi1>
    %select_n3A_1726 = arith.select %eq3A_1725, %select_n3A_1689, %select_n3A_1705 : vector<512x128xi1>, vector<512x128xi32>
    %select_n3A_1727 = arith.select %eq3A_1725, %select_n3A_1690, %select_n3A_1706 : vector<512x128xi1>, vector<512x128xi32>
    %and3A_1728 = arith.constant 256 : i32
    %and3A_1729 = vector.broadcast %and3A_1728 : i32 to vector<512x128xi32>
    %and3A_1730 = arith.andi %add3A, %and3A_1729 : vector<512x128xi32>
    %ne3A_1731 = arith.constant 0 : i32
    %ne3A_1732 = vector.broadcast %ne3A_1731 : i32 to vector<512x128xi32>
    %ne3A_1733 = arith.cmpi ne, %and3A_1730, %ne3A_1732 : vector<512x128xi32>
    %roll3A_1734 = arith.constant 126 : i32
    %roll3A_1735 = tpu.dynamic_rotate %select_n3A_1726 by %roll3A_1734 dim 1 : vector<512x128xi32>, i32 -> vector<512x128xi32>
    %roll3A_1736 = arith.constant 2 : i32
    %roll3A_1737 = tpu.dynamic_rotate %select_n3A_1726 by %roll3A_1736 dim 1 : vector<512x128xi32>, i32 -> vector<512x128xi32>
    %roll3A_1738 = arith.constant 126 : i32
    %roll3A_1739 = tpu.dynamic_rotate %select_n3A_1727 by %roll3A_1738 dim 1 : vector<512x128xi32>, i32 -> vector<512x128xi32>
    %roll3A_1740 = arith.constant 2 : i32
    %roll3A_1741 = tpu.dynamic_rotate %select_n3A_1727 by %roll3A_1740 dim 1 : vector<512x128xi32>, i32 -> vector<512x128xi32>
    %select_n3A_1742 = arith.select %ne3A_1733, %roll3A_1737, %roll3A_1735 : vector<512x128xi1>, vector<512x128xi32>
    %select_n3A_1743 = arith.select %ne3A_1733, %roll3A_1741, %roll3A_1739 : vector<512x128xi1>, vector<512x128xi32>
    %gt3A_1744 = arith.cmpi sgt, %select_n3A_1726, %select_n3A_1742 : vector<512x128xi32>
    %eq3A_1745 = arith.cmpi eq, %select_n3A_1726, %select_n3A_1742 : vector<512x128xi32>
    %lt3A_1746 = arith.cmpi slt, %select_n3A_1727, %select_n3A_1743 : vector<512x128xi32>
    %and3A_1747 = arith.andi %eq3A_1745, %lt3A_1746 : vector<512x128xi1>
    %or3A_1748 = arith.ori %gt3A_1744, %and3A_1747 : vector<512x128xi1>
    %not3A_1749 = arith.constant dense<true> : vector<512x128xi1>
    %not3A_1750 = arith.xori %ne3A_1733, %not3A_1749 : vector<512x128xi1>
    %and3A_1751 = arith.constant 1024 : i32
    %and3A_1752 = vector.broadcast %and3A_1751 : i32 to vector<512x128xi32>
    %and3A_1753 = arith.andi %add3A, %and3A_1752 : vector<512x128xi32>
    %eq3A_1754 = arith.constant 0 : i32
    %eq3A_1755 = vector.broadcast %eq3A_1754 : i32 to vector<512x128xi32>
    %eq3A_1756 = arith.cmpi eq, %and3A_1753, %eq3A_1755 : vector<512x128xi32>
    %eq3A_1757 = arith.xori %not3A_1750, %eq3A_1756 : vector<512x128xi1>
    %eq3A_1758 = arith.constant dense<true> : vector<512x128xi1>
    %eq3A_1759 = arith.xori %eq3A_1757, %eq3A_1758 : vector<512x128xi1>
    %eq3A_1760 = arith.xori %or3A_1748, %eq3A_1759 : vector<512x128xi1>
    %eq3A_1761 = arith.constant dense<true> : vector<512x128xi1>
    %eq3A_1762 = arith.xori %eq3A_1760, %eq3A_1761 : vector<512x128xi1>
    %select_n3A_1763 = arith.select %eq3A_1762, %select_n3A_1726, %select_n3A_1742 : vector<512x128xi1>, vector<512x128xi32>
    %select_n3A_1764 = arith.select %eq3A_1762, %select_n3A_1727, %select_n3A_1743 : vector<512x128xi1>, vector<512x128xi32>
    %and3A_1765 = arith.constant 128 : i32
    %and3A_1766 = vector.broadcast %and3A_1765 : i32 to vector<512x128xi32>
    %and3A_1767 = arith.andi %add3A, %and3A_1766 : vector<512x128xi32>
    %ne3A_1768 = arith.constant 0 : i32
    %ne3A_1769 = vector.broadcast %ne3A_1768 : i32 to vector<512x128xi32>
    %ne3A_1770 = arith.cmpi ne, %and3A_1767, %ne3A_1769 : vector<512x128xi32>
    %roll3A_1771 = arith.constant 127 : i32
    %roll3A_1772 = tpu.dynamic_rotate %select_n3A_1763 by %roll3A_1771 dim 1 : vector<512x128xi32>, i32 -> vector<512x128xi32>
    %roll3A_1773 = arith.constant 1 : i32
    %roll3A_1774 = tpu.dynamic_rotate %select_n3A_1763 by %roll3A_1773 dim 1 : vector<512x128xi32>, i32 -> vector<512x128xi32>
    %roll3A_1775 = arith.constant 127 : i32
    %roll3A_1776 = tpu.dynamic_rotate %select_n3A_1764 by %roll3A_1775 dim 1 : vector<512x128xi32>, i32 -> vector<512x128xi32>
    %roll3A_1777 = arith.constant 1 : i32
    %roll3A_1778 = tpu.dynamic_rotate %select_n3A_1764 by %roll3A_1777 dim 1 : vector<512x128xi32>, i32 -> vector<512x128xi32>
    %select_n3A_1779 = arith.select %ne3A_1770, %roll3A_1774, %roll3A_1772 : vector<512x128xi1>, vector<512x128xi32>
    %select_n3A_1780 = arith.select %ne3A_1770, %roll3A_1778, %roll3A_1776 : vector<512x128xi1>, vector<512x128xi32>
    %gt3A_1781 = arith.cmpi sgt, %select_n3A_1763, %select_n3A_1779 : vector<512x128xi32>
    %eq3A_1782 = arith.cmpi eq, %select_n3A_1763, %select_n3A_1779 : vector<512x128xi32>
    %lt3A_1783 = arith.cmpi slt, %select_n3A_1764, %select_n3A_1780 : vector<512x128xi32>
    %and3A_1784 = arith.andi %eq3A_1782, %lt3A_1783 : vector<512x128xi1>
    %or3A_1785 = arith.ori %gt3A_1781, %and3A_1784 : vector<512x128xi1>
    %not3A_1786 = arith.constant dense<true> : vector<512x128xi1>
    %not3A_1787 = arith.xori %ne3A_1770, %not3A_1786 : vector<512x128xi1>
    %and3A_1788 = arith.constant 1024 : i32
    %and3A_1789 = vector.broadcast %and3A_1788 : i32 to vector<512x128xi32>
    %and3A_1790 = arith.andi %add3A, %and3A_1789 : vector<512x128xi32>
    %eq3A_1791 = arith.constant 0 : i32
    %eq3A_1792 = vector.broadcast %eq3A_1791 : i32 to vector<512x128xi32>
    %eq3A_1793 = arith.cmpi eq, %and3A_1790, %eq3A_1792 : vector<512x128xi32>
    %eq3A_1794 = arith.xori %not3A_1787, %eq3A_1793 : vector<512x128xi1>
    %eq3A_1795 = arith.constant dense<true> : vector<512x128xi1>
    %eq3A_1796 = arith.xori %eq3A_1794, %eq3A_1795 : vector<512x128xi1>
    %eq3A_1797 = arith.xori %or3A_1785, %eq3A_1796 : vector<512x128xi1>
    %eq3A_1798 = arith.constant dense<true> : vector<512x128xi1>
    %eq3A_1799 = arith.xori %eq3A_1797, %eq3A_1798 : vector<512x128xi1>
    %select_n3A_1800 = arith.select %eq3A_1799, %select_n3A_1763, %select_n3A_1779 : vector<512x128xi1>, vector<512x128xi32>
    %select_n3A_1801 = arith.select %eq3A_1799, %select_n3A_1764, %select_n3A_1780 : vector<512x128xi1>, vector<512x128xi32>
    %and3A_1802 = arith.constant 64 : i32
    %and3A_1803 = vector.broadcast %and3A_1802 : i32 to vector<512x128xi32>
    %and3A_1804 = arith.andi %add3A, %and3A_1803 : vector<512x128xi32>
    %ne3A_1805 = arith.constant 0 : i32
    %ne3A_1806 = vector.broadcast %ne3A_1805 : i32 to vector<512x128xi32>
    %ne3A_1807 = arith.cmpi ne, %and3A_1804, %ne3A_1806 : vector<512x128xi32>
    %reshape3A_1808 = vector.shape_cast %select_n3A_1800 : vector<512x128xi32> to vector<4x2x64x128xi32>
    %slice3A_1809 = vector.extract_strided_slice %reshape3A_1808 {offsets = [0, 1, 0, 0], sizes = [4, 1, 64, 128], strides = [1, 1, 1, 1]} : vector<4x2x64x128xi32> to vector<4x1x64x128xi32>
    %slice3A_1810 = vector.extract_strided_slice %reshape3A_1808 {offsets = [0, 0, 0, 0], sizes = [4, 1, 64, 128], strides = [1, 1, 1, 1]} : vector<4x2x64x128xi32> to vector<4x1x64x128xi32>
    %concatenate3A_1811 = tpu.concatenate %slice3A_1809, %slice3A_1810 in 1 : vector<4x1x64x128xi32>, vector<4x1x64x128xi32> -> vector<4x2x64x128xi32>
    %reshape3A_1812 = vector.shape_cast %concatenate3A_1811 : vector<4x2x64x128xi32> to vector<512x128xi32>
    %reshape3A_1813 = vector.shape_cast %select_n3A_1801 : vector<512x128xi32> to vector<4x2x64x128xi32>
    %slice3A_1814 = vector.extract_strided_slice %reshape3A_1813 {offsets = [0, 1, 0, 0], sizes = [4, 1, 64, 128], strides = [1, 1, 1, 1]} : vector<4x2x64x128xi32> to vector<4x1x64x128xi32>
    %slice3A_1815 = vector.extract_strided_slice %reshape3A_1813 {offsets = [0, 0, 0, 0], sizes = [4, 1, 64, 128], strides = [1, 1, 1, 1]} : vector<4x2x64x128xi32> to vector<4x1x64x128xi32>
    %concatenate3A_1816 = tpu.concatenate %slice3A_1814, %slice3A_1815 in 1 : vector<4x1x64x128xi32>, vector<4x1x64x128xi32> -> vector<4x2x64x128xi32>
    %reshape3A_1817 = vector.shape_cast %concatenate3A_1816 : vector<4x2x64x128xi32> to vector<512x128xi32>
    %gt3A_1818 = arith.cmpi sgt, %select_n3A_1800, %reshape3A_1812 : vector<512x128xi32>
    %eq3A_1819 = arith.cmpi eq, %select_n3A_1800, %reshape3A_1812 : vector<512x128xi32>
    %lt3A_1820 = arith.cmpi slt, %select_n3A_1801, %reshape3A_1817 : vector<512x128xi32>
    %and3A_1821 = arith.andi %eq3A_1819, %lt3A_1820 : vector<512x128xi1>
    %or3A_1822 = arith.ori %gt3A_1818, %and3A_1821 : vector<512x128xi1>
    %not3A_1823 = arith.constant dense<true> : vector<512x128xi1>
    %not3A_1824 = arith.xori %ne3A_1807, %not3A_1823 : vector<512x128xi1>
    %and3A_1825 = arith.constant 1024 : i32
    %and3A_1826 = vector.broadcast %and3A_1825 : i32 to vector<512x128xi32>
    %and3A_1827 = arith.andi %add3A, %and3A_1826 : vector<512x128xi32>
    %eq3A_1828 = arith.constant 0 : i32
    %eq3A_1829 = vector.broadcast %eq3A_1828 : i32 to vector<512x128xi32>
    %eq3A_1830 = arith.cmpi eq, %and3A_1827, %eq3A_1829 : vector<512x128xi32>
    %eq3A_1831 = arith.xori %not3A_1824, %eq3A_1830 : vector<512x128xi1>
    %eq3A_1832 = arith.constant dense<true> : vector<512x128xi1>
    %eq3A_1833 = arith.xori %eq3A_1831, %eq3A_1832 : vector<512x128xi1>
    %eq3A_1834 = arith.xori %or3A_1822, %eq3A_1833 : vector<512x128xi1>
    %eq3A_1835 = arith.constant dense<true> : vector<512x128xi1>
    %eq3A_1836 = arith.xori %eq3A_1834, %eq3A_1835 : vector<512x128xi1>
    %select_n3A_1837 = arith.select %eq3A_1836, %select_n3A_1800, %reshape3A_1812 : vector<512x128xi1>, vector<512x128xi32>
    %select_n3A_1838 = arith.select %eq3A_1836, %select_n3A_1801, %reshape3A_1817 : vector<512x128xi1>, vector<512x128xi32>
    %and3A_1839 = arith.constant 32 : i32
    %and3A_1840 = vector.broadcast %and3A_1839 : i32 to vector<512x128xi32>
    %and3A_1841 = arith.andi %add3A, %and3A_1840 : vector<512x128xi32>
    %ne3A_1842 = arith.constant 0 : i32
    %ne3A_1843 = vector.broadcast %ne3A_1842 : i32 to vector<512x128xi32>
    %ne3A_1844 = arith.cmpi ne, %and3A_1841, %ne3A_1843 : vector<512x128xi32>
    %reshape3A_1845 = vector.shape_cast %select_n3A_1837 : vector<512x128xi32> to vector<8x2x32x128xi32>
    %slice3A_1846 = vector.extract_strided_slice %reshape3A_1845 {offsets = [0, 1, 0, 0], sizes = [8, 1, 32, 128], strides = [1, 1, 1, 1]} : vector<8x2x32x128xi32> to vector<8x1x32x128xi32>
    %slice3A_1847 = vector.extract_strided_slice %reshape3A_1845 {offsets = [0, 0, 0, 0], sizes = [8, 1, 32, 128], strides = [1, 1, 1, 1]} : vector<8x2x32x128xi32> to vector<8x1x32x128xi32>
    %concatenate3A_1848 = tpu.concatenate %slice3A_1846, %slice3A_1847 in 1 : vector<8x1x32x128xi32>, vector<8x1x32x128xi32> -> vector<8x2x32x128xi32>
    %reshape3A_1849 = vector.shape_cast %concatenate3A_1848 : vector<8x2x32x128xi32> to vector<512x128xi32>
    %reshape3A_1850 = vector.shape_cast %select_n3A_1838 : vector<512x128xi32> to vector<8x2x32x128xi32>
    %slice3A_1851 = vector.extract_strided_slice %reshape3A_1850 {offsets = [0, 1, 0, 0], sizes = [8, 1, 32, 128], strides = [1, 1, 1, 1]} : vector<8x2x32x128xi32> to vector<8x1x32x128xi32>
    %slice3A_1852 = vector.extract_strided_slice %reshape3A_1850 {offsets = [0, 0, 0, 0], sizes = [8, 1, 32, 128], strides = [1, 1, 1, 1]} : vector<8x2x32x128xi32> to vector<8x1x32x128xi32>
    %concatenate3A_1853 = tpu.concatenate %slice3A_1851, %slice3A_1852 in 1 : vector<8x1x32x128xi32>, vector<8x1x32x128xi32> -> vector<8x2x32x128xi32>
    %reshape3A_1854 = vector.shape_cast %concatenate3A_1853 : vector<8x2x32x128xi32> to vector<512x128xi32>
    %gt3A_1855 = arith.cmpi sgt, %select_n3A_1837, %reshape3A_1849 : vector<512x128xi32>
    %eq3A_1856 = arith.cmpi eq, %select_n3A_1837, %reshape3A_1849 : vector<512x128xi32>
    %lt3A_1857 = arith.cmpi slt, %select_n3A_1838, %reshape3A_1854 : vector<512x128xi32>
    %and3A_1858 = arith.andi %eq3A_1856, %lt3A_1857 : vector<512x128xi1>
    %or3A_1859 = arith.ori %gt3A_1855, %and3A_1858 : vector<512x128xi1>
    %not3A_1860 = arith.constant dense<true> : vector<512x128xi1>
    %not3A_1861 = arith.xori %ne3A_1844, %not3A_1860 : vector<512x128xi1>
    %and3A_1862 = arith.constant 1024 : i32
    %and3A_1863 = vector.broadcast %and3A_1862 : i32 to vector<512x128xi32>
    %and3A_1864 = arith.andi %add3A, %and3A_1863 : vector<512x128xi32>
    %eq3A_1865 = arith.constant 0 : i32
    %eq3A_1866 = vector.broadcast %eq3A_1865 : i32 to vector<512x128xi32>
    %eq3A_1867 = arith.cmpi eq, %and3A_1864, %eq3A_1866 : vector<512x128xi32>
    %eq3A_1868 = arith.xori %not3A_1861, %eq3A_1867 : vector<512x128xi1>
    %eq3A_1869 = arith.constant dense<true> : vector<512x128xi1>
    %eq3A_1870 = arith.xori %eq3A_1868, %eq3A_1869 : vector<512x128xi1>
    %eq3A_1871 = arith.xori %or3A_1859, %eq3A_1870 : vector<512x128xi1>
    %eq3A_1872 = arith.constant dense<true> : vector<512x128xi1>
    %eq3A_1873 = arith.xori %eq3A_1871, %eq3A_1872 : vector<512x128xi1>
    %select_n3A_1874 = arith.select %eq3A_1873, %select_n3A_1837, %reshape3A_1849 : vector<512x128xi1>, vector<512x128xi32>
    %select_n3A_1875 = arith.select %eq3A_1873, %select_n3A_1838, %reshape3A_1854 : vector<512x128xi1>, vector<512x128xi32>
    %and3A_1876 = arith.constant 16 : i32
    %and3A_1877 = vector.broadcast %and3A_1876 : i32 to vector<512x128xi32>
    %and3A_1878 = arith.andi %add3A, %and3A_1877 : vector<512x128xi32>
    %ne3A_1879 = arith.constant 0 : i32
    %ne3A_1880 = vector.broadcast %ne3A_1879 : i32 to vector<512x128xi32>
    %ne3A_1881 = arith.cmpi ne, %and3A_1878, %ne3A_1880 : vector<512x128xi32>
    %reshape3A_1882 = vector.shape_cast %select_n3A_1874 : vector<512x128xi32> to vector<16x2x16x128xi32>
    %slice3A_1883 = vector.extract_strided_slice %reshape3A_1882 {offsets = [0, 1, 0, 0], sizes = [16, 1, 16, 128], strides = [1, 1, 1, 1]} : vector<16x2x16x128xi32> to vector<16x1x16x128xi32>
    %slice3A_1884 = vector.extract_strided_slice %reshape3A_1882 {offsets = [0, 0, 0, 0], sizes = [16, 1, 16, 128], strides = [1, 1, 1, 1]} : vector<16x2x16x128xi32> to vector<16x1x16x128xi32>
    %concatenate3A_1885 = tpu.concatenate %slice3A_1883, %slice3A_1884 in 1 : vector<16x1x16x128xi32>, vector<16x1x16x128xi32> -> vector<16x2x16x128xi32>
    %reshape3A_1886 = vector.shape_cast %concatenate3A_1885 : vector<16x2x16x128xi32> to vector<512x128xi32>
    %reshape3A_1887 = vector.shape_cast %select_n3A_1875 : vector<512x128xi32> to vector<16x2x16x128xi32>
    %slice3A_1888 = vector.extract_strided_slice %reshape3A_1887 {offsets = [0, 1, 0, 0], sizes = [16, 1, 16, 128], strides = [1, 1, 1, 1]} : vector<16x2x16x128xi32> to vector<16x1x16x128xi32>
    %slice3A_1889 = vector.extract_strided_slice %reshape3A_1887 {offsets = [0, 0, 0, 0], sizes = [16, 1, 16, 128], strides = [1, 1, 1, 1]} : vector<16x2x16x128xi32> to vector<16x1x16x128xi32>
    %concatenate3A_1890 = tpu.concatenate %slice3A_1888, %slice3A_1889 in 1 : vector<16x1x16x128xi32>, vector<16x1x16x128xi32> -> vector<16x2x16x128xi32>
    %reshape3A_1891 = vector.shape_cast %concatenate3A_1890 : vector<16x2x16x128xi32> to vector<512x128xi32>
    %gt3A_1892 = arith.cmpi sgt, %select_n3A_1874, %reshape3A_1886 : vector<512x128xi32>
    %eq3A_1893 = arith.cmpi eq, %select_n3A_1874, %reshape3A_1886 : vector<512x128xi32>
    %lt3A_1894 = arith.cmpi slt, %select_n3A_1875, %reshape3A_1891 : vector<512x128xi32>
    %and3A_1895 = arith.andi %eq3A_1893, %lt3A_1894 : vector<512x128xi1>
    %or3A_1896 = arith.ori %gt3A_1892, %and3A_1895 : vector<512x128xi1>
    %not3A_1897 = arith.constant dense<true> : vector<512x128xi1>
    %not3A_1898 = arith.xori %ne3A_1881, %not3A_1897 : vector<512x128xi1>
    %and3A_1899 = arith.constant 1024 : i32
    %and3A_1900 = vector.broadcast %and3A_1899 : i32 to vector<512x128xi32>
    %and3A_1901 = arith.andi %add3A, %and3A_1900 : vector<512x128xi32>
    %eq3A_1902 = arith.constant 0 : i32
    %eq3A_1903 = vector.broadcast %eq3A_1902 : i32 to vector<512x128xi32>
    %eq3A_1904 = arith.cmpi eq, %and3A_1901, %eq3A_1903 : vector<512x128xi32>
    %eq3A_1905 = arith.xori %not3A_1898, %eq3A_1904 : vector<512x128xi1>
    %eq3A_1906 = arith.constant dense<true> : vector<512x128xi1>
    %eq3A_1907 = arith.xori %eq3A_1905, %eq3A_1906 : vector<512x128xi1>
    %eq3A_1908 = arith.xori %or3A_1896, %eq3A_1907 : vector<512x128xi1>
    %eq3A_1909 = arith.constant dense<true> : vector<512x128xi1>
    %eq3A_1910 = arith.xori %eq3A_1908, %eq3A_1909 : vector<512x128xi1>
    %select_n3A_1911 = arith.select %eq3A_1910, %select_n3A_1874, %reshape3A_1886 : vector<512x128xi1>, vector<512x128xi32>
    %select_n3A_1912 = arith.select %eq3A_1910, %select_n3A_1875, %reshape3A_1891 : vector<512x128xi1>, vector<512x128xi32>
    %and3A_1913 = arith.constant 8 : i32
    %and3A_1914 = vector.broadcast %and3A_1913 : i32 to vector<512x128xi32>
    %and3A_1915 = arith.andi %add3A, %and3A_1914 : vector<512x128xi32>
    %ne3A_1916 = arith.constant 0 : i32
    %ne3A_1917 = vector.broadcast %ne3A_1916 : i32 to vector<512x128xi32>
    %ne3A_1918 = arith.cmpi ne, %and3A_1915, %ne3A_1917 : vector<512x128xi32>
    %reshape3A_1919 = vector.shape_cast %select_n3A_1911 : vector<512x128xi32> to vector<32x2x8x128xi32>
    %slice3A_1920 = vector.extract_strided_slice %reshape3A_1919 {offsets = [0, 1, 0, 0], sizes = [32, 1, 8, 128], strides = [1, 1, 1, 1]} : vector<32x2x8x128xi32> to vector<32x1x8x128xi32>
    %slice3A_1921 = vector.extract_strided_slice %reshape3A_1919 {offsets = [0, 0, 0, 0], sizes = [32, 1, 8, 128], strides = [1, 1, 1, 1]} : vector<32x2x8x128xi32> to vector<32x1x8x128xi32>
    %concatenate3A_1922 = tpu.concatenate %slice3A_1920, %slice3A_1921 in 1 : vector<32x1x8x128xi32>, vector<32x1x8x128xi32> -> vector<32x2x8x128xi32>
    %reshape3A_1923 = vector.shape_cast %concatenate3A_1922 : vector<32x2x8x128xi32> to vector<512x128xi32>
    %reshape3A_1924 = vector.shape_cast %select_n3A_1912 : vector<512x128xi32> to vector<32x2x8x128xi32>
    %slice3A_1925 = vector.extract_strided_slice %reshape3A_1924 {offsets = [0, 1, 0, 0], sizes = [32, 1, 8, 128], strides = [1, 1, 1, 1]} : vector<32x2x8x128xi32> to vector<32x1x8x128xi32>
    %slice3A_1926 = vector.extract_strided_slice %reshape3A_1924 {offsets = [0, 0, 0, 0], sizes = [32, 1, 8, 128], strides = [1, 1, 1, 1]} : vector<32x2x8x128xi32> to vector<32x1x8x128xi32>
    %concatenate3A_1927 = tpu.concatenate %slice3A_1925, %slice3A_1926 in 1 : vector<32x1x8x128xi32>, vector<32x1x8x128xi32> -> vector<32x2x8x128xi32>
    %reshape3A_1928 = vector.shape_cast %concatenate3A_1927 : vector<32x2x8x128xi32> to vector<512x128xi32>
    %gt3A_1929 = arith.cmpi sgt, %select_n3A_1911, %reshape3A_1923 : vector<512x128xi32>
    %eq3A_1930 = arith.cmpi eq, %select_n3A_1911, %reshape3A_1923 : vector<512x128xi32>
    %lt3A_1931 = arith.cmpi slt, %select_n3A_1912, %reshape3A_1928 : vector<512x128xi32>
    %and3A_1932 = arith.andi %eq3A_1930, %lt3A_1931 : vector<512x128xi1>
    %or3A_1933 = arith.ori %gt3A_1929, %and3A_1932 : vector<512x128xi1>
    %not3A_1934 = arith.constant dense<true> : vector<512x128xi1>
    %not3A_1935 = arith.xori %ne3A_1918, %not3A_1934 : vector<512x128xi1>
    %and3A_1936 = arith.constant 1024 : i32
    %and3A_1937 = vector.broadcast %and3A_1936 : i32 to vector<512x128xi32>
    %and3A_1938 = arith.andi %add3A, %and3A_1937 : vector<512x128xi32>
    %eq3A_1939 = arith.constant 0 : i32
    %eq3A_1940 = vector.broadcast %eq3A_1939 : i32 to vector<512x128xi32>
    %eq3A_1941 = arith.cmpi eq, %and3A_1938, %eq3A_1940 : vector<512x128xi32>
    %eq3A_1942 = arith.xori %not3A_1935, %eq3A_1941 : vector<512x128xi1>
    %eq3A_1943 = arith.constant dense<true> : vector<512x128xi1>
    %eq3A_1944 = arith.xori %eq3A_1942, %eq3A_1943 : vector<512x128xi1>
    %eq3A_1945 = arith.xori %or3A_1933, %eq3A_1944 : vector<512x128xi1>
    %eq3A_1946 = arith.constant dense<true> : vector<512x128xi1>
    %eq3A_1947 = arith.xori %eq3A_1945, %eq3A_1946 : vector<512x128xi1>
    %select_n3A_1948 = arith.select %eq3A_1947, %select_n3A_1911, %reshape3A_1923 : vector<512x128xi1>, vector<512x128xi32>
    %select_n3A_1949 = arith.select %eq3A_1947, %select_n3A_1912, %reshape3A_1928 : vector<512x128xi1>, vector<512x128xi32>
    %and3A_1950 = arith.constant 4 : i32
    %and3A_1951 = vector.broadcast %and3A_1950 : i32 to vector<512x128xi32>
    %and3A_1952 = arith.andi %add3A, %and3A_1951 : vector<512x128xi32>
    %ne3A_1953 = arith.constant 0 : i32
    %ne3A_1954 = vector.broadcast %ne3A_1953 : i32 to vector<512x128xi32>
    %ne3A_1955 = arith.cmpi ne, %and3A_1952, %ne3A_1954 : vector<512x128xi32>
    %reshape3A_1956 = vector.shape_cast %select_n3A_1948 : vector<512x128xi32> to vector<64x2x4x128xi32>
    %slice3A_1957 = vector.extract_strided_slice %reshape3A_1956 {offsets = [0, 1, 0, 0], sizes = [64, 1, 4, 128], strides = [1, 1, 1, 1]} : vector<64x2x4x128xi32> to vector<64x1x4x128xi32>
    %slice3A_1958 = vector.extract_strided_slice %reshape3A_1956 {offsets = [0, 0, 0, 0], sizes = [64, 1, 4, 128], strides = [1, 1, 1, 1]} : vector<64x2x4x128xi32> to vector<64x1x4x128xi32>
    %concatenate3A_1959 = tpu.concatenate %slice3A_1957, %slice3A_1958 in 1 : vector<64x1x4x128xi32>, vector<64x1x4x128xi32> -> vector<64x2x4x128xi32>
    %reshape3A_1960 = vector.shape_cast %concatenate3A_1959 : vector<64x2x4x128xi32> to vector<512x128xi32>
    %reshape3A_1961 = vector.shape_cast %select_n3A_1949 : vector<512x128xi32> to vector<64x2x4x128xi32>
    %slice3A_1962 = vector.extract_strided_slice %reshape3A_1961 {offsets = [0, 1, 0, 0], sizes = [64, 1, 4, 128], strides = [1, 1, 1, 1]} : vector<64x2x4x128xi32> to vector<64x1x4x128xi32>
    %slice3A_1963 = vector.extract_strided_slice %reshape3A_1961 {offsets = [0, 0, 0, 0], sizes = [64, 1, 4, 128], strides = [1, 1, 1, 1]} : vector<64x2x4x128xi32> to vector<64x1x4x128xi32>
    %concatenate3A_1964 = tpu.concatenate %slice3A_1962, %slice3A_1963 in 1 : vector<64x1x4x128xi32>, vector<64x1x4x128xi32> -> vector<64x2x4x128xi32>
    %reshape3A_1965 = vector.shape_cast %concatenate3A_1964 : vector<64x2x4x128xi32> to vector<512x128xi32>
    %gt3A_1966 = arith.cmpi sgt, %select_n3A_1948, %reshape3A_1960 : vector<512x128xi32>
    %eq3A_1967 = arith.cmpi eq, %select_n3A_1948, %reshape3A_1960 : vector<512x128xi32>
    %lt3A_1968 = arith.cmpi slt, %select_n3A_1949, %reshape3A_1965 : vector<512x128xi32>
    %and3A_1969 = arith.andi %eq3A_1967, %lt3A_1968 : vector<512x128xi1>
    %or3A_1970 = arith.ori %gt3A_1966, %and3A_1969 : vector<512x128xi1>
    %not3A_1971 = arith.constant dense<true> : vector<512x128xi1>
    %not3A_1972 = arith.xori %ne3A_1955, %not3A_1971 : vector<512x128xi1>
    %and3A_1973 = arith.constant 1024 : i32
    %and3A_1974 = vector.broadcast %and3A_1973 : i32 to vector<512x128xi32>
    %and3A_1975 = arith.andi %add3A, %and3A_1974 : vector<512x128xi32>
    %eq3A_1976 = arith.constant 0 : i32
    %eq3A_1977 = vector.broadcast %eq3A_1976 : i32 to vector<512x128xi32>
    %eq3A_1978 = arith.cmpi eq, %and3A_1975, %eq3A_1977 : vector<512x128xi32>
    %eq3A_1979 = arith.xori %not3A_1972, %eq3A_1978 : vector<512x128xi1>
    %eq3A_1980 = arith.constant dense<true> : vector<512x128xi1>
    %eq3A_1981 = arith.xori %eq3A_1979, %eq3A_1980 : vector<512x128xi1>
    %eq3A_1982 = arith.xori %or3A_1970, %eq3A_1981 : vector<512x128xi1>
    %eq3A_1983 = arith.constant dense<true> : vector<512x128xi1>
    %eq3A_1984 = arith.xori %eq3A_1982, %eq3A_1983 : vector<512x128xi1>
    %select_n3A_1985 = arith.select %eq3A_1984, %select_n3A_1948, %reshape3A_1960 : vector<512x128xi1>, vector<512x128xi32>
    %select_n3A_1986 = arith.select %eq3A_1984, %select_n3A_1949, %reshape3A_1965 : vector<512x128xi1>, vector<512x128xi32>
    %and3A_1987 = arith.constant 2 : i32
    %and3A_1988 = vector.broadcast %and3A_1987 : i32 to vector<512x128xi32>
    %and3A_1989 = arith.andi %add3A, %and3A_1988 : vector<512x128xi32>
    %ne3A_1990 = arith.constant 0 : i32
    %ne3A_1991 = vector.broadcast %ne3A_1990 : i32 to vector<512x128xi32>
    %ne3A_1992 = arith.cmpi ne, %and3A_1989, %ne3A_1991 : vector<512x128xi32>
    %reshape3A_1993 = vector.shape_cast %select_n3A_1985 : vector<512x128xi32> to vector<128x2x2x128xi32>
    %slice3A_1994 = vector.extract_strided_slice %reshape3A_1993 {offsets = [0, 1, 0, 0], sizes = [128, 1, 2, 128], strides = [1, 1, 1, 1]} : vector<128x2x2x128xi32> to vector<128x1x2x128xi32>
    %slice3A_1995 = vector.extract_strided_slice %reshape3A_1993 {offsets = [0, 0, 0, 0], sizes = [128, 1, 2, 128], strides = [1, 1, 1, 1]} : vector<128x2x2x128xi32> to vector<128x1x2x128xi32>
    %concatenate3A_1996 = tpu.concatenate %slice3A_1994, %slice3A_1995 in 1 : vector<128x1x2x128xi32>, vector<128x1x2x128xi32> -> vector<128x2x2x128xi32>
    %reshape3A_1997 = vector.shape_cast %concatenate3A_1996 : vector<128x2x2x128xi32> to vector<512x128xi32>
    %reshape3A_1998 = vector.shape_cast %select_n3A_1986 : vector<512x128xi32> to vector<128x2x2x128xi32>
    %slice3A_1999 = vector.extract_strided_slice %reshape3A_1998 {offsets = [0, 1, 0, 0], sizes = [128, 1, 2, 128], strides = [1, 1, 1, 1]} : vector<128x2x2x128xi32> to vector<128x1x2x128xi32>
    %slice3A_2000 = vector.extract_strided_slice %reshape3A_1998 {offsets = [0, 0, 0, 0], sizes = [128, 1, 2, 128], strides = [1, 1, 1, 1]} : vector<128x2x2x128xi32> to vector<128x1x2x128xi32>
    %concatenate3A_2001 = tpu.concatenate %slice3A_1999, %slice3A_2000 in 1 : vector<128x1x2x128xi32>, vector<128x1x2x128xi32> -> vector<128x2x2x128xi32>
    %reshape3A_2002 = vector.shape_cast %concatenate3A_2001 : vector<128x2x2x128xi32> to vector<512x128xi32>
    %gt3A_2003 = arith.cmpi sgt, %select_n3A_1985, %reshape3A_1997 : vector<512x128xi32>
    %eq3A_2004 = arith.cmpi eq, %select_n3A_1985, %reshape3A_1997 : vector<512x128xi32>
    %lt3A_2005 = arith.cmpi slt, %select_n3A_1986, %reshape3A_2002 : vector<512x128xi32>
    %and3A_2006 = arith.andi %eq3A_2004, %lt3A_2005 : vector<512x128xi1>
    %or3A_2007 = arith.ori %gt3A_2003, %and3A_2006 : vector<512x128xi1>
    %not3A_2008 = arith.constant dense<true> : vector<512x128xi1>
    %not3A_2009 = arith.xori %ne3A_1992, %not3A_2008 : vector<512x128xi1>
    %and3A_2010 = arith.constant 1024 : i32
    %and3A_2011 = vector.broadcast %and3A_2010 : i32 to vector<512x128xi32>
    %and3A_2012 = arith.andi %add3A, %and3A_2011 : vector<512x128xi32>
    %eq3A_2013 = arith.constant 0 : i32
    %eq3A_2014 = vector.broadcast %eq3A_2013 : i32 to vector<512x128xi32>
    %eq3A_2015 = arith.cmpi eq, %and3A_2012, %eq3A_2014 : vector<512x128xi32>
    %eq3A_2016 = arith.xori %not3A_2009, %eq3A_2015 : vector<512x128xi1>
    %eq3A_2017 = arith.constant dense<true> : vector<512x128xi1>
    %eq3A_2018 = arith.xori %eq3A_2016, %eq3A_2017 : vector<512x128xi1>
    %eq3A_2019 = arith.xori %or3A_2007, %eq3A_2018 : vector<512x128xi1>
    %eq3A_2020 = arith.constant dense<true> : vector<512x128xi1>
    %eq3A_2021 = arith.xori %eq3A_2019, %eq3A_2020 : vector<512x128xi1>
    %select_n3A_2022 = arith.select %eq3A_2021, %select_n3A_1985, %reshape3A_1997 : vector<512x128xi1>, vector<512x128xi32>
    %select_n3A_2023 = arith.select %eq3A_2021, %select_n3A_1986, %reshape3A_2002 : vector<512x128xi1>, vector<512x128xi32>
    %and3A_2024 = arith.constant 1 : i32
    %and3A_2025 = vector.broadcast %and3A_2024 : i32 to vector<512x128xi32>
    %and3A_2026 = arith.andi %add3A, %and3A_2025 : vector<512x128xi32>
    %ne3A_2027 = arith.constant 0 : i32
    %ne3A_2028 = vector.broadcast %ne3A_2027 : i32 to vector<512x128xi32>
    %ne3A_2029 = arith.cmpi ne, %and3A_2026, %ne3A_2028 : vector<512x128xi32>
    %reshape3A_2030 = vector.shape_cast %select_n3A_2022 : vector<512x128xi32> to vector<256x2x1x128xi32>
    %slice3A_2031 = vector.extract_strided_slice %reshape3A_2030 {offsets = [0, 1, 0, 0], sizes = [256, 1, 1, 128], strides = [1, 1, 1, 1]} : vector<256x2x1x128xi32> to vector<256x1x1x128xi32>
    %slice3A_2032 = vector.extract_strided_slice %reshape3A_2030 {offsets = [0, 0, 0, 0], sizes = [256, 1, 1, 128], strides = [1, 1, 1, 1]} : vector<256x2x1x128xi32> to vector<256x1x1x128xi32>
    %concatenate3A_2033 = tpu.concatenate %slice3A_2031, %slice3A_2032 in 1 : vector<256x1x1x128xi32>, vector<256x1x1x128xi32> -> vector<256x2x1x128xi32>
    %reshape3A_2034 = vector.shape_cast %concatenate3A_2033 : vector<256x2x1x128xi32> to vector<512x128xi32>
    %reshape3A_2035 = vector.shape_cast %select_n3A_2023 : vector<512x128xi32> to vector<256x2x1x128xi32>
    %slice3A_2036 = vector.extract_strided_slice %reshape3A_2035 {offsets = [0, 1, 0, 0], sizes = [256, 1, 1, 128], strides = [1, 1, 1, 1]} : vector<256x2x1x128xi32> to vector<256x1x1x128xi32>
    %slice3A_2037 = vector.extract_strided_slice %reshape3A_2035 {offsets = [0, 0, 0, 0], sizes = [256, 1, 1, 128], strides = [1, 1, 1, 1]} : vector<256x2x1x128xi32> to vector<256x1x1x128xi32>
    %concatenate3A_2038 = tpu.concatenate %slice3A_2036, %slice3A_2037 in 1 : vector<256x1x1x128xi32>, vector<256x1x1x128xi32> -> vector<256x2x1x128xi32>
    %reshape3A_2039 = vector.shape_cast %concatenate3A_2038 : vector<256x2x1x128xi32> to vector<512x128xi32>
    %gt3A_2040 = arith.cmpi sgt, %select_n3A_2022, %reshape3A_2034 : vector<512x128xi32>
    %eq3A_2041 = arith.cmpi eq, %select_n3A_2022, %reshape3A_2034 : vector<512x128xi32>
    %lt3A_2042 = arith.cmpi slt, %select_n3A_2023, %reshape3A_2039 : vector<512x128xi32>
    %and3A_2043 = arith.andi %eq3A_2041, %lt3A_2042 : vector<512x128xi1>
    %or3A_2044 = arith.ori %gt3A_2040, %and3A_2043 : vector<512x128xi1>
    %not3A_2045 = arith.constant dense<true> : vector<512x128xi1>
    %not3A_2046 = arith.xori %ne3A_2029, %not3A_2045 : vector<512x128xi1>
    %and3A_2047 = arith.constant 1024 : i32
    %and3A_2048 = vector.broadcast %and3A_2047 : i32 to vector<512x128xi32>
    %and3A_2049 = arith.andi %add3A, %and3A_2048 : vector<512x128xi32>
    %eq3A_2050 = arith.constant 0 : i32
    %eq3A_2051 = vector.broadcast %eq3A_2050 : i32 to vector<512x128xi32>
    %eq3A_2052 = arith.cmpi eq, %and3A_2049, %eq3A_2051 : vector<512x128xi32>
    %eq3A_2053 = arith.xori %not3A_2046, %eq3A_2052 : vector<512x128xi1>
    %eq3A_2054 = arith.constant dense<true> : vector<512x128xi1>
    %eq3A_2055 = arith.xori %eq3A_2053, %eq3A_2054 : vector<512x128xi1>
    %eq3A_2056 = arith.xori %or3A_2044, %eq3A_2055 : vector<512x128xi1>
    %eq3A_2057 = arith.constant dense<true> : vector<512x128xi1>
    %eq3A_2058 = arith.xori %eq3A_2056, %eq3A_2057 : vector<512x128xi1>
    %select_n3A_2059 = arith.select %eq3A_2058, %select_n3A_2022, %reshape3A_2034 : vector<512x128xi1>, vector<512x128xi32>
    %select_n3A_2060 = arith.select %eq3A_2058, %select_n3A_2023, %reshape3A_2039 : vector<512x128xi1>, vector<512x128xi32>
    %and3A_2061 = arith.constant 1024 : i32
    %and3A_2062 = vector.broadcast %and3A_2061 : i32 to vector<512x128xi32>
    %and3A_2063 = arith.andi %add3A, %and3A_2062 : vector<512x128xi32>
    %ne3A_2064 = arith.constant 0 : i32
    %ne3A_2065 = vector.broadcast %ne3A_2064 : i32 to vector<512x128xi32>
    %ne3A_2066 = arith.cmpi ne, %and3A_2063, %ne3A_2065 : vector<512x128xi32>
    %roll3A_2067 = arith.constant 120 : i32
    %roll3A_2068 = tpu.dynamic_rotate %select_n3A_2059 by %roll3A_2067 dim 1 : vector<512x128xi32>, i32 -> vector<512x128xi32>
    %roll3A_2069 = arith.constant 8 : i32
    %roll3A_2070 = tpu.dynamic_rotate %select_n3A_2059 by %roll3A_2069 dim 1 : vector<512x128xi32>, i32 -> vector<512x128xi32>
    %roll3A_2071 = arith.constant 120 : i32
    %roll3A_2072 = tpu.dynamic_rotate %select_n3A_2060 by %roll3A_2071 dim 1 : vector<512x128xi32>, i32 -> vector<512x128xi32>
    %roll3A_2073 = arith.constant 8 : i32
    %roll3A_2074 = tpu.dynamic_rotate %select_n3A_2060 by %roll3A_2073 dim 1 : vector<512x128xi32>, i32 -> vector<512x128xi32>
    %select_n3A_2075 = arith.select %ne3A_2066, %roll3A_2070, %roll3A_2068 : vector<512x128xi1>, vector<512x128xi32>
    %select_n3A_2076 = arith.select %ne3A_2066, %roll3A_2074, %roll3A_2072 : vector<512x128xi1>, vector<512x128xi32>
    %gt3A_2077 = arith.cmpi sgt, %select_n3A_2059, %select_n3A_2075 : vector<512x128xi32>
    %eq3A_2078 = arith.cmpi eq, %select_n3A_2059, %select_n3A_2075 : vector<512x128xi32>
    %lt3A_2079 = arith.cmpi slt, %select_n3A_2060, %select_n3A_2076 : vector<512x128xi32>
    %and3A_2080 = arith.andi %eq3A_2078, %lt3A_2079 : vector<512x128xi1>
    %or3A_2081 = arith.ori %gt3A_2077, %and3A_2080 : vector<512x128xi1>
    %not3A_2082 = arith.constant dense<true> : vector<512x128xi1>
    %not3A_2083 = arith.xori %ne3A_2066, %not3A_2082 : vector<512x128xi1>
    %and3A_2084 = arith.constant 2048 : i32
    %and3A_2085 = vector.broadcast %and3A_2084 : i32 to vector<512x128xi32>
    %and3A_2086 = arith.andi %add3A, %and3A_2085 : vector<512x128xi32>
    %eq3A_2087 = arith.constant 0 : i32
    %eq3A_2088 = vector.broadcast %eq3A_2087 : i32 to vector<512x128xi32>
    %eq3A_2089 = arith.cmpi eq, %and3A_2086, %eq3A_2088 : vector<512x128xi32>
    %eq3A_2090 = arith.xori %not3A_2083, %eq3A_2089 : vector<512x128xi1>
    %eq3A_2091 = arith.constant dense<true> : vector<512x128xi1>
    %eq3A_2092 = arith.xori %eq3A_2090, %eq3A_2091 : vector<512x128xi1>
    %eq3A_2093 = arith.xori %or3A_2081, %eq3A_2092 : vector<512x128xi1>
    %eq3A_2094 = arith.constant dense<true> : vector<512x128xi1>
    %eq3A_2095 = arith.xori %eq3A_2093, %eq3A_2094 : vector<512x128xi1>
    %select_n3A_2096 = arith.select %eq3A_2095, %select_n3A_2059, %select_n3A_2075 : vector<512x128xi1>, vector<512x128xi32>
    %select_n3A_2097 = arith.select %eq3A_2095, %select_n3A_2060, %select_n3A_2076 : vector<512x128xi1>, vector<512x128xi32>
    %and3A_2098 = arith.constant 512 : i32
    %and3A_2099 = vector.broadcast %and3A_2098 : i32 to vector<512x128xi32>
    %and3A_2100 = arith.andi %add3A, %and3A_2099 : vector<512x128xi32>
    %ne3A_2101 = arith.constant 0 : i32
    %ne3A_2102 = vector.broadcast %ne3A_2101 : i32 to vector<512x128xi32>
    %ne3A_2103 = arith.cmpi ne, %and3A_2100, %ne3A_2102 : vector<512x128xi32>
    %roll3A_2104 = arith.constant 124 : i32
    %roll3A_2105 = tpu.dynamic_rotate %select_n3A_2096 by %roll3A_2104 dim 1 : vector<512x128xi32>, i32 -> vector<512x128xi32>
    %roll3A_2106 = arith.constant 4 : i32
    %roll3A_2107 = tpu.dynamic_rotate %select_n3A_2096 by %roll3A_2106 dim 1 : vector<512x128xi32>, i32 -> vector<512x128xi32>
    %roll3A_2108 = arith.constant 124 : i32
    %roll3A_2109 = tpu.dynamic_rotate %select_n3A_2097 by %roll3A_2108 dim 1 : vector<512x128xi32>, i32 -> vector<512x128xi32>
    %roll3A_2110 = arith.constant 4 : i32
    %roll3A_2111 = tpu.dynamic_rotate %select_n3A_2097 by %roll3A_2110 dim 1 : vector<512x128xi32>, i32 -> vector<512x128xi32>
    %select_n3A_2112 = arith.select %ne3A_2103, %roll3A_2107, %roll3A_2105 : vector<512x128xi1>, vector<512x128xi32>
    %select_n3A_2113 = arith.select %ne3A_2103, %roll3A_2111, %roll3A_2109 : vector<512x128xi1>, vector<512x128xi32>
    %gt3A_2114 = arith.cmpi sgt, %select_n3A_2096, %select_n3A_2112 : vector<512x128xi32>
    %eq3A_2115 = arith.cmpi eq, %select_n3A_2096, %select_n3A_2112 : vector<512x128xi32>
    %lt3A_2116 = arith.cmpi slt, %select_n3A_2097, %select_n3A_2113 : vector<512x128xi32>
    %and3A_2117 = arith.andi %eq3A_2115, %lt3A_2116 : vector<512x128xi1>
    %or3A_2118 = arith.ori %gt3A_2114, %and3A_2117 : vector<512x128xi1>
    %not3A_2119 = arith.constant dense<true> : vector<512x128xi1>
    %not3A_2120 = arith.xori %ne3A_2103, %not3A_2119 : vector<512x128xi1>
    %and3A_2121 = arith.constant 2048 : i32
    %and3A_2122 = vector.broadcast %and3A_2121 : i32 to vector<512x128xi32>
    %and3A_2123 = arith.andi %add3A, %and3A_2122 : vector<512x128xi32>
    %eq3A_2124 = arith.constant 0 : i32
    %eq3A_2125 = vector.broadcast %eq3A_2124 : i32 to vector<512x128xi32>
    %eq3A_2126 = arith.cmpi eq, %and3A_2123, %eq3A_2125 : vector<512x128xi32>
    %eq3A_2127 = arith.xori %not3A_2120, %eq3A_2126 : vector<512x128xi1>
    %eq3A_2128 = arith.constant dense<true> : vector<512x128xi1>
    %eq3A_2129 = arith.xori %eq3A_2127, %eq3A_2128 : vector<512x128xi1>
    %eq3A_2130 = arith.xori %or3A_2118, %eq3A_2129 : vector<512x128xi1>
    %eq3A_2131 = arith.constant dense<true> : vector<512x128xi1>
    %eq3A_2132 = arith.xori %eq3A_2130, %eq3A_2131 : vector<512x128xi1>
    %select_n3A_2133 = arith.select %eq3A_2132, %select_n3A_2096, %select_n3A_2112 : vector<512x128xi1>, vector<512x128xi32>
    %select_n3A_2134 = arith.select %eq3A_2132, %select_n3A_2097, %select_n3A_2113 : vector<512x128xi1>, vector<512x128xi32>
    %and3A_2135 = arith.constant 256 : i32
    %and3A_2136 = vector.broadcast %and3A_2135 : i32 to vector<512x128xi32>
    %and3A_2137 = arith.andi %add3A, %and3A_2136 : vector<512x128xi32>
    %ne3A_2138 = arith.constant 0 : i32
    %ne3A_2139 = vector.broadcast %ne3A_2138 : i32 to vector<512x128xi32>
    %ne3A_2140 = arith.cmpi ne, %and3A_2137, %ne3A_2139 : vector<512x128xi32>
    %roll3A_2141 = arith.constant 126 : i32
    %roll3A_2142 = tpu.dynamic_rotate %select_n3A_2133 by %roll3A_2141 dim 1 : vector<512x128xi32>, i32 -> vector<512x128xi32>
    %roll3A_2143 = arith.constant 2 : i32
    %roll3A_2144 = tpu.dynamic_rotate %select_n3A_2133 by %roll3A_2143 dim 1 : vector<512x128xi32>, i32 -> vector<512x128xi32>
    %roll3A_2145 = arith.constant 126 : i32
    %roll3A_2146 = tpu.dynamic_rotate %select_n3A_2134 by %roll3A_2145 dim 1 : vector<512x128xi32>, i32 -> vector<512x128xi32>
    %roll3A_2147 = arith.constant 2 : i32
    %roll3A_2148 = tpu.dynamic_rotate %select_n3A_2134 by %roll3A_2147 dim 1 : vector<512x128xi32>, i32 -> vector<512x128xi32>
    %select_n3A_2149 = arith.select %ne3A_2140, %roll3A_2144, %roll3A_2142 : vector<512x128xi1>, vector<512x128xi32>
    %select_n3A_2150 = arith.select %ne3A_2140, %roll3A_2148, %roll3A_2146 : vector<512x128xi1>, vector<512x128xi32>
    %gt3A_2151 = arith.cmpi sgt, %select_n3A_2133, %select_n3A_2149 : vector<512x128xi32>
    %eq3A_2152 = arith.cmpi eq, %select_n3A_2133, %select_n3A_2149 : vector<512x128xi32>
    %lt3A_2153 = arith.cmpi slt, %select_n3A_2134, %select_n3A_2150 : vector<512x128xi32>
    %and3A_2154 = arith.andi %eq3A_2152, %lt3A_2153 : vector<512x128xi1>
    %or3A_2155 = arith.ori %gt3A_2151, %and3A_2154 : vector<512x128xi1>
    %not3A_2156 = arith.constant dense<true> : vector<512x128xi1>
    %not3A_2157 = arith.xori %ne3A_2140, %not3A_2156 : vector<512x128xi1>
    %and3A_2158 = arith.constant 2048 : i32
    %and3A_2159 = vector.broadcast %and3A_2158 : i32 to vector<512x128xi32>
    %and3A_2160 = arith.andi %add3A, %and3A_2159 : vector<512x128xi32>
    %eq3A_2161 = arith.constant 0 : i32
    %eq3A_2162 = vector.broadcast %eq3A_2161 : i32 to vector<512x128xi32>
    %eq3A_2163 = arith.cmpi eq, %and3A_2160, %eq3A_2162 : vector<512x128xi32>
    %eq3A_2164 = arith.xori %not3A_2157, %eq3A_2163 : vector<512x128xi1>
    %eq3A_2165 = arith.constant dense<true> : vector<512x128xi1>
    %eq3A_2166 = arith.xori %eq3A_2164, %eq3A_2165 : vector<512x128xi1>
    %eq3A_2167 = arith.xori %or3A_2155, %eq3A_2166 : vector<512x128xi1>
    %eq3A_2168 = arith.constant dense<true> : vector<512x128xi1>
    %eq3A_2169 = arith.xori %eq3A_2167, %eq3A_2168 : vector<512x128xi1>
    %select_n3A_2170 = arith.select %eq3A_2169, %select_n3A_2133, %select_n3A_2149 : vector<512x128xi1>, vector<512x128xi32>
    %select_n3A_2171 = arith.select %eq3A_2169, %select_n3A_2134, %select_n3A_2150 : vector<512x128xi1>, vector<512x128xi32>
    %and3A_2172 = arith.constant 128 : i32
    %and3A_2173 = vector.broadcast %and3A_2172 : i32 to vector<512x128xi32>
    %and3A_2174 = arith.andi %add3A, %and3A_2173 : vector<512x128xi32>
    %ne3A_2175 = arith.constant 0 : i32
    %ne3A_2176 = vector.broadcast %ne3A_2175 : i32 to vector<512x128xi32>
    %ne3A_2177 = arith.cmpi ne, %and3A_2174, %ne3A_2176 : vector<512x128xi32>
    %roll3A_2178 = arith.constant 127 : i32
    %roll3A_2179 = tpu.dynamic_rotate %select_n3A_2170 by %roll3A_2178 dim 1 : vector<512x128xi32>, i32 -> vector<512x128xi32>
    %roll3A_2180 = arith.constant 1 : i32
    %roll3A_2181 = tpu.dynamic_rotate %select_n3A_2170 by %roll3A_2180 dim 1 : vector<512x128xi32>, i32 -> vector<512x128xi32>
    %roll3A_2182 = arith.constant 127 : i32
    %roll3A_2183 = tpu.dynamic_rotate %select_n3A_2171 by %roll3A_2182 dim 1 : vector<512x128xi32>, i32 -> vector<512x128xi32>
    %roll3A_2184 = arith.constant 1 : i32
    %roll3A_2185 = tpu.dynamic_rotate %select_n3A_2171 by %roll3A_2184 dim 1 : vector<512x128xi32>, i32 -> vector<512x128xi32>
    %select_n3A_2186 = arith.select %ne3A_2177, %roll3A_2181, %roll3A_2179 : vector<512x128xi1>, vector<512x128xi32>
    %select_n3A_2187 = arith.select %ne3A_2177, %roll3A_2185, %roll3A_2183 : vector<512x128xi1>, vector<512x128xi32>
    %gt3A_2188 = arith.cmpi sgt, %select_n3A_2170, %select_n3A_2186 : vector<512x128xi32>
    %eq3A_2189 = arith.cmpi eq, %select_n3A_2170, %select_n3A_2186 : vector<512x128xi32>
    %lt3A_2190 = arith.cmpi slt, %select_n3A_2171, %select_n3A_2187 : vector<512x128xi32>
    %and3A_2191 = arith.andi %eq3A_2189, %lt3A_2190 : vector<512x128xi1>
    %or3A_2192 = arith.ori %gt3A_2188, %and3A_2191 : vector<512x128xi1>
    %not3A_2193 = arith.constant dense<true> : vector<512x128xi1>
    %not3A_2194 = arith.xori %ne3A_2177, %not3A_2193 : vector<512x128xi1>
    %and3A_2195 = arith.constant 2048 : i32
    %and3A_2196 = vector.broadcast %and3A_2195 : i32 to vector<512x128xi32>
    %and3A_2197 = arith.andi %add3A, %and3A_2196 : vector<512x128xi32>
    %eq3A_2198 = arith.constant 0 : i32
    %eq3A_2199 = vector.broadcast %eq3A_2198 : i32 to vector<512x128xi32>
    %eq3A_2200 = arith.cmpi eq, %and3A_2197, %eq3A_2199 : vector<512x128xi32>
    %eq3A_2201 = arith.xori %not3A_2194, %eq3A_2200 : vector<512x128xi1>
    %eq3A_2202 = arith.constant dense<true> : vector<512x128xi1>
    %eq3A_2203 = arith.xori %eq3A_2201, %eq3A_2202 : vector<512x128xi1>
    %eq3A_2204 = arith.xori %or3A_2192, %eq3A_2203 : vector<512x128xi1>
    %eq3A_2205 = arith.constant dense<true> : vector<512x128xi1>
    %eq3A_2206 = arith.xori %eq3A_2204, %eq3A_2205 : vector<512x128xi1>
    %select_n3A_2207 = arith.select %eq3A_2206, %select_n3A_2170, %select_n3A_2186 : vector<512x128xi1>, vector<512x128xi32>
    %select_n3A_2208 = arith.select %eq3A_2206, %select_n3A_2171, %select_n3A_2187 : vector<512x128xi1>, vector<512x128xi32>
    %and3A_2209 = arith.constant 64 : i32
    %and3A_2210 = vector.broadcast %and3A_2209 : i32 to vector<512x128xi32>
    %and3A_2211 = arith.andi %add3A, %and3A_2210 : vector<512x128xi32>
    %ne3A_2212 = arith.constant 0 : i32
    %ne3A_2213 = vector.broadcast %ne3A_2212 : i32 to vector<512x128xi32>
    %ne3A_2214 = arith.cmpi ne, %and3A_2211, %ne3A_2213 : vector<512x128xi32>
    %reshape3A_2215 = vector.shape_cast %select_n3A_2207 : vector<512x128xi32> to vector<4x2x64x128xi32>
    %slice3A_2216 = vector.extract_strided_slice %reshape3A_2215 {offsets = [0, 1, 0, 0], sizes = [4, 1, 64, 128], strides = [1, 1, 1, 1]} : vector<4x2x64x128xi32> to vector<4x1x64x128xi32>
    %slice3A_2217 = vector.extract_strided_slice %reshape3A_2215 {offsets = [0, 0, 0, 0], sizes = [4, 1, 64, 128], strides = [1, 1, 1, 1]} : vector<4x2x64x128xi32> to vector<4x1x64x128xi32>
    %concatenate3A_2218 = tpu.concatenate %slice3A_2216, %slice3A_2217 in 1 : vector<4x1x64x128xi32>, vector<4x1x64x128xi32> -> vector<4x2x64x128xi32>
    %reshape3A_2219 = vector.shape_cast %concatenate3A_2218 : vector<4x2x64x128xi32> to vector<512x128xi32>
    %reshape3A_2220 = vector.shape_cast %select_n3A_2208 : vector<512x128xi32> to vector<4x2x64x128xi32>
    %slice3A_2221 = vector.extract_strided_slice %reshape3A_2220 {offsets = [0, 1, 0, 0], sizes = [4, 1, 64, 128], strides = [1, 1, 1, 1]} : vector<4x2x64x128xi32> to vector<4x1x64x128xi32>
    %slice3A_2222 = vector.extract_strided_slice %reshape3A_2220 {offsets = [0, 0, 0, 0], sizes = [4, 1, 64, 128], strides = [1, 1, 1, 1]} : vector<4x2x64x128xi32> to vector<4x1x64x128xi32>
    %concatenate3A_2223 = tpu.concatenate %slice3A_2221, %slice3A_2222 in 1 : vector<4x1x64x128xi32>, vector<4x1x64x128xi32> -> vector<4x2x64x128xi32>
    %reshape3A_2224 = vector.shape_cast %concatenate3A_2223 : vector<4x2x64x128xi32> to vector<512x128xi32>
    %gt3A_2225 = arith.cmpi sgt, %select_n3A_2207, %reshape3A_2219 : vector<512x128xi32>
    %eq3A_2226 = arith.cmpi eq, %select_n3A_2207, %reshape3A_2219 : vector<512x128xi32>
    %lt3A_2227 = arith.cmpi slt, %select_n3A_2208, %reshape3A_2224 : vector<512x128xi32>
    %and3A_2228 = arith.andi %eq3A_2226, %lt3A_2227 : vector<512x128xi1>
    %or3A_2229 = arith.ori %gt3A_2225, %and3A_2228 : vector<512x128xi1>
    %not3A_2230 = arith.constant dense<true> : vector<512x128xi1>
    %not3A_2231 = arith.xori %ne3A_2214, %not3A_2230 : vector<512x128xi1>
    %and3A_2232 = arith.constant 2048 : i32
    %and3A_2233 = vector.broadcast %and3A_2232 : i32 to vector<512x128xi32>
    %and3A_2234 = arith.andi %add3A, %and3A_2233 : vector<512x128xi32>
    %eq3A_2235 = arith.constant 0 : i32
    %eq3A_2236 = vector.broadcast %eq3A_2235 : i32 to vector<512x128xi32>
    %eq3A_2237 = arith.cmpi eq, %and3A_2234, %eq3A_2236 : vector<512x128xi32>
    %eq3A_2238 = arith.xori %not3A_2231, %eq3A_2237 : vector<512x128xi1>
    %eq3A_2239 = arith.constant dense<true> : vector<512x128xi1>
    %eq3A_2240 = arith.xori %eq3A_2238, %eq3A_2239 : vector<512x128xi1>
    %eq3A_2241 = arith.xori %or3A_2229, %eq3A_2240 : vector<512x128xi1>
    %eq3A_2242 = arith.constant dense<true> : vector<512x128xi1>
    %eq3A_2243 = arith.xori %eq3A_2241, %eq3A_2242 : vector<512x128xi1>
    %select_n3A_2244 = arith.select %eq3A_2243, %select_n3A_2207, %reshape3A_2219 : vector<512x128xi1>, vector<512x128xi32>
    %select_n3A_2245 = arith.select %eq3A_2243, %select_n3A_2208, %reshape3A_2224 : vector<512x128xi1>, vector<512x128xi32>
    %and3A_2246 = arith.constant 32 : i32
    %and3A_2247 = vector.broadcast %and3A_2246 : i32 to vector<512x128xi32>
    %and3A_2248 = arith.andi %add3A, %and3A_2247 : vector<512x128xi32>
    %ne3A_2249 = arith.constant 0 : i32
    %ne3A_2250 = vector.broadcast %ne3A_2249 : i32 to vector<512x128xi32>
    %ne3A_2251 = arith.cmpi ne, %and3A_2248, %ne3A_2250 : vector<512x128xi32>
    %reshape3A_2252 = vector.shape_cast %select_n3A_2244 : vector<512x128xi32> to vector<8x2x32x128xi32>
    %slice3A_2253 = vector.extract_strided_slice %reshape3A_2252 {offsets = [0, 1, 0, 0], sizes = [8, 1, 32, 128], strides = [1, 1, 1, 1]} : vector<8x2x32x128xi32> to vector<8x1x32x128xi32>
    %slice3A_2254 = vector.extract_strided_slice %reshape3A_2252 {offsets = [0, 0, 0, 0], sizes = [8, 1, 32, 128], strides = [1, 1, 1, 1]} : vector<8x2x32x128xi32> to vector<8x1x32x128xi32>
    %concatenate3A_2255 = tpu.concatenate %slice3A_2253, %slice3A_2254 in 1 : vector<8x1x32x128xi32>, vector<8x1x32x128xi32> -> vector<8x2x32x128xi32>
    %reshape3A_2256 = vector.shape_cast %concatenate3A_2255 : vector<8x2x32x128xi32> to vector<512x128xi32>
    %reshape3A_2257 = vector.shape_cast %select_n3A_2245 : vector<512x128xi32> to vector<8x2x32x128xi32>
    %slice3A_2258 = vector.extract_strided_slice %reshape3A_2257 {offsets = [0, 1, 0, 0], sizes = [8, 1, 32, 128], strides = [1, 1, 1, 1]} : vector<8x2x32x128xi32> to vector<8x1x32x128xi32>
    %slice3A_2259 = vector.extract_strided_slice %reshape3A_2257 {offsets = [0, 0, 0, 0], sizes = [8, 1, 32, 128], strides = [1, 1, 1, 1]} : vector<8x2x32x128xi32> to vector<8x1x32x128xi32>
    %concatenate3A_2260 = tpu.concatenate %slice3A_2258, %slice3A_2259 in 1 : vector<8x1x32x128xi32>, vector<8x1x32x128xi32> -> vector<8x2x32x128xi32>
    %reshape3A_2261 = vector.shape_cast %concatenate3A_2260 : vector<8x2x32x128xi32> to vector<512x128xi32>
    %gt3A_2262 = arith.cmpi sgt, %select_n3A_2244, %reshape3A_2256 : vector<512x128xi32>
    %eq3A_2263 = arith.cmpi eq, %select_n3A_2244, %reshape3A_2256 : vector<512x128xi32>
    %lt3A_2264 = arith.cmpi slt, %select_n3A_2245, %reshape3A_2261 : vector<512x128xi32>
    %and3A_2265 = arith.andi %eq3A_2263, %lt3A_2264 : vector<512x128xi1>
    %or3A_2266 = arith.ori %gt3A_2262, %and3A_2265 : vector<512x128xi1>
    %not3A_2267 = arith.constant dense<true> : vector<512x128xi1>
    %not3A_2268 = arith.xori %ne3A_2251, %not3A_2267 : vector<512x128xi1>
    %and3A_2269 = arith.constant 2048 : i32
    %and3A_2270 = vector.broadcast %and3A_2269 : i32 to vector<512x128xi32>
    %and3A_2271 = arith.andi %add3A, %and3A_2270 : vector<512x128xi32>
    %eq3A_2272 = arith.constant 0 : i32
    %eq3A_2273 = vector.broadcast %eq3A_2272 : i32 to vector<512x128xi32>
    %eq3A_2274 = arith.cmpi eq, %and3A_2271, %eq3A_2273 : vector<512x128xi32>
    %eq3A_2275 = arith.xori %not3A_2268, %eq3A_2274 : vector<512x128xi1>
    %eq3A_2276 = arith.constant dense<true> : vector<512x128xi1>
    %eq3A_2277 = arith.xori %eq3A_2275, %eq3A_2276 : vector<512x128xi1>
    %eq3A_2278 = arith.xori %or3A_2266, %eq3A_2277 : vector<512x128xi1>
    %eq3A_2279 = arith.constant dense<true> : vector<512x128xi1>
    %eq3A_2280 = arith.xori %eq3A_2278, %eq3A_2279 : vector<512x128xi1>
    %select_n3A_2281 = arith.select %eq3A_2280, %select_n3A_2244, %reshape3A_2256 : vector<512x128xi1>, vector<512x128xi32>
    %select_n3A_2282 = arith.select %eq3A_2280, %select_n3A_2245, %reshape3A_2261 : vector<512x128xi1>, vector<512x128xi32>
    %and3A_2283 = arith.constant 16 : i32
    %and3A_2284 = vector.broadcast %and3A_2283 : i32 to vector<512x128xi32>
    %and3A_2285 = arith.andi %add3A, %and3A_2284 : vector<512x128xi32>
    %ne3A_2286 = arith.constant 0 : i32
    %ne3A_2287 = vector.broadcast %ne3A_2286 : i32 to vector<512x128xi32>
    %ne3A_2288 = arith.cmpi ne, %and3A_2285, %ne3A_2287 : vector<512x128xi32>
    %reshape3A_2289 = vector.shape_cast %select_n3A_2281 : vector<512x128xi32> to vector<16x2x16x128xi32>
    %slice3A_2290 = vector.extract_strided_slice %reshape3A_2289 {offsets = [0, 1, 0, 0], sizes = [16, 1, 16, 128], strides = [1, 1, 1, 1]} : vector<16x2x16x128xi32> to vector<16x1x16x128xi32>
    %slice3A_2291 = vector.extract_strided_slice %reshape3A_2289 {offsets = [0, 0, 0, 0], sizes = [16, 1, 16, 128], strides = [1, 1, 1, 1]} : vector<16x2x16x128xi32> to vector<16x1x16x128xi32>
    %concatenate3A_2292 = tpu.concatenate %slice3A_2290, %slice3A_2291 in 1 : vector<16x1x16x128xi32>, vector<16x1x16x128xi32> -> vector<16x2x16x128xi32>
    %reshape3A_2293 = vector.shape_cast %concatenate3A_2292 : vector<16x2x16x128xi32> to vector<512x128xi32>
    %reshape3A_2294 = vector.shape_cast %select_n3A_2282 : vector<512x128xi32> to vector<16x2x16x128xi32>
    %slice3A_2295 = vector.extract_strided_slice %reshape3A_2294 {offsets = [0, 1, 0, 0], sizes = [16, 1, 16, 128], strides = [1, 1, 1, 1]} : vector<16x2x16x128xi32> to vector<16x1x16x128xi32>
    %slice3A_2296 = vector.extract_strided_slice %reshape3A_2294 {offsets = [0, 0, 0, 0], sizes = [16, 1, 16, 128], strides = [1, 1, 1, 1]} : vector<16x2x16x128xi32> to vector<16x1x16x128xi32>
    %concatenate3A_2297 = tpu.concatenate %slice3A_2295, %slice3A_2296 in 1 : vector<16x1x16x128xi32>, vector<16x1x16x128xi32> -> vector<16x2x16x128xi32>
    %reshape3A_2298 = vector.shape_cast %concatenate3A_2297 : vector<16x2x16x128xi32> to vector<512x128xi32>
    %gt3A_2299 = arith.cmpi sgt, %select_n3A_2281, %reshape3A_2293 : vector<512x128xi32>
    %eq3A_2300 = arith.cmpi eq, %select_n3A_2281, %reshape3A_2293 : vector<512x128xi32>
    %lt3A_2301 = arith.cmpi slt, %select_n3A_2282, %reshape3A_2298 : vector<512x128xi32>
    %and3A_2302 = arith.andi %eq3A_2300, %lt3A_2301 : vector<512x128xi1>
    %or3A_2303 = arith.ori %gt3A_2299, %and3A_2302 : vector<512x128xi1>
    %not3A_2304 = arith.constant dense<true> : vector<512x128xi1>
    %not3A_2305 = arith.xori %ne3A_2288, %not3A_2304 : vector<512x128xi1>
    %and3A_2306 = arith.constant 2048 : i32
    %and3A_2307 = vector.broadcast %and3A_2306 : i32 to vector<512x128xi32>
    %and3A_2308 = arith.andi %add3A, %and3A_2307 : vector<512x128xi32>
    %eq3A_2309 = arith.constant 0 : i32
    %eq3A_2310 = vector.broadcast %eq3A_2309 : i32 to vector<512x128xi32>
    %eq3A_2311 = arith.cmpi eq, %and3A_2308, %eq3A_2310 : vector<512x128xi32>
    %eq3A_2312 = arith.xori %not3A_2305, %eq3A_2311 : vector<512x128xi1>
    %eq3A_2313 = arith.constant dense<true> : vector<512x128xi1>
    %eq3A_2314 = arith.xori %eq3A_2312, %eq3A_2313 : vector<512x128xi1>
    %eq3A_2315 = arith.xori %or3A_2303, %eq3A_2314 : vector<512x128xi1>
    %eq3A_2316 = arith.constant dense<true> : vector<512x128xi1>
    %eq3A_2317 = arith.xori %eq3A_2315, %eq3A_2316 : vector<512x128xi1>
    %select_n3A_2318 = arith.select %eq3A_2317, %select_n3A_2281, %reshape3A_2293 : vector<512x128xi1>, vector<512x128xi32>
    %select_n3A_2319 = arith.select %eq3A_2317, %select_n3A_2282, %reshape3A_2298 : vector<512x128xi1>, vector<512x128xi32>
    %and3A_2320 = arith.constant 8 : i32
    %and3A_2321 = vector.broadcast %and3A_2320 : i32 to vector<512x128xi32>
    %and3A_2322 = arith.andi %add3A, %and3A_2321 : vector<512x128xi32>
    %ne3A_2323 = arith.constant 0 : i32
    %ne3A_2324 = vector.broadcast %ne3A_2323 : i32 to vector<512x128xi32>
    %ne3A_2325 = arith.cmpi ne, %and3A_2322, %ne3A_2324 : vector<512x128xi32>
    %reshape3A_2326 = vector.shape_cast %select_n3A_2318 : vector<512x128xi32> to vector<32x2x8x128xi32>
    %slice3A_2327 = vector.extract_strided_slice %reshape3A_2326 {offsets = [0, 1, 0, 0], sizes = [32, 1, 8, 128], strides = [1, 1, 1, 1]} : vector<32x2x8x128xi32> to vector<32x1x8x128xi32>
    %slice3A_2328 = vector.extract_strided_slice %reshape3A_2326 {offsets = [0, 0, 0, 0], sizes = [32, 1, 8, 128], strides = [1, 1, 1, 1]} : vector<32x2x8x128xi32> to vector<32x1x8x128xi32>
    %concatenate3A_2329 = tpu.concatenate %slice3A_2327, %slice3A_2328 in 1 : vector<32x1x8x128xi32>, vector<32x1x8x128xi32> -> vector<32x2x8x128xi32>
    %reshape3A_2330 = vector.shape_cast %concatenate3A_2329 : vector<32x2x8x128xi32> to vector<512x128xi32>
    %reshape3A_2331 = vector.shape_cast %select_n3A_2319 : vector<512x128xi32> to vector<32x2x8x128xi32>
    %slice3A_2332 = vector.extract_strided_slice %reshape3A_2331 {offsets = [0, 1, 0, 0], sizes = [32, 1, 8, 128], strides = [1, 1, 1, 1]} : vector<32x2x8x128xi32> to vector<32x1x8x128xi32>
    %slice3A_2333 = vector.extract_strided_slice %reshape3A_2331 {offsets = [0, 0, 0, 0], sizes = [32, 1, 8, 128], strides = [1, 1, 1, 1]} : vector<32x2x8x128xi32> to vector<32x1x8x128xi32>
    %concatenate3A_2334 = tpu.concatenate %slice3A_2332, %slice3A_2333 in 1 : vector<32x1x8x128xi32>, vector<32x1x8x128xi32> -> vector<32x2x8x128xi32>
    %reshape3A_2335 = vector.shape_cast %concatenate3A_2334 : vector<32x2x8x128xi32> to vector<512x128xi32>
    %gt3A_2336 = arith.cmpi sgt, %select_n3A_2318, %reshape3A_2330 : vector<512x128xi32>
    %eq3A_2337 = arith.cmpi eq, %select_n3A_2318, %reshape3A_2330 : vector<512x128xi32>
    %lt3A_2338 = arith.cmpi slt, %select_n3A_2319, %reshape3A_2335 : vector<512x128xi32>
    %and3A_2339 = arith.andi %eq3A_2337, %lt3A_2338 : vector<512x128xi1>
    %or3A_2340 = arith.ori %gt3A_2336, %and3A_2339 : vector<512x128xi1>
    %not3A_2341 = arith.constant dense<true> : vector<512x128xi1>
    %not3A_2342 = arith.xori %ne3A_2325, %not3A_2341 : vector<512x128xi1>
    %and3A_2343 = arith.constant 2048 : i32
    %and3A_2344 = vector.broadcast %and3A_2343 : i32 to vector<512x128xi32>
    %and3A_2345 = arith.andi %add3A, %and3A_2344 : vector<512x128xi32>
    %eq3A_2346 = arith.constant 0 : i32
    %eq3A_2347 = vector.broadcast %eq3A_2346 : i32 to vector<512x128xi32>
    %eq3A_2348 = arith.cmpi eq, %and3A_2345, %eq3A_2347 : vector<512x128xi32>
    %eq3A_2349 = arith.xori %not3A_2342, %eq3A_2348 : vector<512x128xi1>
    %eq3A_2350 = arith.constant dense<true> : vector<512x128xi1>
    %eq3A_2351 = arith.xori %eq3A_2349, %eq3A_2350 : vector<512x128xi1>
    %eq3A_2352 = arith.xori %or3A_2340, %eq3A_2351 : vector<512x128xi1>
    %eq3A_2353 = arith.constant dense<true> : vector<512x128xi1>
    %eq3A_2354 = arith.xori %eq3A_2352, %eq3A_2353 : vector<512x128xi1>
    %select_n3A_2355 = arith.select %eq3A_2354, %select_n3A_2318, %reshape3A_2330 : vector<512x128xi1>, vector<512x128xi32>
    %select_n3A_2356 = arith.select %eq3A_2354, %select_n3A_2319, %reshape3A_2335 : vector<512x128xi1>, vector<512x128xi32>
    %and3A_2357 = arith.constant 4 : i32
    %and3A_2358 = vector.broadcast %and3A_2357 : i32 to vector<512x128xi32>
    %and3A_2359 = arith.andi %add3A, %and3A_2358 : vector<512x128xi32>
    %ne3A_2360 = arith.constant 0 : i32
    %ne3A_2361 = vector.broadcast %ne3A_2360 : i32 to vector<512x128xi32>
    %ne3A_2362 = arith.cmpi ne, %and3A_2359, %ne3A_2361 : vector<512x128xi32>
    %reshape3A_2363 = vector.shape_cast %select_n3A_2355 : vector<512x128xi32> to vector<64x2x4x128xi32>
    %slice3A_2364 = vector.extract_strided_slice %reshape3A_2363 {offsets = [0, 1, 0, 0], sizes = [64, 1, 4, 128], strides = [1, 1, 1, 1]} : vector<64x2x4x128xi32> to vector<64x1x4x128xi32>
    %slice3A_2365 = vector.extract_strided_slice %reshape3A_2363 {offsets = [0, 0, 0, 0], sizes = [64, 1, 4, 128], strides = [1, 1, 1, 1]} : vector<64x2x4x128xi32> to vector<64x1x4x128xi32>
    %concatenate3A_2366 = tpu.concatenate %slice3A_2364, %slice3A_2365 in 1 : vector<64x1x4x128xi32>, vector<64x1x4x128xi32> -> vector<64x2x4x128xi32>
    %reshape3A_2367 = vector.shape_cast %concatenate3A_2366 : vector<64x2x4x128xi32> to vector<512x128xi32>
    %reshape3A_2368 = vector.shape_cast %select_n3A_2356 : vector<512x128xi32> to vector<64x2x4x128xi32>
    %slice3A_2369 = vector.extract_strided_slice %reshape3A_2368 {offsets = [0, 1, 0, 0], sizes = [64, 1, 4, 128], strides = [1, 1, 1, 1]} : vector<64x2x4x128xi32> to vector<64x1x4x128xi32>
    %slice3A_2370 = vector.extract_strided_slice %reshape3A_2368 {offsets = [0, 0, 0, 0], sizes = [64, 1, 4, 128], strides = [1, 1, 1, 1]} : vector<64x2x4x128xi32> to vector<64x1x4x128xi32>
    %concatenate3A_2371 = tpu.concatenate %slice3A_2369, %slice3A_2370 in 1 : vector<64x1x4x128xi32>, vector<64x1x4x128xi32> -> vector<64x2x4x128xi32>
    %reshape3A_2372 = vector.shape_cast %concatenate3A_2371 : vector<64x2x4x128xi32> to vector<512x128xi32>
    %gt3A_2373 = arith.cmpi sgt, %select_n3A_2355, %reshape3A_2367 : vector<512x128xi32>
    %eq3A_2374 = arith.cmpi eq, %select_n3A_2355, %reshape3A_2367 : vector<512x128xi32>
    %lt3A_2375 = arith.cmpi slt, %select_n3A_2356, %reshape3A_2372 : vector<512x128xi32>
    %and3A_2376 = arith.andi %eq3A_2374, %lt3A_2375 : vector<512x128xi1>
    %or3A_2377 = arith.ori %gt3A_2373, %and3A_2376 : vector<512x128xi1>
    %not3A_2378 = arith.constant dense<true> : vector<512x128xi1>
    %not3A_2379 = arith.xori %ne3A_2362, %not3A_2378 : vector<512x128xi1>
    %and3A_2380 = arith.constant 2048 : i32
    %and3A_2381 = vector.broadcast %and3A_2380 : i32 to vector<512x128xi32>
    %and3A_2382 = arith.andi %add3A, %and3A_2381 : vector<512x128xi32>
    %eq3A_2383 = arith.constant 0 : i32
    %eq3A_2384 = vector.broadcast %eq3A_2383 : i32 to vector<512x128xi32>
    %eq3A_2385 = arith.cmpi eq, %and3A_2382, %eq3A_2384 : vector<512x128xi32>
    %eq3A_2386 = arith.xori %not3A_2379, %eq3A_2385 : vector<512x128xi1>
    %eq3A_2387 = arith.constant dense<true> : vector<512x128xi1>
    %eq3A_2388 = arith.xori %eq3A_2386, %eq3A_2387 : vector<512x128xi1>
    %eq3A_2389 = arith.xori %or3A_2377, %eq3A_2388 : vector<512x128xi1>
    %eq3A_2390 = arith.constant dense<true> : vector<512x128xi1>
    %eq3A_2391 = arith.xori %eq3A_2389, %eq3A_2390 : vector<512x128xi1>
    %select_n3A_2392 = arith.select %eq3A_2391, %select_n3A_2355, %reshape3A_2367 : vector<512x128xi1>, vector<512x128xi32>
    %select_n3A_2393 = arith.select %eq3A_2391, %select_n3A_2356, %reshape3A_2372 : vector<512x128xi1>, vector<512x128xi32>
    %and3A_2394 = arith.constant 2 : i32
    %and3A_2395 = vector.broadcast %and3A_2394 : i32 to vector<512x128xi32>
    %and3A_2396 = arith.andi %add3A, %and3A_2395 : vector<512x128xi32>
    %ne3A_2397 = arith.constant 0 : i32
    %ne3A_2398 = vector.broadcast %ne3A_2397 : i32 to vector<512x128xi32>
    %ne3A_2399 = arith.cmpi ne, %and3A_2396, %ne3A_2398 : vector<512x128xi32>
    %reshape3A_2400 = vector.shape_cast %select_n3A_2392 : vector<512x128xi32> to vector<128x2x2x128xi32>
    %slice3A_2401 = vector.extract_strided_slice %reshape3A_2400 {offsets = [0, 1, 0, 0], sizes = [128, 1, 2, 128], strides = [1, 1, 1, 1]} : vector<128x2x2x128xi32> to vector<128x1x2x128xi32>
    %slice3A_2402 = vector.extract_strided_slice %reshape3A_2400 {offsets = [0, 0, 0, 0], sizes = [128, 1, 2, 128], strides = [1, 1, 1, 1]} : vector<128x2x2x128xi32> to vector<128x1x2x128xi32>
    %concatenate3A_2403 = tpu.concatenate %slice3A_2401, %slice3A_2402 in 1 : vector<128x1x2x128xi32>, vector<128x1x2x128xi32> -> vector<128x2x2x128xi32>
    %reshape3A_2404 = vector.shape_cast %concatenate3A_2403 : vector<128x2x2x128xi32> to vector<512x128xi32>
    %reshape3A_2405 = vector.shape_cast %select_n3A_2393 : vector<512x128xi32> to vector<128x2x2x128xi32>
    %slice3A_2406 = vector.extract_strided_slice %reshape3A_2405 {offsets = [0, 1, 0, 0], sizes = [128, 1, 2, 128], strides = [1, 1, 1, 1]} : vector<128x2x2x128xi32> to vector<128x1x2x128xi32>
    %slice3A_2407 = vector.extract_strided_slice %reshape3A_2405 {offsets = [0, 0, 0, 0], sizes = [128, 1, 2, 128], strides = [1, 1, 1, 1]} : vector<128x2x2x128xi32> to vector<128x1x2x128xi32>
    %concatenate3A_2408 = tpu.concatenate %slice3A_2406, %slice3A_2407 in 1 : vector<128x1x2x128xi32>, vector<128x1x2x128xi32> -> vector<128x2x2x128xi32>
    %reshape3A_2409 = vector.shape_cast %concatenate3A_2408 : vector<128x2x2x128xi32> to vector<512x128xi32>
    %gt3A_2410 = arith.cmpi sgt, %select_n3A_2392, %reshape3A_2404 : vector<512x128xi32>
    %eq3A_2411 = arith.cmpi eq, %select_n3A_2392, %reshape3A_2404 : vector<512x128xi32>
    %lt3A_2412 = arith.cmpi slt, %select_n3A_2393, %reshape3A_2409 : vector<512x128xi32>
    %and3A_2413 = arith.andi %eq3A_2411, %lt3A_2412 : vector<512x128xi1>
    %or3A_2414 = arith.ori %gt3A_2410, %and3A_2413 : vector<512x128xi1>
    %not3A_2415 = arith.constant dense<true> : vector<512x128xi1>
    %not3A_2416 = arith.xori %ne3A_2399, %not3A_2415 : vector<512x128xi1>
    %and3A_2417 = arith.constant 2048 : i32
    %and3A_2418 = vector.broadcast %and3A_2417 : i32 to vector<512x128xi32>
    %and3A_2419 = arith.andi %add3A, %and3A_2418 : vector<512x128xi32>
    %eq3A_2420 = arith.constant 0 : i32
    %eq3A_2421 = vector.broadcast %eq3A_2420 : i32 to vector<512x128xi32>
    %eq3A_2422 = arith.cmpi eq, %and3A_2419, %eq3A_2421 : vector<512x128xi32>
    %eq3A_2423 = arith.xori %not3A_2416, %eq3A_2422 : vector<512x128xi1>
    %eq3A_2424 = arith.constant dense<true> : vector<512x128xi1>
    %eq3A_2425 = arith.xori %eq3A_2423, %eq3A_2424 : vector<512x128xi1>
    %eq3A_2426 = arith.xori %or3A_2414, %eq3A_2425 : vector<512x128xi1>
    %eq3A_2427 = arith.constant dense<true> : vector<512x128xi1>
    %eq3A_2428 = arith.xori %eq3A_2426, %eq3A_2427 : vector<512x128xi1>
    %select_n3A_2429 = arith.select %eq3A_2428, %select_n3A_2392, %reshape3A_2404 : vector<512x128xi1>, vector<512x128xi32>
    %select_n3A_2430 = arith.select %eq3A_2428, %select_n3A_2393, %reshape3A_2409 : vector<512x128xi1>, vector<512x128xi32>
    %and3A_2431 = arith.constant 1 : i32
    %and3A_2432 = vector.broadcast %and3A_2431 : i32 to vector<512x128xi32>
    %and3A_2433 = arith.andi %add3A, %and3A_2432 : vector<512x128xi32>
    %ne3A_2434 = arith.constant 0 : i32
    %ne3A_2435 = vector.broadcast %ne3A_2434 : i32 to vector<512x128xi32>
    %ne3A_2436 = arith.cmpi ne, %and3A_2433, %ne3A_2435 : vector<512x128xi32>
    %reshape3A_2437 = vector.shape_cast %select_n3A_2429 : vector<512x128xi32> to vector<256x2x1x128xi32>
    %slice3A_2438 = vector.extract_strided_slice %reshape3A_2437 {offsets = [0, 1, 0, 0], sizes = [256, 1, 1, 128], strides = [1, 1, 1, 1]} : vector<256x2x1x128xi32> to vector<256x1x1x128xi32>
    %slice3A_2439 = vector.extract_strided_slice %reshape3A_2437 {offsets = [0, 0, 0, 0], sizes = [256, 1, 1, 128], strides = [1, 1, 1, 1]} : vector<256x2x1x128xi32> to vector<256x1x1x128xi32>
    %concatenate3A_2440 = tpu.concatenate %slice3A_2438, %slice3A_2439 in 1 : vector<256x1x1x128xi32>, vector<256x1x1x128xi32> -> vector<256x2x1x128xi32>
    %reshape3A_2441 = vector.shape_cast %concatenate3A_2440 : vector<256x2x1x128xi32> to vector<512x128xi32>
    %reshape3A_2442 = vector.shape_cast %select_n3A_2430 : vector<512x128xi32> to vector<256x2x1x128xi32>
    %slice3A_2443 = vector.extract_strided_slice %reshape3A_2442 {offsets = [0, 1, 0, 0], sizes = [256, 1, 1, 128], strides = [1, 1, 1, 1]} : vector<256x2x1x128xi32> to vector<256x1x1x128xi32>
    %slice3A_2444 = vector.extract_strided_slice %reshape3A_2442 {offsets = [0, 0, 0, 0], sizes = [256, 1, 1, 128], strides = [1, 1, 1, 1]} : vector<256x2x1x128xi32> to vector<256x1x1x128xi32>
    %concatenate3A_2445 = tpu.concatenate %slice3A_2443, %slice3A_2444 in 1 : vector<256x1x1x128xi32>, vector<256x1x1x128xi32> -> vector<256x2x1x128xi32>
    %reshape3A_2446 = vector.shape_cast %concatenate3A_2445 : vector<256x2x1x128xi32> to vector<512x128xi32>
    %gt3A_2447 = arith.cmpi sgt, %select_n3A_2429, %reshape3A_2441 : vector<512x128xi32>
    %eq3A_2448 = arith.cmpi eq, %select_n3A_2429, %reshape3A_2441 : vector<512x128xi32>
    %lt3A_2449 = arith.cmpi slt, %select_n3A_2430, %reshape3A_2446 : vector<512x128xi32>
    %and3A_2450 = arith.andi %eq3A_2448, %lt3A_2449 : vector<512x128xi1>
    %or3A_2451 = arith.ori %gt3A_2447, %and3A_2450 : vector<512x128xi1>
    %not3A_2452 = arith.constant dense<true> : vector<512x128xi1>
    %not3A_2453 = arith.xori %ne3A_2436, %not3A_2452 : vector<512x128xi1>
    %and3A_2454 = arith.constant 2048 : i32
    %and3A_2455 = vector.broadcast %and3A_2454 : i32 to vector<512x128xi32>
    %and3A_2456 = arith.andi %add3A, %and3A_2455 : vector<512x128xi32>
    %eq3A_2457 = arith.constant 0 : i32
    %eq3A_2458 = vector.broadcast %eq3A_2457 : i32 to vector<512x128xi32>
    %eq3A_2459 = arith.cmpi eq, %and3A_2456, %eq3A_2458 : vector<512x128xi32>
    %eq3A_2460 = arith.xori %not3A_2453, %eq3A_2459 : vector<512x128xi1>
    %eq3A_2461 = arith.constant dense<true> : vector<512x128xi1>
    %eq3A_2462 = arith.xori %eq3A_2460, %eq3A_2461 : vector<512x128xi1>
    %eq3A_2463 = arith.xori %or3A_2451, %eq3A_2462 : vector<512x128xi1>
    %eq3A_2464 = arith.constant dense<true> : vector<512x128xi1>
    %eq3A_2465 = arith.xori %eq3A_2463, %eq3A_2464 : vector<512x128xi1>
    %select_n3A_2466 = arith.select %eq3A_2465, %select_n3A_2429, %reshape3A_2441 : vector<512x128xi1>, vector<512x128xi32>
    %select_n3A_2467 = arith.select %eq3A_2465, %select_n3A_2430, %reshape3A_2446 : vector<512x128xi1>, vector<512x128xi32>
    %and3A_2468 = arith.constant 2048 : i32
    %and3A_2469 = vector.broadcast %and3A_2468 : i32 to vector<512x128xi32>
    %and3A_2470 = arith.andi %add3A, %and3A_2469 : vector<512x128xi32>
    %ne3A_2471 = arith.constant 0 : i32
    %ne3A_2472 = vector.broadcast %ne3A_2471 : i32 to vector<512x128xi32>
    %ne3A_2473 = arith.cmpi ne, %and3A_2470, %ne3A_2472 : vector<512x128xi32>
    %roll3A_2474 = arith.constant 112 : i32
    %roll3A_2475 = tpu.dynamic_rotate %select_n3A_2466 by %roll3A_2474 dim 1 : vector<512x128xi32>, i32 -> vector<512x128xi32>
    %roll3A_2476 = arith.constant 16 : i32
    %roll3A_2477 = tpu.dynamic_rotate %select_n3A_2466 by %roll3A_2476 dim 1 : vector<512x128xi32>, i32 -> vector<512x128xi32>
    %roll3A_2478 = arith.constant 112 : i32
    %roll3A_2479 = tpu.dynamic_rotate %select_n3A_2467 by %roll3A_2478 dim 1 : vector<512x128xi32>, i32 -> vector<512x128xi32>
    %roll3A_2480 = arith.constant 16 : i32
    %roll3A_2481 = tpu.dynamic_rotate %select_n3A_2467 by %roll3A_2480 dim 1 : vector<512x128xi32>, i32 -> vector<512x128xi32>
    %select_n3A_2482 = arith.select %ne3A_2473, %roll3A_2477, %roll3A_2475 : vector<512x128xi1>, vector<512x128xi32>
    %select_n3A_2483 = arith.select %ne3A_2473, %roll3A_2481, %roll3A_2479 : vector<512x128xi1>, vector<512x128xi32>
    %gt3A_2484 = arith.cmpi sgt, %select_n3A_2466, %select_n3A_2482 : vector<512x128xi32>
    %eq3A_2485 = arith.cmpi eq, %select_n3A_2466, %select_n3A_2482 : vector<512x128xi32>
    %lt3A_2486 = arith.cmpi slt, %select_n3A_2467, %select_n3A_2483 : vector<512x128xi32>
    %and3A_2487 = arith.andi %eq3A_2485, %lt3A_2486 : vector<512x128xi1>
    %or3A_2488 = arith.ori %gt3A_2484, %and3A_2487 : vector<512x128xi1>
    %not3A_2489 = arith.constant dense<true> : vector<512x128xi1>
    %not3A_2490 = arith.xori %ne3A_2473, %not3A_2489 : vector<512x128xi1>
    %and3A_2491 = arith.constant 4096 : i32
    %and3A_2492 = vector.broadcast %and3A_2491 : i32 to vector<512x128xi32>
    %and3A_2493 = arith.andi %add3A, %and3A_2492 : vector<512x128xi32>
    %eq3A_2494 = arith.constant 0 : i32
    %eq3A_2495 = vector.broadcast %eq3A_2494 : i32 to vector<512x128xi32>
    %eq3A_2496 = arith.cmpi eq, %and3A_2493, %eq3A_2495 : vector<512x128xi32>
    %eq3A_2497 = arith.xori %not3A_2490, %eq3A_2496 : vector<512x128xi1>
    %eq3A_2498 = arith.constant dense<true> : vector<512x128xi1>
    %eq3A_2499 = arith.xori %eq3A_2497, %eq3A_2498 : vector<512x128xi1>
    %eq3A_2500 = arith.xori %or3A_2488, %eq3A_2499 : vector<512x128xi1>
    %eq3A_2501 = arith.constant dense<true> : vector<512x128xi1>
    %eq3A_2502 = arith.xori %eq3A_2500, %eq3A_2501 : vector<512x128xi1>
    %select_n3A_2503 = arith.select %eq3A_2502, %select_n3A_2466, %select_n3A_2482 : vector<512x128xi1>, vector<512x128xi32>
    %select_n3A_2504 = arith.select %eq3A_2502, %select_n3A_2467, %select_n3A_2483 : vector<512x128xi1>, vector<512x128xi32>
    %and3A_2505 = arith.constant 1024 : i32
    %and3A_2506 = vector.broadcast %and3A_2505 : i32 to vector<512x128xi32>
    %and3A_2507 = arith.andi %add3A, %and3A_2506 : vector<512x128xi32>
    %ne3A_2508 = arith.constant 0 : i32
    %ne3A_2509 = vector.broadcast %ne3A_2508 : i32 to vector<512x128xi32>
    %ne3A_2510 = arith.cmpi ne, %and3A_2507, %ne3A_2509 : vector<512x128xi32>
    %roll3A_2511 = arith.constant 120 : i32
    %roll3A_2512 = tpu.dynamic_rotate %select_n3A_2503 by %roll3A_2511 dim 1 : vector<512x128xi32>, i32 -> vector<512x128xi32>
    %roll3A_2513 = arith.constant 8 : i32
    %roll3A_2514 = tpu.dynamic_rotate %select_n3A_2503 by %roll3A_2513 dim 1 : vector<512x128xi32>, i32 -> vector<512x128xi32>
    %roll3A_2515 = arith.constant 120 : i32
    %roll3A_2516 = tpu.dynamic_rotate %select_n3A_2504 by %roll3A_2515 dim 1 : vector<512x128xi32>, i32 -> vector<512x128xi32>
    %roll3A_2517 = arith.constant 8 : i32
    %roll3A_2518 = tpu.dynamic_rotate %select_n3A_2504 by %roll3A_2517 dim 1 : vector<512x128xi32>, i32 -> vector<512x128xi32>
    %select_n3A_2519 = arith.select %ne3A_2510, %roll3A_2514, %roll3A_2512 : vector<512x128xi1>, vector<512x128xi32>
    %select_n3A_2520 = arith.select %ne3A_2510, %roll3A_2518, %roll3A_2516 : vector<512x128xi1>, vector<512x128xi32>
    %gt3A_2521 = arith.cmpi sgt, %select_n3A_2503, %select_n3A_2519 : vector<512x128xi32>
    %eq3A_2522 = arith.cmpi eq, %select_n3A_2503, %select_n3A_2519 : vector<512x128xi32>
    %lt3A_2523 = arith.cmpi slt, %select_n3A_2504, %select_n3A_2520 : vector<512x128xi32>
    %and3A_2524 = arith.andi %eq3A_2522, %lt3A_2523 : vector<512x128xi1>
    %or3A_2525 = arith.ori %gt3A_2521, %and3A_2524 : vector<512x128xi1>
    %not3A_2526 = arith.constant dense<true> : vector<512x128xi1>
    %not3A_2527 = arith.xori %ne3A_2510, %not3A_2526 : vector<512x128xi1>
    %and3A_2528 = arith.constant 4096 : i32
    %and3A_2529 = vector.broadcast %and3A_2528 : i32 to vector<512x128xi32>
    %and3A_2530 = arith.andi %add3A, %and3A_2529 : vector<512x128xi32>
    %eq3A_2531 = arith.constant 0 : i32
    %eq3A_2532 = vector.broadcast %eq3A_2531 : i32 to vector<512x128xi32>
    %eq3A_2533 = arith.cmpi eq, %and3A_2530, %eq3A_2532 : vector<512x128xi32>
    %eq3A_2534 = arith.xori %not3A_2527, %eq3A_2533 : vector<512x128xi1>
    %eq3A_2535 = arith.constant dense<true> : vector<512x128xi1>
    %eq3A_2536 = arith.xori %eq3A_2534, %eq3A_2535 : vector<512x128xi1>
    %eq3A_2537 = arith.xori %or3A_2525, %eq3A_2536 : vector<512x128xi1>
    %eq3A_2538 = arith.constant dense<true> : vector<512x128xi1>
    %eq3A_2539 = arith.xori %eq3A_2537, %eq3A_2538 : vector<512x128xi1>
    %select_n3A_2540 = arith.select %eq3A_2539, %select_n3A_2503, %select_n3A_2519 : vector<512x128xi1>, vector<512x128xi32>
    %select_n3A_2541 = arith.select %eq3A_2539, %select_n3A_2504, %select_n3A_2520 : vector<512x128xi1>, vector<512x128xi32>
    %and3A_2542 = arith.constant 512 : i32
    %and3A_2543 = vector.broadcast %and3A_2542 : i32 to vector<512x128xi32>
    %and3A_2544 = arith.andi %add3A, %and3A_2543 : vector<512x128xi32>
    %ne3A_2545 = arith.constant 0 : i32
    %ne3A_2546 = vector.broadcast %ne3A_2545 : i32 to vector<512x128xi32>
    %ne3A_2547 = arith.cmpi ne, %and3A_2544, %ne3A_2546 : vector<512x128xi32>
    %roll3A_2548 = arith.constant 124 : i32
    %roll3A_2549 = tpu.dynamic_rotate %select_n3A_2540 by %roll3A_2548 dim 1 : vector<512x128xi32>, i32 -> vector<512x128xi32>
    %roll3A_2550 = arith.constant 4 : i32
    %roll3A_2551 = tpu.dynamic_rotate %select_n3A_2540 by %roll3A_2550 dim 1 : vector<512x128xi32>, i32 -> vector<512x128xi32>
    %roll3A_2552 = arith.constant 124 : i32
    %roll3A_2553 = tpu.dynamic_rotate %select_n3A_2541 by %roll3A_2552 dim 1 : vector<512x128xi32>, i32 -> vector<512x128xi32>
    %roll3A_2554 = arith.constant 4 : i32
    %roll3A_2555 = tpu.dynamic_rotate %select_n3A_2541 by %roll3A_2554 dim 1 : vector<512x128xi32>, i32 -> vector<512x128xi32>
    %select_n3A_2556 = arith.select %ne3A_2547, %roll3A_2551, %roll3A_2549 : vector<512x128xi1>, vector<512x128xi32>
    %select_n3A_2557 = arith.select %ne3A_2547, %roll3A_2555, %roll3A_2553 : vector<512x128xi1>, vector<512x128xi32>
    %gt3A_2558 = arith.cmpi sgt, %select_n3A_2540, %select_n3A_2556 : vector<512x128xi32>
    %eq3A_2559 = arith.cmpi eq, %select_n3A_2540, %select_n3A_2556 : vector<512x128xi32>
    %lt3A_2560 = arith.cmpi slt, %select_n3A_2541, %select_n3A_2557 : vector<512x128xi32>
    %and3A_2561 = arith.andi %eq3A_2559, %lt3A_2560 : vector<512x128xi1>
    %or3A_2562 = arith.ori %gt3A_2558, %and3A_2561 : vector<512x128xi1>
    %not3A_2563 = arith.constant dense<true> : vector<512x128xi1>
    %not3A_2564 = arith.xori %ne3A_2547, %not3A_2563 : vector<512x128xi1>
    %and3A_2565 = arith.constant 4096 : i32
    %and3A_2566 = vector.broadcast %and3A_2565 : i32 to vector<512x128xi32>
    %and3A_2567 = arith.andi %add3A, %and3A_2566 : vector<512x128xi32>
    %eq3A_2568 = arith.constant 0 : i32
    %eq3A_2569 = vector.broadcast %eq3A_2568 : i32 to vector<512x128xi32>
    %eq3A_2570 = arith.cmpi eq, %and3A_2567, %eq3A_2569 : vector<512x128xi32>
    %eq3A_2571 = arith.xori %not3A_2564, %eq3A_2570 : vector<512x128xi1>
    %eq3A_2572 = arith.constant dense<true> : vector<512x128xi1>
    %eq3A_2573 = arith.xori %eq3A_2571, %eq3A_2572 : vector<512x128xi1>
    %eq3A_2574 = arith.xori %or3A_2562, %eq3A_2573 : vector<512x128xi1>
    %eq3A_2575 = arith.constant dense<true> : vector<512x128xi1>
    %eq3A_2576 = arith.xori %eq3A_2574, %eq3A_2575 : vector<512x128xi1>
    %select_n3A_2577 = arith.select %eq3A_2576, %select_n3A_2540, %select_n3A_2556 : vector<512x128xi1>, vector<512x128xi32>
    %select_n3A_2578 = arith.select %eq3A_2576, %select_n3A_2541, %select_n3A_2557 : vector<512x128xi1>, vector<512x128xi32>
    %and3A_2579 = arith.constant 256 : i32
    %and3A_2580 = vector.broadcast %and3A_2579 : i32 to vector<512x128xi32>
    %and3A_2581 = arith.andi %add3A, %and3A_2580 : vector<512x128xi32>
    %ne3A_2582 = arith.constant 0 : i32
    %ne3A_2583 = vector.broadcast %ne3A_2582 : i32 to vector<512x128xi32>
    %ne3A_2584 = arith.cmpi ne, %and3A_2581, %ne3A_2583 : vector<512x128xi32>
    %roll3A_2585 = arith.constant 126 : i32
    %roll3A_2586 = tpu.dynamic_rotate %select_n3A_2577 by %roll3A_2585 dim 1 : vector<512x128xi32>, i32 -> vector<512x128xi32>
    %roll3A_2587 = arith.constant 2 : i32
    %roll3A_2588 = tpu.dynamic_rotate %select_n3A_2577 by %roll3A_2587 dim 1 : vector<512x128xi32>, i32 -> vector<512x128xi32>
    %roll3A_2589 = arith.constant 126 : i32
    %roll3A_2590 = tpu.dynamic_rotate %select_n3A_2578 by %roll3A_2589 dim 1 : vector<512x128xi32>, i32 -> vector<512x128xi32>
    %roll3A_2591 = arith.constant 2 : i32
    %roll3A_2592 = tpu.dynamic_rotate %select_n3A_2578 by %roll3A_2591 dim 1 : vector<512x128xi32>, i32 -> vector<512x128xi32>
    %select_n3A_2593 = arith.select %ne3A_2584, %roll3A_2588, %roll3A_2586 : vector<512x128xi1>, vector<512x128xi32>
    %select_n3A_2594 = arith.select %ne3A_2584, %roll3A_2592, %roll3A_2590 : vector<512x128xi1>, vector<512x128xi32>
    %gt3A_2595 = arith.cmpi sgt, %select_n3A_2577, %select_n3A_2593 : vector<512x128xi32>
    %eq3A_2596 = arith.cmpi eq, %select_n3A_2577, %select_n3A_2593 : vector<512x128xi32>
    %lt3A_2597 = arith.cmpi slt, %select_n3A_2578, %select_n3A_2594 : vector<512x128xi32>
    %and3A_2598 = arith.andi %eq3A_2596, %lt3A_2597 : vector<512x128xi1>
    %or3A_2599 = arith.ori %gt3A_2595, %and3A_2598 : vector<512x128xi1>
    %not3A_2600 = arith.constant dense<true> : vector<512x128xi1>
    %not3A_2601 = arith.xori %ne3A_2584, %not3A_2600 : vector<512x128xi1>
    %and3A_2602 = arith.constant 4096 : i32
    %and3A_2603 = vector.broadcast %and3A_2602 : i32 to vector<512x128xi32>
    %and3A_2604 = arith.andi %add3A, %and3A_2603 : vector<512x128xi32>
    %eq3A_2605 = arith.constant 0 : i32
    %eq3A_2606 = vector.broadcast %eq3A_2605 : i32 to vector<512x128xi32>
    %eq3A_2607 = arith.cmpi eq, %and3A_2604, %eq3A_2606 : vector<512x128xi32>
    %eq3A_2608 = arith.xori %not3A_2601, %eq3A_2607 : vector<512x128xi1>
    %eq3A_2609 = arith.constant dense<true> : vector<512x128xi1>
    %eq3A_2610 = arith.xori %eq3A_2608, %eq3A_2609 : vector<512x128xi1>
    %eq3A_2611 = arith.xori %or3A_2599, %eq3A_2610 : vector<512x128xi1>
    %eq3A_2612 = arith.constant dense<true> : vector<512x128xi1>
    %eq3A_2613 = arith.xori %eq3A_2611, %eq3A_2612 : vector<512x128xi1>
    %select_n3A_2614 = arith.select %eq3A_2613, %select_n3A_2577, %select_n3A_2593 : vector<512x128xi1>, vector<512x128xi32>
    %select_n3A_2615 = arith.select %eq3A_2613, %select_n3A_2578, %select_n3A_2594 : vector<512x128xi1>, vector<512x128xi32>
    %and3A_2616 = arith.constant 128 : i32
    %and3A_2617 = vector.broadcast %and3A_2616 : i32 to vector<512x128xi32>
    %and3A_2618 = arith.andi %add3A, %and3A_2617 : vector<512x128xi32>
    %ne3A_2619 = arith.constant 0 : i32
    %ne3A_2620 = vector.broadcast %ne3A_2619 : i32 to vector<512x128xi32>
    %ne3A_2621 = arith.cmpi ne, %and3A_2618, %ne3A_2620 : vector<512x128xi32>
    %roll3A_2622 = arith.constant 127 : i32
    %roll3A_2623 = tpu.dynamic_rotate %select_n3A_2614 by %roll3A_2622 dim 1 : vector<512x128xi32>, i32 -> vector<512x128xi32>
    %roll3A_2624 = arith.constant 1 : i32
    %roll3A_2625 = tpu.dynamic_rotate %select_n3A_2614 by %roll3A_2624 dim 1 : vector<512x128xi32>, i32 -> vector<512x128xi32>
    %roll3A_2626 = arith.constant 127 : i32
    %roll3A_2627 = tpu.dynamic_rotate %select_n3A_2615 by %roll3A_2626 dim 1 : vector<512x128xi32>, i32 -> vector<512x128xi32>
    %roll3A_2628 = arith.constant 1 : i32
    %roll3A_2629 = tpu.dynamic_rotate %select_n3A_2615 by %roll3A_2628 dim 1 : vector<512x128xi32>, i32 -> vector<512x128xi32>
    %select_n3A_2630 = arith.select %ne3A_2621, %roll3A_2625, %roll3A_2623 : vector<512x128xi1>, vector<512x128xi32>
    %select_n3A_2631 = arith.select %ne3A_2621, %roll3A_2629, %roll3A_2627 : vector<512x128xi1>, vector<512x128xi32>
    %gt3A_2632 = arith.cmpi sgt, %select_n3A_2614, %select_n3A_2630 : vector<512x128xi32>
    %eq3A_2633 = arith.cmpi eq, %select_n3A_2614, %select_n3A_2630 : vector<512x128xi32>
    %lt3A_2634 = arith.cmpi slt, %select_n3A_2615, %select_n3A_2631 : vector<512x128xi32>
    %and3A_2635 = arith.andi %eq3A_2633, %lt3A_2634 : vector<512x128xi1>
    %or3A_2636 = arith.ori %gt3A_2632, %and3A_2635 : vector<512x128xi1>
    %not3A_2637 = arith.constant dense<true> : vector<512x128xi1>
    %not3A_2638 = arith.xori %ne3A_2621, %not3A_2637 : vector<512x128xi1>
    %and3A_2639 = arith.constant 4096 : i32
    %and3A_2640 = vector.broadcast %and3A_2639 : i32 to vector<512x128xi32>
    %and3A_2641 = arith.andi %add3A, %and3A_2640 : vector<512x128xi32>
    %eq3A_2642 = arith.constant 0 : i32
    %eq3A_2643 = vector.broadcast %eq3A_2642 : i32 to vector<512x128xi32>
    %eq3A_2644 = arith.cmpi eq, %and3A_2641, %eq3A_2643 : vector<512x128xi32>
    %eq3A_2645 = arith.xori %not3A_2638, %eq3A_2644 : vector<512x128xi1>
    %eq3A_2646 = arith.constant dense<true> : vector<512x128xi1>
    %eq3A_2647 = arith.xori %eq3A_2645, %eq3A_2646 : vector<512x128xi1>
    %eq3A_2648 = arith.xori %or3A_2636, %eq3A_2647 : vector<512x128xi1>
    %eq3A_2649 = arith.constant dense<true> : vector<512x128xi1>
    %eq3A_2650 = arith.xori %eq3A_2648, %eq3A_2649 : vector<512x128xi1>
    %select_n3A_2651 = arith.select %eq3A_2650, %select_n3A_2614, %select_n3A_2630 : vector<512x128xi1>, vector<512x128xi32>
    %select_n3A_2652 = arith.select %eq3A_2650, %select_n3A_2615, %select_n3A_2631 : vector<512x128xi1>, vector<512x128xi32>
    %and3A_2653 = arith.constant 64 : i32
    %and3A_2654 = vector.broadcast %and3A_2653 : i32 to vector<512x128xi32>
    %and3A_2655 = arith.andi %add3A, %and3A_2654 : vector<512x128xi32>
    %ne3A_2656 = arith.constant 0 : i32
    %ne3A_2657 = vector.broadcast %ne3A_2656 : i32 to vector<512x128xi32>
    %ne3A_2658 = arith.cmpi ne, %and3A_2655, %ne3A_2657 : vector<512x128xi32>
    %reshape3A_2659 = vector.shape_cast %select_n3A_2651 : vector<512x128xi32> to vector<4x2x64x128xi32>
    %slice3A_2660 = vector.extract_strided_slice %reshape3A_2659 {offsets = [0, 1, 0, 0], sizes = [4, 1, 64, 128], strides = [1, 1, 1, 1]} : vector<4x2x64x128xi32> to vector<4x1x64x128xi32>
    %slice3A_2661 = vector.extract_strided_slice %reshape3A_2659 {offsets = [0, 0, 0, 0], sizes = [4, 1, 64, 128], strides = [1, 1, 1, 1]} : vector<4x2x64x128xi32> to vector<4x1x64x128xi32>
    %concatenate3A_2662 = tpu.concatenate %slice3A_2660, %slice3A_2661 in 1 : vector<4x1x64x128xi32>, vector<4x1x64x128xi32> -> vector<4x2x64x128xi32>
    %reshape3A_2663 = vector.shape_cast %concatenate3A_2662 : vector<4x2x64x128xi32> to vector<512x128xi32>
    %reshape3A_2664 = vector.shape_cast %select_n3A_2652 : vector<512x128xi32> to vector<4x2x64x128xi32>
    %slice3A_2665 = vector.extract_strided_slice %reshape3A_2664 {offsets = [0, 1, 0, 0], sizes = [4, 1, 64, 128], strides = [1, 1, 1, 1]} : vector<4x2x64x128xi32> to vector<4x1x64x128xi32>
    %slice3A_2666 = vector.extract_strided_slice %reshape3A_2664 {offsets = [0, 0, 0, 0], sizes = [4, 1, 64, 128], strides = [1, 1, 1, 1]} : vector<4x2x64x128xi32> to vector<4x1x64x128xi32>
    %concatenate3A_2667 = tpu.concatenate %slice3A_2665, %slice3A_2666 in 1 : vector<4x1x64x128xi32>, vector<4x1x64x128xi32> -> vector<4x2x64x128xi32>
    %reshape3A_2668 = vector.shape_cast %concatenate3A_2667 : vector<4x2x64x128xi32> to vector<512x128xi32>
    %gt3A_2669 = arith.cmpi sgt, %select_n3A_2651, %reshape3A_2663 : vector<512x128xi32>
    %eq3A_2670 = arith.cmpi eq, %select_n3A_2651, %reshape3A_2663 : vector<512x128xi32>
    %lt3A_2671 = arith.cmpi slt, %select_n3A_2652, %reshape3A_2668 : vector<512x128xi32>
    %and3A_2672 = arith.andi %eq3A_2670, %lt3A_2671 : vector<512x128xi1>
    %or3A_2673 = arith.ori %gt3A_2669, %and3A_2672 : vector<512x128xi1>
    %not3A_2674 = arith.constant dense<true> : vector<512x128xi1>
    %not3A_2675 = arith.xori %ne3A_2658, %not3A_2674 : vector<512x128xi1>
    %and3A_2676 = arith.constant 4096 : i32
    %and3A_2677 = vector.broadcast %and3A_2676 : i32 to vector<512x128xi32>
    %and3A_2678 = arith.andi %add3A, %and3A_2677 : vector<512x128xi32>
    %eq3A_2679 = arith.constant 0 : i32
    %eq3A_2680 = vector.broadcast %eq3A_2679 : i32 to vector<512x128xi32>
    %eq3A_2681 = arith.cmpi eq, %and3A_2678, %eq3A_2680 : vector<512x128xi32>
    %eq3A_2682 = arith.xori %not3A_2675, %eq3A_2681 : vector<512x128xi1>
    %eq3A_2683 = arith.constant dense<true> : vector<512x128xi1>
    %eq3A_2684 = arith.xori %eq3A_2682, %eq3A_2683 : vector<512x128xi1>
    %eq3A_2685 = arith.xori %or3A_2673, %eq3A_2684 : vector<512x128xi1>
    %eq3A_2686 = arith.constant dense<true> : vector<512x128xi1>
    %eq3A_2687 = arith.xori %eq3A_2685, %eq3A_2686 : vector<512x128xi1>
    %select_n3A_2688 = arith.select %eq3A_2687, %select_n3A_2651, %reshape3A_2663 : vector<512x128xi1>, vector<512x128xi32>
    %select_n3A_2689 = arith.select %eq3A_2687, %select_n3A_2652, %reshape3A_2668 : vector<512x128xi1>, vector<512x128xi32>
    %and3A_2690 = arith.constant 32 : i32
    %and3A_2691 = vector.broadcast %and3A_2690 : i32 to vector<512x128xi32>
    %and3A_2692 = arith.andi %add3A, %and3A_2691 : vector<512x128xi32>
    %ne3A_2693 = arith.constant 0 : i32
    %ne3A_2694 = vector.broadcast %ne3A_2693 : i32 to vector<512x128xi32>
    %ne3A_2695 = arith.cmpi ne, %and3A_2692, %ne3A_2694 : vector<512x128xi32>
    %reshape3A_2696 = vector.shape_cast %select_n3A_2688 : vector<512x128xi32> to vector<8x2x32x128xi32>
    %slice3A_2697 = vector.extract_strided_slice %reshape3A_2696 {offsets = [0, 1, 0, 0], sizes = [8, 1, 32, 128], strides = [1, 1, 1, 1]} : vector<8x2x32x128xi32> to vector<8x1x32x128xi32>
    %slice3A_2698 = vector.extract_strided_slice %reshape3A_2696 {offsets = [0, 0, 0, 0], sizes = [8, 1, 32, 128], strides = [1, 1, 1, 1]} : vector<8x2x32x128xi32> to vector<8x1x32x128xi32>
    %concatenate3A_2699 = tpu.concatenate %slice3A_2697, %slice3A_2698 in 1 : vector<8x1x32x128xi32>, vector<8x1x32x128xi32> -> vector<8x2x32x128xi32>
    %reshape3A_2700 = vector.shape_cast %concatenate3A_2699 : vector<8x2x32x128xi32> to vector<512x128xi32>
    %reshape3A_2701 = vector.shape_cast %select_n3A_2689 : vector<512x128xi32> to vector<8x2x32x128xi32>
    %slice3A_2702 = vector.extract_strided_slice %reshape3A_2701 {offsets = [0, 1, 0, 0], sizes = [8, 1, 32, 128], strides = [1, 1, 1, 1]} : vector<8x2x32x128xi32> to vector<8x1x32x128xi32>
    %slice3A_2703 = vector.extract_strided_slice %reshape3A_2701 {offsets = [0, 0, 0, 0], sizes = [8, 1, 32, 128], strides = [1, 1, 1, 1]} : vector<8x2x32x128xi32> to vector<8x1x32x128xi32>
    %concatenate3A_2704 = tpu.concatenate %slice3A_2702, %slice3A_2703 in 1 : vector<8x1x32x128xi32>, vector<8x1x32x128xi32> -> vector<8x2x32x128xi32>
    %reshape3A_2705 = vector.shape_cast %concatenate3A_2704 : vector<8x2x32x128xi32> to vector<512x128xi32>
    %gt3A_2706 = arith.cmpi sgt, %select_n3A_2688, %reshape3A_2700 : vector<512x128xi32>
    %eq3A_2707 = arith.cmpi eq, %select_n3A_2688, %reshape3A_2700 : vector<512x128xi32>
    %lt3A_2708 = arith.cmpi slt, %select_n3A_2689, %reshape3A_2705 : vector<512x128xi32>
    %and3A_2709 = arith.andi %eq3A_2707, %lt3A_2708 : vector<512x128xi1>
    %or3A_2710 = arith.ori %gt3A_2706, %and3A_2709 : vector<512x128xi1>
    %not3A_2711 = arith.constant dense<true> : vector<512x128xi1>
    %not3A_2712 = arith.xori %ne3A_2695, %not3A_2711 : vector<512x128xi1>
    %and3A_2713 = arith.constant 4096 : i32
    %and3A_2714 = vector.broadcast %and3A_2713 : i32 to vector<512x128xi32>
    %and3A_2715 = arith.andi %add3A, %and3A_2714 : vector<512x128xi32>
    %eq3A_2716 = arith.constant 0 : i32
    %eq3A_2717 = vector.broadcast %eq3A_2716 : i32 to vector<512x128xi32>
    %eq3A_2718 = arith.cmpi eq, %and3A_2715, %eq3A_2717 : vector<512x128xi32>
    %eq3A_2719 = arith.xori %not3A_2712, %eq3A_2718 : vector<512x128xi1>
    %eq3A_2720 = arith.constant dense<true> : vector<512x128xi1>
    %eq3A_2721 = arith.xori %eq3A_2719, %eq3A_2720 : vector<512x128xi1>
    %eq3A_2722 = arith.xori %or3A_2710, %eq3A_2721 : vector<512x128xi1>
    %eq3A_2723 = arith.constant dense<true> : vector<512x128xi1>
    %eq3A_2724 = arith.xori %eq3A_2722, %eq3A_2723 : vector<512x128xi1>
    %select_n3A_2725 = arith.select %eq3A_2724, %select_n3A_2688, %reshape3A_2700 : vector<512x128xi1>, vector<512x128xi32>
    %select_n3A_2726 = arith.select %eq3A_2724, %select_n3A_2689, %reshape3A_2705 : vector<512x128xi1>, vector<512x128xi32>
    %and3A_2727 = arith.constant 16 : i32
    %and3A_2728 = vector.broadcast %and3A_2727 : i32 to vector<512x128xi32>
    %and3A_2729 = arith.andi %add3A, %and3A_2728 : vector<512x128xi32>
    %ne3A_2730 = arith.constant 0 : i32
    %ne3A_2731 = vector.broadcast %ne3A_2730 : i32 to vector<512x128xi32>
    %ne3A_2732 = arith.cmpi ne, %and3A_2729, %ne3A_2731 : vector<512x128xi32>
    %reshape3A_2733 = vector.shape_cast %select_n3A_2725 : vector<512x128xi32> to vector<16x2x16x128xi32>
    %slice3A_2734 = vector.extract_strided_slice %reshape3A_2733 {offsets = [0, 1, 0, 0], sizes = [16, 1, 16, 128], strides = [1, 1, 1, 1]} : vector<16x2x16x128xi32> to vector<16x1x16x128xi32>
    %slice3A_2735 = vector.extract_strided_slice %reshape3A_2733 {offsets = [0, 0, 0, 0], sizes = [16, 1, 16, 128], strides = [1, 1, 1, 1]} : vector<16x2x16x128xi32> to vector<16x1x16x128xi32>
    %concatenate3A_2736 = tpu.concatenate %slice3A_2734, %slice3A_2735 in 1 : vector<16x1x16x128xi32>, vector<16x1x16x128xi32> -> vector<16x2x16x128xi32>
    %reshape3A_2737 = vector.shape_cast %concatenate3A_2736 : vector<16x2x16x128xi32> to vector<512x128xi32>
    %reshape3A_2738 = vector.shape_cast %select_n3A_2726 : vector<512x128xi32> to vector<16x2x16x128xi32>
    %slice3A_2739 = vector.extract_strided_slice %reshape3A_2738 {offsets = [0, 1, 0, 0], sizes = [16, 1, 16, 128], strides = [1, 1, 1, 1]} : vector<16x2x16x128xi32> to vector<16x1x16x128xi32>
    %slice3A_2740 = vector.extract_strided_slice %reshape3A_2738 {offsets = [0, 0, 0, 0], sizes = [16, 1, 16, 128], strides = [1, 1, 1, 1]} : vector<16x2x16x128xi32> to vector<16x1x16x128xi32>
    %concatenate3A_2741 = tpu.concatenate %slice3A_2739, %slice3A_2740 in 1 : vector<16x1x16x128xi32>, vector<16x1x16x128xi32> -> vector<16x2x16x128xi32>
    %reshape3A_2742 = vector.shape_cast %concatenate3A_2741 : vector<16x2x16x128xi32> to vector<512x128xi32>
    %gt3A_2743 = arith.cmpi sgt, %select_n3A_2725, %reshape3A_2737 : vector<512x128xi32>
    %eq3A_2744 = arith.cmpi eq, %select_n3A_2725, %reshape3A_2737 : vector<512x128xi32>
    %lt3A_2745 = arith.cmpi slt, %select_n3A_2726, %reshape3A_2742 : vector<512x128xi32>
    %and3A_2746 = arith.andi %eq3A_2744, %lt3A_2745 : vector<512x128xi1>
    %or3A_2747 = arith.ori %gt3A_2743, %and3A_2746 : vector<512x128xi1>
    %not3A_2748 = arith.constant dense<true> : vector<512x128xi1>
    %not3A_2749 = arith.xori %ne3A_2732, %not3A_2748 : vector<512x128xi1>
    %and3A_2750 = arith.constant 4096 : i32
    %and3A_2751 = vector.broadcast %and3A_2750 : i32 to vector<512x128xi32>
    %and3A_2752 = arith.andi %add3A, %and3A_2751 : vector<512x128xi32>
    %eq3A_2753 = arith.constant 0 : i32
    %eq3A_2754 = vector.broadcast %eq3A_2753 : i32 to vector<512x128xi32>
    %eq3A_2755 = arith.cmpi eq, %and3A_2752, %eq3A_2754 : vector<512x128xi32>
    %eq3A_2756 = arith.xori %not3A_2749, %eq3A_2755 : vector<512x128xi1>
    %eq3A_2757 = arith.constant dense<true> : vector<512x128xi1>
    %eq3A_2758 = arith.xori %eq3A_2756, %eq3A_2757 : vector<512x128xi1>
    %eq3A_2759 = arith.xori %or3A_2747, %eq3A_2758 : vector<512x128xi1>
    %eq3A_2760 = arith.constant dense<true> : vector<512x128xi1>
    %eq3A_2761 = arith.xori %eq3A_2759, %eq3A_2760 : vector<512x128xi1>
    %select_n3A_2762 = arith.select %eq3A_2761, %select_n3A_2725, %reshape3A_2737 : vector<512x128xi1>, vector<512x128xi32>
    %select_n3A_2763 = arith.select %eq3A_2761, %select_n3A_2726, %reshape3A_2742 : vector<512x128xi1>, vector<512x128xi32>
    %and3A_2764 = arith.constant 8 : i32
    %and3A_2765 = vector.broadcast %and3A_2764 : i32 to vector<512x128xi32>
    %and3A_2766 = arith.andi %add3A, %and3A_2765 : vector<512x128xi32>
    %ne3A_2767 = arith.constant 0 : i32
    %ne3A_2768 = vector.broadcast %ne3A_2767 : i32 to vector<512x128xi32>
    %ne3A_2769 = arith.cmpi ne, %and3A_2766, %ne3A_2768 : vector<512x128xi32>
    %reshape3A_2770 = vector.shape_cast %select_n3A_2762 : vector<512x128xi32> to vector<32x2x8x128xi32>
    %slice3A_2771 = vector.extract_strided_slice %reshape3A_2770 {offsets = [0, 1, 0, 0], sizes = [32, 1, 8, 128], strides = [1, 1, 1, 1]} : vector<32x2x8x128xi32> to vector<32x1x8x128xi32>
    %slice3A_2772 = vector.extract_strided_slice %reshape3A_2770 {offsets = [0, 0, 0, 0], sizes = [32, 1, 8, 128], strides = [1, 1, 1, 1]} : vector<32x2x8x128xi32> to vector<32x1x8x128xi32>
    %concatenate3A_2773 = tpu.concatenate %slice3A_2771, %slice3A_2772 in 1 : vector<32x1x8x128xi32>, vector<32x1x8x128xi32> -> vector<32x2x8x128xi32>
    %reshape3A_2774 = vector.shape_cast %concatenate3A_2773 : vector<32x2x8x128xi32> to vector<512x128xi32>
    %reshape3A_2775 = vector.shape_cast %select_n3A_2763 : vector<512x128xi32> to vector<32x2x8x128xi32>
    %slice3A_2776 = vector.extract_strided_slice %reshape3A_2775 {offsets = [0, 1, 0, 0], sizes = [32, 1, 8, 128], strides = [1, 1, 1, 1]} : vector<32x2x8x128xi32> to vector<32x1x8x128xi32>
    %slice3A_2777 = vector.extract_strided_slice %reshape3A_2775 {offsets = [0, 0, 0, 0], sizes = [32, 1, 8, 128], strides = [1, 1, 1, 1]} : vector<32x2x8x128xi32> to vector<32x1x8x128xi32>
    %concatenate3A_2778 = tpu.concatenate %slice3A_2776, %slice3A_2777 in 1 : vector<32x1x8x128xi32>, vector<32x1x8x128xi32> -> vector<32x2x8x128xi32>
    %reshape3A_2779 = vector.shape_cast %concatenate3A_2778 : vector<32x2x8x128xi32> to vector<512x128xi32>
    %gt3A_2780 = arith.cmpi sgt, %select_n3A_2762, %reshape3A_2774 : vector<512x128xi32>
    %eq3A_2781 = arith.cmpi eq, %select_n3A_2762, %reshape3A_2774 : vector<512x128xi32>
    %lt3A_2782 = arith.cmpi slt, %select_n3A_2763, %reshape3A_2779 : vector<512x128xi32>
    %and3A_2783 = arith.andi %eq3A_2781, %lt3A_2782 : vector<512x128xi1>
    %or3A_2784 = arith.ori %gt3A_2780, %and3A_2783 : vector<512x128xi1>
    %not3A_2785 = arith.constant dense<true> : vector<512x128xi1>
    %not3A_2786 = arith.xori %ne3A_2769, %not3A_2785 : vector<512x128xi1>
    %and3A_2787 = arith.constant 4096 : i32
    %and3A_2788 = vector.broadcast %and3A_2787 : i32 to vector<512x128xi32>
    %and3A_2789 = arith.andi %add3A, %and3A_2788 : vector<512x128xi32>
    %eq3A_2790 = arith.constant 0 : i32
    %eq3A_2791 = vector.broadcast %eq3A_2790 : i32 to vector<512x128xi32>
    %eq3A_2792 = arith.cmpi eq, %and3A_2789, %eq3A_2791 : vector<512x128xi32>
    %eq3A_2793 = arith.xori %not3A_2786, %eq3A_2792 : vector<512x128xi1>
    %eq3A_2794 = arith.constant dense<true> : vector<512x128xi1>
    %eq3A_2795 = arith.xori %eq3A_2793, %eq3A_2794 : vector<512x128xi1>
    %eq3A_2796 = arith.xori %or3A_2784, %eq3A_2795 : vector<512x128xi1>
    %eq3A_2797 = arith.constant dense<true> : vector<512x128xi1>
    %eq3A_2798 = arith.xori %eq3A_2796, %eq3A_2797 : vector<512x128xi1>
    %select_n3A_2799 = arith.select %eq3A_2798, %select_n3A_2762, %reshape3A_2774 : vector<512x128xi1>, vector<512x128xi32>
    %select_n3A_2800 = arith.select %eq3A_2798, %select_n3A_2763, %reshape3A_2779 : vector<512x128xi1>, vector<512x128xi32>
    %and3A_2801 = arith.constant 4 : i32
    %and3A_2802 = vector.broadcast %and3A_2801 : i32 to vector<512x128xi32>
    %and3A_2803 = arith.andi %add3A, %and3A_2802 : vector<512x128xi32>
    %ne3A_2804 = arith.constant 0 : i32
    %ne3A_2805 = vector.broadcast %ne3A_2804 : i32 to vector<512x128xi32>
    %ne3A_2806 = arith.cmpi ne, %and3A_2803, %ne3A_2805 : vector<512x128xi32>
    %reshape3A_2807 = vector.shape_cast %select_n3A_2799 : vector<512x128xi32> to vector<64x2x4x128xi32>
    %slice3A_2808 = vector.extract_strided_slice %reshape3A_2807 {offsets = [0, 1, 0, 0], sizes = [64, 1, 4, 128], strides = [1, 1, 1, 1]} : vector<64x2x4x128xi32> to vector<64x1x4x128xi32>
    %slice3A_2809 = vector.extract_strided_slice %reshape3A_2807 {offsets = [0, 0, 0, 0], sizes = [64, 1, 4, 128], strides = [1, 1, 1, 1]} : vector<64x2x4x128xi32> to vector<64x1x4x128xi32>
    %concatenate3A_2810 = tpu.concatenate %slice3A_2808, %slice3A_2809 in 1 : vector<64x1x4x128xi32>, vector<64x1x4x128xi32> -> vector<64x2x4x128xi32>
    %reshape3A_2811 = vector.shape_cast %concatenate3A_2810 : vector<64x2x4x128xi32> to vector<512x128xi32>
    %reshape3A_2812 = vector.shape_cast %select_n3A_2800 : vector<512x128xi32> to vector<64x2x4x128xi32>
    %slice3A_2813 = vector.extract_strided_slice %reshape3A_2812 {offsets = [0, 1, 0, 0], sizes = [64, 1, 4, 128], strides = [1, 1, 1, 1]} : vector<64x2x4x128xi32> to vector<64x1x4x128xi32>
    %slice3A_2814 = vector.extract_strided_slice %reshape3A_2812 {offsets = [0, 0, 0, 0], sizes = [64, 1, 4, 128], strides = [1, 1, 1, 1]} : vector<64x2x4x128xi32> to vector<64x1x4x128xi32>
    %concatenate3A_2815 = tpu.concatenate %slice3A_2813, %slice3A_2814 in 1 : vector<64x1x4x128xi32>, vector<64x1x4x128xi32> -> vector<64x2x4x128xi32>
    %reshape3A_2816 = vector.shape_cast %concatenate3A_2815 : vector<64x2x4x128xi32> to vector<512x128xi32>
    %gt3A_2817 = arith.cmpi sgt, %select_n3A_2799, %reshape3A_2811 : vector<512x128xi32>
    %eq3A_2818 = arith.cmpi eq, %select_n3A_2799, %reshape3A_2811 : vector<512x128xi32>
    %lt3A_2819 = arith.cmpi slt, %select_n3A_2800, %reshape3A_2816 : vector<512x128xi32>
    %and3A_2820 = arith.andi %eq3A_2818, %lt3A_2819 : vector<512x128xi1>
    %or3A_2821 = arith.ori %gt3A_2817, %and3A_2820 : vector<512x128xi1>
    %not3A_2822 = arith.constant dense<true> : vector<512x128xi1>
    %not3A_2823 = arith.xori %ne3A_2806, %not3A_2822 : vector<512x128xi1>
    %and3A_2824 = arith.constant 4096 : i32
    %and3A_2825 = vector.broadcast %and3A_2824 : i32 to vector<512x128xi32>
    %and3A_2826 = arith.andi %add3A, %and3A_2825 : vector<512x128xi32>
    %eq3A_2827 = arith.constant 0 : i32
    %eq3A_2828 = vector.broadcast %eq3A_2827 : i32 to vector<512x128xi32>
    %eq3A_2829 = arith.cmpi eq, %and3A_2826, %eq3A_2828 : vector<512x128xi32>
    %eq3A_2830 = arith.xori %not3A_2823, %eq3A_2829 : vector<512x128xi1>
    %eq3A_2831 = arith.constant dense<true> : vector<512x128xi1>
    %eq3A_2832 = arith.xori %eq3A_2830, %eq3A_2831 : vector<512x128xi1>
    %eq3A_2833 = arith.xori %or3A_2821, %eq3A_2832 : vector<512x128xi1>
    %eq3A_2834 = arith.constant dense<true> : vector<512x128xi1>
    %eq3A_2835 = arith.xori %eq3A_2833, %eq3A_2834 : vector<512x128xi1>
    %select_n3A_2836 = arith.select %eq3A_2835, %select_n3A_2799, %reshape3A_2811 : vector<512x128xi1>, vector<512x128xi32>
    %select_n3A_2837 = arith.select %eq3A_2835, %select_n3A_2800, %reshape3A_2816 : vector<512x128xi1>, vector<512x128xi32>
    %and3A_2838 = arith.constant 2 : i32
    %and3A_2839 = vector.broadcast %and3A_2838 : i32 to vector<512x128xi32>
    %and3A_2840 = arith.andi %add3A, %and3A_2839 : vector<512x128xi32>
    %ne3A_2841 = arith.constant 0 : i32
    %ne3A_2842 = vector.broadcast %ne3A_2841 : i32 to vector<512x128xi32>
    %ne3A_2843 = arith.cmpi ne, %and3A_2840, %ne3A_2842 : vector<512x128xi32>
    %reshape3A_2844 = vector.shape_cast %select_n3A_2836 : vector<512x128xi32> to vector<128x2x2x128xi32>
    %slice3A_2845 = vector.extract_strided_slice %reshape3A_2844 {offsets = [0, 1, 0, 0], sizes = [128, 1, 2, 128], strides = [1, 1, 1, 1]} : vector<128x2x2x128xi32> to vector<128x1x2x128xi32>
    %slice3A_2846 = vector.extract_strided_slice %reshape3A_2844 {offsets = [0, 0, 0, 0], sizes = [128, 1, 2, 128], strides = [1, 1, 1, 1]} : vector<128x2x2x128xi32> to vector<128x1x2x128xi32>
    %concatenate3A_2847 = tpu.concatenate %slice3A_2845, %slice3A_2846 in 1 : vector<128x1x2x128xi32>, vector<128x1x2x128xi32> -> vector<128x2x2x128xi32>
    %reshape3A_2848 = vector.shape_cast %concatenate3A_2847 : vector<128x2x2x128xi32> to vector<512x128xi32>
    %reshape3A_2849 = vector.shape_cast %select_n3A_2837 : vector<512x128xi32> to vector<128x2x2x128xi32>
    %slice3A_2850 = vector.extract_strided_slice %reshape3A_2849 {offsets = [0, 1, 0, 0], sizes = [128, 1, 2, 128], strides = [1, 1, 1, 1]} : vector<128x2x2x128xi32> to vector<128x1x2x128xi32>
    %slice3A_2851 = vector.extract_strided_slice %reshape3A_2849 {offsets = [0, 0, 0, 0], sizes = [128, 1, 2, 128], strides = [1, 1, 1, 1]} : vector<128x2x2x128xi32> to vector<128x1x2x128xi32>
    %concatenate3A_2852 = tpu.concatenate %slice3A_2850, %slice3A_2851 in 1 : vector<128x1x2x128xi32>, vector<128x1x2x128xi32> -> vector<128x2x2x128xi32>
    %reshape3A_2853 = vector.shape_cast %concatenate3A_2852 : vector<128x2x2x128xi32> to vector<512x128xi32>
    %gt3A_2854 = arith.cmpi sgt, %select_n3A_2836, %reshape3A_2848 : vector<512x128xi32>
    %eq3A_2855 = arith.cmpi eq, %select_n3A_2836, %reshape3A_2848 : vector<512x128xi32>
    %lt3A_2856 = arith.cmpi slt, %select_n3A_2837, %reshape3A_2853 : vector<512x128xi32>
    %and3A_2857 = arith.andi %eq3A_2855, %lt3A_2856 : vector<512x128xi1>
    %or3A_2858 = arith.ori %gt3A_2854, %and3A_2857 : vector<512x128xi1>
    %not3A_2859 = arith.constant dense<true> : vector<512x128xi1>
    %not3A_2860 = arith.xori %ne3A_2843, %not3A_2859 : vector<512x128xi1>
    %and3A_2861 = arith.constant 4096 : i32
    %and3A_2862 = vector.broadcast %and3A_2861 : i32 to vector<512x128xi32>
    %and3A_2863 = arith.andi %add3A, %and3A_2862 : vector<512x128xi32>
    %eq3A_2864 = arith.constant 0 : i32
    %eq3A_2865 = vector.broadcast %eq3A_2864 : i32 to vector<512x128xi32>
    %eq3A_2866 = arith.cmpi eq, %and3A_2863, %eq3A_2865 : vector<512x128xi32>
    %eq3A_2867 = arith.xori %not3A_2860, %eq3A_2866 : vector<512x128xi1>
    %eq3A_2868 = arith.constant dense<true> : vector<512x128xi1>
    %eq3A_2869 = arith.xori %eq3A_2867, %eq3A_2868 : vector<512x128xi1>
    %eq3A_2870 = arith.xori %or3A_2858, %eq3A_2869 : vector<512x128xi1>
    %eq3A_2871 = arith.constant dense<true> : vector<512x128xi1>
    %eq3A_2872 = arith.xori %eq3A_2870, %eq3A_2871 : vector<512x128xi1>
    %select_n3A_2873 = arith.select %eq3A_2872, %select_n3A_2836, %reshape3A_2848 : vector<512x128xi1>, vector<512x128xi32>
    %select_n3A_2874 = arith.select %eq3A_2872, %select_n3A_2837, %reshape3A_2853 : vector<512x128xi1>, vector<512x128xi32>
    %and3A_2875 = arith.constant 1 : i32
    %and3A_2876 = vector.broadcast %and3A_2875 : i32 to vector<512x128xi32>
    %and3A_2877 = arith.andi %add3A, %and3A_2876 : vector<512x128xi32>
    %ne3A_2878 = arith.constant 0 : i32
    %ne3A_2879 = vector.broadcast %ne3A_2878 : i32 to vector<512x128xi32>
    %ne3A_2880 = arith.cmpi ne, %and3A_2877, %ne3A_2879 : vector<512x128xi32>
    %reshape3A_2881 = vector.shape_cast %select_n3A_2873 : vector<512x128xi32> to vector<256x2x1x128xi32>
    %slice3A_2882 = vector.extract_strided_slice %reshape3A_2881 {offsets = [0, 1, 0, 0], sizes = [256, 1, 1, 128], strides = [1, 1, 1, 1]} : vector<256x2x1x128xi32> to vector<256x1x1x128xi32>
    %slice3A_2883 = vector.extract_strided_slice %reshape3A_2881 {offsets = [0, 0, 0, 0], sizes = [256, 1, 1, 128], strides = [1, 1, 1, 1]} : vector<256x2x1x128xi32> to vector<256x1x1x128xi32>
    %concatenate3A_2884 = tpu.concatenate %slice3A_2882, %slice3A_2883 in 1 : vector<256x1x1x128xi32>, vector<256x1x1x128xi32> -> vector<256x2x1x128xi32>
    %reshape3A_2885 = vector.shape_cast %concatenate3A_2884 : vector<256x2x1x128xi32> to vector<512x128xi32>
    %reshape3A_2886 = vector.shape_cast %select_n3A_2874 : vector<512x128xi32> to vector<256x2x1x128xi32>
    %slice3A_2887 = vector.extract_strided_slice %reshape3A_2886 {offsets = [0, 1, 0, 0], sizes = [256, 1, 1, 128], strides = [1, 1, 1, 1]} : vector<256x2x1x128xi32> to vector<256x1x1x128xi32>
    %slice3A_2888 = vector.extract_strided_slice %reshape3A_2886 {offsets = [0, 0, 0, 0], sizes = [256, 1, 1, 128], strides = [1, 1, 1, 1]} : vector<256x2x1x128xi32> to vector<256x1x1x128xi32>
    %concatenate3A_2889 = tpu.concatenate %slice3A_2887, %slice3A_2888 in 1 : vector<256x1x1x128xi32>, vector<256x1x1x128xi32> -> vector<256x2x1x128xi32>
    %reshape3A_2890 = vector.shape_cast %concatenate3A_2889 : vector<256x2x1x128xi32> to vector<512x128xi32>
    %gt3A_2891 = arith.cmpi sgt, %select_n3A_2873, %reshape3A_2885 : vector<512x128xi32>
    %eq3A_2892 = arith.cmpi eq, %select_n3A_2873, %reshape3A_2885 : vector<512x128xi32>
    %lt3A_2893 = arith.cmpi slt, %select_n3A_2874, %reshape3A_2890 : vector<512x128xi32>
    %and3A_2894 = arith.andi %eq3A_2892, %lt3A_2893 : vector<512x128xi1>
    %or3A_2895 = arith.ori %gt3A_2891, %and3A_2894 : vector<512x128xi1>
    %not3A_2896 = arith.constant dense<true> : vector<512x128xi1>
    %not3A_2897 = arith.xori %ne3A_2880, %not3A_2896 : vector<512x128xi1>
    %and3A_2898 = arith.constant 4096 : i32
    %and3A_2899 = vector.broadcast %and3A_2898 : i32 to vector<512x128xi32>
    %and3A_2900 = arith.andi %add3A, %and3A_2899 : vector<512x128xi32>
    %eq3A_2901 = arith.constant 0 : i32
    %eq3A_2902 = vector.broadcast %eq3A_2901 : i32 to vector<512x128xi32>
    %eq3A_2903 = arith.cmpi eq, %and3A_2900, %eq3A_2902 : vector<512x128xi32>
    %eq3A_2904 = arith.xori %not3A_2897, %eq3A_2903 : vector<512x128xi1>
    %eq3A_2905 = arith.constant dense<true> : vector<512x128xi1>
    %eq3A_2906 = arith.xori %eq3A_2904, %eq3A_2905 : vector<512x128xi1>
    %eq3A_2907 = arith.xori %or3A_2895, %eq3A_2906 : vector<512x128xi1>
    %eq3A_2908 = arith.constant dense<true> : vector<512x128xi1>
    %eq3A_2909 = arith.xori %eq3A_2907, %eq3A_2908 : vector<512x128xi1>
    %select_n3A_2910 = arith.select %eq3A_2909, %select_n3A_2873, %reshape3A_2885 : vector<512x128xi1>, vector<512x128xi32>
    %select_n3A_2911 = arith.select %eq3A_2909, %select_n3A_2874, %reshape3A_2890 : vector<512x128xi1>, vector<512x128xi32>
    %and3A_2912 = arith.constant 4096 : i32
    %and3A_2913 = vector.broadcast %and3A_2912 : i32 to vector<512x128xi32>
    %and3A_2914 = arith.andi %add3A, %and3A_2913 : vector<512x128xi32>
    %ne3A_2915 = arith.constant 0 : i32
    %ne3A_2916 = vector.broadcast %ne3A_2915 : i32 to vector<512x128xi32>
    %ne3A_2917 = arith.cmpi ne, %and3A_2914, %ne3A_2916 : vector<512x128xi32>
    %roll3A_2918 = arith.constant 96 : i32
    %roll3A_2919 = tpu.dynamic_rotate %select_n3A_2910 by %roll3A_2918 dim 1 : vector<512x128xi32>, i32 -> vector<512x128xi32>
    %roll3A_2920 = arith.constant 32 : i32
    %roll3A_2921 = tpu.dynamic_rotate %select_n3A_2910 by %roll3A_2920 dim 1 : vector<512x128xi32>, i32 -> vector<512x128xi32>
    %roll3A_2922 = arith.constant 96 : i32
    %roll3A_2923 = tpu.dynamic_rotate %select_n3A_2911 by %roll3A_2922 dim 1 : vector<512x128xi32>, i32 -> vector<512x128xi32>
    %roll3A_2924 = arith.constant 32 : i32
    %roll3A_2925 = tpu.dynamic_rotate %select_n3A_2911 by %roll3A_2924 dim 1 : vector<512x128xi32>, i32 -> vector<512x128xi32>
    %select_n3A_2926 = arith.select %ne3A_2917, %roll3A_2921, %roll3A_2919 : vector<512x128xi1>, vector<512x128xi32>
    %select_n3A_2927 = arith.select %ne3A_2917, %roll3A_2925, %roll3A_2923 : vector<512x128xi1>, vector<512x128xi32>
    %gt3A_2928 = arith.cmpi sgt, %select_n3A_2910, %select_n3A_2926 : vector<512x128xi32>
    %eq3A_2929 = arith.cmpi eq, %select_n3A_2910, %select_n3A_2926 : vector<512x128xi32>
    %lt3A_2930 = arith.cmpi slt, %select_n3A_2911, %select_n3A_2927 : vector<512x128xi32>
    %and3A_2931 = arith.andi %eq3A_2929, %lt3A_2930 : vector<512x128xi1>
    %or3A_2932 = arith.ori %gt3A_2928, %and3A_2931 : vector<512x128xi1>
    %not3A_2933 = arith.constant dense<true> : vector<512x128xi1>
    %not3A_2934 = arith.xori %ne3A_2917, %not3A_2933 : vector<512x128xi1>
    %and3A_2935 = arith.constant 8192 : i32
    %and3A_2936 = vector.broadcast %and3A_2935 : i32 to vector<512x128xi32>
    %and3A_2937 = arith.andi %add3A, %and3A_2936 : vector<512x128xi32>
    %eq3A_2938 = arith.constant 0 : i32
    %eq3A_2939 = vector.broadcast %eq3A_2938 : i32 to vector<512x128xi32>
    %eq3A_2940 = arith.cmpi eq, %and3A_2937, %eq3A_2939 : vector<512x128xi32>
    %eq3A_2941 = arith.xori %not3A_2934, %eq3A_2940 : vector<512x128xi1>
    %eq3A_2942 = arith.constant dense<true> : vector<512x128xi1>
    %eq3A_2943 = arith.xori %eq3A_2941, %eq3A_2942 : vector<512x128xi1>
    %eq3A_2944 = arith.xori %or3A_2932, %eq3A_2943 : vector<512x128xi1>
    %eq3A_2945 = arith.constant dense<true> : vector<512x128xi1>
    %eq3A_2946 = arith.xori %eq3A_2944, %eq3A_2945 : vector<512x128xi1>
    %select_n3A_2947 = arith.select %eq3A_2946, %select_n3A_2910, %select_n3A_2926 : vector<512x128xi1>, vector<512x128xi32>
    %select_n3A_2948 = arith.select %eq3A_2946, %select_n3A_2911, %select_n3A_2927 : vector<512x128xi1>, vector<512x128xi32>
    %and3A_2949 = arith.constant 2048 : i32
    %and3A_2950 = vector.broadcast %and3A_2949 : i32 to vector<512x128xi32>
    %and3A_2951 = arith.andi %add3A, %and3A_2950 : vector<512x128xi32>
    %ne3A_2952 = arith.constant 0 : i32
    %ne3A_2953 = vector.broadcast %ne3A_2952 : i32 to vector<512x128xi32>
    %ne3A_2954 = arith.cmpi ne, %and3A_2951, %ne3A_2953 : vector<512x128xi32>
    %roll3A_2955 = arith.constant 112 : i32
    %roll3A_2956 = tpu.dynamic_rotate %select_n3A_2947 by %roll3A_2955 dim 1 : vector<512x128xi32>, i32 -> vector<512x128xi32>
    %roll3A_2957 = arith.constant 16 : i32
    %roll3A_2958 = tpu.dynamic_rotate %select_n3A_2947 by %roll3A_2957 dim 1 : vector<512x128xi32>, i32 -> vector<512x128xi32>
    %roll3A_2959 = arith.constant 112 : i32
    %roll3A_2960 = tpu.dynamic_rotate %select_n3A_2948 by %roll3A_2959 dim 1 : vector<512x128xi32>, i32 -> vector<512x128xi32>
    %roll3A_2961 = arith.constant 16 : i32
    %roll3A_2962 = tpu.dynamic_rotate %select_n3A_2948 by %roll3A_2961 dim 1 : vector<512x128xi32>, i32 -> vector<512x128xi32>
    %select_n3A_2963 = arith.select %ne3A_2954, %roll3A_2958, %roll3A_2956 : vector<512x128xi1>, vector<512x128xi32>
    %select_n3A_2964 = arith.select %ne3A_2954, %roll3A_2962, %roll3A_2960 : vector<512x128xi1>, vector<512x128xi32>
    %gt3A_2965 = arith.cmpi sgt, %select_n3A_2947, %select_n3A_2963 : vector<512x128xi32>
    %eq3A_2966 = arith.cmpi eq, %select_n3A_2947, %select_n3A_2963 : vector<512x128xi32>
    %lt3A_2967 = arith.cmpi slt, %select_n3A_2948, %select_n3A_2964 : vector<512x128xi32>
    %and3A_2968 = arith.andi %eq3A_2966, %lt3A_2967 : vector<512x128xi1>
    %or3A_2969 = arith.ori %gt3A_2965, %and3A_2968 : vector<512x128xi1>
    %not3A_2970 = arith.constant dense<true> : vector<512x128xi1>
    %not3A_2971 = arith.xori %ne3A_2954, %not3A_2970 : vector<512x128xi1>
    %and3A_2972 = arith.constant 8192 : i32
    %and3A_2973 = vector.broadcast %and3A_2972 : i32 to vector<512x128xi32>
    %and3A_2974 = arith.andi %add3A, %and3A_2973 : vector<512x128xi32>
    %eq3A_2975 = arith.constant 0 : i32
    %eq3A_2976 = vector.broadcast %eq3A_2975 : i32 to vector<512x128xi32>
    %eq3A_2977 = arith.cmpi eq, %and3A_2974, %eq3A_2976 : vector<512x128xi32>
    %eq3A_2978 = arith.xori %not3A_2971, %eq3A_2977 : vector<512x128xi1>
    %eq3A_2979 = arith.constant dense<true> : vector<512x128xi1>
    %eq3A_2980 = arith.xori %eq3A_2978, %eq3A_2979 : vector<512x128xi1>
    %eq3A_2981 = arith.xori %or3A_2969, %eq3A_2980 : vector<512x128xi1>
    %eq3A_2982 = arith.constant dense<true> : vector<512x128xi1>
    %eq3A_2983 = arith.xori %eq3A_2981, %eq3A_2982 : vector<512x128xi1>
    %select_n3A_2984 = arith.select %eq3A_2983, %select_n3A_2947, %select_n3A_2963 : vector<512x128xi1>, vector<512x128xi32>
    %select_n3A_2985 = arith.select %eq3A_2983, %select_n3A_2948, %select_n3A_2964 : vector<512x128xi1>, vector<512x128xi32>
    %and3A_2986 = arith.constant 1024 : i32
    %and3A_2987 = vector.broadcast %and3A_2986 : i32 to vector<512x128xi32>
    %and3A_2988 = arith.andi %add3A, %and3A_2987 : vector<512x128xi32>
    %ne3A_2989 = arith.constant 0 : i32
    %ne3A_2990 = vector.broadcast %ne3A_2989 : i32 to vector<512x128xi32>
    %ne3A_2991 = arith.cmpi ne, %and3A_2988, %ne3A_2990 : vector<512x128xi32>
    %roll3A_2992 = arith.constant 120 : i32
    %roll3A_2993 = tpu.dynamic_rotate %select_n3A_2984 by %roll3A_2992 dim 1 : vector<512x128xi32>, i32 -> vector<512x128xi32>
    %roll3A_2994 = arith.constant 8 : i32
    %roll3A_2995 = tpu.dynamic_rotate %select_n3A_2984 by %roll3A_2994 dim 1 : vector<512x128xi32>, i32 -> vector<512x128xi32>
    %roll3A_2996 = arith.constant 120 : i32
    %roll3A_2997 = tpu.dynamic_rotate %select_n3A_2985 by %roll3A_2996 dim 1 : vector<512x128xi32>, i32 -> vector<512x128xi32>
    %roll3A_2998 = arith.constant 8 : i32
    %roll3A_2999 = tpu.dynamic_rotate %select_n3A_2985 by %roll3A_2998 dim 1 : vector<512x128xi32>, i32 -> vector<512x128xi32>
    %select_n3A_3000 = arith.select %ne3A_2991, %roll3A_2995, %roll3A_2993 : vector<512x128xi1>, vector<512x128xi32>
    %select_n3A_3001 = arith.select %ne3A_2991, %roll3A_2999, %roll3A_2997 : vector<512x128xi1>, vector<512x128xi32>
    %gt3A_3002 = arith.cmpi sgt, %select_n3A_2984, %select_n3A_3000 : vector<512x128xi32>
    %eq3A_3003 = arith.cmpi eq, %select_n3A_2984, %select_n3A_3000 : vector<512x128xi32>
    %lt3A_3004 = arith.cmpi slt, %select_n3A_2985, %select_n3A_3001 : vector<512x128xi32>
    %and3A_3005 = arith.andi %eq3A_3003, %lt3A_3004 : vector<512x128xi1>
    %or3A_3006 = arith.ori %gt3A_3002, %and3A_3005 : vector<512x128xi1>
    %not3A_3007 = arith.constant dense<true> : vector<512x128xi1>
    %not3A_3008 = arith.xori %ne3A_2991, %not3A_3007 : vector<512x128xi1>
    %and3A_3009 = arith.constant 8192 : i32
    %and3A_3010 = vector.broadcast %and3A_3009 : i32 to vector<512x128xi32>
    %and3A_3011 = arith.andi %add3A, %and3A_3010 : vector<512x128xi32>
    %eq3A_3012 = arith.constant 0 : i32
    %eq3A_3013 = vector.broadcast %eq3A_3012 : i32 to vector<512x128xi32>
    %eq3A_3014 = arith.cmpi eq, %and3A_3011, %eq3A_3013 : vector<512x128xi32>
    %eq3A_3015 = arith.xori %not3A_3008, %eq3A_3014 : vector<512x128xi1>
    %eq3A_3016 = arith.constant dense<true> : vector<512x128xi1>
    %eq3A_3017 = arith.xori %eq3A_3015, %eq3A_3016 : vector<512x128xi1>
    %eq3A_3018 = arith.xori %or3A_3006, %eq3A_3017 : vector<512x128xi1>
    %eq3A_3019 = arith.constant dense<true> : vector<512x128xi1>
    %eq3A_3020 = arith.xori %eq3A_3018, %eq3A_3019 : vector<512x128xi1>
    %select_n3A_3021 = arith.select %eq3A_3020, %select_n3A_2984, %select_n3A_3000 : vector<512x128xi1>, vector<512x128xi32>
    %select_n3A_3022 = arith.select %eq3A_3020, %select_n3A_2985, %select_n3A_3001 : vector<512x128xi1>, vector<512x128xi32>
    %and3A_3023 = arith.constant 512 : i32
    %and3A_3024 = vector.broadcast %and3A_3023 : i32 to vector<512x128xi32>
    %and3A_3025 = arith.andi %add3A, %and3A_3024 : vector<512x128xi32>
    %ne3A_3026 = arith.constant 0 : i32
    %ne3A_3027 = vector.broadcast %ne3A_3026 : i32 to vector<512x128xi32>
    %ne3A_3028 = arith.cmpi ne, %and3A_3025, %ne3A_3027 : vector<512x128xi32>
    %roll3A_3029 = arith.constant 124 : i32
    %roll3A_3030 = tpu.dynamic_rotate %select_n3A_3021 by %roll3A_3029 dim 1 : vector<512x128xi32>, i32 -> vector<512x128xi32>
    %roll3A_3031 = arith.constant 4 : i32
    %roll3A_3032 = tpu.dynamic_rotate %select_n3A_3021 by %roll3A_3031 dim 1 : vector<512x128xi32>, i32 -> vector<512x128xi32>
    %roll3A_3033 = arith.constant 124 : i32
    %roll3A_3034 = tpu.dynamic_rotate %select_n3A_3022 by %roll3A_3033 dim 1 : vector<512x128xi32>, i32 -> vector<512x128xi32>
    %roll3A_3035 = arith.constant 4 : i32
    %roll3A_3036 = tpu.dynamic_rotate %select_n3A_3022 by %roll3A_3035 dim 1 : vector<512x128xi32>, i32 -> vector<512x128xi32>
    %select_n3A_3037 = arith.select %ne3A_3028, %roll3A_3032, %roll3A_3030 : vector<512x128xi1>, vector<512x128xi32>
    %select_n3A_3038 = arith.select %ne3A_3028, %roll3A_3036, %roll3A_3034 : vector<512x128xi1>, vector<512x128xi32>
    %gt3A_3039 = arith.cmpi sgt, %select_n3A_3021, %select_n3A_3037 : vector<512x128xi32>
    %eq3A_3040 = arith.cmpi eq, %select_n3A_3021, %select_n3A_3037 : vector<512x128xi32>
    %lt3A_3041 = arith.cmpi slt, %select_n3A_3022, %select_n3A_3038 : vector<512x128xi32>
    %and3A_3042 = arith.andi %eq3A_3040, %lt3A_3041 : vector<512x128xi1>
    %or3A_3043 = arith.ori %gt3A_3039, %and3A_3042 : vector<512x128xi1>
    %not3A_3044 = arith.constant dense<true> : vector<512x128xi1>
    %not3A_3045 = arith.xori %ne3A_3028, %not3A_3044 : vector<512x128xi1>
    %and3A_3046 = arith.constant 8192 : i32
    %and3A_3047 = vector.broadcast %and3A_3046 : i32 to vector<512x128xi32>
    %and3A_3048 = arith.andi %add3A, %and3A_3047 : vector<512x128xi32>
    %eq3A_3049 = arith.constant 0 : i32
    %eq3A_3050 = vector.broadcast %eq3A_3049 : i32 to vector<512x128xi32>
    %eq3A_3051 = arith.cmpi eq, %and3A_3048, %eq3A_3050 : vector<512x128xi32>
    %eq3A_3052 = arith.xori %not3A_3045, %eq3A_3051 : vector<512x128xi1>
    %eq3A_3053 = arith.constant dense<true> : vector<512x128xi1>
    %eq3A_3054 = arith.xori %eq3A_3052, %eq3A_3053 : vector<512x128xi1>
    %eq3A_3055 = arith.xori %or3A_3043, %eq3A_3054 : vector<512x128xi1>
    %eq3A_3056 = arith.constant dense<true> : vector<512x128xi1>
    %eq3A_3057 = arith.xori %eq3A_3055, %eq3A_3056 : vector<512x128xi1>
    %select_n3A_3058 = arith.select %eq3A_3057, %select_n3A_3021, %select_n3A_3037 : vector<512x128xi1>, vector<512x128xi32>
    %select_n3A_3059 = arith.select %eq3A_3057, %select_n3A_3022, %select_n3A_3038 : vector<512x128xi1>, vector<512x128xi32>
    %and3A_3060 = arith.constant 256 : i32
    %and3A_3061 = vector.broadcast %and3A_3060 : i32 to vector<512x128xi32>
    %and3A_3062 = arith.andi %add3A, %and3A_3061 : vector<512x128xi32>
    %ne3A_3063 = arith.constant 0 : i32
    %ne3A_3064 = vector.broadcast %ne3A_3063 : i32 to vector<512x128xi32>
    %ne3A_3065 = arith.cmpi ne, %and3A_3062, %ne3A_3064 : vector<512x128xi32>
    %roll3A_3066 = arith.constant 126 : i32
    %roll3A_3067 = tpu.dynamic_rotate %select_n3A_3058 by %roll3A_3066 dim 1 : vector<512x128xi32>, i32 -> vector<512x128xi32>
    %roll3A_3068 = arith.constant 2 : i32
    %roll3A_3069 = tpu.dynamic_rotate %select_n3A_3058 by %roll3A_3068 dim 1 : vector<512x128xi32>, i32 -> vector<512x128xi32>
    %roll3A_3070 = arith.constant 126 : i32
    %roll3A_3071 = tpu.dynamic_rotate %select_n3A_3059 by %roll3A_3070 dim 1 : vector<512x128xi32>, i32 -> vector<512x128xi32>
    %roll3A_3072 = arith.constant 2 : i32
    %roll3A_3073 = tpu.dynamic_rotate %select_n3A_3059 by %roll3A_3072 dim 1 : vector<512x128xi32>, i32 -> vector<512x128xi32>
    %select_n3A_3074 = arith.select %ne3A_3065, %roll3A_3069, %roll3A_3067 : vector<512x128xi1>, vector<512x128xi32>
    %select_n3A_3075 = arith.select %ne3A_3065, %roll3A_3073, %roll3A_3071 : vector<512x128xi1>, vector<512x128xi32>
    %gt3A_3076 = arith.cmpi sgt, %select_n3A_3058, %select_n3A_3074 : vector<512x128xi32>
    %eq3A_3077 = arith.cmpi eq, %select_n3A_3058, %select_n3A_3074 : vector<512x128xi32>
    %lt3A_3078 = arith.cmpi slt, %select_n3A_3059, %select_n3A_3075 : vector<512x128xi32>
    %and3A_3079 = arith.andi %eq3A_3077, %lt3A_3078 : vector<512x128xi1>
    %or3A_3080 = arith.ori %gt3A_3076, %and3A_3079 : vector<512x128xi1>
    %not3A_3081 = arith.constant dense<true> : vector<512x128xi1>
    %not3A_3082 = arith.xori %ne3A_3065, %not3A_3081 : vector<512x128xi1>
    %and3A_3083 = arith.constant 8192 : i32
    %and3A_3084 = vector.broadcast %and3A_3083 : i32 to vector<512x128xi32>
    %and3A_3085 = arith.andi %add3A, %and3A_3084 : vector<512x128xi32>
    %eq3A_3086 = arith.constant 0 : i32
    %eq3A_3087 = vector.broadcast %eq3A_3086 : i32 to vector<512x128xi32>
    %eq3A_3088 = arith.cmpi eq, %and3A_3085, %eq3A_3087 : vector<512x128xi32>
    %eq3A_3089 = arith.xori %not3A_3082, %eq3A_3088 : vector<512x128xi1>
    %eq3A_3090 = arith.constant dense<true> : vector<512x128xi1>
    %eq3A_3091 = arith.xori %eq3A_3089, %eq3A_3090 : vector<512x128xi1>
    %eq3A_3092 = arith.xori %or3A_3080, %eq3A_3091 : vector<512x128xi1>
    %eq3A_3093 = arith.constant dense<true> : vector<512x128xi1>
    %eq3A_3094 = arith.xori %eq3A_3092, %eq3A_3093 : vector<512x128xi1>
    %select_n3A_3095 = arith.select %eq3A_3094, %select_n3A_3058, %select_n3A_3074 : vector<512x128xi1>, vector<512x128xi32>
    %select_n3A_3096 = arith.select %eq3A_3094, %select_n3A_3059, %select_n3A_3075 : vector<512x128xi1>, vector<512x128xi32>
    %and3A_3097 = arith.constant 128 : i32
    %and3A_3098 = vector.broadcast %and3A_3097 : i32 to vector<512x128xi32>
    %and3A_3099 = arith.andi %add3A, %and3A_3098 : vector<512x128xi32>
    %ne3A_3100 = arith.constant 0 : i32
    %ne3A_3101 = vector.broadcast %ne3A_3100 : i32 to vector<512x128xi32>
    %ne3A_3102 = arith.cmpi ne, %and3A_3099, %ne3A_3101 : vector<512x128xi32>
    %roll3A_3103 = arith.constant 127 : i32
    %roll3A_3104 = tpu.dynamic_rotate %select_n3A_3095 by %roll3A_3103 dim 1 : vector<512x128xi32>, i32 -> vector<512x128xi32>
    %roll3A_3105 = arith.constant 1 : i32
    %roll3A_3106 = tpu.dynamic_rotate %select_n3A_3095 by %roll3A_3105 dim 1 : vector<512x128xi32>, i32 -> vector<512x128xi32>
    %roll3A_3107 = arith.constant 127 : i32
    %roll3A_3108 = tpu.dynamic_rotate %select_n3A_3096 by %roll3A_3107 dim 1 : vector<512x128xi32>, i32 -> vector<512x128xi32>
    %roll3A_3109 = arith.constant 1 : i32
    %roll3A_3110 = tpu.dynamic_rotate %select_n3A_3096 by %roll3A_3109 dim 1 : vector<512x128xi32>, i32 -> vector<512x128xi32>
    %select_n3A_3111 = arith.select %ne3A_3102, %roll3A_3106, %roll3A_3104 : vector<512x128xi1>, vector<512x128xi32>
    %select_n3A_3112 = arith.select %ne3A_3102, %roll3A_3110, %roll3A_3108 : vector<512x128xi1>, vector<512x128xi32>
    %gt3A_3113 = arith.cmpi sgt, %select_n3A_3095, %select_n3A_3111 : vector<512x128xi32>
    %eq3A_3114 = arith.cmpi eq, %select_n3A_3095, %select_n3A_3111 : vector<512x128xi32>
    %lt3A_3115 = arith.cmpi slt, %select_n3A_3096, %select_n3A_3112 : vector<512x128xi32>
    %and3A_3116 = arith.andi %eq3A_3114, %lt3A_3115 : vector<512x128xi1>
    %or3A_3117 = arith.ori %gt3A_3113, %and3A_3116 : vector<512x128xi1>
    %not3A_3118 = arith.constant dense<true> : vector<512x128xi1>
    %not3A_3119 = arith.xori %ne3A_3102, %not3A_3118 : vector<512x128xi1>
    %and3A_3120 = arith.constant 8192 : i32
    %and3A_3121 = vector.broadcast %and3A_3120 : i32 to vector<512x128xi32>
    %and3A_3122 = arith.andi %add3A, %and3A_3121 : vector<512x128xi32>
    %eq3A_3123 = arith.constant 0 : i32
    %eq3A_3124 = vector.broadcast %eq3A_3123 : i32 to vector<512x128xi32>
    %eq3A_3125 = arith.cmpi eq, %and3A_3122, %eq3A_3124 : vector<512x128xi32>
    %eq3A_3126 = arith.xori %not3A_3119, %eq3A_3125 : vector<512x128xi1>
    %eq3A_3127 = arith.constant dense<true> : vector<512x128xi1>
    %eq3A_3128 = arith.xori %eq3A_3126, %eq3A_3127 : vector<512x128xi1>
    %eq3A_3129 = arith.xori %or3A_3117, %eq3A_3128 : vector<512x128xi1>
    %eq3A_3130 = arith.constant dense<true> : vector<512x128xi1>
    %eq3A_3131 = arith.xori %eq3A_3129, %eq3A_3130 : vector<512x128xi1>
    %select_n3A_3132 = arith.select %eq3A_3131, %select_n3A_3095, %select_n3A_3111 : vector<512x128xi1>, vector<512x128xi32>
    %select_n3A_3133 = arith.select %eq3A_3131, %select_n3A_3096, %select_n3A_3112 : vector<512x128xi1>, vector<512x128xi32>
    %and3A_3134 = arith.constant 64 : i32
    %and3A_3135 = vector.broadcast %and3A_3134 : i32 to vector<512x128xi32>
    %and3A_3136 = arith.andi %add3A, %and3A_3135 : vector<512x128xi32>
    %ne3A_3137 = arith.constant 0 : i32
    %ne3A_3138 = vector.broadcast %ne3A_3137 : i32 to vector<512x128xi32>
    %ne3A_3139 = arith.cmpi ne, %and3A_3136, %ne3A_3138 : vector<512x128xi32>
    %reshape3A_3140 = vector.shape_cast %select_n3A_3132 : vector<512x128xi32> to vector<4x2x64x128xi32>
    %slice3A_3141 = vector.extract_strided_slice %reshape3A_3140 {offsets = [0, 1, 0, 0], sizes = [4, 1, 64, 128], strides = [1, 1, 1, 1]} : vector<4x2x64x128xi32> to vector<4x1x64x128xi32>
    %slice3A_3142 = vector.extract_strided_slice %reshape3A_3140 {offsets = [0, 0, 0, 0], sizes = [4, 1, 64, 128], strides = [1, 1, 1, 1]} : vector<4x2x64x128xi32> to vector<4x1x64x128xi32>
    %concatenate3A_3143 = tpu.concatenate %slice3A_3141, %slice3A_3142 in 1 : vector<4x1x64x128xi32>, vector<4x1x64x128xi32> -> vector<4x2x64x128xi32>
    %reshape3A_3144 = vector.shape_cast %concatenate3A_3143 : vector<4x2x64x128xi32> to vector<512x128xi32>
    %reshape3A_3145 = vector.shape_cast %select_n3A_3133 : vector<512x128xi32> to vector<4x2x64x128xi32>
    %slice3A_3146 = vector.extract_strided_slice %reshape3A_3145 {offsets = [0, 1, 0, 0], sizes = [4, 1, 64, 128], strides = [1, 1, 1, 1]} : vector<4x2x64x128xi32> to vector<4x1x64x128xi32>
    %slice3A_3147 = vector.extract_strided_slice %reshape3A_3145 {offsets = [0, 0, 0, 0], sizes = [4, 1, 64, 128], strides = [1, 1, 1, 1]} : vector<4x2x64x128xi32> to vector<4x1x64x128xi32>
    %concatenate3A_3148 = tpu.concatenate %slice3A_3146, %slice3A_3147 in 1 : vector<4x1x64x128xi32>, vector<4x1x64x128xi32> -> vector<4x2x64x128xi32>
    %reshape3A_3149 = vector.shape_cast %concatenate3A_3148 : vector<4x2x64x128xi32> to vector<512x128xi32>
    %gt3A_3150 = arith.cmpi sgt, %select_n3A_3132, %reshape3A_3144 : vector<512x128xi32>
    %eq3A_3151 = arith.cmpi eq, %select_n3A_3132, %reshape3A_3144 : vector<512x128xi32>
    %lt3A_3152 = arith.cmpi slt, %select_n3A_3133, %reshape3A_3149 : vector<512x128xi32>
    %and3A_3153 = arith.andi %eq3A_3151, %lt3A_3152 : vector<512x128xi1>
    %or3A_3154 = arith.ori %gt3A_3150, %and3A_3153 : vector<512x128xi1>
    %not3A_3155 = arith.constant dense<true> : vector<512x128xi1>
    %not3A_3156 = arith.xori %ne3A_3139, %not3A_3155 : vector<512x128xi1>
    %and3A_3157 = arith.constant 8192 : i32
    %and3A_3158 = vector.broadcast %and3A_3157 : i32 to vector<512x128xi32>
    %and3A_3159 = arith.andi %add3A, %and3A_3158 : vector<512x128xi32>
    %eq3A_3160 = arith.constant 0 : i32
    %eq3A_3161 = vector.broadcast %eq3A_3160 : i32 to vector<512x128xi32>
    %eq3A_3162 = arith.cmpi eq, %and3A_3159, %eq3A_3161 : vector<512x128xi32>
    %eq3A_3163 = arith.xori %not3A_3156, %eq3A_3162 : vector<512x128xi1>
    %eq3A_3164 = arith.constant dense<true> : vector<512x128xi1>
    %eq3A_3165 = arith.xori %eq3A_3163, %eq3A_3164 : vector<512x128xi1>
    %eq3A_3166 = arith.xori %or3A_3154, %eq3A_3165 : vector<512x128xi1>
    %eq3A_3167 = arith.constant dense<true> : vector<512x128xi1>
    %eq3A_3168 = arith.xori %eq3A_3166, %eq3A_3167 : vector<512x128xi1>
    %select_n3A_3169 = arith.select %eq3A_3168, %select_n3A_3132, %reshape3A_3144 : vector<512x128xi1>, vector<512x128xi32>
    %select_n3A_3170 = arith.select %eq3A_3168, %select_n3A_3133, %reshape3A_3149 : vector<512x128xi1>, vector<512x128xi32>
    %and3A_3171 = arith.constant 32 : i32
    %and3A_3172 = vector.broadcast %and3A_3171 : i32 to vector<512x128xi32>
    %and3A_3173 = arith.andi %add3A, %and3A_3172 : vector<512x128xi32>
    %ne3A_3174 = arith.constant 0 : i32
    %ne3A_3175 = vector.broadcast %ne3A_3174 : i32 to vector<512x128xi32>
    %ne3A_3176 = arith.cmpi ne, %and3A_3173, %ne3A_3175 : vector<512x128xi32>
    %reshape3A_3177 = vector.shape_cast %select_n3A_3169 : vector<512x128xi32> to vector<8x2x32x128xi32>
    %slice3A_3178 = vector.extract_strided_slice %reshape3A_3177 {offsets = [0, 1, 0, 0], sizes = [8, 1, 32, 128], strides = [1, 1, 1, 1]} : vector<8x2x32x128xi32> to vector<8x1x32x128xi32>
    %slice3A_3179 = vector.extract_strided_slice %reshape3A_3177 {offsets = [0, 0, 0, 0], sizes = [8, 1, 32, 128], strides = [1, 1, 1, 1]} : vector<8x2x32x128xi32> to vector<8x1x32x128xi32>
    %concatenate3A_3180 = tpu.concatenate %slice3A_3178, %slice3A_3179 in 1 : vector<8x1x32x128xi32>, vector<8x1x32x128xi32> -> vector<8x2x32x128xi32>
    %reshape3A_3181 = vector.shape_cast %concatenate3A_3180 : vector<8x2x32x128xi32> to vector<512x128xi32>
    %reshape3A_3182 = vector.shape_cast %select_n3A_3170 : vector<512x128xi32> to vector<8x2x32x128xi32>
    %slice3A_3183 = vector.extract_strided_slice %reshape3A_3182 {offsets = [0, 1, 0, 0], sizes = [8, 1, 32, 128], strides = [1, 1, 1, 1]} : vector<8x2x32x128xi32> to vector<8x1x32x128xi32>
    %slice3A_3184 = vector.extract_strided_slice %reshape3A_3182 {offsets = [0, 0, 0, 0], sizes = [8, 1, 32, 128], strides = [1, 1, 1, 1]} : vector<8x2x32x128xi32> to vector<8x1x32x128xi32>
    %concatenate3A_3185 = tpu.concatenate %slice3A_3183, %slice3A_3184 in 1 : vector<8x1x32x128xi32>, vector<8x1x32x128xi32> -> vector<8x2x32x128xi32>
    %reshape3A_3186 = vector.shape_cast %concatenate3A_3185 : vector<8x2x32x128xi32> to vector<512x128xi32>
    %gt3A_3187 = arith.cmpi sgt, %select_n3A_3169, %reshape3A_3181 : vector<512x128xi32>
    %eq3A_3188 = arith.cmpi eq, %select_n3A_3169, %reshape3A_3181 : vector<512x128xi32>
    %lt3A_3189 = arith.cmpi slt, %select_n3A_3170, %reshape3A_3186 : vector<512x128xi32>
    %and3A_3190 = arith.andi %eq3A_3188, %lt3A_3189 : vector<512x128xi1>
    %or3A_3191 = arith.ori %gt3A_3187, %and3A_3190 : vector<512x128xi1>
    %not3A_3192 = arith.constant dense<true> : vector<512x128xi1>
    %not3A_3193 = arith.xori %ne3A_3176, %not3A_3192 : vector<512x128xi1>
    %and3A_3194 = arith.constant 8192 : i32
    %and3A_3195 = vector.broadcast %and3A_3194 : i32 to vector<512x128xi32>
    %and3A_3196 = arith.andi %add3A, %and3A_3195 : vector<512x128xi32>
    %eq3A_3197 = arith.constant 0 : i32
    %eq3A_3198 = vector.broadcast %eq3A_3197 : i32 to vector<512x128xi32>
    %eq3A_3199 = arith.cmpi eq, %and3A_3196, %eq3A_3198 : vector<512x128xi32>
    %eq3A_3200 = arith.xori %not3A_3193, %eq3A_3199 : vector<512x128xi1>
    %eq3A_3201 = arith.constant dense<true> : vector<512x128xi1>
    %eq3A_3202 = arith.xori %eq3A_3200, %eq3A_3201 : vector<512x128xi1>
    %eq3A_3203 = arith.xori %or3A_3191, %eq3A_3202 : vector<512x128xi1>
    %eq3A_3204 = arith.constant dense<true> : vector<512x128xi1>
    %eq3A_3205 = arith.xori %eq3A_3203, %eq3A_3204 : vector<512x128xi1>
    %select_n3A_3206 = arith.select %eq3A_3205, %select_n3A_3169, %reshape3A_3181 : vector<512x128xi1>, vector<512x128xi32>
    %select_n3A_3207 = arith.select %eq3A_3205, %select_n3A_3170, %reshape3A_3186 : vector<512x128xi1>, vector<512x128xi32>
    %and3A_3208 = arith.constant 16 : i32
    %and3A_3209 = vector.broadcast %and3A_3208 : i32 to vector<512x128xi32>
    %and3A_3210 = arith.andi %add3A, %and3A_3209 : vector<512x128xi32>
    %ne3A_3211 = arith.constant 0 : i32
    %ne3A_3212 = vector.broadcast %ne3A_3211 : i32 to vector<512x128xi32>
    %ne3A_3213 = arith.cmpi ne, %and3A_3210, %ne3A_3212 : vector<512x128xi32>
    %reshape3A_3214 = vector.shape_cast %select_n3A_3206 : vector<512x128xi32> to vector<16x2x16x128xi32>
    %slice3A_3215 = vector.extract_strided_slice %reshape3A_3214 {offsets = [0, 1, 0, 0], sizes = [16, 1, 16, 128], strides = [1, 1, 1, 1]} : vector<16x2x16x128xi32> to vector<16x1x16x128xi32>
    %slice3A_3216 = vector.extract_strided_slice %reshape3A_3214 {offsets = [0, 0, 0, 0], sizes = [16, 1, 16, 128], strides = [1, 1, 1, 1]} : vector<16x2x16x128xi32> to vector<16x1x16x128xi32>
    %concatenate3A_3217 = tpu.concatenate %slice3A_3215, %slice3A_3216 in 1 : vector<16x1x16x128xi32>, vector<16x1x16x128xi32> -> vector<16x2x16x128xi32>
    %reshape3A_3218 = vector.shape_cast %concatenate3A_3217 : vector<16x2x16x128xi32> to vector<512x128xi32>
    %reshape3A_3219 = vector.shape_cast %select_n3A_3207 : vector<512x128xi32> to vector<16x2x16x128xi32>
    %slice3A_3220 = vector.extract_strided_slice %reshape3A_3219 {offsets = [0, 1, 0, 0], sizes = [16, 1, 16, 128], strides = [1, 1, 1, 1]} : vector<16x2x16x128xi32> to vector<16x1x16x128xi32>
    %slice3A_3221 = vector.extract_strided_slice %reshape3A_3219 {offsets = [0, 0, 0, 0], sizes = [16, 1, 16, 128], strides = [1, 1, 1, 1]} : vector<16x2x16x128xi32> to vector<16x1x16x128xi32>
    %concatenate3A_3222 = tpu.concatenate %slice3A_3220, %slice3A_3221 in 1 : vector<16x1x16x128xi32>, vector<16x1x16x128xi32> -> vector<16x2x16x128xi32>
    %reshape3A_3223 = vector.shape_cast %concatenate3A_3222 : vector<16x2x16x128xi32> to vector<512x128xi32>
    %gt3A_3224 = arith.cmpi sgt, %select_n3A_3206, %reshape3A_3218 : vector<512x128xi32>
    %eq3A_3225 = arith.cmpi eq, %select_n3A_3206, %reshape3A_3218 : vector<512x128xi32>
    %lt3A_3226 = arith.cmpi slt, %select_n3A_3207, %reshape3A_3223 : vector<512x128xi32>
    %and3A_3227 = arith.andi %eq3A_3225, %lt3A_3226 : vector<512x128xi1>
    %or3A_3228 = arith.ori %gt3A_3224, %and3A_3227 : vector<512x128xi1>
    %not3A_3229 = arith.constant dense<true> : vector<512x128xi1>
    %not3A_3230 = arith.xori %ne3A_3213, %not3A_3229 : vector<512x128xi1>
    %and3A_3231 = arith.constant 8192 : i32
    %and3A_3232 = vector.broadcast %and3A_3231 : i32 to vector<512x128xi32>
    %and3A_3233 = arith.andi %add3A, %and3A_3232 : vector<512x128xi32>
    %eq3A_3234 = arith.constant 0 : i32
    %eq3A_3235 = vector.broadcast %eq3A_3234 : i32 to vector<512x128xi32>
    %eq3A_3236 = arith.cmpi eq, %and3A_3233, %eq3A_3235 : vector<512x128xi32>
    %eq3A_3237 = arith.xori %not3A_3230, %eq3A_3236 : vector<512x128xi1>
    %eq3A_3238 = arith.constant dense<true> : vector<512x128xi1>
    %eq3A_3239 = arith.xori %eq3A_3237, %eq3A_3238 : vector<512x128xi1>
    %eq3A_3240 = arith.xori %or3A_3228, %eq3A_3239 : vector<512x128xi1>
    %eq3A_3241 = arith.constant dense<true> : vector<512x128xi1>
    %eq3A_3242 = arith.xori %eq3A_3240, %eq3A_3241 : vector<512x128xi1>
    %select_n3A_3243 = arith.select %eq3A_3242, %select_n3A_3206, %reshape3A_3218 : vector<512x128xi1>, vector<512x128xi32>
    %select_n3A_3244 = arith.select %eq3A_3242, %select_n3A_3207, %reshape3A_3223 : vector<512x128xi1>, vector<512x128xi32>
    %and3A_3245 = arith.constant 8 : i32
    %and3A_3246 = vector.broadcast %and3A_3245 : i32 to vector<512x128xi32>
    %and3A_3247 = arith.andi %add3A, %and3A_3246 : vector<512x128xi32>
    %ne3A_3248 = arith.constant 0 : i32
    %ne3A_3249 = vector.broadcast %ne3A_3248 : i32 to vector<512x128xi32>
    %ne3A_3250 = arith.cmpi ne, %and3A_3247, %ne3A_3249 : vector<512x128xi32>
    %reshape3A_3251 = vector.shape_cast %select_n3A_3243 : vector<512x128xi32> to vector<32x2x8x128xi32>
    %slice3A_3252 = vector.extract_strided_slice %reshape3A_3251 {offsets = [0, 1, 0, 0], sizes = [32, 1, 8, 128], strides = [1, 1, 1, 1]} : vector<32x2x8x128xi32> to vector<32x1x8x128xi32>
    %slice3A_3253 = vector.extract_strided_slice %reshape3A_3251 {offsets = [0, 0, 0, 0], sizes = [32, 1, 8, 128], strides = [1, 1, 1, 1]} : vector<32x2x8x128xi32> to vector<32x1x8x128xi32>
    %concatenate3A_3254 = tpu.concatenate %slice3A_3252, %slice3A_3253 in 1 : vector<32x1x8x128xi32>, vector<32x1x8x128xi32> -> vector<32x2x8x128xi32>
    %reshape3A_3255 = vector.shape_cast %concatenate3A_3254 : vector<32x2x8x128xi32> to vector<512x128xi32>
    %reshape3A_3256 = vector.shape_cast %select_n3A_3244 : vector<512x128xi32> to vector<32x2x8x128xi32>
    %slice3A_3257 = vector.extract_strided_slice %reshape3A_3256 {offsets = [0, 1, 0, 0], sizes = [32, 1, 8, 128], strides = [1, 1, 1, 1]} : vector<32x2x8x128xi32> to vector<32x1x8x128xi32>
    %slice3A_3258 = vector.extract_strided_slice %reshape3A_3256 {offsets = [0, 0, 0, 0], sizes = [32, 1, 8, 128], strides = [1, 1, 1, 1]} : vector<32x2x8x128xi32> to vector<32x1x8x128xi32>
    %concatenate3A_3259 = tpu.concatenate %slice3A_3257, %slice3A_3258 in 1 : vector<32x1x8x128xi32>, vector<32x1x8x128xi32> -> vector<32x2x8x128xi32>
    %reshape3A_3260 = vector.shape_cast %concatenate3A_3259 : vector<32x2x8x128xi32> to vector<512x128xi32>
    %gt3A_3261 = arith.cmpi sgt, %select_n3A_3243, %reshape3A_3255 : vector<512x128xi32>
    %eq3A_3262 = arith.cmpi eq, %select_n3A_3243, %reshape3A_3255 : vector<512x128xi32>
    %lt3A_3263 = arith.cmpi slt, %select_n3A_3244, %reshape3A_3260 : vector<512x128xi32>
    %and3A_3264 = arith.andi %eq3A_3262, %lt3A_3263 : vector<512x128xi1>
    %or3A_3265 = arith.ori %gt3A_3261, %and3A_3264 : vector<512x128xi1>
    %not3A_3266 = arith.constant dense<true> : vector<512x128xi1>
    %not3A_3267 = arith.xori %ne3A_3250, %not3A_3266 : vector<512x128xi1>
    %and3A_3268 = arith.constant 8192 : i32
    %and3A_3269 = vector.broadcast %and3A_3268 : i32 to vector<512x128xi32>
    %and3A_3270 = arith.andi %add3A, %and3A_3269 : vector<512x128xi32>
    %eq3A_3271 = arith.constant 0 : i32
    %eq3A_3272 = vector.broadcast %eq3A_3271 : i32 to vector<512x128xi32>
    %eq3A_3273 = arith.cmpi eq, %and3A_3270, %eq3A_3272 : vector<512x128xi32>
    %eq3A_3274 = arith.xori %not3A_3267, %eq3A_3273 : vector<512x128xi1>
    %eq3A_3275 = arith.constant dense<true> : vector<512x128xi1>
    %eq3A_3276 = arith.xori %eq3A_3274, %eq3A_3275 : vector<512x128xi1>
    %eq3A_3277 = arith.xori %or3A_3265, %eq3A_3276 : vector<512x128xi1>
    %eq3A_3278 = arith.constant dense<true> : vector<512x128xi1>
    %eq3A_3279 = arith.xori %eq3A_3277, %eq3A_3278 : vector<512x128xi1>
    %select_n3A_3280 = arith.select %eq3A_3279, %select_n3A_3243, %reshape3A_3255 : vector<512x128xi1>, vector<512x128xi32>
    %select_n3A_3281 = arith.select %eq3A_3279, %select_n3A_3244, %reshape3A_3260 : vector<512x128xi1>, vector<512x128xi32>
    %and3A_3282 = arith.constant 4 : i32
    %and3A_3283 = vector.broadcast %and3A_3282 : i32 to vector<512x128xi32>
    %and3A_3284 = arith.andi %add3A, %and3A_3283 : vector<512x128xi32>
    %ne3A_3285 = arith.constant 0 : i32
    %ne3A_3286 = vector.broadcast %ne3A_3285 : i32 to vector<512x128xi32>
    %ne3A_3287 = arith.cmpi ne, %and3A_3284, %ne3A_3286 : vector<512x128xi32>
    %reshape3A_3288 = vector.shape_cast %select_n3A_3280 : vector<512x128xi32> to vector<64x2x4x128xi32>
    %slice3A_3289 = vector.extract_strided_slice %reshape3A_3288 {offsets = [0, 1, 0, 0], sizes = [64, 1, 4, 128], strides = [1, 1, 1, 1]} : vector<64x2x4x128xi32> to vector<64x1x4x128xi32>
    %slice3A_3290 = vector.extract_strided_slice %reshape3A_3288 {offsets = [0, 0, 0, 0], sizes = [64, 1, 4, 128], strides = [1, 1, 1, 1]} : vector<64x2x4x128xi32> to vector<64x1x4x128xi32>
    %concatenate3A_3291 = tpu.concatenate %slice3A_3289, %slice3A_3290 in 1 : vector<64x1x4x128xi32>, vector<64x1x4x128xi32> -> vector<64x2x4x128xi32>
    %reshape3A_3292 = vector.shape_cast %concatenate3A_3291 : vector<64x2x4x128xi32> to vector<512x128xi32>
    %reshape3A_3293 = vector.shape_cast %select_n3A_3281 : vector<512x128xi32> to vector<64x2x4x128xi32>
    %slice3A_3294 = vector.extract_strided_slice %reshape3A_3293 {offsets = [0, 1, 0, 0], sizes = [64, 1, 4, 128], strides = [1, 1, 1, 1]} : vector<64x2x4x128xi32> to vector<64x1x4x128xi32>
    %slice3A_3295 = vector.extract_strided_slice %reshape3A_3293 {offsets = [0, 0, 0, 0], sizes = [64, 1, 4, 128], strides = [1, 1, 1, 1]} : vector<64x2x4x128xi32> to vector<64x1x4x128xi32>
    %concatenate3A_3296 = tpu.concatenate %slice3A_3294, %slice3A_3295 in 1 : vector<64x1x4x128xi32>, vector<64x1x4x128xi32> -> vector<64x2x4x128xi32>
    %reshape3A_3297 = vector.shape_cast %concatenate3A_3296 : vector<64x2x4x128xi32> to vector<512x128xi32>
    %gt3A_3298 = arith.cmpi sgt, %select_n3A_3280, %reshape3A_3292 : vector<512x128xi32>
    %eq3A_3299 = arith.cmpi eq, %select_n3A_3280, %reshape3A_3292 : vector<512x128xi32>
    %lt3A_3300 = arith.cmpi slt, %select_n3A_3281, %reshape3A_3297 : vector<512x128xi32>
    %and3A_3301 = arith.andi %eq3A_3299, %lt3A_3300 : vector<512x128xi1>
    %or3A_3302 = arith.ori %gt3A_3298, %and3A_3301 : vector<512x128xi1>
    %not3A_3303 = arith.constant dense<true> : vector<512x128xi1>
    %not3A_3304 = arith.xori %ne3A_3287, %not3A_3303 : vector<512x128xi1>
    %and3A_3305 = arith.constant 8192 : i32
    %and3A_3306 = vector.broadcast %and3A_3305 : i32 to vector<512x128xi32>
    %and3A_3307 = arith.andi %add3A, %and3A_3306 : vector<512x128xi32>
    %eq3A_3308 = arith.constant 0 : i32
    %eq3A_3309 = vector.broadcast %eq3A_3308 : i32 to vector<512x128xi32>
    %eq3A_3310 = arith.cmpi eq, %and3A_3307, %eq3A_3309 : vector<512x128xi32>
    %eq3A_3311 = arith.xori %not3A_3304, %eq3A_3310 : vector<512x128xi1>
    %eq3A_3312 = arith.constant dense<true> : vector<512x128xi1>
    %eq3A_3313 = arith.xori %eq3A_3311, %eq3A_3312 : vector<512x128xi1>
    %eq3A_3314 = arith.xori %or3A_3302, %eq3A_3313 : vector<512x128xi1>
    %eq3A_3315 = arith.constant dense<true> : vector<512x128xi1>
    %eq3A_3316 = arith.xori %eq3A_3314, %eq3A_3315 : vector<512x128xi1>
    %select_n3A_3317 = arith.select %eq3A_3316, %select_n3A_3280, %reshape3A_3292 : vector<512x128xi1>, vector<512x128xi32>
    %select_n3A_3318 = arith.select %eq3A_3316, %select_n3A_3281, %reshape3A_3297 : vector<512x128xi1>, vector<512x128xi32>
    %and3A_3319 = arith.constant 2 : i32
    %and3A_3320 = vector.broadcast %and3A_3319 : i32 to vector<512x128xi32>
    %and3A_3321 = arith.andi %add3A, %and3A_3320 : vector<512x128xi32>
    %ne3A_3322 = arith.constant 0 : i32
    %ne3A_3323 = vector.broadcast %ne3A_3322 : i32 to vector<512x128xi32>
    %ne3A_3324 = arith.cmpi ne, %and3A_3321, %ne3A_3323 : vector<512x128xi32>
    %reshape3A_3325 = vector.shape_cast %select_n3A_3317 : vector<512x128xi32> to vector<128x2x2x128xi32>
    %slice3A_3326 = vector.extract_strided_slice %reshape3A_3325 {offsets = [0, 1, 0, 0], sizes = [128, 1, 2, 128], strides = [1, 1, 1, 1]} : vector<128x2x2x128xi32> to vector<128x1x2x128xi32>
    %slice3A_3327 = vector.extract_strided_slice %reshape3A_3325 {offsets = [0, 0, 0, 0], sizes = [128, 1, 2, 128], strides = [1, 1, 1, 1]} : vector<128x2x2x128xi32> to vector<128x1x2x128xi32>
    %concatenate3A_3328 = tpu.concatenate %slice3A_3326, %slice3A_3327 in 1 : vector<128x1x2x128xi32>, vector<128x1x2x128xi32> -> vector<128x2x2x128xi32>
    %reshape3A_3329 = vector.shape_cast %concatenate3A_3328 : vector<128x2x2x128xi32> to vector<512x128xi32>
    %reshape3A_3330 = vector.shape_cast %select_n3A_3318 : vector<512x128xi32> to vector<128x2x2x128xi32>
    %slice3A_3331 = vector.extract_strided_slice %reshape3A_3330 {offsets = [0, 1, 0, 0], sizes = [128, 1, 2, 128], strides = [1, 1, 1, 1]} : vector<128x2x2x128xi32> to vector<128x1x2x128xi32>
    %slice3A_3332 = vector.extract_strided_slice %reshape3A_3330 {offsets = [0, 0, 0, 0], sizes = [128, 1, 2, 128], strides = [1, 1, 1, 1]} : vector<128x2x2x128xi32> to vector<128x1x2x128xi32>
    %concatenate3A_3333 = tpu.concatenate %slice3A_3331, %slice3A_3332 in 1 : vector<128x1x2x128xi32>, vector<128x1x2x128xi32> -> vector<128x2x2x128xi32>
    %reshape3A_3334 = vector.shape_cast %concatenate3A_3333 : vector<128x2x2x128xi32> to vector<512x128xi32>
    %gt3A_3335 = arith.cmpi sgt, %select_n3A_3317, %reshape3A_3329 : vector<512x128xi32>
    %eq3A_3336 = arith.cmpi eq, %select_n3A_3317, %reshape3A_3329 : vector<512x128xi32>
    %lt3A_3337 = arith.cmpi slt, %select_n3A_3318, %reshape3A_3334 : vector<512x128xi32>
    %and3A_3338 = arith.andi %eq3A_3336, %lt3A_3337 : vector<512x128xi1>
    %or3A_3339 = arith.ori %gt3A_3335, %and3A_3338 : vector<512x128xi1>
    %not3A_3340 = arith.constant dense<true> : vector<512x128xi1>
    %not3A_3341 = arith.xori %ne3A_3324, %not3A_3340 : vector<512x128xi1>
    %and3A_3342 = arith.constant 8192 : i32
    %and3A_3343 = vector.broadcast %and3A_3342 : i32 to vector<512x128xi32>
    %and3A_3344 = arith.andi %add3A, %and3A_3343 : vector<512x128xi32>
    %eq3A_3345 = arith.constant 0 : i32
    %eq3A_3346 = vector.broadcast %eq3A_3345 : i32 to vector<512x128xi32>
    %eq3A_3347 = arith.cmpi eq, %and3A_3344, %eq3A_3346 : vector<512x128xi32>
    %eq3A_3348 = arith.xori %not3A_3341, %eq3A_3347 : vector<512x128xi1>
    %eq3A_3349 = arith.constant dense<true> : vector<512x128xi1>
    %eq3A_3350 = arith.xori %eq3A_3348, %eq3A_3349 : vector<512x128xi1>
    %eq3A_3351 = arith.xori %or3A_3339, %eq3A_3350 : vector<512x128xi1>
    %eq3A_3352 = arith.constant dense<true> : vector<512x128xi1>
    %eq3A_3353 = arith.xori %eq3A_3351, %eq3A_3352 : vector<512x128xi1>
    %select_n3A_3354 = arith.select %eq3A_3353, %select_n3A_3317, %reshape3A_3329 : vector<512x128xi1>, vector<512x128xi32>
    %select_n3A_3355 = arith.select %eq3A_3353, %select_n3A_3318, %reshape3A_3334 : vector<512x128xi1>, vector<512x128xi32>
    %and3A_3356 = arith.constant 1 : i32
    %and3A_3357 = vector.broadcast %and3A_3356 : i32 to vector<512x128xi32>
    %and3A_3358 = arith.andi %add3A, %and3A_3357 : vector<512x128xi32>
    %ne3A_3359 = arith.constant 0 : i32
    %ne3A_3360 = vector.broadcast %ne3A_3359 : i32 to vector<512x128xi32>
    %ne3A_3361 = arith.cmpi ne, %and3A_3358, %ne3A_3360 : vector<512x128xi32>
    %reshape3A_3362 = vector.shape_cast %select_n3A_3354 : vector<512x128xi32> to vector<256x2x1x128xi32>
    %slice3A_3363 = vector.extract_strided_slice %reshape3A_3362 {offsets = [0, 1, 0, 0], sizes = [256, 1, 1, 128], strides = [1, 1, 1, 1]} : vector<256x2x1x128xi32> to vector<256x1x1x128xi32>
    %slice3A_3364 = vector.extract_strided_slice %reshape3A_3362 {offsets = [0, 0, 0, 0], sizes = [256, 1, 1, 128], strides = [1, 1, 1, 1]} : vector<256x2x1x128xi32> to vector<256x1x1x128xi32>
    %concatenate3A_3365 = tpu.concatenate %slice3A_3363, %slice3A_3364 in 1 : vector<256x1x1x128xi32>, vector<256x1x1x128xi32> -> vector<256x2x1x128xi32>
    %reshape3A_3366 = vector.shape_cast %concatenate3A_3365 : vector<256x2x1x128xi32> to vector<512x128xi32>
    %reshape3A_3367 = vector.shape_cast %select_n3A_3355 : vector<512x128xi32> to vector<256x2x1x128xi32>
    %slice3A_3368 = vector.extract_strided_slice %reshape3A_3367 {offsets = [0, 1, 0, 0], sizes = [256, 1, 1, 128], strides = [1, 1, 1, 1]} : vector<256x2x1x128xi32> to vector<256x1x1x128xi32>
    %slice3A_3369 = vector.extract_strided_slice %reshape3A_3367 {offsets = [0, 0, 0, 0], sizes = [256, 1, 1, 128], strides = [1, 1, 1, 1]} : vector<256x2x1x128xi32> to vector<256x1x1x128xi32>
    %concatenate3A_3370 = tpu.concatenate %slice3A_3368, %slice3A_3369 in 1 : vector<256x1x1x128xi32>, vector<256x1x1x128xi32> -> vector<256x2x1x128xi32>
    %reshape3A_3371 = vector.shape_cast %concatenate3A_3370 : vector<256x2x1x128xi32> to vector<512x128xi32>
    %gt3A_3372 = arith.cmpi sgt, %select_n3A_3354, %reshape3A_3366 : vector<512x128xi32>
    %eq3A_3373 = arith.cmpi eq, %select_n3A_3354, %reshape3A_3366 : vector<512x128xi32>
    %lt3A_3374 = arith.cmpi slt, %select_n3A_3355, %reshape3A_3371 : vector<512x128xi32>
    %and3A_3375 = arith.andi %eq3A_3373, %lt3A_3374 : vector<512x128xi1>
    %or3A_3376 = arith.ori %gt3A_3372, %and3A_3375 : vector<512x128xi1>
    %not3A_3377 = arith.constant dense<true> : vector<512x128xi1>
    %not3A_3378 = arith.xori %ne3A_3361, %not3A_3377 : vector<512x128xi1>
    %and3A_3379 = arith.constant 8192 : i32
    %and3A_3380 = vector.broadcast %and3A_3379 : i32 to vector<512x128xi32>
    %and3A_3381 = arith.andi %add3A, %and3A_3380 : vector<512x128xi32>
    %eq3A_3382 = arith.constant 0 : i32
    %eq3A_3383 = vector.broadcast %eq3A_3382 : i32 to vector<512x128xi32>
    %eq3A_3384 = arith.cmpi eq, %and3A_3381, %eq3A_3383 : vector<512x128xi32>
    %eq3A_3385 = arith.xori %not3A_3378, %eq3A_3384 : vector<512x128xi1>
    %eq3A_3386 = arith.constant dense<true> : vector<512x128xi1>
    %eq3A_3387 = arith.xori %eq3A_3385, %eq3A_3386 : vector<512x128xi1>
    %eq3A_3388 = arith.xori %or3A_3376, %eq3A_3387 : vector<512x128xi1>
    %eq3A_3389 = arith.constant dense<true> : vector<512x128xi1>
    %eq3A_3390 = arith.xori %eq3A_3388, %eq3A_3389 : vector<512x128xi1>
    %select_n3A_3391 = arith.select %eq3A_3390, %select_n3A_3354, %reshape3A_3366 : vector<512x128xi1>, vector<512x128xi32>
    %select_n3A_3392 = arith.select %eq3A_3390, %select_n3A_3355, %reshape3A_3371 : vector<512x128xi1>, vector<512x128xi32>
    %and3A_3393 = arith.constant 8192 : i32
    %and3A_3394 = vector.broadcast %and3A_3393 : i32 to vector<512x128xi32>
    %and3A_3395 = arith.andi %add3A, %and3A_3394 : vector<512x128xi32>
    %ne3A_3396 = arith.constant 0 : i32
    %ne3A_3397 = vector.broadcast %ne3A_3396 : i32 to vector<512x128xi32>
    %ne3A_3398 = arith.cmpi ne, %and3A_3395, %ne3A_3397 : vector<512x128xi32>
    %roll3A_3399 = arith.constant 64 : i32
    %roll3A_3400 = tpu.dynamic_rotate %select_n3A_3391 by %roll3A_3399 dim 1 : vector<512x128xi32>, i32 -> vector<512x128xi32>
    %roll3A_3401 = arith.constant 64 : i32
    %roll3A_3402 = tpu.dynamic_rotate %select_n3A_3391 by %roll3A_3401 dim 1 : vector<512x128xi32>, i32 -> vector<512x128xi32>
    %roll3A_3403 = arith.constant 64 : i32
    %roll3A_3404 = tpu.dynamic_rotate %select_n3A_3392 by %roll3A_3403 dim 1 : vector<512x128xi32>, i32 -> vector<512x128xi32>
    %roll3A_3405 = arith.constant 64 : i32
    %roll3A_3406 = tpu.dynamic_rotate %select_n3A_3392 by %roll3A_3405 dim 1 : vector<512x128xi32>, i32 -> vector<512x128xi32>
    %select_n3A_3407 = arith.select %ne3A_3398, %roll3A_3402, %roll3A_3400 : vector<512x128xi1>, vector<512x128xi32>
    %select_n3A_3408 = arith.select %ne3A_3398, %roll3A_3406, %roll3A_3404 : vector<512x128xi1>, vector<512x128xi32>
    %gt3A_3409 = arith.cmpi sgt, %select_n3A_3391, %select_n3A_3407 : vector<512x128xi32>
    %eq3A_3410 = arith.cmpi eq, %select_n3A_3391, %select_n3A_3407 : vector<512x128xi32>
    %lt3A_3411 = arith.cmpi slt, %select_n3A_3392, %select_n3A_3408 : vector<512x128xi32>
    %and3A_3412 = arith.andi %eq3A_3410, %lt3A_3411 : vector<512x128xi1>
    %or3A_3413 = arith.ori %gt3A_3409, %and3A_3412 : vector<512x128xi1>
    %not3A_3414 = arith.constant dense<true> : vector<512x128xi1>
    %not3A_3415 = arith.xori %ne3A_3398, %not3A_3414 : vector<512x128xi1>
    %and3A_3416 = arith.constant 16384 : i32
    %and3A_3417 = vector.broadcast %and3A_3416 : i32 to vector<512x128xi32>
    %and3A_3418 = arith.andi %add3A, %and3A_3417 : vector<512x128xi32>
    %eq3A_3419 = arith.constant 0 : i32
    %eq3A_3420 = vector.broadcast %eq3A_3419 : i32 to vector<512x128xi32>
    %eq3A_3421 = arith.cmpi eq, %and3A_3418, %eq3A_3420 : vector<512x128xi32>
    %eq3A_3422 = arith.xori %not3A_3415, %eq3A_3421 : vector<512x128xi1>
    %eq3A_3423 = arith.constant dense<true> : vector<512x128xi1>
    %eq3A_3424 = arith.xori %eq3A_3422, %eq3A_3423 : vector<512x128xi1>
    %eq3A_3425 = arith.xori %or3A_3413, %eq3A_3424 : vector<512x128xi1>
    %eq3A_3426 = arith.constant dense<true> : vector<512x128xi1>
    %eq3A_3427 = arith.xori %eq3A_3425, %eq3A_3426 : vector<512x128xi1>
    %select_n3A_3428 = arith.select %eq3A_3427, %select_n3A_3391, %select_n3A_3407 : vector<512x128xi1>, vector<512x128xi32>
    %select_n3A_3429 = arith.select %eq3A_3427, %select_n3A_3392, %select_n3A_3408 : vector<512x128xi1>, vector<512x128xi32>
    %and3A_3430 = arith.constant 4096 : i32
    %and3A_3431 = vector.broadcast %and3A_3430 : i32 to vector<512x128xi32>
    %and3A_3432 = arith.andi %add3A, %and3A_3431 : vector<512x128xi32>
    %ne3A_3433 = arith.constant 0 : i32
    %ne3A_3434 = vector.broadcast %ne3A_3433 : i32 to vector<512x128xi32>
    %ne3A_3435 = arith.cmpi ne, %and3A_3432, %ne3A_3434 : vector<512x128xi32>
    %roll3A_3436 = arith.constant 96 : i32
    %roll3A_3437 = tpu.dynamic_rotate %select_n3A_3428 by %roll3A_3436 dim 1 : vector<512x128xi32>, i32 -> vector<512x128xi32>
    %roll3A_3438 = arith.constant 32 : i32
    %roll3A_3439 = tpu.dynamic_rotate %select_n3A_3428 by %roll3A_3438 dim 1 : vector<512x128xi32>, i32 -> vector<512x128xi32>
    %roll3A_3440 = arith.constant 96 : i32
    %roll3A_3441 = tpu.dynamic_rotate %select_n3A_3429 by %roll3A_3440 dim 1 : vector<512x128xi32>, i32 -> vector<512x128xi32>
    %roll3A_3442 = arith.constant 32 : i32
    %roll3A_3443 = tpu.dynamic_rotate %select_n3A_3429 by %roll3A_3442 dim 1 : vector<512x128xi32>, i32 -> vector<512x128xi32>
    %select_n3A_3444 = arith.select %ne3A_3435, %roll3A_3439, %roll3A_3437 : vector<512x128xi1>, vector<512x128xi32>
    %select_n3A_3445 = arith.select %ne3A_3435, %roll3A_3443, %roll3A_3441 : vector<512x128xi1>, vector<512x128xi32>
    %gt3A_3446 = arith.cmpi sgt, %select_n3A_3428, %select_n3A_3444 : vector<512x128xi32>
    %eq3A_3447 = arith.cmpi eq, %select_n3A_3428, %select_n3A_3444 : vector<512x128xi32>
    %lt3A_3448 = arith.cmpi slt, %select_n3A_3429, %select_n3A_3445 : vector<512x128xi32>
    %and3A_3449 = arith.andi %eq3A_3447, %lt3A_3448 : vector<512x128xi1>
    %or3A_3450 = arith.ori %gt3A_3446, %and3A_3449 : vector<512x128xi1>
    %not3A_3451 = arith.constant dense<true> : vector<512x128xi1>
    %not3A_3452 = arith.xori %ne3A_3435, %not3A_3451 : vector<512x128xi1>
    %and3A_3453 = arith.constant 16384 : i32
    %and3A_3454 = vector.broadcast %and3A_3453 : i32 to vector<512x128xi32>
    %and3A_3455 = arith.andi %add3A, %and3A_3454 : vector<512x128xi32>
    %eq3A_3456 = arith.constant 0 : i32
    %eq3A_3457 = vector.broadcast %eq3A_3456 : i32 to vector<512x128xi32>
    %eq3A_3458 = arith.cmpi eq, %and3A_3455, %eq3A_3457 : vector<512x128xi32>
    %eq3A_3459 = arith.xori %not3A_3452, %eq3A_3458 : vector<512x128xi1>
    %eq3A_3460 = arith.constant dense<true> : vector<512x128xi1>
    %eq3A_3461 = arith.xori %eq3A_3459, %eq3A_3460 : vector<512x128xi1>
    %eq3A_3462 = arith.xori %or3A_3450, %eq3A_3461 : vector<512x128xi1>
    %eq3A_3463 = arith.constant dense<true> : vector<512x128xi1>
    %eq3A_3464 = arith.xori %eq3A_3462, %eq3A_3463 : vector<512x128xi1>
    %select_n3A_3465 = arith.select %eq3A_3464, %select_n3A_3428, %select_n3A_3444 : vector<512x128xi1>, vector<512x128xi32>
    %select_n3A_3466 = arith.select %eq3A_3464, %select_n3A_3429, %select_n3A_3445 : vector<512x128xi1>, vector<512x128xi32>
    %and3A_3467 = arith.constant 2048 : i32
    %and3A_3468 = vector.broadcast %and3A_3467 : i32 to vector<512x128xi32>
    %and3A_3469 = arith.andi %add3A, %and3A_3468 : vector<512x128xi32>
    %ne3A_3470 = arith.constant 0 : i32
    %ne3A_3471 = vector.broadcast %ne3A_3470 : i32 to vector<512x128xi32>
    %ne3A_3472 = arith.cmpi ne, %and3A_3469, %ne3A_3471 : vector<512x128xi32>
    %roll3A_3473 = arith.constant 112 : i32
    %roll3A_3474 = tpu.dynamic_rotate %select_n3A_3465 by %roll3A_3473 dim 1 : vector<512x128xi32>, i32 -> vector<512x128xi32>
    %roll3A_3475 = arith.constant 16 : i32
    %roll3A_3476 = tpu.dynamic_rotate %select_n3A_3465 by %roll3A_3475 dim 1 : vector<512x128xi32>, i32 -> vector<512x128xi32>
    %roll3A_3477 = arith.constant 112 : i32
    %roll3A_3478 = tpu.dynamic_rotate %select_n3A_3466 by %roll3A_3477 dim 1 : vector<512x128xi32>, i32 -> vector<512x128xi32>
    %roll3A_3479 = arith.constant 16 : i32
    %roll3A_3480 = tpu.dynamic_rotate %select_n3A_3466 by %roll3A_3479 dim 1 : vector<512x128xi32>, i32 -> vector<512x128xi32>
    %select_n3A_3481 = arith.select %ne3A_3472, %roll3A_3476, %roll3A_3474 : vector<512x128xi1>, vector<512x128xi32>
    %select_n3A_3482 = arith.select %ne3A_3472, %roll3A_3480, %roll3A_3478 : vector<512x128xi1>, vector<512x128xi32>
    %gt3A_3483 = arith.cmpi sgt, %select_n3A_3465, %select_n3A_3481 : vector<512x128xi32>
    %eq3A_3484 = arith.cmpi eq, %select_n3A_3465, %select_n3A_3481 : vector<512x128xi32>
    %lt3A_3485 = arith.cmpi slt, %select_n3A_3466, %select_n3A_3482 : vector<512x128xi32>
    %and3A_3486 = arith.andi %eq3A_3484, %lt3A_3485 : vector<512x128xi1>
    %or3A_3487 = arith.ori %gt3A_3483, %and3A_3486 : vector<512x128xi1>
    %not3A_3488 = arith.constant dense<true> : vector<512x128xi1>
    %not3A_3489 = arith.xori %ne3A_3472, %not3A_3488 : vector<512x128xi1>
    %and3A_3490 = arith.constant 16384 : i32
    %and3A_3491 = vector.broadcast %and3A_3490 : i32 to vector<512x128xi32>
    %and3A_3492 = arith.andi %add3A, %and3A_3491 : vector<512x128xi32>
    %eq3A_3493 = arith.constant 0 : i32
    %eq3A_3494 = vector.broadcast %eq3A_3493 : i32 to vector<512x128xi32>
    %eq3A_3495 = arith.cmpi eq, %and3A_3492, %eq3A_3494 : vector<512x128xi32>
    %eq3A_3496 = arith.xori %not3A_3489, %eq3A_3495 : vector<512x128xi1>
    %eq3A_3497 = arith.constant dense<true> : vector<512x128xi1>
    %eq3A_3498 = arith.xori %eq3A_3496, %eq3A_3497 : vector<512x128xi1>
    %eq3A_3499 = arith.xori %or3A_3487, %eq3A_3498 : vector<512x128xi1>
    %eq3A_3500 = arith.constant dense<true> : vector<512x128xi1>
    %eq3A_3501 = arith.xori %eq3A_3499, %eq3A_3500 : vector<512x128xi1>
    %select_n3A_3502 = arith.select %eq3A_3501, %select_n3A_3465, %select_n3A_3481 : vector<512x128xi1>, vector<512x128xi32>
    %select_n3A_3503 = arith.select %eq3A_3501, %select_n3A_3466, %select_n3A_3482 : vector<512x128xi1>, vector<512x128xi32>
    %and3A_3504 = arith.constant 1024 : i32
    %and3A_3505 = vector.broadcast %and3A_3504 : i32 to vector<512x128xi32>
    %and3A_3506 = arith.andi %add3A, %and3A_3505 : vector<512x128xi32>
    %ne3A_3507 = arith.constant 0 : i32
    %ne3A_3508 = vector.broadcast %ne3A_3507 : i32 to vector<512x128xi32>
    %ne3A_3509 = arith.cmpi ne, %and3A_3506, %ne3A_3508 : vector<512x128xi32>
    %roll3A_3510 = arith.constant 120 : i32
    %roll3A_3511 = tpu.dynamic_rotate %select_n3A_3502 by %roll3A_3510 dim 1 : vector<512x128xi32>, i32 -> vector<512x128xi32>
    %roll3A_3512 = arith.constant 8 : i32
    %roll3A_3513 = tpu.dynamic_rotate %select_n3A_3502 by %roll3A_3512 dim 1 : vector<512x128xi32>, i32 -> vector<512x128xi32>
    %roll3A_3514 = arith.constant 120 : i32
    %roll3A_3515 = tpu.dynamic_rotate %select_n3A_3503 by %roll3A_3514 dim 1 : vector<512x128xi32>, i32 -> vector<512x128xi32>
    %roll3A_3516 = arith.constant 8 : i32
    %roll3A_3517 = tpu.dynamic_rotate %select_n3A_3503 by %roll3A_3516 dim 1 : vector<512x128xi32>, i32 -> vector<512x128xi32>
    %select_n3A_3518 = arith.select %ne3A_3509, %roll3A_3513, %roll3A_3511 : vector<512x128xi1>, vector<512x128xi32>
    %select_n3A_3519 = arith.select %ne3A_3509, %roll3A_3517, %roll3A_3515 : vector<512x128xi1>, vector<512x128xi32>
    %gt3A_3520 = arith.cmpi sgt, %select_n3A_3502, %select_n3A_3518 : vector<512x128xi32>
    %eq3A_3521 = arith.cmpi eq, %select_n3A_3502, %select_n3A_3518 : vector<512x128xi32>
    %lt3A_3522 = arith.cmpi slt, %select_n3A_3503, %select_n3A_3519 : vector<512x128xi32>
    %and3A_3523 = arith.andi %eq3A_3521, %lt3A_3522 : vector<512x128xi1>
    %or3A_3524 = arith.ori %gt3A_3520, %and3A_3523 : vector<512x128xi1>
    %not3A_3525 = arith.constant dense<true> : vector<512x128xi1>
    %not3A_3526 = arith.xori %ne3A_3509, %not3A_3525 : vector<512x128xi1>
    %and3A_3527 = arith.constant 16384 : i32
    %and3A_3528 = vector.broadcast %and3A_3527 : i32 to vector<512x128xi32>
    %and3A_3529 = arith.andi %add3A, %and3A_3528 : vector<512x128xi32>
    %eq3A_3530 = arith.constant 0 : i32
    %eq3A_3531 = vector.broadcast %eq3A_3530 : i32 to vector<512x128xi32>
    %eq3A_3532 = arith.cmpi eq, %and3A_3529, %eq3A_3531 : vector<512x128xi32>
    %eq3A_3533 = arith.xori %not3A_3526, %eq3A_3532 : vector<512x128xi1>
    %eq3A_3534 = arith.constant dense<true> : vector<512x128xi1>
    %eq3A_3535 = arith.xori %eq3A_3533, %eq3A_3534 : vector<512x128xi1>
    %eq3A_3536 = arith.xori %or3A_3524, %eq3A_3535 : vector<512x128xi1>
    %eq3A_3537 = arith.constant dense<true> : vector<512x128xi1>
    %eq3A_3538 = arith.xori %eq3A_3536, %eq3A_3537 : vector<512x128xi1>
    %select_n3A_3539 = arith.select %eq3A_3538, %select_n3A_3502, %select_n3A_3518 : vector<512x128xi1>, vector<512x128xi32>
    %select_n3A_3540 = arith.select %eq3A_3538, %select_n3A_3503, %select_n3A_3519 : vector<512x128xi1>, vector<512x128xi32>
    %and3A_3541 = arith.constant 512 : i32
    %and3A_3542 = vector.broadcast %and3A_3541 : i32 to vector<512x128xi32>
    %and3A_3543 = arith.andi %add3A, %and3A_3542 : vector<512x128xi32>
    %ne3A_3544 = arith.constant 0 : i32
    %ne3A_3545 = vector.broadcast %ne3A_3544 : i32 to vector<512x128xi32>
    %ne3A_3546 = arith.cmpi ne, %and3A_3543, %ne3A_3545 : vector<512x128xi32>
    %roll3A_3547 = arith.constant 124 : i32
    %roll3A_3548 = tpu.dynamic_rotate %select_n3A_3539 by %roll3A_3547 dim 1 : vector<512x128xi32>, i32 -> vector<512x128xi32>
    %roll3A_3549 = arith.constant 4 : i32
    %roll3A_3550 = tpu.dynamic_rotate %select_n3A_3539 by %roll3A_3549 dim 1 : vector<512x128xi32>, i32 -> vector<512x128xi32>
    %roll3A_3551 = arith.constant 124 : i32
    %roll3A_3552 = tpu.dynamic_rotate %select_n3A_3540 by %roll3A_3551 dim 1 : vector<512x128xi32>, i32 -> vector<512x128xi32>
    %roll3A_3553 = arith.constant 4 : i32
    %roll3A_3554 = tpu.dynamic_rotate %select_n3A_3540 by %roll3A_3553 dim 1 : vector<512x128xi32>, i32 -> vector<512x128xi32>
    %select_n3A_3555 = arith.select %ne3A_3546, %roll3A_3550, %roll3A_3548 : vector<512x128xi1>, vector<512x128xi32>
    %select_n3A_3556 = arith.select %ne3A_3546, %roll3A_3554, %roll3A_3552 : vector<512x128xi1>, vector<512x128xi32>
    %gt3A_3557 = arith.cmpi sgt, %select_n3A_3539, %select_n3A_3555 : vector<512x128xi32>
    %eq3A_3558 = arith.cmpi eq, %select_n3A_3539, %select_n3A_3555 : vector<512x128xi32>
    %lt3A_3559 = arith.cmpi slt, %select_n3A_3540, %select_n3A_3556 : vector<512x128xi32>
    %and3A_3560 = arith.andi %eq3A_3558, %lt3A_3559 : vector<512x128xi1>
    %or3A_3561 = arith.ori %gt3A_3557, %and3A_3560 : vector<512x128xi1>
    %not3A_3562 = arith.constant dense<true> : vector<512x128xi1>
    %not3A_3563 = arith.xori %ne3A_3546, %not3A_3562 : vector<512x128xi1>
    %and3A_3564 = arith.constant 16384 : i32
    %and3A_3565 = vector.broadcast %and3A_3564 : i32 to vector<512x128xi32>
    %and3A_3566 = arith.andi %add3A, %and3A_3565 : vector<512x128xi32>
    %eq3A_3567 = arith.constant 0 : i32
    %eq3A_3568 = vector.broadcast %eq3A_3567 : i32 to vector<512x128xi32>
    %eq3A_3569 = arith.cmpi eq, %and3A_3566, %eq3A_3568 : vector<512x128xi32>
    %eq3A_3570 = arith.xori %not3A_3563, %eq3A_3569 : vector<512x128xi1>
    %eq3A_3571 = arith.constant dense<true> : vector<512x128xi1>
    %eq3A_3572 = arith.xori %eq3A_3570, %eq3A_3571 : vector<512x128xi1>
    %eq3A_3573 = arith.xori %or3A_3561, %eq3A_3572 : vector<512x128xi1>
    %eq3A_3574 = arith.constant dense<true> : vector<512x128xi1>
    %eq3A_3575 = arith.xori %eq3A_3573, %eq3A_3574 : vector<512x128xi1>
    %select_n3A_3576 = arith.select %eq3A_3575, %select_n3A_3539, %select_n3A_3555 : vector<512x128xi1>, vector<512x128xi32>
    %select_n3A_3577 = arith.select %eq3A_3575, %select_n3A_3540, %select_n3A_3556 : vector<512x128xi1>, vector<512x128xi32>
    %and3A_3578 = arith.constant 256 : i32
    %and3A_3579 = vector.broadcast %and3A_3578 : i32 to vector<512x128xi32>
    %and3A_3580 = arith.andi %add3A, %and3A_3579 : vector<512x128xi32>
    %ne3A_3581 = arith.constant 0 : i32
    %ne3A_3582 = vector.broadcast %ne3A_3581 : i32 to vector<512x128xi32>
    %ne3A_3583 = arith.cmpi ne, %and3A_3580, %ne3A_3582 : vector<512x128xi32>
    %roll3A_3584 = arith.constant 126 : i32
    %roll3A_3585 = tpu.dynamic_rotate %select_n3A_3576 by %roll3A_3584 dim 1 : vector<512x128xi32>, i32 -> vector<512x128xi32>
    %roll3A_3586 = arith.constant 2 : i32
    %roll3A_3587 = tpu.dynamic_rotate %select_n3A_3576 by %roll3A_3586 dim 1 : vector<512x128xi32>, i32 -> vector<512x128xi32>
    %roll3A_3588 = arith.constant 126 : i32
    %roll3A_3589 = tpu.dynamic_rotate %select_n3A_3577 by %roll3A_3588 dim 1 : vector<512x128xi32>, i32 -> vector<512x128xi32>
    %roll3A_3590 = arith.constant 2 : i32
    %roll3A_3591 = tpu.dynamic_rotate %select_n3A_3577 by %roll3A_3590 dim 1 : vector<512x128xi32>, i32 -> vector<512x128xi32>
    %select_n3A_3592 = arith.select %ne3A_3583, %roll3A_3587, %roll3A_3585 : vector<512x128xi1>, vector<512x128xi32>
    %select_n3A_3593 = arith.select %ne3A_3583, %roll3A_3591, %roll3A_3589 : vector<512x128xi1>, vector<512x128xi32>
    %gt3A_3594 = arith.cmpi sgt, %select_n3A_3576, %select_n3A_3592 : vector<512x128xi32>
    %eq3A_3595 = arith.cmpi eq, %select_n3A_3576, %select_n3A_3592 : vector<512x128xi32>
    %lt3A_3596 = arith.cmpi slt, %select_n3A_3577, %select_n3A_3593 : vector<512x128xi32>
    %and3A_3597 = arith.andi %eq3A_3595, %lt3A_3596 : vector<512x128xi1>
    %or3A_3598 = arith.ori %gt3A_3594, %and3A_3597 : vector<512x128xi1>
    %not3A_3599 = arith.constant dense<true> : vector<512x128xi1>
    %not3A_3600 = arith.xori %ne3A_3583, %not3A_3599 : vector<512x128xi1>
    %and3A_3601 = arith.constant 16384 : i32
    %and3A_3602 = vector.broadcast %and3A_3601 : i32 to vector<512x128xi32>
    %and3A_3603 = arith.andi %add3A, %and3A_3602 : vector<512x128xi32>
    %eq3A_3604 = arith.constant 0 : i32
    %eq3A_3605 = vector.broadcast %eq3A_3604 : i32 to vector<512x128xi32>
    %eq3A_3606 = arith.cmpi eq, %and3A_3603, %eq3A_3605 : vector<512x128xi32>
    %eq3A_3607 = arith.xori %not3A_3600, %eq3A_3606 : vector<512x128xi1>
    %eq3A_3608 = arith.constant dense<true> : vector<512x128xi1>
    %eq3A_3609 = arith.xori %eq3A_3607, %eq3A_3608 : vector<512x128xi1>
    %eq3A_3610 = arith.xori %or3A_3598, %eq3A_3609 : vector<512x128xi1>
    %eq3A_3611 = arith.constant dense<true> : vector<512x128xi1>
    %eq3A_3612 = arith.xori %eq3A_3610, %eq3A_3611 : vector<512x128xi1>
    %select_n3A_3613 = arith.select %eq3A_3612, %select_n3A_3576, %select_n3A_3592 : vector<512x128xi1>, vector<512x128xi32>
    %select_n3A_3614 = arith.select %eq3A_3612, %select_n3A_3577, %select_n3A_3593 : vector<512x128xi1>, vector<512x128xi32>
    %and3A_3615 = arith.constant 128 : i32
    %and3A_3616 = vector.broadcast %and3A_3615 : i32 to vector<512x128xi32>
    %and3A_3617 = arith.andi %add3A, %and3A_3616 : vector<512x128xi32>
    %ne3A_3618 = arith.constant 0 : i32
    %ne3A_3619 = vector.broadcast %ne3A_3618 : i32 to vector<512x128xi32>
    %ne3A_3620 = arith.cmpi ne, %and3A_3617, %ne3A_3619 : vector<512x128xi32>
    %roll3A_3621 = arith.constant 127 : i32
    %roll3A_3622 = tpu.dynamic_rotate %select_n3A_3613 by %roll3A_3621 dim 1 : vector<512x128xi32>, i32 -> vector<512x128xi32>
    %roll3A_3623 = arith.constant 1 : i32
    %roll3A_3624 = tpu.dynamic_rotate %select_n3A_3613 by %roll3A_3623 dim 1 : vector<512x128xi32>, i32 -> vector<512x128xi32>
    %roll3A_3625 = arith.constant 127 : i32
    %roll3A_3626 = tpu.dynamic_rotate %select_n3A_3614 by %roll3A_3625 dim 1 : vector<512x128xi32>, i32 -> vector<512x128xi32>
    %roll3A_3627 = arith.constant 1 : i32
    %roll3A_3628 = tpu.dynamic_rotate %select_n3A_3614 by %roll3A_3627 dim 1 : vector<512x128xi32>, i32 -> vector<512x128xi32>
    %select_n3A_3629 = arith.select %ne3A_3620, %roll3A_3624, %roll3A_3622 : vector<512x128xi1>, vector<512x128xi32>
    %select_n3A_3630 = arith.select %ne3A_3620, %roll3A_3628, %roll3A_3626 : vector<512x128xi1>, vector<512x128xi32>
    %gt3A_3631 = arith.cmpi sgt, %select_n3A_3613, %select_n3A_3629 : vector<512x128xi32>
    %eq3A_3632 = arith.cmpi eq, %select_n3A_3613, %select_n3A_3629 : vector<512x128xi32>
    %lt3A_3633 = arith.cmpi slt, %select_n3A_3614, %select_n3A_3630 : vector<512x128xi32>
    %and3A_3634 = arith.andi %eq3A_3632, %lt3A_3633 : vector<512x128xi1>
    %or3A_3635 = arith.ori %gt3A_3631, %and3A_3634 : vector<512x128xi1>
    %not3A_3636 = arith.constant dense<true> : vector<512x128xi1>
    %not3A_3637 = arith.xori %ne3A_3620, %not3A_3636 : vector<512x128xi1>
    %and3A_3638 = arith.constant 16384 : i32
    %and3A_3639 = vector.broadcast %and3A_3638 : i32 to vector<512x128xi32>
    %and3A_3640 = arith.andi %add3A, %and3A_3639 : vector<512x128xi32>
    %eq3A_3641 = arith.constant 0 : i32
    %eq3A_3642 = vector.broadcast %eq3A_3641 : i32 to vector<512x128xi32>
    %eq3A_3643 = arith.cmpi eq, %and3A_3640, %eq3A_3642 : vector<512x128xi32>
    %eq3A_3644 = arith.xori %not3A_3637, %eq3A_3643 : vector<512x128xi1>
    %eq3A_3645 = arith.constant dense<true> : vector<512x128xi1>
    %eq3A_3646 = arith.xori %eq3A_3644, %eq3A_3645 : vector<512x128xi1>
    %eq3A_3647 = arith.xori %or3A_3635, %eq3A_3646 : vector<512x128xi1>
    %eq3A_3648 = arith.constant dense<true> : vector<512x128xi1>
    %eq3A_3649 = arith.xori %eq3A_3647, %eq3A_3648 : vector<512x128xi1>
    %select_n3A_3650 = arith.select %eq3A_3649, %select_n3A_3613, %select_n3A_3629 : vector<512x128xi1>, vector<512x128xi32>
    %select_n3A_3651 = arith.select %eq3A_3649, %select_n3A_3614, %select_n3A_3630 : vector<512x128xi1>, vector<512x128xi32>
    %and3A_3652 = arith.constant 64 : i32
    %and3A_3653 = vector.broadcast %and3A_3652 : i32 to vector<512x128xi32>
    %and3A_3654 = arith.andi %add3A, %and3A_3653 : vector<512x128xi32>
    %ne3A_3655 = arith.constant 0 : i32
    %ne3A_3656 = vector.broadcast %ne3A_3655 : i32 to vector<512x128xi32>
    %ne3A_3657 = arith.cmpi ne, %and3A_3654, %ne3A_3656 : vector<512x128xi32>
    %reshape3A_3658 = vector.shape_cast %select_n3A_3650 : vector<512x128xi32> to vector<4x2x64x128xi32>
    %slice3A_3659 = vector.extract_strided_slice %reshape3A_3658 {offsets = [0, 1, 0, 0], sizes = [4, 1, 64, 128], strides = [1, 1, 1, 1]} : vector<4x2x64x128xi32> to vector<4x1x64x128xi32>
    %slice3A_3660 = vector.extract_strided_slice %reshape3A_3658 {offsets = [0, 0, 0, 0], sizes = [4, 1, 64, 128], strides = [1, 1, 1, 1]} : vector<4x2x64x128xi32> to vector<4x1x64x128xi32>
    %concatenate3A_3661 = tpu.concatenate %slice3A_3659, %slice3A_3660 in 1 : vector<4x1x64x128xi32>, vector<4x1x64x128xi32> -> vector<4x2x64x128xi32>
    %reshape3A_3662 = vector.shape_cast %concatenate3A_3661 : vector<4x2x64x128xi32> to vector<512x128xi32>
    %reshape3A_3663 = vector.shape_cast %select_n3A_3651 : vector<512x128xi32> to vector<4x2x64x128xi32>
    %slice3A_3664 = vector.extract_strided_slice %reshape3A_3663 {offsets = [0, 1, 0, 0], sizes = [4, 1, 64, 128], strides = [1, 1, 1, 1]} : vector<4x2x64x128xi32> to vector<4x1x64x128xi32>
    %slice3A_3665 = vector.extract_strided_slice %reshape3A_3663 {offsets = [0, 0, 0, 0], sizes = [4, 1, 64, 128], strides = [1, 1, 1, 1]} : vector<4x2x64x128xi32> to vector<4x1x64x128xi32>
    %concatenate3A_3666 = tpu.concatenate %slice3A_3664, %slice3A_3665 in 1 : vector<4x1x64x128xi32>, vector<4x1x64x128xi32> -> vector<4x2x64x128xi32>
    %reshape3A_3667 = vector.shape_cast %concatenate3A_3666 : vector<4x2x64x128xi32> to vector<512x128xi32>
    %gt3A_3668 = arith.cmpi sgt, %select_n3A_3650, %reshape3A_3662 : vector<512x128xi32>
    %eq3A_3669 = arith.cmpi eq, %select_n3A_3650, %reshape3A_3662 : vector<512x128xi32>
    %lt3A_3670 = arith.cmpi slt, %select_n3A_3651, %reshape3A_3667 : vector<512x128xi32>
    %and3A_3671 = arith.andi %eq3A_3669, %lt3A_3670 : vector<512x128xi1>
    %or3A_3672 = arith.ori %gt3A_3668, %and3A_3671 : vector<512x128xi1>
    %not3A_3673 = arith.constant dense<true> : vector<512x128xi1>
    %not3A_3674 = arith.xori %ne3A_3657, %not3A_3673 : vector<512x128xi1>
    %and3A_3675 = arith.constant 16384 : i32
    %and3A_3676 = vector.broadcast %and3A_3675 : i32 to vector<512x128xi32>
    %and3A_3677 = arith.andi %add3A, %and3A_3676 : vector<512x128xi32>
    %eq3A_3678 = arith.constant 0 : i32
    %eq3A_3679 = vector.broadcast %eq3A_3678 : i32 to vector<512x128xi32>
    %eq3A_3680 = arith.cmpi eq, %and3A_3677, %eq3A_3679 : vector<512x128xi32>
    %eq3A_3681 = arith.xori %not3A_3674, %eq3A_3680 : vector<512x128xi1>
    %eq3A_3682 = arith.constant dense<true> : vector<512x128xi1>
    %eq3A_3683 = arith.xori %eq3A_3681, %eq3A_3682 : vector<512x128xi1>
    %eq3A_3684 = arith.xori %or3A_3672, %eq3A_3683 : vector<512x128xi1>
    %eq3A_3685 = arith.constant dense<true> : vector<512x128xi1>
    %eq3A_3686 = arith.xori %eq3A_3684, %eq3A_3685 : vector<512x128xi1>
    %select_n3A_3687 = arith.select %eq3A_3686, %select_n3A_3650, %reshape3A_3662 : vector<512x128xi1>, vector<512x128xi32>
    %select_n3A_3688 = arith.select %eq3A_3686, %select_n3A_3651, %reshape3A_3667 : vector<512x128xi1>, vector<512x128xi32>
    %and3A_3689 = arith.constant 32 : i32
    %and3A_3690 = vector.broadcast %and3A_3689 : i32 to vector<512x128xi32>
    %and3A_3691 = arith.andi %add3A, %and3A_3690 : vector<512x128xi32>
    %ne3A_3692 = arith.constant 0 : i32
    %ne3A_3693 = vector.broadcast %ne3A_3692 : i32 to vector<512x128xi32>
    %ne3A_3694 = arith.cmpi ne, %and3A_3691, %ne3A_3693 : vector<512x128xi32>
    %reshape3A_3695 = vector.shape_cast %select_n3A_3687 : vector<512x128xi32> to vector<8x2x32x128xi32>
    %slice3A_3696 = vector.extract_strided_slice %reshape3A_3695 {offsets = [0, 1, 0, 0], sizes = [8, 1, 32, 128], strides = [1, 1, 1, 1]} : vector<8x2x32x128xi32> to vector<8x1x32x128xi32>
    %slice3A_3697 = vector.extract_strided_slice %reshape3A_3695 {offsets = [0, 0, 0, 0], sizes = [8, 1, 32, 128], strides = [1, 1, 1, 1]} : vector<8x2x32x128xi32> to vector<8x1x32x128xi32>
    %concatenate3A_3698 = tpu.concatenate %slice3A_3696, %slice3A_3697 in 1 : vector<8x1x32x128xi32>, vector<8x1x32x128xi32> -> vector<8x2x32x128xi32>
    %reshape3A_3699 = vector.shape_cast %concatenate3A_3698 : vector<8x2x32x128xi32> to vector<512x128xi32>
    %reshape3A_3700 = vector.shape_cast %select_n3A_3688 : vector<512x128xi32> to vector<8x2x32x128xi32>
    %slice3A_3701 = vector.extract_strided_slice %reshape3A_3700 {offsets = [0, 1, 0, 0], sizes = [8, 1, 32, 128], strides = [1, 1, 1, 1]} : vector<8x2x32x128xi32> to vector<8x1x32x128xi32>
    %slice3A_3702 = vector.extract_strided_slice %reshape3A_3700 {offsets = [0, 0, 0, 0], sizes = [8, 1, 32, 128], strides = [1, 1, 1, 1]} : vector<8x2x32x128xi32> to vector<8x1x32x128xi32>
    %concatenate3A_3703 = tpu.concatenate %slice3A_3701, %slice3A_3702 in 1 : vector<8x1x32x128xi32>, vector<8x1x32x128xi32> -> vector<8x2x32x128xi32>
    %reshape3A_3704 = vector.shape_cast %concatenate3A_3703 : vector<8x2x32x128xi32> to vector<512x128xi32>
    %gt3A_3705 = arith.cmpi sgt, %select_n3A_3687, %reshape3A_3699 : vector<512x128xi32>
    %eq3A_3706 = arith.cmpi eq, %select_n3A_3687, %reshape3A_3699 : vector<512x128xi32>
    %lt3A_3707 = arith.cmpi slt, %select_n3A_3688, %reshape3A_3704 : vector<512x128xi32>
    %and3A_3708 = arith.andi %eq3A_3706, %lt3A_3707 : vector<512x128xi1>
    %or3A_3709 = arith.ori %gt3A_3705, %and3A_3708 : vector<512x128xi1>
    %not3A_3710 = arith.constant dense<true> : vector<512x128xi1>
    %not3A_3711 = arith.xori %ne3A_3694, %not3A_3710 : vector<512x128xi1>
    %and3A_3712 = arith.constant 16384 : i32
    %and3A_3713 = vector.broadcast %and3A_3712 : i32 to vector<512x128xi32>
    %and3A_3714 = arith.andi %add3A, %and3A_3713 : vector<512x128xi32>
    %eq3A_3715 = arith.constant 0 : i32
    %eq3A_3716 = vector.broadcast %eq3A_3715 : i32 to vector<512x128xi32>
    %eq3A_3717 = arith.cmpi eq, %and3A_3714, %eq3A_3716 : vector<512x128xi32>
    %eq3A_3718 = arith.xori %not3A_3711, %eq3A_3717 : vector<512x128xi1>
    %eq3A_3719 = arith.constant dense<true> : vector<512x128xi1>
    %eq3A_3720 = arith.xori %eq3A_3718, %eq3A_3719 : vector<512x128xi1>
    %eq3A_3721 = arith.xori %or3A_3709, %eq3A_3720 : vector<512x128xi1>
    %eq3A_3722 = arith.constant dense<true> : vector<512x128xi1>
    %eq3A_3723 = arith.xori %eq3A_3721, %eq3A_3722 : vector<512x128xi1>
    %select_n3A_3724 = arith.select %eq3A_3723, %select_n3A_3687, %reshape3A_3699 : vector<512x128xi1>, vector<512x128xi32>
    %select_n3A_3725 = arith.select %eq3A_3723, %select_n3A_3688, %reshape3A_3704 : vector<512x128xi1>, vector<512x128xi32>
    %and3A_3726 = arith.constant 16 : i32
    %and3A_3727 = vector.broadcast %and3A_3726 : i32 to vector<512x128xi32>
    %and3A_3728 = arith.andi %add3A, %and3A_3727 : vector<512x128xi32>
    %ne3A_3729 = arith.constant 0 : i32
    %ne3A_3730 = vector.broadcast %ne3A_3729 : i32 to vector<512x128xi32>
    %ne3A_3731 = arith.cmpi ne, %and3A_3728, %ne3A_3730 : vector<512x128xi32>
    %reshape3A_3732 = vector.shape_cast %select_n3A_3724 : vector<512x128xi32> to vector<16x2x16x128xi32>
    %slice3A_3733 = vector.extract_strided_slice %reshape3A_3732 {offsets = [0, 1, 0, 0], sizes = [16, 1, 16, 128], strides = [1, 1, 1, 1]} : vector<16x2x16x128xi32> to vector<16x1x16x128xi32>
    %slice3A_3734 = vector.extract_strided_slice %reshape3A_3732 {offsets = [0, 0, 0, 0], sizes = [16, 1, 16, 128], strides = [1, 1, 1, 1]} : vector<16x2x16x128xi32> to vector<16x1x16x128xi32>
    %concatenate3A_3735 = tpu.concatenate %slice3A_3733, %slice3A_3734 in 1 : vector<16x1x16x128xi32>, vector<16x1x16x128xi32> -> vector<16x2x16x128xi32>
    %reshape3A_3736 = vector.shape_cast %concatenate3A_3735 : vector<16x2x16x128xi32> to vector<512x128xi32>
    %reshape3A_3737 = vector.shape_cast %select_n3A_3725 : vector<512x128xi32> to vector<16x2x16x128xi32>
    %slice3A_3738 = vector.extract_strided_slice %reshape3A_3737 {offsets = [0, 1, 0, 0], sizes = [16, 1, 16, 128], strides = [1, 1, 1, 1]} : vector<16x2x16x128xi32> to vector<16x1x16x128xi32>
    %slice3A_3739 = vector.extract_strided_slice %reshape3A_3737 {offsets = [0, 0, 0, 0], sizes = [16, 1, 16, 128], strides = [1, 1, 1, 1]} : vector<16x2x16x128xi32> to vector<16x1x16x128xi32>
    %concatenate3A_3740 = tpu.concatenate %slice3A_3738, %slice3A_3739 in 1 : vector<16x1x16x128xi32>, vector<16x1x16x128xi32> -> vector<16x2x16x128xi32>
    %reshape3A_3741 = vector.shape_cast %concatenate3A_3740 : vector<16x2x16x128xi32> to vector<512x128xi32>
    %gt3A_3742 = arith.cmpi sgt, %select_n3A_3724, %reshape3A_3736 : vector<512x128xi32>
    %eq3A_3743 = arith.cmpi eq, %select_n3A_3724, %reshape3A_3736 : vector<512x128xi32>
    %lt3A_3744 = arith.cmpi slt, %select_n3A_3725, %reshape3A_3741 : vector<512x128xi32>
    %and3A_3745 = arith.andi %eq3A_3743, %lt3A_3744 : vector<512x128xi1>
    %or3A_3746 = arith.ori %gt3A_3742, %and3A_3745 : vector<512x128xi1>
    %not3A_3747 = arith.constant dense<true> : vector<512x128xi1>
    %not3A_3748 = arith.xori %ne3A_3731, %not3A_3747 : vector<512x128xi1>
    %and3A_3749 = arith.constant 16384 : i32
    %and3A_3750 = vector.broadcast %and3A_3749 : i32 to vector<512x128xi32>
    %and3A_3751 = arith.andi %add3A, %and3A_3750 : vector<512x128xi32>
    %eq3A_3752 = arith.constant 0 : i32
    %eq3A_3753 = vector.broadcast %eq3A_3752 : i32 to vector<512x128xi32>
    %eq3A_3754 = arith.cmpi eq, %and3A_3751, %eq3A_3753 : vector<512x128xi32>
    %eq3A_3755 = arith.xori %not3A_3748, %eq3A_3754 : vector<512x128xi1>
    %eq3A_3756 = arith.constant dense<true> : vector<512x128xi1>
    %eq3A_3757 = arith.xori %eq3A_3755, %eq3A_3756 : vector<512x128xi1>
    %eq3A_3758 = arith.xori %or3A_3746, %eq3A_3757 : vector<512x128xi1>
    %eq3A_3759 = arith.constant dense<true> : vector<512x128xi1>
    %eq3A_3760 = arith.xori %eq3A_3758, %eq3A_3759 : vector<512x128xi1>
    %select_n3A_3761 = arith.select %eq3A_3760, %select_n3A_3724, %reshape3A_3736 : vector<512x128xi1>, vector<512x128xi32>
    %select_n3A_3762 = arith.select %eq3A_3760, %select_n3A_3725, %reshape3A_3741 : vector<512x128xi1>, vector<512x128xi32>
    %and3A_3763 = arith.constant 8 : i32
    %and3A_3764 = vector.broadcast %and3A_3763 : i32 to vector<512x128xi32>
    %and3A_3765 = arith.andi %add3A, %and3A_3764 : vector<512x128xi32>
    %ne3A_3766 = arith.constant 0 : i32
    %ne3A_3767 = vector.broadcast %ne3A_3766 : i32 to vector<512x128xi32>
    %ne3A_3768 = arith.cmpi ne, %and3A_3765, %ne3A_3767 : vector<512x128xi32>
    %reshape3A_3769 = vector.shape_cast %select_n3A_3761 : vector<512x128xi32> to vector<32x2x8x128xi32>
    %slice3A_3770 = vector.extract_strided_slice %reshape3A_3769 {offsets = [0, 1, 0, 0], sizes = [32, 1, 8, 128], strides = [1, 1, 1, 1]} : vector<32x2x8x128xi32> to vector<32x1x8x128xi32>
    %slice3A_3771 = vector.extract_strided_slice %reshape3A_3769 {offsets = [0, 0, 0, 0], sizes = [32, 1, 8, 128], strides = [1, 1, 1, 1]} : vector<32x2x8x128xi32> to vector<32x1x8x128xi32>
    %concatenate3A_3772 = tpu.concatenate %slice3A_3770, %slice3A_3771 in 1 : vector<32x1x8x128xi32>, vector<32x1x8x128xi32> -> vector<32x2x8x128xi32>
    %reshape3A_3773 = vector.shape_cast %concatenate3A_3772 : vector<32x2x8x128xi32> to vector<512x128xi32>
    %reshape3A_3774 = vector.shape_cast %select_n3A_3762 : vector<512x128xi32> to vector<32x2x8x128xi32>
    %slice3A_3775 = vector.extract_strided_slice %reshape3A_3774 {offsets = [0, 1, 0, 0], sizes = [32, 1, 8, 128], strides = [1, 1, 1, 1]} : vector<32x2x8x128xi32> to vector<32x1x8x128xi32>
    %slice3A_3776 = vector.extract_strided_slice %reshape3A_3774 {offsets = [0, 0, 0, 0], sizes = [32, 1, 8, 128], strides = [1, 1, 1, 1]} : vector<32x2x8x128xi32> to vector<32x1x8x128xi32>
    %concatenate3A_3777 = tpu.concatenate %slice3A_3775, %slice3A_3776 in 1 : vector<32x1x8x128xi32>, vector<32x1x8x128xi32> -> vector<32x2x8x128xi32>
    %reshape3A_3778 = vector.shape_cast %concatenate3A_3777 : vector<32x2x8x128xi32> to vector<512x128xi32>
    %gt3A_3779 = arith.cmpi sgt, %select_n3A_3761, %reshape3A_3773 : vector<512x128xi32>
    %eq3A_3780 = arith.cmpi eq, %select_n3A_3761, %reshape3A_3773 : vector<512x128xi32>
    %lt3A_3781 = arith.cmpi slt, %select_n3A_3762, %reshape3A_3778 : vector<512x128xi32>
    %and3A_3782 = arith.andi %eq3A_3780, %lt3A_3781 : vector<512x128xi1>
    %or3A_3783 = arith.ori %gt3A_3779, %and3A_3782 : vector<512x128xi1>
    %not3A_3784 = arith.constant dense<true> : vector<512x128xi1>
    %not3A_3785 = arith.xori %ne3A_3768, %not3A_3784 : vector<512x128xi1>
    %and3A_3786 = arith.constant 16384 : i32
    %and3A_3787 = vector.broadcast %and3A_3786 : i32 to vector<512x128xi32>
    %and3A_3788 = arith.andi %add3A, %and3A_3787 : vector<512x128xi32>
    %eq3A_3789 = arith.constant 0 : i32
    %eq3A_3790 = vector.broadcast %eq3A_3789 : i32 to vector<512x128xi32>
    %eq3A_3791 = arith.cmpi eq, %and3A_3788, %eq3A_3790 : vector<512x128xi32>
    %eq3A_3792 = arith.xori %not3A_3785, %eq3A_3791 : vector<512x128xi1>
    %eq3A_3793 = arith.constant dense<true> : vector<512x128xi1>
    %eq3A_3794 = arith.xori %eq3A_3792, %eq3A_3793 : vector<512x128xi1>
    %eq3A_3795 = arith.xori %or3A_3783, %eq3A_3794 : vector<512x128xi1>
    %eq3A_3796 = arith.constant dense<true> : vector<512x128xi1>
    %eq3A_3797 = arith.xori %eq3A_3795, %eq3A_3796 : vector<512x128xi1>
    %select_n3A_3798 = arith.select %eq3A_3797, %select_n3A_3761, %reshape3A_3773 : vector<512x128xi1>, vector<512x128xi32>
    %select_n3A_3799 = arith.select %eq3A_3797, %select_n3A_3762, %reshape3A_3778 : vector<512x128xi1>, vector<512x128xi32>
    %and3A_3800 = arith.constant 4 : i32
    %and3A_3801 = vector.broadcast %and3A_3800 : i32 to vector<512x128xi32>
    %and3A_3802 = arith.andi %add3A, %and3A_3801 : vector<512x128xi32>
    %ne3A_3803 = arith.constant 0 : i32
    %ne3A_3804 = vector.broadcast %ne3A_3803 : i32 to vector<512x128xi32>
    %ne3A_3805 = arith.cmpi ne, %and3A_3802, %ne3A_3804 : vector<512x128xi32>
    %reshape3A_3806 = vector.shape_cast %select_n3A_3798 : vector<512x128xi32> to vector<64x2x4x128xi32>
    %slice3A_3807 = vector.extract_strided_slice %reshape3A_3806 {offsets = [0, 1, 0, 0], sizes = [64, 1, 4, 128], strides = [1, 1, 1, 1]} : vector<64x2x4x128xi32> to vector<64x1x4x128xi32>
    %slice3A_3808 = vector.extract_strided_slice %reshape3A_3806 {offsets = [0, 0, 0, 0], sizes = [64, 1, 4, 128], strides = [1, 1, 1, 1]} : vector<64x2x4x128xi32> to vector<64x1x4x128xi32>
    %concatenate3A_3809 = tpu.concatenate %slice3A_3807, %slice3A_3808 in 1 : vector<64x1x4x128xi32>, vector<64x1x4x128xi32> -> vector<64x2x4x128xi32>
    %reshape3A_3810 = vector.shape_cast %concatenate3A_3809 : vector<64x2x4x128xi32> to vector<512x128xi32>
    %reshape3A_3811 = vector.shape_cast %select_n3A_3799 : vector<512x128xi32> to vector<64x2x4x128xi32>
    %slice3A_3812 = vector.extract_strided_slice %reshape3A_3811 {offsets = [0, 1, 0, 0], sizes = [64, 1, 4, 128], strides = [1, 1, 1, 1]} : vector<64x2x4x128xi32> to vector<64x1x4x128xi32>
    %slice3A_3813 = vector.extract_strided_slice %reshape3A_3811 {offsets = [0, 0, 0, 0], sizes = [64, 1, 4, 128], strides = [1, 1, 1, 1]} : vector<64x2x4x128xi32> to vector<64x1x4x128xi32>
    %concatenate3A_3814 = tpu.concatenate %slice3A_3812, %slice3A_3813 in 1 : vector<64x1x4x128xi32>, vector<64x1x4x128xi32> -> vector<64x2x4x128xi32>
    %reshape3A_3815 = vector.shape_cast %concatenate3A_3814 : vector<64x2x4x128xi32> to vector<512x128xi32>
    %gt3A_3816 = arith.cmpi sgt, %select_n3A_3798, %reshape3A_3810 : vector<512x128xi32>
    %eq3A_3817 = arith.cmpi eq, %select_n3A_3798, %reshape3A_3810 : vector<512x128xi32>
    %lt3A_3818 = arith.cmpi slt, %select_n3A_3799, %reshape3A_3815 : vector<512x128xi32>
    %and3A_3819 = arith.andi %eq3A_3817, %lt3A_3818 : vector<512x128xi1>
    %or3A_3820 = arith.ori %gt3A_3816, %and3A_3819 : vector<512x128xi1>
    %not3A_3821 = arith.constant dense<true> : vector<512x128xi1>
    %not3A_3822 = arith.xori %ne3A_3805, %not3A_3821 : vector<512x128xi1>
    %and3A_3823 = arith.constant 16384 : i32
    %and3A_3824 = vector.broadcast %and3A_3823 : i32 to vector<512x128xi32>
    %and3A_3825 = arith.andi %add3A, %and3A_3824 : vector<512x128xi32>
    %eq3A_3826 = arith.constant 0 : i32
    %eq3A_3827 = vector.broadcast %eq3A_3826 : i32 to vector<512x128xi32>
    %eq3A_3828 = arith.cmpi eq, %and3A_3825, %eq3A_3827 : vector<512x128xi32>
    %eq3A_3829 = arith.xori %not3A_3822, %eq3A_3828 : vector<512x128xi1>
    %eq3A_3830 = arith.constant dense<true> : vector<512x128xi1>
    %eq3A_3831 = arith.xori %eq3A_3829, %eq3A_3830 : vector<512x128xi1>
    %eq3A_3832 = arith.xori %or3A_3820, %eq3A_3831 : vector<512x128xi1>
    %eq3A_3833 = arith.constant dense<true> : vector<512x128xi1>
    %eq3A_3834 = arith.xori %eq3A_3832, %eq3A_3833 : vector<512x128xi1>
    %select_n3A_3835 = arith.select %eq3A_3834, %select_n3A_3798, %reshape3A_3810 : vector<512x128xi1>, vector<512x128xi32>
    %select_n3A_3836 = arith.select %eq3A_3834, %select_n3A_3799, %reshape3A_3815 : vector<512x128xi1>, vector<512x128xi32>
    %and3A_3837 = arith.constant 2 : i32
    %and3A_3838 = vector.broadcast %and3A_3837 : i32 to vector<512x128xi32>
    %and3A_3839 = arith.andi %add3A, %and3A_3838 : vector<512x128xi32>
    %ne3A_3840 = arith.constant 0 : i32
    %ne3A_3841 = vector.broadcast %ne3A_3840 : i32 to vector<512x128xi32>
    %ne3A_3842 = arith.cmpi ne, %and3A_3839, %ne3A_3841 : vector<512x128xi32>
    %reshape3A_3843 = vector.shape_cast %select_n3A_3835 : vector<512x128xi32> to vector<128x2x2x128xi32>
    %slice3A_3844 = vector.extract_strided_slice %reshape3A_3843 {offsets = [0, 1, 0, 0], sizes = [128, 1, 2, 128], strides = [1, 1, 1, 1]} : vector<128x2x2x128xi32> to vector<128x1x2x128xi32>
    %slice3A_3845 = vector.extract_strided_slice %reshape3A_3843 {offsets = [0, 0, 0, 0], sizes = [128, 1, 2, 128], strides = [1, 1, 1, 1]} : vector<128x2x2x128xi32> to vector<128x1x2x128xi32>
    %concatenate3A_3846 = tpu.concatenate %slice3A_3844, %slice3A_3845 in 1 : vector<128x1x2x128xi32>, vector<128x1x2x128xi32> -> vector<128x2x2x128xi32>
    %reshape3A_3847 = vector.shape_cast %concatenate3A_3846 : vector<128x2x2x128xi32> to vector<512x128xi32>
    %reshape3A_3848 = vector.shape_cast %select_n3A_3836 : vector<512x128xi32> to vector<128x2x2x128xi32>
    %slice3A_3849 = vector.extract_strided_slice %reshape3A_3848 {offsets = [0, 1, 0, 0], sizes = [128, 1, 2, 128], strides = [1, 1, 1, 1]} : vector<128x2x2x128xi32> to vector<128x1x2x128xi32>
    %slice3A_3850 = vector.extract_strided_slice %reshape3A_3848 {offsets = [0, 0, 0, 0], sizes = [128, 1, 2, 128], strides = [1, 1, 1, 1]} : vector<128x2x2x128xi32> to vector<128x1x2x128xi32>
    %concatenate3A_3851 = tpu.concatenate %slice3A_3849, %slice3A_3850 in 1 : vector<128x1x2x128xi32>, vector<128x1x2x128xi32> -> vector<128x2x2x128xi32>
    %reshape3A_3852 = vector.shape_cast %concatenate3A_3851 : vector<128x2x2x128xi32> to vector<512x128xi32>
    %gt3A_3853 = arith.cmpi sgt, %select_n3A_3835, %reshape3A_3847 : vector<512x128xi32>
    %eq3A_3854 = arith.cmpi eq, %select_n3A_3835, %reshape3A_3847 : vector<512x128xi32>
    %lt3A_3855 = arith.cmpi slt, %select_n3A_3836, %reshape3A_3852 : vector<512x128xi32>
    %and3A_3856 = arith.andi %eq3A_3854, %lt3A_3855 : vector<512x128xi1>
    %or3A_3857 = arith.ori %gt3A_3853, %and3A_3856 : vector<512x128xi1>
    %not3A_3858 = arith.constant dense<true> : vector<512x128xi1>
    %not3A_3859 = arith.xori %ne3A_3842, %not3A_3858 : vector<512x128xi1>
    %and3A_3860 = arith.constant 16384 : i32
    %and3A_3861 = vector.broadcast %and3A_3860 : i32 to vector<512x128xi32>
    %and3A_3862 = arith.andi %add3A, %and3A_3861 : vector<512x128xi32>
    %eq3A_3863 = arith.constant 0 : i32
    %eq3A_3864 = vector.broadcast %eq3A_3863 : i32 to vector<512x128xi32>
    %eq3A_3865 = arith.cmpi eq, %and3A_3862, %eq3A_3864 : vector<512x128xi32>
    %eq3A_3866 = arith.xori %not3A_3859, %eq3A_3865 : vector<512x128xi1>
    %eq3A_3867 = arith.constant dense<true> : vector<512x128xi1>
    %eq3A_3868 = arith.xori %eq3A_3866, %eq3A_3867 : vector<512x128xi1>
    %eq3A_3869 = arith.xori %or3A_3857, %eq3A_3868 : vector<512x128xi1>
    %eq3A_3870 = arith.constant dense<true> : vector<512x128xi1>
    %eq3A_3871 = arith.xori %eq3A_3869, %eq3A_3870 : vector<512x128xi1>
    %select_n3A_3872 = arith.select %eq3A_3871, %select_n3A_3835, %reshape3A_3847 : vector<512x128xi1>, vector<512x128xi32>
    %select_n3A_3873 = arith.select %eq3A_3871, %select_n3A_3836, %reshape3A_3852 : vector<512x128xi1>, vector<512x128xi32>
    %and3A_3874 = arith.constant 1 : i32
    %and3A_3875 = vector.broadcast %and3A_3874 : i32 to vector<512x128xi32>
    %and3A_3876 = arith.andi %add3A, %and3A_3875 : vector<512x128xi32>
    %ne3A_3877 = arith.constant 0 : i32
    %ne3A_3878 = vector.broadcast %ne3A_3877 : i32 to vector<512x128xi32>
    %ne3A_3879 = arith.cmpi ne, %and3A_3876, %ne3A_3878 : vector<512x128xi32>
    %reshape3A_3880 = vector.shape_cast %select_n3A_3872 : vector<512x128xi32> to vector<256x2x1x128xi32>
    %slice3A_3881 = vector.extract_strided_slice %reshape3A_3880 {offsets = [0, 1, 0, 0], sizes = [256, 1, 1, 128], strides = [1, 1, 1, 1]} : vector<256x2x1x128xi32> to vector<256x1x1x128xi32>
    %slice3A_3882 = vector.extract_strided_slice %reshape3A_3880 {offsets = [0, 0, 0, 0], sizes = [256, 1, 1, 128], strides = [1, 1, 1, 1]} : vector<256x2x1x128xi32> to vector<256x1x1x128xi32>
    %concatenate3A_3883 = tpu.concatenate %slice3A_3881, %slice3A_3882 in 1 : vector<256x1x1x128xi32>, vector<256x1x1x128xi32> -> vector<256x2x1x128xi32>
    %reshape3A_3884 = vector.shape_cast %concatenate3A_3883 : vector<256x2x1x128xi32> to vector<512x128xi32>
    %reshape3A_3885 = vector.shape_cast %select_n3A_3873 : vector<512x128xi32> to vector<256x2x1x128xi32>
    %slice3A_3886 = vector.extract_strided_slice %reshape3A_3885 {offsets = [0, 1, 0, 0], sizes = [256, 1, 1, 128], strides = [1, 1, 1, 1]} : vector<256x2x1x128xi32> to vector<256x1x1x128xi32>
    %slice3A_3887 = vector.extract_strided_slice %reshape3A_3885 {offsets = [0, 0, 0, 0], sizes = [256, 1, 1, 128], strides = [1, 1, 1, 1]} : vector<256x2x1x128xi32> to vector<256x1x1x128xi32>
    %concatenate3A_3888 = tpu.concatenate %slice3A_3886, %slice3A_3887 in 1 : vector<256x1x1x128xi32>, vector<256x1x1x128xi32> -> vector<256x2x1x128xi32>
    %reshape3A_3889 = vector.shape_cast %concatenate3A_3888 : vector<256x2x1x128xi32> to vector<512x128xi32>
    %gt3A_3890 = arith.cmpi sgt, %select_n3A_3872, %reshape3A_3884 : vector<512x128xi32>
    %eq3A_3891 = arith.cmpi eq, %select_n3A_3872, %reshape3A_3884 : vector<512x128xi32>
    %lt3A_3892 = arith.cmpi slt, %select_n3A_3873, %reshape3A_3889 : vector<512x128xi32>
    %and3A_3893 = arith.andi %eq3A_3891, %lt3A_3892 : vector<512x128xi1>
    %or3A_3894 = arith.ori %gt3A_3890, %and3A_3893 : vector<512x128xi1>
    %not3A_3895 = arith.constant dense<true> : vector<512x128xi1>
    %not3A_3896 = arith.xori %ne3A_3879, %not3A_3895 : vector<512x128xi1>
    %and3A_3897 = arith.constant 16384 : i32
    %and3A_3898 = vector.broadcast %and3A_3897 : i32 to vector<512x128xi32>
    %and3A_3899 = arith.andi %add3A, %and3A_3898 : vector<512x128xi32>
    %eq3A_3900 = arith.constant 0 : i32
    %eq3A_3901 = vector.broadcast %eq3A_3900 : i32 to vector<512x128xi32>
    %eq3A_3902 = arith.cmpi eq, %and3A_3899, %eq3A_3901 : vector<512x128xi32>
    %eq3A_3903 = arith.xori %not3A_3896, %eq3A_3902 : vector<512x128xi1>
    %eq3A_3904 = arith.constant dense<true> : vector<512x128xi1>
    %eq3A_3905 = arith.xori %eq3A_3903, %eq3A_3904 : vector<512x128xi1>
    %eq3A_3906 = arith.xori %or3A_3894, %eq3A_3905 : vector<512x128xi1>
    %eq3A_3907 = arith.constant dense<true> : vector<512x128xi1>
    %eq3A_3908 = arith.xori %eq3A_3906, %eq3A_3907 : vector<512x128xi1>
    %select_n3A_3909 = arith.select %eq3A_3908, %select_n3A_3872, %reshape3A_3884 : vector<512x128xi1>, vector<512x128xi32>
    %select_n3A_3910 = arith.select %eq3A_3908, %select_n3A_3873, %reshape3A_3889 : vector<512x128xi1>, vector<512x128xi32>
    %slice3A_3911 = vector.extract_strided_slice %select_n3A_3909 {offsets = [0, 0], sizes = [128, 32], strides = [1, 1]} : vector<512x128xi32> to vector<128x32xi32>
    %transpose3A_3912 = tpu.transpose %slice3A_3911, [1, 0] : vector<128x32xi32> -> vector<32x128xi32>
    %ge3A_3913 = arith.constant 0 : i32
    %ge3A_3914 = vector.broadcast %ge3A_3913 : i32 to vector<32x128xi32>
    %ge3A_3915 = arith.cmpi sge, %transpose3A_3912, %ge3A_3914 : vector<32x128xi32>
    %xor3A_3916 = arith.constant -2147483648 : i32
    %xor3A_3917 = vector.broadcast %xor3A_3916 : i32 to vector<32x128xi32>
    %xor3A_3918 = arith.xori %transpose3A_3912, %xor3A_3917 : vector<32x128xi32>
    %not3A_3919 = arith.constant dense<-1> : vector<32x128xi32>
    %not3A_3920 = arith.xori %xor3A_3918, %not3A_3919 : vector<32x128xi32>
    %select_n3A_3921 = arith.select %ge3A_3915, %transpose3A_3912, %not3A_3920 : vector<32x128xi1>, vector<32x128xi32>
    %bitcast_convert_type3A_3922 = tpu.bitcast %select_n3A_3921 : vector<32x128xi32> -> vector<32x128xf32>
    %reduce_max3A = vector.shape_cast %bitcast_convert_type3A_3922 : vector<32x128xf32> to vector<1x32x128xf32>
    %reduce_max3A_3923 = arith.constant dense<0xFF800000> : vector<1xf32>
    %reduce_max3A_3924 = vector.multi_reduction <maximumf>, %reduce_max3A, %reduce_max3A_3923 [1, 2] : vector<1x32x128xf32> to vector<1xf32>
    %reduce_max3A_3925 = vector.shape_cast %reduce_max3A_3924 : vector<1xf32> to vector<1x1x1xf32>
    %reduce_max3A_3926 = vector.extract %reduce_max3A_3925[0, 0, 0] : f32 from vector<1x1x1xf32>
    %sub3A = vector.broadcast %reduce_max3A_3926 : f32 to vector<32x128xf32>
    %sub3A_3927 = arith.subf %bitcast_convert_type3A_3922, %sub3A : vector<32x128xf32>
    %exp3A = math.exp %sub3A_3927 : vector<32x128xf32>
    %slice3A_3928 = vector.extract_strided_slice %select_n3A_3910 {offsets = [0, 0], sizes = [128, 32], strides = [1, 1]} : vector<512x128xi32> to vector<128x32xi32>
    %transpose3A_3929 = tpu.transpose %slice3A_3928, [1, 0] : vector<128x32xi32> -> vector<32x128xi32>
    %swap3A = arith.constant 0 : index
    %swap3A_3930 = arith.constant 0 : index
    %swap3A_3931 = arith.constant 0 : index
    %swap3A_3932 = vector.load %arg1[%swap3A, %swap3A_3930, %swap3A_3931] : memref<4x32x128xi32, #tpu.memory_space<vmem>>, vector<1x32x128xi32>
    %swap3A_3933 = vector.shape_cast %swap3A_3932 : vector<1x32x128xi32> to vector<32x128xi32>
    %swap3A_3934 = vector.shape_cast %transpose3A_3929 : vector<32x128xi32> to vector<1x32x128xi32>
    tpu.vector_store %arg1[%swap3A, %swap3A_3930, %swap3A_3931], %swap3A_3934 {strides = array<i32>} : memref<4x32x128xi32, #tpu.memory_space<vmem>>, vector<1x32x128xi32>,
    %reduce_sum3A = vector.shape_cast %exp3A : vector<32x128xf32> to vector<1x32x128xf32>
    %reduce_sum3A_3935 = arith.constant dense<0.000000e+00> : vector<1xf32>
    %reduce_sum3A_3936 = vector.multi_reduction <add>, %reduce_sum3A, %reduce_sum3A_3935 [1, 2] : vector<1x32x128xf32> to vector<1xf32>
    %reduce_sum3A_3937 = vector.shape_cast %reduce_sum3A_3936 : vector<1xf32> to vector<1x1x1xf32>
    %reduce_sum3A_3938 = vector.extract %reduce_sum3A_3937[0, 0, 0] : f32 from vector<1x1x1xf32>
    %div3A = vector.broadcast %reduce_sum3A_3938 : f32 to vector<32x128xf32>
    %div3A_3939 = arith.divf %exp3A, %div3A : vector<32x128xf32>
    %swap3A_3940 = arith.constant 0 : index
    %swap3A_3941 = arith.constant 0 : index
    %swap3A_3942 = arith.constant 0 : index
    %swap3A_3943 = vector.load %arg2[%swap3A_3940, %swap3A_3941, %swap3A_3942] : memref<4x32x128xf32, #tpu.memory_space<vmem>>, vector<1x32x128xf32>
    %swap3A_3944 = vector.shape_cast %swap3A_3943 : vector<1x32x128xf32> to vector<32x128xf32>
    %swap3A_3945 = vector.shape_cast %div3A_3939 : vector<32x128xf32> to vector<1x32x128xf32>
    tpu.vector_store %arg2[%swap3A_3940, %swap3A_3941, %swap3A_3942], %swap3A_3945 {strides = array<i32>} : memref<4x32x128xf32, #tpu.memory_space<vmem>>, vector<1x32x128xf32>,
    %slice3A_3946 = vector.extract_strided_slice %select_n3A_3909 {offsets = [128, 0], sizes = [128, 32], strides = [1, 1]} : vector<512x128xi32> to vector<128x32xi32>
    %transpose3A_3947 = tpu.transpose %slice3A_3946, [1, 0] : vector<128x32xi32> -> vector<32x128xi32>
    %ge3A_3948 = arith.constant 0 : i32
    %ge3A_3949 = vector.broadcast %ge3A_3948 : i32 to vector<32x128xi32>
    %ge3A_3950 = arith.cmpi sge, %transpose3A_3947, %ge3A_3949 : vector<32x128xi32>
    %xor3A_3951 = arith.constant -2147483648 : i32
    %xor3A_3952 = vector.broadcast %xor3A_3951 : i32 to vector<32x128xi32>
    %xor3A_3953 = arith.xori %transpose3A_3947, %xor3A_3952 : vector<32x128xi32>
    %not3A_3954 = arith.constant dense<-1> : vector<32x128xi32>
    %not3A_3955 = arith.xori %xor3A_3953, %not3A_3954 : vector<32x128xi32>
    %select_n3A_3956 = arith.select %ge3A_3950, %transpose3A_3947, %not3A_3955 : vector<32x128xi1>, vector<32x128xi32>
    %bitcast_convert_type3A_3957 = tpu.bitcast %select_n3A_3956 : vector<32x128xi32> -> vector<32x128xf32>
    %reduce_max3A_3958 = vector.shape_cast %bitcast_convert_type3A_3957 : vector<32x128xf32> to vector<1x32x128xf32>
    %reduce_max3A_3959 = arith.constant dense<0xFF800000> : vector<1xf32>
    %reduce_max3A_3960 = vector.multi_reduction <maximumf>, %reduce_max3A_3958, %reduce_max3A_3959 [1, 2] : vector<1x32x128xf32> to vector<1xf32>
    %reduce_max3A_3961 = vector.shape_cast %reduce_max3A_3960 : vector<1xf32> to vector<1x1x1xf32>
    %reduce_max3A_3962 = vector.extract %reduce_max3A_3961[0, 0, 0] : f32 from vector<1x1x1xf32>
    %sub3A_3963 = vector.broadcast %reduce_max3A_3962 : f32 to vector<32x128xf32>
    %sub3A_3964 = arith.subf %bitcast_convert_type3A_3957, %sub3A_3963 : vector<32x128xf32>
    %exp3A_3965 = math.exp %sub3A_3964 : vector<32x128xf32>
    %slice3A_3966 = vector.extract_strided_slice %select_n3A_3910 {offsets = [128, 0], sizes = [128, 32], strides = [1, 1]} : vector<512x128xi32> to vector<128x32xi32>
    %transpose3A_3967 = tpu.transpose %slice3A_3966, [1, 0] : vector<128x32xi32> -> vector<32x128xi32>
    %swap3A_3968 = arith.constant 1 : index
    %swap3A_3969 = arith.constant 0 : index
    %swap3A_3970 = arith.constant 0 : index
    %swap3A_3971 = vector.load %arg1[%swap3A_3968, %swap3A_3969, %swap3A_3970] : memref<4x32x128xi32, #tpu.memory_space<vmem>>, vector<1x32x128xi32>
    %swap3A_3972 = vector.shape_cast %swap3A_3971 : vector<1x32x128xi32> to vector<32x128xi32>
    %swap3A_3973 = vector.shape_cast %transpose3A_3967 : vector<32x128xi32> to vector<1x32x128xi32>
    tpu.vector_store %arg1[%swap3A_3968, %swap3A_3969, %swap3A_3970], %swap3A_3973 {strides = array<i32>} : memref<4x32x128xi32, #tpu.memory_space<vmem>>, vector<1x32x128xi32>,
    %reduce_sum3A_3974 = vector.shape_cast %exp3A_3965 : vector<32x128xf32> to vector<1x32x128xf32>
    %reduce_sum3A_3975 = arith.constant dense<0.000000e+00> : vector<1xf32>
    %reduce_sum3A_3976 = vector.multi_reduction <add>, %reduce_sum3A_3974, %reduce_sum3A_3975 [1, 2] : vector<1x32x128xf32> to vector<1xf32>
    %reduce_sum3A_3977 = vector.shape_cast %reduce_sum3A_3976 : vector<1xf32> to vector<1x1x1xf32>
    %reduce_sum3A_3978 = vector.extract %reduce_sum3A_3977[0, 0, 0] : f32 from vector<1x1x1xf32>
    %div3A_3979 = vector.broadcast %reduce_sum3A_3978 : f32 to vector<32x128xf32>
    %div3A_3980 = arith.divf %exp3A_3965, %div3A_3979 : vector<32x128xf32>
    %swap3A_3981 = arith.constant 1 : index
    %swap3A_3982 = arith.constant 0 : index
    %swap3A_3983 = arith.constant 0 : index
    %swap3A_3984 = vector.load %arg2[%swap3A_3981, %swap3A_3982, %swap3A_3983] : memref<4x32x128xf32, #tpu.memory_space<vmem>>, vector<1x32x128xf32>
    %swap3A_3985 = vector.shape_cast %swap3A_3984 : vector<1x32x128xf32> to vector<32x128xf32>
    %swap3A_3986 = vector.shape_cast %div3A_3980 : vector<32x128xf32> to vector<1x32x128xf32>
    tpu.vector_store %arg2[%swap3A_3981, %swap3A_3982, %swap3A_3983], %swap3A_3986 {strides = array<i32>} : memref<4x32x128xf32, #tpu.memory_space<vmem>>, vector<1x32x128xf32>,
    %slice3A_3987 = vector.extract_strided_slice %select_n3A_3909 {offsets = [256, 0], sizes = [128, 32], strides = [1, 1]} : vector<512x128xi32> to vector<128x32xi32>
    %transpose3A_3988 = tpu.transpose %slice3A_3987, [1, 0] : vector<128x32xi32> -> vector<32x128xi32>
    %ge3A_3989 = arith.constant 0 : i32
    %ge3A_3990 = vector.broadcast %ge3A_3989 : i32 to vector<32x128xi32>
    %ge3A_3991 = arith.cmpi sge, %transpose3A_3988, %ge3A_3990 : vector<32x128xi32>
    %xor3A_3992 = arith.constant -2147483648 : i32
    %xor3A_3993 = vector.broadcast %xor3A_3992 : i32 to vector<32x128xi32>
    %xor3A_3994 = arith.xori %transpose3A_3988, %xor3A_3993 : vector<32x128xi32>
    %not3A_3995 = arith.constant dense<-1> : vector<32x128xi32>
    %not3A_3996 = arith.xori %xor3A_3994, %not3A_3995 : vector<32x128xi32>
    %select_n3A_3997 = arith.select %ge3A_3991, %transpose3A_3988, %not3A_3996 : vector<32x128xi1>, vector<32x128xi32>
    %bitcast_convert_type3A_3998 = tpu.bitcast %select_n3A_3997 : vector<32x128xi32> -> vector<32x128xf32>
    %reduce_max3A_3999 = vector.shape_cast %bitcast_convert_type3A_3998 : vector<32x128xf32> to vector<1x32x128xf32>
    %reduce_max3A_4000 = arith.constant dense<0xFF800000> : vector<1xf32>
    %reduce_max3A_4001 = vector.multi_reduction <maximumf>, %reduce_max3A_3999, %reduce_max3A_4000 [1, 2] : vector<1x32x128xf32> to vector<1xf32>
    %reduce_max3A_4002 = vector.shape_cast %reduce_max3A_4001 : vector<1xf32> to vector<1x1x1xf32>
    %reduce_max3A_4003 = vector.extract %reduce_max3A_4002[0, 0, 0] : f32 from vector<1x1x1xf32>
    %sub3A_4004 = vector.broadcast %reduce_max3A_4003 : f32 to vector<32x128xf32>
    %sub3A_4005 = arith.subf %bitcast_convert_type3A_3998, %sub3A_4004 : vector<32x128xf32>
    %exp3A_4006 = math.exp %sub3A_4005 : vector<32x128xf32>
    %slice3A_4007 = vector.extract_strided_slice %select_n3A_3910 {offsets = [256, 0], sizes = [128, 32], strides = [1, 1]} : vector<512x128xi32> to vector<128x32xi32>
    %transpose3A_4008 = tpu.transpose %slice3A_4007, [1, 0] : vector<128x32xi32> -> vector<32x128xi32>
    %swap3A_4009 = arith.constant 2 : index
    %swap3A_4010 = arith.constant 0 : index
    %swap3A_4011 = arith.constant 0 : index
    %swap3A_4012 = vector.load %arg1[%swap3A_4009, %swap3A_4010, %swap3A_4011] : memref<4x32x128xi32, #tpu.memory_space<vmem>>, vector<1x32x128xi32>
    %swap3A_4013 = vector.shape_cast %swap3A_4012 : vector<1x32x128xi32> to vector<32x128xi32>
    %swap3A_4014 = vector.shape_cast %transpose3A_4008 : vector<32x128xi32> to vector<1x32x128xi32>
    tpu.vector_store %arg1[%swap3A_4009, %swap3A_4010, %swap3A_4011], %swap3A_4014 {strides = array<i32>} : memref<4x32x128xi32, #tpu.memory_space<vmem>>, vector<1x32x128xi32>,
    %reduce_sum3A_4015 = vector.shape_cast %exp3A_4006 : vector<32x128xf32> to vector<1x32x128xf32>
    %reduce_sum3A_4016 = arith.constant dense<0.000000e+00> : vector<1xf32>
    %reduce_sum3A_4017 = vector.multi_reduction <add>, %reduce_sum3A_4015, %reduce_sum3A_4016 [1, 2] : vector<1x32x128xf32> to vector<1xf32>
    %reduce_sum3A_4018 = vector.shape_cast %reduce_sum3A_4017 : vector<1xf32> to vector<1x1x1xf32>
    %reduce_sum3A_4019 = vector.extract %reduce_sum3A_4018[0, 0, 0] : f32 from vector<1x1x1xf32>
    %div3A_4020 = vector.broadcast %reduce_sum3A_4019 : f32 to vector<32x128xf32>
    %div3A_4021 = arith.divf %exp3A_4006, %div3A_4020 : vector<32x128xf32>
    %swap3A_4022 = arith.constant 2 : index
    %swap3A_4023 = arith.constant 0 : index
    %swap3A_4024 = arith.constant 0 : index
    %swap3A_4025 = vector.load %arg2[%swap3A_4022, %swap3A_4023, %swap3A_4024] : memref<4x32x128xf32, #tpu.memory_space<vmem>>, vector<1x32x128xf32>
    %swap3A_4026 = vector.shape_cast %swap3A_4025 : vector<1x32x128xf32> to vector<32x128xf32>
    %swap3A_4027 = vector.shape_cast %div3A_4021 : vector<32x128xf32> to vector<1x32x128xf32>
    tpu.vector_store %arg2[%swap3A_4022, %swap3A_4023, %swap3A_4024], %swap3A_4027 {strides = array<i32>} : memref<4x32x128xf32, #tpu.memory_space<vmem>>, vector<1x32x128xf32>,
    %slice3A_4028 = vector.extract_strided_slice %select_n3A_3909 {offsets = [384, 0], sizes = [128, 32], strides = [1, 1]} : vector<512x128xi32> to vector<128x32xi32>
    %transpose3A_4029 = tpu.transpose %slice3A_4028, [1, 0] : vector<128x32xi32> -> vector<32x128xi32>
    %ge3A_4030 = arith.constant 0 : i32
    %ge3A_4031 = vector.broadcast %ge3A_4030 : i32 to vector<32x128xi32>
    %ge3A_4032 = arith.cmpi sge, %transpose3A_4029, %ge3A_4031 : vector<32x128xi32>
    %xor3A_4033 = arith.constant -2147483648 : i32
    %xor3A_4034 = vector.broadcast %xor3A_4033 : i32 to vector<32x128xi32>
    %xor3A_4035 = arith.xori %transpose3A_4029, %xor3A_4034 : vector<32x128xi32>
    %not3A_4036 = arith.constant dense<-1> : vector<32x128xi32>
    %not3A_4037 = arith.xori %xor3A_4035, %not3A_4036 : vector<32x128xi32>
    %select_n3A_4038 = arith.select %ge3A_4032, %transpose3A_4029, %not3A_4037 : vector<32x128xi1>, vector<32x128xi32>
    %bitcast_convert_type3A_4039 = tpu.bitcast %select_n3A_4038 : vector<32x128xi32> -> vector<32x128xf32>
    %reduce_max3A_4040 = vector.shape_cast %bitcast_convert_type3A_4039 : vector<32x128xf32> to vector<1x32x128xf32>
    %reduce_max3A_4041 = arith.constant dense<0xFF800000> : vector<1xf32>
    %reduce_max3A_4042 = vector.multi_reduction <maximumf>, %reduce_max3A_4040, %reduce_max3A_4041 [1, 2] : vector<1x32x128xf32> to vector<1xf32>
    %reduce_max3A_4043 = vector.shape_cast %reduce_max3A_4042 : vector<1xf32> to vector<1x1x1xf32>
    %reduce_max3A_4044 = vector.extract %reduce_max3A_4043[0, 0, 0] : f32 from vector<1x1x1xf32>
    %sub3A_4045 = vector.broadcast %reduce_max3A_4044 : f32 to vector<32x128xf32>
    %sub3A_4046 = arith.subf %bitcast_convert_type3A_4039, %sub3A_4045 : vector<32x128xf32>
    %exp3A_4047 = math.exp %sub3A_4046 : vector<32x128xf32>
    %slice3A_4048 = vector.extract_strided_slice %select_n3A_3910 {offsets = [384, 0], sizes = [128, 32], strides = [1, 1]} : vector<512x128xi32> to vector<128x32xi32>
    %transpose3A_4049 = tpu.transpose %slice3A_4048, [1, 0] : vector<128x32xi32> -> vector<32x128xi32>
    %swap3A_4050 = arith.constant 3 : index
    %swap3A_4051 = arith.constant 0 : index
    %swap3A_4052 = arith.constant 0 : index
    %swap3A_4053 = vector.load %arg1[%swap3A_4050, %swap3A_4051, %swap3A_4052] : memref<4x32x128xi32, #tpu.memory_space<vmem>>, vector<1x32x128xi32>
    %swap3A_4054 = vector.shape_cast %swap3A_4053 : vector<1x32x128xi32> to vector<32x128xi32>
    %swap3A_4055 = vector.shape_cast %transpose3A_4049 : vector<32x128xi32> to vector<1x32x128xi32>
    tpu.vector_store %arg1[%swap3A_4050, %swap3A_4051, %swap3A_4052], %swap3A_4055 {strides = array<i32>} : memref<4x32x128xi32, #tpu.memory_space<vmem>>, vector<1x32x128xi32>,
    %reduce_sum3A_4056 = vector.shape_cast %exp3A_4047 : vector<32x128xf32> to vector<1x32x128xf32>
    %reduce_sum3A_4057 = arith.constant dense<0.000000e+00> : vector<1xf32>
    %reduce_sum3A_4058 = vector.multi_reduction <add>, %reduce_sum3A_4056, %reduce_sum3A_4057 [1, 2] : vector<1x32x128xf32> to vector<1xf32>
    %reduce_sum3A_4059 = vector.shape_cast %reduce_sum3A_4058 : vector<1xf32> to vector<1x1x1xf32>
    %reduce_sum3A_4060 = vector.extract %reduce_sum3A_4059[0, 0, 0] : f32 from vector<1x1x1xf32>
    %div3A_4061 = vector.broadcast %reduce_sum3A_4060 : f32 to vector<32x128xf32>
    %div3A_4062 = arith.divf %exp3A_4047, %div3A_4061 : vector<32x128xf32>
    %swap3A_4063 = arith.constant 3 : index
    %swap3A_4064 = arith.constant 0 : index
    %swap3A_4065 = arith.constant 0 : index
    %swap3A_4066 = vector.load %arg2[%swap3A_4063, %swap3A_4064, %swap3A_4065] : memref<4x32x128xf32, #tpu.memory_space<vmem>>, vector<1x32x128xf32>
    %swap3A_4067 = vector.shape_cast %swap3A_4066 : vector<1x32x128xf32> to vector<32x128xf32>
    %swap3A_4068 = vector.shape_cast %div3A_4062 : vector<32x128xf32> to vector<1x32x128xf32>
    tpu.vector_store %arg2[%swap3A_4063, %swap3A_4064, %swap3A_4065], %swap3A_4068 {strides = array<i32>} : memref<4x32x128xf32, #tpu.memory_space<vmem>>, vector<1x32x128xf32>,
    return
  }
}

</mosaic_0001>

<sc_bundles>
// kernel: kernel.5.cloned.1.call-start
scs
__scs_entry_jumppad:
0x0: {  	(pc) =	sbr.rel $0x88, $3  }
0x1: {  	(tag) =	ssettag $0x0;
	lr =	simm.s32 $0x1  }
0x2: {  	[smem:$0x3F9F] =	sst lr;
	_ =	strace $0xD0000000  }
0x3: {  	_ = 	snop  }
0x4: {  	_ = 	snop  }
0x5: {  	_ = 	snop  }
0x6: {  	_ = 	snop  }
0x7: {  	_ = 	snop  }
__scs_overlays_trampoline_lowered:
0x8: {  	[smem:$0x3FAE] =	sst s0  }
0x9: {  	[smem:$0x3FAF] =	sst s1  }
0xa: {  	[smem:$0x3FB0] =	sst s2  }
0xb: {  	[smem:$0x3FB1] =	sst s3  }
0xc: {  	[smem:$0x3FB2] =	sst s4  }
0xd: {  	[smem:$0x3FB3] =	sst s5  }
0xe: {  	[smem:$0x3FB4] =	sst s6  }
0xf: {  	[smem:$0x3FB5] =	sst s7  }
0x10: {  	[smem:$0x3FB6] =	sst s8  }
0x11: {  	[smem:$0x3FB7] =	sst s9;
	s0 =	simm.s32 @!p0 $0x0  }
0x12: {  	s1 =	sld [smem:$0x3F9D];
	s0 =	simm.s32 @p0 $0x1  }
0x13: {  	[smem:$0x3FB8] =	sst s0;
	s0 =	simm.s32 @!p1 $0x0  }
0x14: {  	s2 =	sld [smem:$0x3F9C];
	s0 =	simm.s32 @p1 $0x1  }
0x15: {  	[smem:$0x3FB9] =	sst s0;
	s0 =	simm.s32 @!p2 $0x0  }
0x16: {  	s3 =	sld [smem:$0x3FDB];
	s0 =	simm.s32 @p2 $0x1  }
0x17: {  	s4 =	simm.s32 $0x1BF5;
	[smem:$0x3FBB] =	sst s0  }
0x18: {  	s0 =	sld [smem:$0x3F9E];
	_ =	swait.ge [sflag:s4], $0x0  }
0x19: {  	s7 =	sld [smem:$0x3F9F]  }
0x1a: {  	s8 =	sadd.s32 $0xFFFFE003, lr  }
0x1b: {  	s9 =	sadd.s32 $0xFFFFFEF7, lr;
	s5 =	simm.s32 $0xFFFFFFFF;
	p2 =	slt.u32 s8, $0xFFFFF086  }
0x1c: {  	p1 =	slt.u32 s9, $0xF7A;
	s5 =	simm.s32 @!p2 $0x0  }
0x1d: {  	s5 =	simm.s32 @p1 $0x1;
	p0 =	seq.s32 s7, s2  }
0x1e: {  	s7 =	smul.u32 @!p0 $0xF7A, s2;
	p2 =	seq.s32 @!p0 s5, $0x0  }
0x1f: {  	s9 =	smul.u32 $0xF7A, s1;
	s8 =	simm.s32 @!p0 $0x1BF5;
	p2 =	por !p2, p0  }
0x20: {  	[sflag:s8] =	ssyncset.s32 @!p0 $0xFFFFF086;
	s6 =	sadd.s32 @!p0 s3, s7;
	s7 =	simm.s32 @!p0 $0x108  }
0x21: {  	s3 =	sadd.s32 s3, s9;
	s6 =	sadd.s32 @!p0 $0x88, s6;
	s7 =	simm.s32 @p2 $0x1082  }
0x22: {  	[simem:s7], [sflag:s8] =	dma.local @!p0 [hbm:s6], $0xF7A  }
0x23: {  	s9 =	sor.u32 $0xD0000000, s2;
	s6 =	simm.s32 $0x108;
	_ =	swait.ge @!p0 [sflag:s8], $0x0  }
0x24: {  	s3 =	sadd.s32 $0x88, s3;
	s6 =	simm.s32 @!p1 $0x1082;
	[sflag:s4] =	ssyncset.s32 $0xFFFFF086  }
0x25: {  	[simem:s6], [sflag:s4] =	dma.local [hbm:s3], $0xF7A  }
0x26: {  	[smem:$0x3F9F] =	sst s1;
	(tag) =	ssettag s2;
	_ =	strace s9  }
0x27: {  	s1 =	sld [smem:$0x3FAF]  }
0x28: {  	s2 =	sld [smem:$0x3FB0]  }
0x29: {  	s4 =	sld [smem:$0x3FB2]  }
0x2a: {  	p0 =	seq.s32 s5, $0x0;
	s5 =	sld [smem:$0x3FB3]  }
0x2b: {  	s6 =	sld [smem:$0x3FB4]  }
0x2c: {  	s7 =	sld [smem:$0x3FB5]  }
0x2d: {  	s3 =	simm.s32 $0x108;
	s8 =	sld [smem:$0x3FB6]  }
0x2e: {  	s3 =	simm.s32 @!p0 $0x1082;
	s9 =	sld [smem:$0x3FB7]  }
0x2f: {  	lr =	sadd.s32 s0, s3;
	s0 =	sld [smem:$0x3FAE]  }
0x30: {  	s3 =	sld [smem:$0x3FB1]  }
0x31: {  	[smem:$0x3FBA] =	sst s10  }
0x32: {  	s10 =	sld [smem:$0x3FB8];
	_ =	sdelay $0x3  }
0x33: {  	p0 =	seq.s32 s10, $0x1;
	s10 =	sld [smem:$0x3FBA];
	_ =	sdelay $0x3  }
0x34: {  	[smem:$0x3FBA] =	sst s10  }
0x35: {  	s10 =	sld [smem:$0x3FB9];
	_ =	sdelay $0x3  }
0x36: {  	p1 =	seq.s32 s10, $0x1;
	s10 =	sld [smem:$0x3FBA];
	_ =	sdelay $0x3  }
0x37: {  	[smem:$0x3FBA] =	sst s10  }
0x38: {  	s10 =	sld [smem:$0x3FBB]  }
0x39: {  	_ = 	snop;
	(pc) =	sbr.ind lr, $3  }
0x3a: {  	_ = 	snop  }
0x3b: {  	_ = 	snop  }
0x3c: {  	p2 =	seq.s32 s10, $0x1;
	s10 =	sld [smem:$0x3FBA]  }
0x3d: {  	_ =	shalt  }
0x3e: {  	_ =	shalt  }
0x3f: {  	_ =	shalt  }
0x40: {  	_ =	shalt  }
0x41: {  	_ =	shalt  }
0x42: {  	_ =	shalt  }
0x43: {  	_ =	shalt  }
0x44: {  	_ =	shalt  }
0x45: {  	_ =	shalt  }
0x46: {  	_ =	shalt  }
0x47: {  	_ =	shalt  }
0x48: {  	_ =	shalt  }
0x49: {  	_ =	shalt  }
0x4a: {  	_ =	shalt  }
0x4b: {  	_ =	shalt  }
0x4c: {  	_ =	shalt  }
0x4d: {  	_ =	shalt  }
0x4e: {  	_ =	shalt  }
0x4f: {  	_ =	shalt  }
0x50: {  	_ =	shalt  }
0x51: {  	_ =	shalt  }
0x52: {  	_ =	shalt  }
0x53: {  	_ =	shalt  }
0x54: {  	_ =	shalt  }
0x55: {  	_ =	shalt  }
0x56: {  	_ =	shalt  }
0x57: {  	_ =	shalt  }
0x58: {  	_ =	shalt  }
0x59: {  	_ =	shalt  }
0x5a: {  	_ =	shalt  }
0x5b: {  	_ =	shalt  }
0x5c: {  	_ =	shalt  }
0x5d: {  	_ =	shalt  }
0x5e: {  	_ =	shalt  }
0x5f: {  	_ =	shalt  }
0x60: {  	_ =	shalt  }
0x61: {  	_ =	shalt  }
0x62: {  	_ =	shalt  }
0x63: {  	_ =	shalt  }
0x64: {  	_ =	shalt  }
0x65: {  	_ =	shalt  }
0x66: {  	_ =	shalt  }
0x67: {  	_ =	shalt  }
0x68: {  	_ =	shalt  }
0x69: {  	_ =	shalt  }
0x6a: {  	_ =	shalt  }
0x6b: {  	_ =	shalt  }
0x6c: {  	_ =	shalt  }
0x6d: {  	_ =	shalt  }
0x6e: {  	_ =	shalt  }
0x6f: {  	_ =	shalt  }
0x70: {  	_ =	shalt  }
0x71: {  	_ =	shalt  }
0x72: {  	_ =	shalt  }
0x73: {  	_ =	shalt  }
0x74: {  	_ =	shalt  }
0x75: {  	_ =	shalt  }
0x76: {  	_ =	shalt  }
0x77: {  	_ =	shalt  }
0x78: {  	_ =	shalt  }
0x79: {  	_ =	shalt  }
0x7a: {  	_ =	shalt  }
0x7b: {  	_ =	shalt  }
0x7c: {  	_ =	shalt  }
0x7d: {  	_ =	shalt  }
0x7e: {  	_ =	shalt  }
0x7f: {  	_ =	shalt  }
0x80: {  	_ =	shalt  }
0x81: {  	_ =	shalt  }
0x82: {  	_ =	shalt  }
0x83: {  	_ =	shalt  }
0x84: {  	_ =	shalt  }
0x85: {  	_ =	shalt  }
0x86: {  	_ =	shalt  }
0x87: {  	_ =	shalt  }
.Lfunc_end0:
.L_simem_size_0:
called_computation_lowered:
.L_overlay_start_0:
0x88: {  	s2 =	sld [smem:$0x3FD9]  }
0x89: {  	s3 =	sld [smem:$0x3FFE];
	_ =	sdelay $0x1  }
0x8a: {  	s1 =	srdreg.scid  }
0x8b: {  	s0 =	sand.u32 $0x1, s1  }
0x8c: {  	s17 =	sshll.u32 s0, $0xA;
	s2 =	sadd.s32 s3, s2  }
0x8d: {  	s2 =	sadd.s32 s2, s17  }
0x8e: {  	[smem:$0x3FC6] =	sst s2  }
0x8f: {  	_ = 	snop  }
0x90: {  	s2 =	sld [smem:$0x3FC8]  }
0x91: {  	s18 =	sld [smem:$0x3FD0];
	(tm) =	ssettm $0x1  }
0x92: {  	s4 =	sld [smem:$0x3FFB];
	_ =	sdelay $0x3  }
0x93: {  	_ =	strace s4  }
0x94: {  	s4 =	sld [smem:$0x3FFC];
	_ =	sdelay $0x3  }
0x95: {  	_ =	strace s4  }
0x96: {  	s4 =	sld [smem:$0x3FFD];
	_ =	sdelay $0x3  }
0x97: {  	_ =	strace s4  }
0x98: {  	_ =	strace $0x8FFFFFFF  }
0x99: {  	s19 =	sld [smem:$0x3FDB];
	_ =	sdelay $0x1  }
0x9a: {  	s5 =	simm.s32 $_scs_section_size  }
0x9b: {  	s6 =	simm.s32 $_size__tile_overlayer_lowered;
	s7 =	simm.s32 $_tile_overlayer_lowered  }
0x9c: {  	s22 =	simm.s32 $0x1BFF;
	s21 =	sshll.u32 s7, $0x1;
	s4 =	sadd.s32 s5, s19  }
0x9d: {  	s8 =	simm.s32 $0x0;
	s20 =	sshll.u32 s6, $0x1;
	s6 =	sadd.s32 s21, s4  }
0x9e: {  	[timem:s8], [sflag:s22] =	dma.local [hbm:s6], s20  }
0x9f: {  	_ =	swait.ge [sflag:s22], s20  }
0xa0: {  	s5 =	ssub.s32 $0x0, s20;
	[sflag:s22] =	ssyncset.done $0x0  }
0xa1: {  	[sflag:s22] =	ssyncadd.s32 s5;
	_ =	sdelay $0x1  }
0xa2: {  	s23 =	simm.s32 $0x1B8B  }
0xa3: {  	_ =	swait.ge [sflag:s23], $0x1  }
0xa4: {  	[sflag:s23] =	ssyncset.done $0x0  }
0xa5: {  	s25 =	simm.s32 $0x1B8E;
	s24 =	sld [smem:$0x3FFE];
	[sflag:s23] =	ssyncadd.s32 $0xFFFFFFFF  }
0xa6: {  	s26 =	simm.s32 $execute0_lowered;
	[smem:$0x3FD2] =	sst s25  }
0xa7: {  	s6 =	sshll.u32 s26, $0x1;
	_ =	strace $0x80000046;
	[dreg:$0x1] =	wrdreg $0xFFFFFFFF  }
0xa8: {  	s28 =	simm.s32 $_size_execute0_lowered;
	s4 =	sadd.s32 s4, s6;
	[dreg:$0x0] =	wrdreg $0x0  }
0xa9: {  	s6 =	sshll.u32 s28, $0x1;
	[dreg:$0x2] =	wrdreg s4  }
0xaa: {  	[dreg:$0x3] =	wrdreg s6  }
0xab: {  	[dreg:$0x4] =	wrdreg $0xC0  }
0xac: {  	_ =	task [dreg:s8], $0x5FFFF  }
0xad: {  	[dreg:$0x1] =	wrdreg $0xFFFFFFFF  }
0xae: {  	[dreg:$0x0] =	wrdreg $0x60  }
0xaf: {  	[dreg:$0x2] =	wrdreg s2  }
0xb0: {  	[dreg:$0x3] =	wrdreg s24  }
0xb1: {  	[dreg:$0x4] =	wrdreg s18  }
0xb2: {  	[dreg:$0x5] =	wrdreg $0x9  }
0xb3: {  	_ =	task.clear_ibuf [dreg:s8], $0x6FFFF;
	_ =	strace $0x90000046  }
0xb4: {  	s29 =	simm.s32 $0x9;
	_ =	strace $0x80000048  }
0xb5: {  	_ =	swait.ge [sflag:s29], $0x1  }
0xb6: {  	[sflag:s29] =	ssyncadd.s32 $0xFFFFFFFF  }
0xb7: {  	_ =	strace $0x90000048  }
0xb8: {  	_ =	sfence  }
0xb9: {  	s30 =	sld [smem:$0x0];
	_ =	sdelay $0x2  }
0xba: {  	s31 =	sshll.u32 s1, $0xD;
	s1 =	sshrl.u32 s1, $0x2  }
0xbb: {  	s3 =	sand.u32 $0x4000, s31;
	s1 =	sadd.s32 s1, s30  }
0xbc: {  	s0 =	sor.u32 s3, s0;
	s1 =	sshll.u32 s1, $0x11  }
0xbd: {  	s0 =	sor.u32 s1, s0  }
0xbe: {  	s0 =	sadd.s32 $0x8F2B, s0  }
0xbf: {  	[sflag:s0] =	ssyncadd.remote.s32 $0x1  }
0xc0: {  	_ =	sfence.sel $0xFFFF  }
0xc1: {  	[dreg:$0x0] =	wrdreg $0xFFFFFFFF;
	(pc) =	sbr.abs _section_cstart, $3  }
0xc2: {  	[dreg:$0x1] =	wrdreg $0xFFFFFFFF  }
0xc3: {  	_ =	task.clear_ibuf [dreg:s8], $0x2FFFF;
	_ =	strace $0x9FFFFFFF  }
0xc4: {  	(tm) =	ssettm $0x7FFFFFFF  }
0xc5: {  	_ =	shalt  }
tec
execute0_lowered:
.L_overlay_start_1:
0x0: {  	(tag) =	ssettag $0x1  }
0x1: {  	s1 =	rddreg [dreg:$0x0]  }
0x2: {  	s4 =	rddreg [dreg:$0x1];
	s0 =	srdreg.scid  }
0x3: {  	s14 =	rddreg [dreg:$0x2];
	s15 =	sand.u32 $0x1, s0  }
0x4: {  	s2 =	stileid.u32;
	s3 =	simm.s32 $0x0;
	s5 =	sshll.u32 s15, $0x6  }
0x5: {  	s0 =	rddreg [dreg:$0x3];
	s29 =	sshll.u32 s2, $0x7;
	s4 =	sadd.s32 s5, s4  }
0x6: {  	[smem:$0x7FF] =	sst s3;
	s4 =	sadd.s32 s29, s4  }
0x7: {  	_ =	strace $0x80000047;
	s5 =	sadd.s32 $0xC00, s4;
	s4 =	simm.s32 $0x2  }
0x8: {  	[tilespmem:s3], [sflag:$0x2] =	stream.linear.gather [hbm4b:s5+s3], $0x200, $0x38;
	[tilespmem:$0x10200] =	vst v63  }
0x9: {  	_ =	swait.ge [sflag:s4], $0x200  }
0xa: {  	[sflag:s4] =	ssyncset.done $0x0  }
0xb: {  	s6 =	simm.s32 $0x80;
	s7 =	simm.s32 $0x200;
	[sflag:s4] =	ssyncadd.s32 $0xFFFFFE00  }
0xc: {  	[tilespmem:s7], [sflag:$0x1] =	stream.indirect.gather [hbm4b:s1+s6], $0x80, s3, s6, $0xb8;
	[tilespmem:$0x10200] =	vst v63  }
0xd: {  	s8 =	simm.s32 $0x4200  }
0xe: {  	[tilespmem:s8], [sflag:$0x1] =	stream.indirect.gather [hbm4b:s1+s6], $0x80, s6, s6, $0xb8;
	[tilespmem:$0x10200] =	vst v63  }
0xf: {  	s9 =	simm.s32 $0x100;
	s10 =	simm.s32 $0x8200  }
0x10: {  	[tilespmem:s10], [sflag:$0x1] =	stream.indirect.gather [hbm4b:s1+s6], $0x80, s9, s6, $0xb8;
	[tilespmem:$0x10200] =	vst v63  }
0x11: {  	s11 =	simm.s32 $0x180;
	s12 =	simm.s32 $0xC200;
	s13 =	simm.s32 $0x1  }
0x12: {  	[tilespmem:s12], [sflag:$0x1] =	stream.indirect.gather [hbm4b:s1+s6], $0x80, s11, s6, $0xb8;
	[tilespmem:$0x10200] =	vst v63  }
0x13: {  	_ =	swait.ge [sflag:s13], $0x4000  }
0x14: {  	[sflag:s13] =	ssyncset.done $0x0  }
0x15: {  	[sflag:s13] =	ssyncadd.s32 $0xFFFFC000  }
0x16: {  	_ =	swait.ge [sflag:s13], $0x4000  }
0x17: {  	[sflag:s13] =	ssyncset.done $0x0  }
0x18: {  	s16 =	ssub.s32 $0x2, s15;
	[sflag:s13] =	ssyncadd.s32 $0xFFFFC000  }
0x19: {  	s17 =	sshrl.u32 s16, $0x1;
	_ =	swait.ge [sflag:s13], $0x4000  }
0x1a: {  	s16 =	ssub.s32 s16, s17;
	[sflag:s13] =	ssyncset.done $0x0  }
0x1b: {  	s30 =	sshll.u32 s2, $0xE;
	s31 =	smax.u32 s16, $0x1;
	[sflag:s13] =	ssyncadd.s32 $0xFFFFC000  }
0x1c: {  	s15 =	sshll.u32 s15, $0xD;
	p0 =	sne.s32 s31, $0x1;
	_ =	swait.ge [sflag:s13], $0x4000  }
.Ltmp0:
0x1d: {  	s14 =	sadd.s32 s14, s15;
	[sflag:s13] =	ssyncset.done $0x0;
	(pc) =	sbr.rel @!p0 .LBB2_2-.Ltmp0, $4  }
0x1e: {  	s14 =	sadd.s32 s30, s14;
	[sflag:s13] =	ssyncadd.s32 $0xFFFFC000  }
0x1f: {  	[hbm4b:s14+s3] =	stream.linear.scatter [tilespmem:s7], [sflag:$0x2], $0x10000, $0x38;
	[tilespmem:$0x10200] =	vst v63  }
0x20: {  	_ =	swait.ge [sflag:s4], $0x10000  }
0x21: {  	s15 =	sadd.s32 $0xFFFFFFFF, s31;
	[sflag:s4] =	ssyncset.done $0x0  }
.LBB2_1:
0x22: {  	p0 =	sne.s32 s15, $0x1;
	s15 =	sadd.s32 $0xFFFFFFFF, s15;
	[sflag:s4] =	ssyncadd.s32 $0xFFFF0000  }
0x23: {  	[tilespmem:s3], [sflag:$0x2] =	stream.linear.gather [hbm4b:s5+s3], $0x200, $0x38;
	[tilespmem:$0x10200] =	vst v63  }
0x24: {  	_ =	swait.ge [sflag:s4], $0x200  }
0x25: {  	[sflag:s4] =	ssyncset.done $0x0  }
0x26: {  	[sflag:s4] =	ssyncadd.s32 $0xFFFFFE00  }
0x27: {  	[tilespmem:s7], [sflag:$0x1] =	stream.indirect.gather [hbm4b:s1+s6], $0x80, s3, s6, $0xb8;
	[tilespmem:$0x10200] =	vst v63  }
0x28: {  	_ = 	snop  }
0x29: {  	[tilespmem:s8], [sflag:$0x1] =	stream.indirect.gather [hbm4b:s1+s6], $0x80, s6, s6, $0xb8;
	[tilespmem:$0x10200] =	vst v63  }
0x2a: {  	_ = 	snop  }
0x2b: {  	[tilespmem:s10], [sflag:$0x1] =	stream.indirect.gather [hbm4b:s1+s6], $0x80, s9, s6, $0xb8;
	[tilespmem:$0x10200] =	vst v63  }
0x2c: {  	_ = 	snop  }
0x2d: {  	[tilespmem:s12], [sflag:$0x1] =	stream.indirect.gather [hbm4b:s1+s6], $0x80, s11, s6, $0xb8;
	[tilespmem:$0x10200] =	vst v63  }
0x2e: {  	_ =	swait.ge [sflag:s13], $0x4000  }
0x2f: {  	[sflag:s13] =	ssyncset.done $0x0  }
0x30: {  	[sflag:s13] =	ssyncadd.s32 $0xFFFFC000  }
0x31: {  	_ =	swait.ge [sflag:s13], $0x4000  }
0x32: {  	[sflag:s13] =	ssyncset.done $0x0  }
0x33: {  	[sflag:s13] =	ssyncadd.s32 $0xFFFFC000  }
0x34: {  	_ =	swait.ge [sflag:s13], $0x4000  }
0x35: {  	[sflag:s13] =	ssyncset.done $0x0  }
0x36: {  	[sflag:s13] =	ssyncadd.s32 $0xFFFFC000  }
0x37: {  	_ =	swait.ge [sflag:s13], $0x4000  }
.Ltmp1:
0x38: {  	[sflag:s13] =	ssyncset.done $0x0;
	(pc) =	sbr.rel @p0 .LBB2_1-.Ltmp1, $4  }
0x39: {  	[sflag:s13] =	ssyncadd.s32 $0xFFFFC000  }
0x3a: {  	[hbm4b:s14+s3] =	stream.linear.scatter [tilespmem:s7], [sflag:$0x2], $0x10000, $0x38;
	[tilespmem:$0x10200] =	vst v63  }
0x3b: {  	_ =	swait.ge [sflag:s4], $0x10000  }
0x3c: {  	[sflag:s4] =	ssyncset.done $0x0  }
.LBB2_2:
0x3d: {  	[sflag:s4] =	ssyncadd.s32 $0xFFFF0000  }
0x3e: {  	_ =	sfence.sel $0x180000  }
0x3f: {  	[bflag:$0x0] =	sbarrier.arrive $0xFFFF  }
0x40: {  	p0 =	sne.s32 s2, $0x0;
	_ =	strace $0x90000047  }
0x41: {  	s0 =	sadd.s32 @!p0 $0x100000, s0;
	[bflag:$0x2] =	sbarrier.arrive $0xFFFF  }
0x42: {  	[sflag:s0] =	ssyncadd.tile.s32 @!p0 $0x1;
	_ =	shalt  }
.Lfunc_end2:
_tile_overlayer_lowered:
.L_overlay_start_2:
0x43: {  	(tag) =	ssettag $0x2  }
0x44: {  	s0 =	rddreg [dreg:$0x0];
	s2 =	stileid.u32  }
0x45: {  	s1 =	rddreg [dreg:$0x1];
	p0 =	sne.s32 s2, $0x0  }
0x46: {  	s3 =	rddreg [dreg:$0x2];
	[bflag:$0x3] =	sbarrier.arrive $0xFFFF;
	s2 =	simm.s32 @!p0 $0x1C02  }
0x47: {  	[timem:s3], [sflag:s2] =	dma.local @!p0 [hbm:s0], s1  }
0x48: {  	s0 =	simm.s32 @!p0 $0x2  }
0x49: {  	_ =	swait.ge @!p0 [sflag:s0], s1  }
0x4a: {  	s1 =	ssub.s32 @!p0 $0x0, s1;
	[sflag:s0] =	ssyncset.done @!p0 $0x0  }
0x4b: {  	[sflag:s0] =	ssyncadd.s32 @!p0 s1  }
0x4c: {  	[bflag:$0x3] =	sbarrier.arrive $0xFFFF  }
0x4d: {  	_ =	shalt  }

</sc_bundles>
